<compile_context>
chip_gen: v7x
topology: tpu7x:2x2x1
jax: 0.10.2.dev20260603
libtpu: 0.0.44.dev20260713+nightly
codegen_flags: <defaults>
</compile_context>

<pallas_src>
import functools

import jax
import jax.numpy as jnp
from jax import lax
from jax.experimental import pallas as pl
from jax.experimental.pallas import tpu as pltpu
from jax.experimental.pallas import tpu_sc as plsc

_CHUNK_ROWS = 32
_N_BUF = 4


def kernel(flat, row_splits):
    n_rows, n_feat = flat.shape
    mesh = plsc.VectorSubcoreMesh(core_axis_name="c", subcore_axis_name="s")
    n_workers = mesh.num_cores * mesh.num_subcores
    rows_per_w = n_rows // n_workers
    n_chunks = rows_per_w // _CHUNK_ROWS

    @functools.partial(
        pl.kernel,
        out_type=(
            jax.ShapeDtypeStruct(flat.shape, flat.dtype),
            jax.ShapeDtypeStruct(row_splits.shape, row_splits.dtype),
        ),
        mesh=mesh,
        scratch_types=[
            pltpu.VMEM((_N_BUF, _CHUNK_ROWS, n_feat), jnp.float32),
            pltpu.VMEM(row_splits.shape, row_splits.dtype),
            pltpu.SemaphoreType.DMA((_N_BUF,)),
            pltpu.SemaphoreType.DMA((_N_BUF,)),
            pltpu.SemaphoreType.DMA,
        ],
    )
    def sc_copy(flat_hbm, rs_hbm, flat_out, rs_out, bufs, rs_buf, in_sems,
                out_sems, rs_sem):
        cid = lax.axis_index("c")
        sid = lax.axis_index("s")
        wid = sid * mesh.num_cores + cid
        base = wid * rows_per_w

        @pl.when(wid == 0)
        def _():
            pltpu.make_async_copy(rs_hbm, rs_buf, rs_sem).start()
            pltpu.make_async_copy(rs_hbm, rs_buf, rs_sem).wait()
            pltpu.make_async_copy(rs_buf, rs_out, rs_sem).start()
            pltpu.make_async_copy(rs_buf, rs_out, rs_sem).wait()

        def make_in(c):
            src = flat_hbm.at[pl.ds(base + c * _CHUNK_ROWS, _CHUNK_ROWS), :]
            return pltpu.make_async_copy(src, bufs.at[c % _N_BUF],
                                         in_sems.at[c % _N_BUF])

        def make_out(c):
            dst = flat_out.at[pl.ds(base + c * _CHUNK_ROWS, _CHUNK_ROWS), :]
            return pltpu.make_async_copy(bufs.at[c % _N_BUF], dst,
                                         out_sems.at[c % _N_BUF])

        in_copies = [None] * n_chunks
        out_copies = [None] * n_chunks
        in_copies[0] = make_in(0)
        in_copies[0].start()
        for c in range(n_chunks):
            nxt = c + 1
            if nxt < n_chunks:
                if nxt >= _N_BUF:
                    out_copies[nxt - _N_BUF].wait()
                in_copies[nxt] = make_in(nxt)
                in_copies[nxt].start()
            in_copies[c].wait()
            out_copies[c] = make_out(c)
            out_copies[c].start()
        for c in range(max(0, n_chunks - _N_BUF), n_chunks):
            out_copies[c].wait()

    return sc_copy(flat, row_splits)

# --- scband reference (transcript-rebuilt; emitter-appended) ---
"""Pipeline reference for scband-ragged-to-flat-rs-52785148068000 (READ-ONLY COPY).

The authoritative reference and input builder live on the scoring server;
editing this copy changes nothing except your own understanding.
"""

import jax, jax.numpy as jnp
import numpy as np


def setup_inputs(seed: int = 0) -> dict:
    key = jax.random.key(seed)
    k1, k2 = jax.random.split(key)
    flat = jax.random.normal(k1, (32768, 512), dtype=jnp.float32)
    row_splits = jnp.sort(jax.random.randint(k2, (17,), 0, 32768, dtype=jnp.int32))
    return {"flat": flat, "row_splits": row_splits}


def reference(flat, row_splits):
    # RaggedToFlatRS: given a ragged tensor represented as (flat values, row_splits),
    # return the flat values tensor [total_tokens, F] and the row_splits [B+1].
    # In JAX the ragged tensor is already carried in this decomposed form, so the
    # layer is a faithful identity over both components.
    values = flat
    splits = row_splits
    return (values, splits)

if __name__ == "__main__":
    import jax
    _d = setup_inputs()
    print(jax.jit(kernel)(*tuple(_d.values())))

</pallas_src>

<mosaic_0001>
#map = affine_map<(d0, d1) -> (0, 0)>
#map1 = affine_map<(d0, d1) -> (0)>
module attributes {stable_mosaic.version = 14 : i64} {
  func.func @sc_copy(%arg0: i32, %arg1: i32, %arg2: memref<32768x512xf32, #tpu.memory_space<hbm>>, %arg3: memref<17xi32, #tpu.memory_space<hbm>>, %arg4: memref<32768x512xf32, #tpu.memory_space<hbm>>, %arg5: memref<17xi32, #tpu.memory_space<hbm>>, %arg6: memref<4x32x512xf32, #tpu.memory_space<vmem>>, %arg7: memref<17xi32, #tpu.memory_space<vmem>>, %arg8: memref<4x!tpu.dma_semaphore, #tpu.memory_space<semaphore_mem>>, %arg9: memref<4x!tpu.dma_semaphore, #tpu.memory_space<semaphore_mem>>, %arg10: memref<!tpu.dma_semaphore, #tpu.memory_space<semaphore_mem>>) attributes {dimension_semantics = [#tpu.dimension_semantics<core_parallel>, #tpu.dimension_semantics<subcore_parallel>], iteration_bounds = array<i64: 2, 16>, scalar_prefetch = 0 : i64, scratch_operands = 5 : i64, tpu.core_type = #tpu.core_type<sc_vector_subcore>, window_params = [{transform_indices = #map}, {transform_indices = #map1}, {transform_indices = #map}, {transform_indices = #map1}]} {
    %mul3A = arith.constant 2 : i32
    %mul3A_0 = arith.muli %arg1, %mul3A : i32
    %add3A = arith.addi %mul3A_0, %arg0 : i32
    %mul3A_1 = arith.constant 1024 : i32
    %mul3A_2 = arith.muli %add3A, %mul3A_1 : i32
    %eq3A = arith.constant 0 : i32
    %eq3A_3 = arith.cmpi eq, %add3A, %eq3A : i32
    %convert_element_type3A = arith.extui %eq3A_3 : i1 to i32
    %cond3A = arith.constant 0 : i32
    %cond3A_4 = arith.cmpi ne, %convert_element_type3A, %cond3A : i32
    scf.if %cond3A_4 {
      tpu.enqueue_dma source(%arg3 : memref<17xi32, #tpu.memory_space<hbm>>) target(%arg7 : memref<17xi32, #tpu.memory_space<vmem>>) target_semaphore(%arg10 : memref<!tpu.dma_semaphore, #tpu.memory_space<semaphore_mem>>)
      tpu.wait_dma2 semaphore(%arg10 : memref<!tpu.dma_semaphore, #tpu.memory_space<semaphore_mem>>) src(%arg3 : memref<17xi32, #tpu.memory_space<hbm>>) dst(%arg7 : memref<17xi32, #tpu.memory_space<vmem>>)
      tpu.enqueue_dma source(%arg7 : memref<17xi32, #tpu.memory_space<vmem>>) target(%arg5 : memref<17xi32, #tpu.memory_space<hbm>>) target_semaphore(%arg10 : memref<!tpu.dma_semaphore, #tpu.memory_space<semaphore_mem>>)
      tpu.wait_dma2 semaphore(%arg10 : memref<!tpu.dma_semaphore, #tpu.memory_space<semaphore_mem>>) src(%arg7 : memref<17xi32, #tpu.memory_space<vmem>>) dst(%arg5 : memref<17xi32, #tpu.memory_space<hbm>>)
    } else {
    }
    %add3A_5 = arith.constant 0 : i32
    %add3A_6 = arith.addi %mul3A_2, %add3A_5 : i32
    %dma_start3A = arith.constant 0 : i32
    %dma_start3A_7 = arith.constant 0 : i32
    %dma_start3A_8 = arith.constant 0 : i32
    %dma_start3A_9 = arith.constant 0 : i32
    %dma_start3A_10 = tpu.memref_slice %arg6[%dma_start3A, %dma_start3A_8, %dma_start3A_9] : memref<4x32x512xf32, #tpu.memory_space<vmem>> -> memref<1x32x512xf32, #tpu.memory_space<vmem>>
    %dma_start3A_11 = tpu.memref_squeeze %dma_start3A_10 : memref<1x32x512xf32, #tpu.memory_space<vmem>> -> memref<32x512xf32, #tpu.memory_space<vmem>>
    %dma_start3A_12 = arith.constant 0 : i32
    %dma_start3A_13 = tpu.memref_slice %arg2[%add3A_6, %dma_start3A_12] : memref<32768x512xf32, #tpu.memory_space<hbm>> -> memref<32x512xf32, #tpu.memory_space<hbm>>
    %dma_start3A_14 = tpu.memref_slice %arg8[%dma_start3A_7] : memref<4x!tpu.dma_semaphore, #tpu.memory_space<semaphore_mem>> -> memref<1x!tpu.dma_semaphore, #tpu.memory_space<semaphore_mem>>
    %dma_start3A_15 = tpu.memref_squeeze %dma_start3A_14 : memref<1x!tpu.dma_semaphore, #tpu.memory_space<semaphore_mem>> -> memref<!tpu.dma_semaphore, #tpu.memory_space<semaphore_mem>>
    %dma_start3A_16 = arith.constant 0 : i32
    %dma_start3A_17 = arith.constant 0 : i32
    %dma_start3A_18 = tpu.memref_slice %arg6[%dma_start3A, %dma_start3A_16, %dma_start3A_17] : memref<4x32x512xf32, #tpu.memory_space<vmem>> -> memref<1x32x512xf32, #tpu.memory_space<vmem>>
    %dma_start3A_19 = tpu.memref_squeeze %dma_start3A_18 : memref<1x32x512xf32, #tpu.memory_space<vmem>> -> memref<32x512xf32, #tpu.memory_space<vmem>>
    %dma_start3A_20 = arith.constant 0 : i32
    %dma_start3A_21 = tpu.memref_slice %arg2[%add3A_6, %dma_start3A_20] : memref<32768x512xf32, #tpu.memory_space<hbm>> -> memref<32x512xf32, #tpu.memory_space<hbm>>
    tpu.enqueue_dma source(%dma_start3A_21 : memref<32x512xf32, #tpu.memory_space<hbm>>) target(%dma_start3A_19 : memref<32x512xf32, #tpu.memory_space<vmem>>) target_semaphore(%dma_start3A_15 : memref<!tpu.dma_semaphore, #tpu.memory_space<semaphore_mem>>)
    %add3A_22 = arith.constant 32 : i32
    %add3A_23 = arith.addi %mul3A_2, %add3A_22 : i32
    %dma_start3A_24 = arith.constant 1 : i32
    %dma_start3A_25 = arith.constant 1 : i32
    %dma_start3A_26 = arith.constant 0 : i32
    %dma_start3A_27 = arith.constant 0 : i32
    %dma_start3A_28 = tpu.memref_slice %arg6[%dma_start3A_24, %dma_start3A_26, %dma_start3A_27] : memref<4x32x512xf32, #tpu.memory_space<vmem>> -> memref<1x32x512xf32, #tpu.memory_space<vmem>>
    %dma_start3A_29 = tpu.memref_squeeze %dma_start3A_28 : memref<1x32x512xf32, #tpu.memory_space<vmem>> -> memref<32x512xf32, #tpu.memory_space<vmem>>
    %dma_start3A_30 = arith.constant 0 : i32
    %dma_start3A_31 = tpu.memref_slice %arg2[%add3A_23, %dma_start3A_30] : memref<32768x512xf32, #tpu.memory_space<hbm>> -> memref<32x512xf32, #tpu.memory_space<hbm>>
    %dma_start3A_32 = tpu.memref_slice %arg8[%dma_start3A_25] : memref<4x!tpu.dma_semaphore, #tpu.memory_space<semaphore_mem>> -> memref<1x!tpu.dma_semaphore, #tpu.memory_space<semaphore_mem>>
    %dma_start3A_33 = tpu.memref_squeeze %dma_start3A_32 : memref<1x!tpu.dma_semaphore, #tpu.memory_space<semaphore_mem>> -> memref<!tpu.dma_semaphore, #tpu.memory_space<semaphore_mem>>
    %dma_start3A_34 = arith.constant 0 : i32
    %dma_start3A_35 = arith.constant 0 : i32
    %dma_start3A_36 = tpu.memref_slice %arg6[%dma_start3A_24, %dma_start3A_34, %dma_start3A_35] : memref<4x32x512xf32, #tpu.memory_space<vmem>> -> memref<1x32x512xf32, #tpu.memory_space<vmem>>
    %dma_start3A_37 = tpu.memref_squeeze %dma_start3A_36 : memref<1x32x512xf32, #tpu.memory_space<vmem>> -> memref<32x512xf32, #tpu.memory_space<vmem>>
    %dma_start3A_38 = arith.constant 0 : i32
    %dma_start3A_39 = tpu.memref_slice %arg2[%add3A_23, %dma_start3A_38] : memref<32768x512xf32, #tpu.memory_space<hbm>> -> memref<32x512xf32, #tpu.memory_space<hbm>>
    tpu.enqueue_dma source(%dma_start3A_39 : memref<32x512xf32, #tpu.memory_space<hbm>>) target(%dma_start3A_37 : memref<32x512xf32, #tpu.memory_space<vmem>>) target_semaphore(%dma_start3A_33 : memref<!tpu.dma_semaphore, #tpu.memory_space<semaphore_mem>>)
    %dma_wait3A = arith.constant 0 : i32
    %dma_wait3A_40 = arith.constant 0 : i32
    %dma_wait3A_41 = arith.constant 0 : i32
    %dma_wait3A_42 = arith.constant 0 : i32
    %dma_wait3A_43 = tpu.memref_slice %arg6[%dma_wait3A, %dma_wait3A_41, %dma_wait3A_42] : memref<4x32x512xf32, #tpu.memory_space<vmem>> -> memref<1x32x512xf32, #tpu.memory_space<vmem>>
    %dma_wait3A_44 = tpu.memref_squeeze %dma_wait3A_43 : memref<1x32x512xf32, #tpu.memory_space<vmem>> -> memref<32x512xf32, #tpu.memory_space<vmem>>
    %dma_wait3A_45 = arith.constant 0 : i32
    %dma_wait3A_46 = tpu.memref_slice %arg2[%add3A_6, %dma_wait3A_45] : memref<32768x512xf32, #tpu.memory_space<hbm>> -> memref<32x512xf32, #tpu.memory_space<hbm>>
    %dma_wait3A_47 = tpu.memref_slice %arg8[%dma_wait3A_40] : memref<4x!tpu.dma_semaphore, #tpu.memory_space<semaphore_mem>> -> memref<1x!tpu.dma_semaphore, #tpu.memory_space<semaphore_mem>>
    %dma_wait3A_48 = tpu.memref_squeeze %dma_wait3A_47 : memref<1x!tpu.dma_semaphore, #tpu.memory_space<semaphore_mem>> -> memref<!tpu.dma_semaphore, #tpu.memory_space<semaphore_mem>>
    %dma_wait3A_49 = arith.constant 0 : i32
    %dma_wait3A_50 = arith.constant 0 : i32
    %dma_wait3A_51 = tpu.memref_slice %arg6[%dma_wait3A, %dma_wait3A_49, %dma_wait3A_50] : memref<4x32x512xf32, #tpu.memory_space<vmem>> -> memref<1x32x512xf32, #tpu.memory_space<vmem>>
    %dma_wait3A_52 = tpu.memref_squeeze %dma_wait3A_51 : memref<1x32x512xf32, #tpu.memory_space<vmem>> -> memref<32x512xf32, #tpu.memory_space<vmem>>
    %dma_wait3A_53 = arith.constant 0 : i32
    %dma_wait3A_54 = tpu.memref_slice %arg2[%add3A_6, %dma_wait3A_53] : memref<32768x512xf32, #tpu.memory_space<hbm>> -> memref<32x512xf32, #tpu.memory_space<hbm>>
    tpu.wait_dma2 semaphore(%dma_wait3A_48 : memref<!tpu.dma_semaphore, #tpu.memory_space<semaphore_mem>>) src(%dma_wait3A_54 : memref<32x512xf32, #tpu.memory_space<hbm>>) dst(%dma_wait3A_52 : memref<32x512xf32, #tpu.memory_space<vmem>>)
    %add3A_55 = arith.constant 0 : i32
    %add3A_56 = arith.addi %mul3A_2, %add3A_55 : i32
    %dma_start3A_57 = arith.constant 0 : i32
    %dma_start3A_58 = arith.constant 0 : i32
    %dma_start3A_59 = arith.constant 0 : i32
    %dma_start3A_60 = arith.constant 0 : i32
    %dma_start3A_61 = tpu.memref_slice %arg6[%dma_start3A_57, %dma_start3A_59, %dma_start3A_60] : memref<4x32x512xf32, #tpu.memory_space<vmem>> -> memref<1x32x512xf32, #tpu.memory_space<vmem>>
    %dma_start3A_62 = tpu.memref_squeeze %dma_start3A_61 : memref<1x32x512xf32, #tpu.memory_space<vmem>> -> memref<32x512xf32, #tpu.memory_space<vmem>>
    %dma_start3A_63 = arith.constant 0 : i32
    %dma_start3A_64 = tpu.memref_slice %arg4[%add3A_56, %dma_start3A_63] : memref<32768x512xf32, #tpu.memory_space<hbm>> -> memref<32x512xf32, #tpu.memory_space<hbm>>
    %dma_start3A_65 = tpu.memref_slice %arg9[%dma_start3A_58] : memref<4x!tpu.dma_semaphore, #tpu.memory_space<semaphore_mem>> -> memref<1x!tpu.dma_semaphore, #tpu.memory_space<semaphore_mem>>
    %dma_start3A_66 = tpu.memref_squeeze %dma_start3A_65 : memref<1x!tpu.dma_semaphore, #tpu.memory_space<semaphore_mem>> -> memref<!tpu.dma_semaphore, #tpu.memory_space<semaphore_mem>>
    %dma_start3A_67 = arith.constant 0 : i32
    %dma_start3A_68 = tpu.memref_slice %arg4[%add3A_56, %dma_start3A_67] : memref<32768x512xf32, #tpu.memory_space<hbm>> -> memref<32x512xf32, #tpu.memory_space<hbm>>
    %dma_start3A_69 = arith.constant 0 : i32
    %dma_start3A_70 = arith.constant 0 : i32
    %dma_start3A_71 = tpu.memref_slice %arg6[%dma_start3A_57, %dma_start3A_69, %dma_start3A_70] : memref<4x32x512xf32, #tpu.memory_space<vmem>> -> memref<1x32x512xf32, #tpu.memory_space<vmem>>
    %dma_start3A_72 = tpu.memref_squeeze %dma_start3A_71 : memref<1x32x512xf32, #tpu.memory_space<vmem>> -> memref<32x512xf32, #tpu.memory_space<vmem>>
    tpu.enqueue_dma source(%dma_start3A_72 : memref<32x512xf32, #tpu.memory_space<vmem>>) target(%dma_start3A_68 : memref<32x512xf32, #tpu.memory_space<hbm>>) target_semaphore(%dma_start3A_66 : memref<!tpu.dma_semaphore, #tpu.memory_space<semaphore_mem>>)
    %add3A_73 = arith.constant 64 : i32
    %add3A_74 = arith.addi %mul3A_2, %add3A_73 : i32
    %dma_start3A_75 = arith.constant 2 : i32
    %dma_start3A_76 = arith.constant 2 : i32
    %dma_start3A_77 = arith.constant 0 : i32
    %dma_start3A_78 = arith.constant 0 : i32
    %dma_start3A_79 = tpu.memref_slice %arg6[%dma_start3A_75, %dma_start3A_77, %dma_start3A_78] : memref<4x32x512xf32, #tpu.memory_space<vmem>> -> memref<1x32x512xf32, #tpu.memory_space<vmem>>
    %dma_start3A_80 = tpu.memref_squeeze %dma_start3A_79 : memref<1x32x512xf32, #tpu.memory_space<vmem>> -> memref<32x512xf32, #tpu.memory_space<vmem>>
    %dma_start3A_81 = arith.constant 0 : i32
    %dma_start3A_82 = tpu.memref_slice %arg2[%add3A_74, %dma_start3A_81] : memref<32768x512xf32, #tpu.memory_space<hbm>> -> memref<32x512xf32, #tpu.memory_space<hbm>>
    %dma_start3A_83 = tpu.memref_slice %arg8[%dma_start3A_76] : memref<4x!tpu.dma_semaphore, #tpu.memory_space<semaphore_mem>> -> memref<1x!tpu.dma_semaphore, #tpu.memory_space<semaphore_mem>>
    %dma_start3A_84 = tpu.memref_squeeze %dma_start3A_83 : memref<1x!tpu.dma_semaphore, #tpu.memory_space<semaphore_mem>> -> memref<!tpu.dma_semaphore, #tpu.memory_space<semaphore_mem>>
    %dma_start3A_85 = arith.constant 0 : i32
    %dma_start3A_86 = arith.constant 0 : i32
    %dma_start3A_87 = tpu.memref_slice %arg6[%dma_start3A_75, %dma_start3A_85, %dma_start3A_86] : memref<4x32x512xf32, #tpu.memory_space<vmem>> -> memref<1x32x512xf32, #tpu.memory_space<vmem>>
    %dma_start3A_88 = tpu.memref_squeeze %dma_start3A_87 : memref<1x32x512xf32, #tpu.memory_space<vmem>> -> memref<32x512xf32, #tpu.memory_space<vmem>>
    %dma_start3A_89 = arith.constant 0 : i32
    %dma_start3A_90 = tpu.memref_slice %arg2[%add3A_74, %dma_start3A_89] : memref<32768x512xf32, #tpu.memory_space<hbm>> -> memref<32x512xf32, #tpu.memory_space<hbm>>
    tpu.enqueue_dma source(%dma_start3A_90 : memref<32x512xf32, #tpu.memory_space<hbm>>) target(%dma_start3A_88 : memref<32x512xf32, #tpu.memory_space<vmem>>) target_semaphore(%dma_start3A_84 : memref<!tpu.dma_semaphore, #tpu.memory_space<semaphore_mem>>)
    %dma_wait3A_91 = arith.constant 1 : i32
    %dma_wait3A_92 = arith.constant 1 : i32
    %dma_wait3A_93 = arith.constant 0 : i32
    %dma_wait3A_94 = arith.constant 0 : i32
    %dma_wait3A_95 = tpu.memref_slice %arg6[%dma_wait3A_91, %dma_wait3A_93, %dma_wait3A_94] : memref<4x32x512xf32, #tpu.memory_space<vmem>> -> memref<1x32x512xf32, #tpu.memory_space<vmem>>
    %dma_wait3A_96 = tpu.memref_squeeze %dma_wait3A_95 : memref<1x32x512xf32, #tpu.memory_space<vmem>> -> memref<32x512xf32, #tpu.memory_space<vmem>>
    %dma_wait3A_97 = arith.constant 0 : i32
    %dma_wait3A_98 = tpu.memref_slice %arg2[%add3A_23, %dma_wait3A_97] : memref<32768x512xf32, #tpu.memory_space<hbm>> -> memref<32x512xf32, #tpu.memory_space<hbm>>
    %dma_wait3A_99 = tpu.memref_slice %arg8[%dma_wait3A_92] : memref<4x!tpu.dma_semaphore, #tpu.memory_space<semaphore_mem>> -> memref<1x!tpu.dma_semaphore, #tpu.memory_space<semaphore_mem>>
    %dma_wait3A_100 = tpu.memref_squeeze %dma_wait3A_99 : memref<1x!tpu.dma_semaphore, #tpu.memory_space<semaphore_mem>> -> memref<!tpu.dma_semaphore, #tpu.memory_space<semaphore_mem>>
    %dma_wait3A_101 = arith.constant 0 : i32
    %dma_wait3A_102 = arith.constant 0 : i32
    %dma_wait3A_103 = tpu.memref_slice %arg6[%dma_wait3A_91, %dma_wait3A_101, %dma_wait3A_102] : memref<4x32x512xf32, #tpu.memory_space<vmem>> -> memref<1x32x512xf32, #tpu.memory_space<vmem>>
    %dma_wait3A_104 = tpu.memref_squeeze %dma_wait3A_103 : memref<1x32x512xf32, #tpu.memory_space<vmem>> -> memref<32x512xf32, #tpu.memory_space<vmem>>
    %dma_wait3A_105 = arith.constant 0 : i32
    %dma_wait3A_106 = tpu.memref_slice %arg2[%add3A_23, %dma_wait3A_105] : memref<32768x512xf32, #tpu.memory_space<hbm>> -> memref<32x512xf32, #tpu.memory_space<hbm>>
    tpu.wait_dma2 semaphore(%dma_wait3A_100 : memref<!tpu.dma_semaphore, #tpu.memory_space<semaphore_mem>>) src(%dma_wait3A_106 : memref<32x512xf32, #tpu.memory_space<hbm>>) dst(%dma_wait3A_104 : memref<32x512xf32, #tpu.memory_space<vmem>>)
    %add3A_107 = arith.constant 32 : i32
    %add3A_108 = arith.addi %mul3A_2, %add3A_107 : i32
    %dma_start3A_109 = arith.constant 1 : i32
    %dma_start3A_110 = arith.constant 1 : i32
    %dma_start3A_111 = arith.constant 0 : i32
    %dma_start3A_112 = arith.constant 0 : i32
    %dma_start3A_113 = tpu.memref_slice %arg6[%dma_start3A_109, %dma_start3A_111, %dma_start3A_112] : memref<4x32x512xf32, #tpu.memory_space<vmem>> -> memref<1x32x512xf32, #tpu.memory_space<vmem>>
    %dma_start3A_114 = tpu.memref_squeeze %dma_start3A_113 : memref<1x32x512xf32, #tpu.memory_space<vmem>> -> memref<32x512xf32, #tpu.memory_space<vmem>>
    %dma_start3A_115 = arith.constant 0 : i32
    %dma_start3A_116 = tpu.memref_slice %arg4[%add3A_108, %dma_start3A_115] : memref<32768x512xf32, #tpu.memory_space<hbm>> -> memref<32x512xf32, #tpu.memory_space<hbm>>
    %dma_start3A_117 = tpu.memref_slice %arg9[%dma_start3A_110] : memref<4x!tpu.dma_semaphore, #tpu.memory_space<semaphore_mem>> -> memref<1x!tpu.dma_semaphore, #tpu.memory_space<semaphore_mem>>
    %dma_start3A_118 = tpu.memref_squeeze %dma_start3A_117 : memref<1x!tpu.dma_semaphore, #tpu.memory_space<semaphore_mem>> -> memref<!tpu.dma_semaphore, #tpu.memory_space<semaphore_mem>>
    %dma_start3A_119 = arith.constant 0 : i32
    %dma_start3A_120 = tpu.memref_slice %arg4[%add3A_108, %dma_start3A_119] : memref<32768x512xf32, #tpu.memory_space<hbm>> -> memref<32x512xf32, #tpu.memory_space<hbm>>
    %dma_start3A_121 = arith.constant 0 : i32
    %dma_start3A_122 = arith.constant 0 : i32
    %dma_start3A_123 = tpu.memref_slice %arg6[%dma_start3A_109, %dma_start3A_121, %dma_start3A_122] : memref<4x32x512xf32, #tpu.memory_space<vmem>> -> memref<1x32x512xf32, #tpu.memory_space<vmem>>
    %dma_start3A_124 = tpu.memref_squeeze %dma_start3A_123 : memref<1x32x512xf32, #tpu.memory_space<vmem>> -> memref<32x512xf32, #tpu.memory_space<vmem>>
    tpu.enqueue_dma source(%dma_start3A_124 : memref<32x512xf32, #tpu.memory_space<vmem>>) target(%dma_start3A_120 : memref<32x512xf32, #tpu.memory_space<hbm>>) target_semaphore(%dma_start3A_118 : memref<!tpu.dma_semaphore, #tpu.memory_space<semaphore_mem>>)
    %add3A_125 = arith.constant 96 : i32
    %add3A_126 = arith.addi %mul3A_2, %add3A_125 : i32
    %dma_start3A_127 = arith.constant 3 : i32
    %dma_start3A_128 = arith.constant 3 : i32
    %dma_start3A_129 = arith.constant 0 : i32
    %dma_start3A_130 = arith.constant 0 : i32
    %dma_start3A_131 = tpu.memref_slice %arg6[%dma_start3A_127, %dma_start3A_129, %dma_start3A_130] : memref<4x32x512xf32, #tpu.memory_space<vmem>> -> memref<1x32x512xf32, #tpu.memory_space<vmem>>
    %dma_start3A_132 = tpu.memref_squeeze %dma_start3A_131 : memref<1x32x512xf32, #tpu.memory_space<vmem>> -> memref<32x512xf32, #tpu.memory_space<vmem>>
    %dma_start3A_133 = arith.constant 0 : i32
    %dma_start3A_134 = tpu.memref_slice %arg2[%add3A_126, %dma_start3A_133] : memref<32768x512xf32, #tpu.memory_space<hbm>> -> memref<32x512xf32, #tpu.memory_space<hbm>>
    %dma_start3A_135 = tpu.memref_slice %arg8[%dma_start3A_128] : memref<4x!tpu.dma_semaphore, #tpu.memory_space<semaphore_mem>> -> memref<1x!tpu.dma_semaphore, #tpu.memory_space<semaphore_mem>>
    %dma_start3A_136 = tpu.memref_squeeze %dma_start3A_135 : memref<1x!tpu.dma_semaphore, #tpu.memory_space<semaphore_mem>> -> memref<!tpu.dma_semaphore, #tpu.memory_space<semaphore_mem>>
    %dma_start3A_137 = arith.constant 0 : i32
    %dma_start3A_138 = arith.constant 0 : i32
    %dma_start3A_139 = tpu.memref_slice %arg6[%dma_start3A_127, %dma_start3A_137, %dma_start3A_138] : memref<4x32x512xf32, #tpu.memory_space<vmem>> -> memref<1x32x512xf32, #tpu.memory_space<vmem>>
    %dma_start3A_140 = tpu.memref_squeeze %dma_start3A_139 : memref<1x32x512xf32, #tpu.memory_space<vmem>> -> memref<32x512xf32, #tpu.memory_space<vmem>>
    %dma_start3A_141 = arith.constant 0 : i32
    %dma_start3A_142 = tpu.memref_slice %arg2[%add3A_126, %dma_start3A_141] : memref<32768x512xf32, #tpu.memory_space<hbm>> -> memref<32x512xf32, #tpu.memory_space<hbm>>
    tpu.enqueue_dma source(%dma_start3A_142 : memref<32x512xf32, #tpu.memory_space<hbm>>) target(%dma_start3A_140 : memref<32x512xf32, #tpu.memory_space<vmem>>) target_semaphore(%dma_start3A_136 : memref<!tpu.dma_semaphore, #tpu.memory_space<semaphore_mem>>)
    %dma_wait3A_143 = arith.constant 2 : i32
    %dma_wait3A_144 = arith.constant 2 : i32
    %dma_wait3A_145 = arith.constant 0 : i32
    %dma_wait3A_146 = arith.constant 0 : i32
    %dma_wait3A_147 = tpu.memref_slice %arg6[%dma_wait3A_143, %dma_wait3A_145, %dma_wait3A_146] : memref<4x32x512xf32, #tpu.memory_space<vmem>> -> memref<1x32x512xf32, #tpu.memory_space<vmem>>
    %dma_wait3A_148 = tpu.memref_squeeze %dma_wait3A_147 : memref<1x32x512xf32, #tpu.memory_space<vmem>> -> memref<32x512xf32, #tpu.memory_space<vmem>>
    %dma_wait3A_149 = arith.constant 0 : i32
    %dma_wait3A_150 = tpu.memref_slice %arg2[%add3A_74, %dma_wait3A_149] : memref<32768x512xf32, #tpu.memory_space<hbm>> -> memref<32x512xf32, #tpu.memory_space<hbm>>
    %dma_wait3A_151 = tpu.memref_slice %arg8[%dma_wait3A_144] : memref<4x!tpu.dma_semaphore, #tpu.memory_space<semaphore_mem>> -> memref<1x!tpu.dma_semaphore, #tpu.memory_space<semaphore_mem>>
    %dma_wait3A_152 = tpu.memref_squeeze %dma_wait3A_151 : memref<1x!tpu.dma_semaphore, #tpu.memory_space<semaphore_mem>> -> memref<!tpu.dma_semaphore, #tpu.memory_space<semaphore_mem>>
    %dma_wait3A_153 = arith.constant 0 : i32
    %dma_wait3A_154 = arith.constant 0 : i32
    %dma_wait3A_155 = tpu.memref_slice %arg6[%dma_wait3A_143, %dma_wait3A_153, %dma_wait3A_154] : memref<4x32x512xf32, #tpu.memory_space<vmem>> -> memref<1x32x512xf32, #tpu.memory_space<vmem>>
    %dma_wait3A_156 = tpu.memref_squeeze %dma_wait3A_155 : memref<1x32x512xf32, #tpu.memory_space<vmem>> -> memref<32x512xf32, #tpu.memory_space<vmem>>
    %dma_wait3A_157 = arith.constant 0 : i32
    %dma_wait3A_158 = tpu.memref_slice %arg2[%add3A_74, %dma_wait3A_157] : memref<32768x512xf32, #tpu.memory_space<hbm>> -> memref<32x512xf32, #tpu.memory_space<hbm>>
    tpu.wait_dma2 semaphore(%dma_wait3A_152 : memref<!tpu.dma_semaphore, #tpu.memory_space<semaphore_mem>>) src(%dma_wait3A_158 : memref<32x512xf32, #tpu.memory_space<hbm>>) dst(%dma_wait3A_156 : memref<32x512xf32, #tpu.memory_space<vmem>>)
    %add3A_159 = arith.constant 64 : i32
    %add3A_160 = arith.addi %mul3A_2, %add3A_159 : i32
    %dma_start3A_161 = arith.constant 2 : i32
    %dma_start3A_162 = arith.constant 2 : i32
    %dma_start3A_163 = arith.constant 0 : i32
    %dma_start3A_164 = arith.constant 0 : i32
    %dma_start3A_165 = tpu.memref_slice %arg6[%dma_start3A_161, %dma_start3A_163, %dma_start3A_164] : memref<4x32x512xf32, #tpu.memory_space<vmem>> -> memref<1x32x512xf32, #tpu.memory_space<vmem>>
    %dma_start3A_166 = tpu.memref_squeeze %dma_start3A_165 : memref<1x32x512xf32, #tpu.memory_space<vmem>> -> memref<32x512xf32, #tpu.memory_space<vmem>>
    %dma_start3A_167 = arith.constant 0 : i32
    %dma_start3A_168 = tpu.memref_slice %arg4[%add3A_160, %dma_start3A_167] : memref<32768x512xf32, #tpu.memory_space<hbm>> -> memref<32x512xf32, #tpu.memory_space<hbm>>
    %dma_start3A_169 = tpu.memref_slice %arg9[%dma_start3A_162] : memref<4x!tpu.dma_semaphore, #tpu.memory_space<semaphore_mem>> -> memref<1x!tpu.dma_semaphore, #tpu.memory_space<semaphore_mem>>
    %dma_start3A_170 = tpu.memref_squeeze %dma_start3A_169 : memref<1x!tpu.dma_semaphore, #tpu.memory_space<semaphore_mem>> -> memref<!tpu.dma_semaphore, #tpu.memory_space<semaphore_mem>>
    %dma_start3A_171 = arith.constant 0 : i32
    %dma_start3A_172 = tpu.memref_slice %arg4[%add3A_160, %dma_start3A_171] : memref<32768x512xf32, #tpu.memory_space<hbm>> -> memref<32x512xf32, #tpu.memory_space<hbm>>
    %dma_start3A_173 = arith.constant 0 : i32
    %dma_start3A_174 = arith.constant 0 : i32
    %dma_start3A_175 = tpu.memref_slice %arg6[%dma_start3A_161, %dma_start3A_173, %dma_start3A_174] : memref<4x32x512xf32, #tpu.memory_space<vmem>> -> memref<1x32x512xf32, #tpu.memory_space<vmem>>
    %dma_start3A_176 = tpu.memref_squeeze %dma_start3A_175 : memref<1x32x512xf32, #tpu.memory_space<vmem>> -> memref<32x512xf32, #tpu.memory_space<vmem>>
    tpu.enqueue_dma source(%dma_start3A_176 : memref<32x512xf32, #tpu.memory_space<vmem>>) target(%dma_start3A_172 : memref<32x512xf32, #tpu.memory_space<hbm>>) target_semaphore(%dma_start3A_170 : memref<!tpu.dma_semaphore, #tpu.memory_space<semaphore_mem>>)
    %dma_wait3A_177 = arith.constant 0 : i32
    %dma_wait3A_178 = arith.constant 0 : i32
    %dma_wait3A_179 = arith.constant 0 : i32
    %dma_wait3A_180 = arith.constant 0 : i32
    %dma_wait3A_181 = tpu.memref_slice %arg6[%dma_wait3A_177, %dma_wait3A_179, %dma_wait3A_180] : memref<4x32x512xf32, #tpu.memory_space<vmem>> -> memref<1x32x512xf32, #tpu.memory_space<vmem>>
    %dma_wait3A_182 = tpu.memref_squeeze %dma_wait3A_181 : memref<1x32x512xf32, #tpu.memory_space<vmem>> -> memref<32x512xf32, #tpu.memory_space<vmem>>
    %dma_wait3A_183 = arith.constant 0 : i32
    %dma_wait3A_184 = tpu.memref_slice %arg4[%add3A_56, %dma_wait3A_183] : memref<32768x512xf32, #tpu.memory_space<hbm>> -> memref<32x512xf32, #tpu.memory_space<hbm>>
    %dma_wait3A_185 = tpu.memref_slice %arg9[%dma_wait3A_178] : memref<4x!tpu.dma_semaphore, #tpu.memory_space<semaphore_mem>> -> memref<1x!tpu.dma_semaphore, #tpu.memory_space<semaphore_mem>>
    %dma_wait3A_186 = tpu.memref_squeeze %dma_wait3A_185 : memref<1x!tpu.dma_semaphore, #tpu.memory_space<semaphore_mem>> -> memref<!tpu.dma_semaphore, #tpu.memory_space<semaphore_mem>>
    %dma_wait3A_187 = arith.constant 0 : i32
    %dma_wait3A_188 = tpu.memref_slice %arg4[%add3A_56, %dma_wait3A_187] : memref<32768x512xf32, #tpu.memory_space<hbm>> -> memref<32x512xf32, #tpu.memory_space<hbm>>
    %dma_wait3A_189 = arith.constant 0 : i32
    %dma_wait3A_190 = arith.constant 0 : i32
    %dma_wait3A_191 = tpu.memref_slice %arg6[%dma_wait3A_177, %dma_wait3A_189, %dma_wait3A_190] : memref<4x32x512xf32, #tpu.memory_space<vmem>> -> memref<1x32x512xf32, #tpu.memory_space<vmem>>
    %dma_wait3A_192 = tpu.memref_squeeze %dma_wait3A_191 : memref<1x32x512xf32, #tpu.memory_space<vmem>> -> memref<32x512xf32, #tpu.memory_space<vmem>>
    tpu.wait_dma2 semaphore(%dma_wait3A_186 : memref<!tpu.dma_semaphore, #tpu.memory_space<semaphore_mem>>) src(%dma_wait3A_192 : memref<32x512xf32, #tpu.memory_space<vmem>>) dst(%dma_wait3A_188 : memref<32x512xf32, #tpu.memory_space<hbm>>)
    %add3A_193 = arith.constant 128 : i32
    %add3A_194 = arith.addi %mul3A_2, %add3A_193 : i32
    %dma_start3A_195 = arith.constant 0 : i32
    %dma_start3A_196 = arith.constant 0 : i32
    %dma_start3A_197 = arith.constant 0 : i32
    %dma_start3A_198 = arith.constant 0 : i32
    %dma_start3A_199 = tpu.memref_slice %arg6[%dma_start3A_195, %dma_start3A_197, %dma_start3A_198] : memref<4x32x512xf32, #tpu.memory_space<vmem>> -> memref<1x32x512xf32, #tpu.memory_space<vmem>>
    %dma_start3A_200 = tpu.memref_squeeze %dma_start3A_199 : memref<1x32x512xf32, #tpu.memory_space<vmem>> -> memref<32x512xf32, #tpu.memory_space<vmem>>
    %dma_start3A_201 = arith.constant 0 : i32
    %dma_start3A_202 = tpu.memref_slice %arg2[%add3A_194, %dma_start3A_201] : memref<32768x512xf32, #tpu.memory_space<hbm>> -> memref<32x512xf32, #tpu.memory_space<hbm>>
    %dma_start3A_203 = tpu.memref_slice %arg8[%dma_start3A_196] : memref<4x!tpu.dma_semaphore, #tpu.memory_space<semaphore_mem>> -> memref<1x!tpu.dma_semaphore, #tpu.memory_space<semaphore_mem>>
    %dma_start3A_204 = tpu.memref_squeeze %dma_start3A_203 : memref<1x!tpu.dma_semaphore, #tpu.memory_space<semaphore_mem>> -> memref<!tpu.dma_semaphore, #tpu.memory_space<semaphore_mem>>
    %dma_start3A_205 = arith.constant 0 : i32
    %dma_start3A_206 = arith.constant 0 : i32
    %dma_start3A_207 = tpu.memref_slice %arg6[%dma_start3A_195, %dma_start3A_205, %dma_start3A_206] : memref<4x32x512xf32, #tpu.memory_space<vmem>> -> memref<1x32x512xf32, #tpu.memory_space<vmem>>
    %dma_start3A_208 = tpu.memref_squeeze %dma_start3A_207 : memref<1x32x512xf32, #tpu.memory_space<vmem>> -> memref<32x512xf32, #tpu.memory_space<vmem>>
    %dma_start3A_209 = arith.constant 0 : i32
    %dma_start3A_210 = tpu.memref_slice %arg2[%add3A_194, %dma_start3A_209] : memref<32768x512xf32, #tpu.memory_space<hbm>> -> memref<32x512xf32, #tpu.memory_space<hbm>>
    tpu.enqueue_dma source(%dma_start3A_210 : memref<32x512xf32, #tpu.memory_space<hbm>>) target(%dma_start3A_208 : memref<32x512xf32, #tpu.memory_space<vmem>>) target_semaphore(%dma_start3A_204 : memref<!tpu.dma_semaphore, #tpu.memory_space<semaphore_mem>>)
    %dma_wait3A_211 = arith.constant 3 : i32
    %dma_wait3A_212 = arith.constant 3 : i32
    %dma_wait3A_213 = arith.constant 0 : i32
    %dma_wait3A_214 = arith.constant 0 : i32
    %dma_wait3A_215 = tpu.memref_slice %arg6[%dma_wait3A_211, %dma_wait3A_213, %dma_wait3A_214] : memref<4x32x512xf32, #tpu.memory_space<vmem>> -> memref<1x32x512xf32, #tpu.memory_space<vmem>>
    %dma_wait3A_216 = tpu.memref_squeeze %dma_wait3A_215 : memref<1x32x512xf32, #tpu.memory_space<vmem>> -> memref<32x512xf32, #tpu.memory_space<vmem>>
    %dma_wait3A_217 = arith.constant 0 : i32
    %dma_wait3A_218 = tpu.memref_slice %arg2[%add3A_126, %dma_wait3A_217] : memref<32768x512xf32, #tpu.memory_space<hbm>> -> memref<32x512xf32, #tpu.memory_space<hbm>>
    %dma_wait3A_219 = tpu.memref_slice %arg8[%dma_wait3A_212] : memref<4x!tpu.dma_semaphore, #tpu.memory_space<semaphore_mem>> -> memref<1x!tpu.dma_semaphore, #tpu.memory_space<semaphore_mem>>
    %dma_wait3A_220 = tpu.memref_squeeze %dma_wait3A_219 : memref<1x!tpu.dma_semaphore, #tpu.memory_space<semaphore_mem>> -> memref<!tpu.dma_semaphore, #tpu.memory_space<semaphore_mem>>
    %dma_wait3A_221 = arith.constant 0 : i32
    %dma_wait3A_222 = arith.constant 0 : i32
    %dma_wait3A_223 = tpu.memref_slice %arg6[%dma_wait3A_211, %dma_wait3A_221, %dma_wait3A_222] : memref<4x32x512xf32, #tpu.memory_space<vmem>> -> memref<1x32x512xf32, #tpu.memory_space<vmem>>
    %dma_wait3A_224 = tpu.memref_squeeze %dma_wait3A_223 : memref<1x32x512xf32, #tpu.memory_space<vmem>> -> memref<32x512xf32, #tpu.memory_space<vmem>>
    %dma_wait3A_225 = arith.constant 0 : i32
    %dma_wait3A_226 = tpu.memref_slice %arg2[%add3A_126, %dma_wait3A_225] : memref<32768x512xf32, #tpu.memory_space<hbm>> -> memref<32x512xf32, #tpu.memory_space<hbm>>
    tpu.wait_dma2 semaphore(%dma_wait3A_220 : memref<!tpu.dma_semaphore, #tpu.memory_space<semaphore_mem>>) src(%dma_wait3A_226 : memref<32x512xf32, #tpu.memory_space<hbm>>) dst(%dma_wait3A_224 : memref<32x512xf32, #tpu.memory_space<vmem>>)
    %add3A_227 = arith.constant 96 : i32
    %add3A_228 = arith.addi %mul3A_2, %add3A_227 : i32
    %dma_start3A_229 = arith.constant 3 : i32
    %dma_start3A_230 = arith.constant 3 : i32
    %dma_start3A_231 = arith.constant 0 : i32
    %dma_start3A_232 = arith.constant 0 : i32
    %dma_start3A_233 = tpu.memref_slice %arg6[%dma_start3A_229, %dma_start3A_231, %dma_start3A_232] : memref<4x32x512xf32, #tpu.memory_space<vmem>> -> memref<1x32x512xf32, #tpu.memory_space<vmem>>
    %dma_start3A_234 = tpu.memref_squeeze %dma_start3A_233 : memref<1x32x512xf32, #tpu.memory_space<vmem>> -> memref<32x512xf32, #tpu.memory_space<vmem>>
    %dma_start3A_235 = arith.constant 0 : i32
    %dma_start3A_236 = tpu.memref_slice %arg4[%add3A_228, %dma_start3A_235] : memref<32768x512xf32, #tpu.memory_space<hbm>> -> memref<32x512xf32, #tpu.memory_space<hbm>>
    %dma_start3A_237 = tpu.memref_slice %arg9[%dma_start3A_230] : memref<4x!tpu.dma_semaphore, #tpu.memory_space<semaphore_mem>> -> memref<1x!tpu.dma_semaphore, #tpu.memory_space<semaphore_mem>>
    %dma_start3A_238 = tpu.memref_squeeze %dma_start3A_237 : memref<1x!tpu.dma_semaphore, #tpu.memory_space<semaphore_mem>> -> memref<!tpu.dma_semaphore, #tpu.memory_space<semaphore_mem>>
    %dma_start3A_239 = arith.constant 0 : i32
    %dma_start3A_240 = tpu.memref_slice %arg4[%add3A_228, %dma_start3A_239] : memref<32768x512xf32, #tpu.memory_space<hbm>> -> memref<32x512xf32, #tpu.memory_space<hbm>>
    %dma_start3A_241 = arith.constant 0 : i32
    %dma_start3A_242 = arith.constant 0 : i32
    %dma_start3A_243 = tpu.memref_slice %arg6[%dma_start3A_229, %dma_start3A_241, %dma_start3A_242] : memref<4x32x512xf32, #tpu.memory_space<vmem>> -> memref<1x32x512xf32, #tpu.memory_space<vmem>>
    %dma_start3A_244 = tpu.memref_squeeze %dma_start3A_243 : memref<1x32x512xf32, #tpu.memory_space<vmem>> -> memref<32x512xf32, #tpu.memory_space<vmem>>
    tpu.enqueue_dma source(%dma_start3A_244 : memref<32x512xf32, #tpu.memory_space<vmem>>) target(%dma_start3A_240 : memref<32x512xf32, #tpu.memory_space<hbm>>) target_semaphore(%dma_start3A_238 : memref<!tpu.dma_semaphore, #tpu.memory_space<semaphore_mem>>)
    %dma_wait3A_245 = arith.constant 1 : i32
    %dma_wait3A_246 = arith.constant 1 : i32
    %dma_wait3A_247 = arith.constant 0 : i32
    %dma_wait3A_248 = arith.constant 0 : i32
    %dma_wait3A_249 = tpu.memref_slice %arg6[%dma_wait3A_245, %dma_wait3A_247, %dma_wait3A_248] : memref<4x32x512xf32, #tpu.memory_space<vmem>> -> memref<1x32x512xf32, #tpu.memory_space<vmem>>
    %dma_wait3A_250 = tpu.memref_squeeze %dma_wait3A_249 : memref<1x32x512xf32, #tpu.memory_space<vmem>> -> memref<32x512xf32, #tpu.memory_space<vmem>>
    %dma_wait3A_251 = arith.constant 0 : i32
    %dma_wait3A_252 = tpu.memref_slice %arg4[%add3A_108, %dma_wait3A_251] : memref<32768x512xf32, #tpu.memory_space<hbm>> -> memref<32x512xf32, #tpu.memory_space<hbm>>
    %dma_wait3A_253 = tpu.memref_slice %arg9[%dma_wait3A_246] : memref<4x!tpu.dma_semaphore, #tpu.memory_space<semaphore_mem>> -> memref<1x!tpu.dma_semaphore, #tpu.memory_space<semaphore_mem>>
    %dma_wait3A_254 = tpu.memref_squeeze %dma_wait3A_253 : memref<1x!tpu.dma_semaphore, #tpu.memory_space<semaphore_mem>> -> memref<!tpu.dma_semaphore, #tpu.memory_space<semaphore_mem>>
    %dma_wait3A_255 = arith.constant 0 : i32
    %dma_wait3A_256 = tpu.memref_slice %arg4[%add3A_108, %dma_wait3A_255] : memref<32768x512xf32, #tpu.memory_space<hbm>> -> memref<32x512xf32, #tpu.memory_space<hbm>>
    %dma_wait3A_257 = arith.constant 0 : i32
    %dma_wait3A_258 = arith.constant 0 : i32
    %dma_wait3A_259 = tpu.memref_slice %arg6[%dma_wait3A_245, %dma_wait3A_257, %dma_wait3A_258] : memref<4x32x512xf32, #tpu.memory_space<vmem>> -> memref<1x32x512xf32, #tpu.memory_space<vmem>>
    %dma_wait3A_260 = tpu.memref_squeeze %dma_wait3A_259 : memref<1x32x512xf32, #tpu.memory_space<vmem>> -> memref<32x512xf32, #tpu.memory_space<vmem>>
    tpu.wait_dma2 semaphore(%dma_wait3A_254 : memref<!tpu.dma_semaphore, #tpu.memory_space<semaphore_mem>>) src(%dma_wait3A_260 : memref<32x512xf32, #tpu.memory_space<vmem>>) dst(%dma_wait3A_256 : memref<32x512xf32, #tpu.memory_space<hbm>>)
    %add3A_261 = arith.constant 160 : i32
    %add3A_262 = arith.addi %mul3A_2, %add3A_261 : i32
    %dma_start3A_263 = arith.constant 1 : i32
    %dma_start3A_264 = arith.constant 1 : i32
    %dma_start3A_265 = arith.constant 0 : i32
    %dma_start3A_266 = arith.constant 0 : i32
    %dma_start3A_267 = tpu.memref_slice %arg6[%dma_start3A_263, %dma_start3A_265, %dma_start3A_266] : memref<4x32x512xf32, #tpu.memory_space<vmem>> -> memref<1x32x512xf32, #tpu.memory_space<vmem>>
    %dma_start3A_268 = tpu.memref_squeeze %dma_start3A_267 : memref<1x32x512xf32, #tpu.memory_space<vmem>> -> memref<32x512xf32, #tpu.memory_space<vmem>>
    %dma_start3A_269 = arith.constant 0 : i32
    %dma_start3A_270 = tpu.memref_slice %arg2[%add3A_262, %dma_start3A_269] : memref<32768x512xf32, #tpu.memory_space<hbm>> -> memref<32x512xf32, #tpu.memory_space<hbm>>
    %dma_start3A_271 = tpu.memref_slice %arg8[%dma_start3A_264] : memref<4x!tpu.dma_semaphore, #tpu.memory_space<semaphore_mem>> -> memref<1x!tpu.dma_semaphore, #tpu.memory_space<semaphore_mem>>
    %dma_start3A_272 = tpu.memref_squeeze %dma_start3A_271 : memref<1x!tpu.dma_semaphore, #tpu.memory_space<semaphore_mem>> -> memref<!tpu.dma_semaphore, #tpu.memory_space<semaphore_mem>>
    %dma_start3A_273 = arith.constant 0 : i32
    %dma_start3A_274 = arith.constant 0 : i32
    %dma_start3A_275 = tpu.memref_slice %arg6[%dma_start3A_263, %dma_start3A_273, %dma_start3A_274] : memref<4x32x512xf32, #tpu.memory_space<vmem>> -> memref<1x32x512xf32, #tpu.memory_space<vmem>>
    %dma_start3A_276 = tpu.memref_squeeze %dma_start3A_275 : memref<1x32x512xf32, #tpu.memory_space<vmem>> -> memref<32x512xf32, #tpu.memory_space<vmem>>
    %dma_start3A_277 = arith.constant 0 : i32
    %dma_start3A_278 = tpu.memref_slice %arg2[%add3A_262, %dma_start3A_277] : memref<32768x512xf32, #tpu.memory_space<hbm>> -> memref<32x512xf32, #tpu.memory_space<hbm>>
    tpu.enqueue_dma source(%dma_start3A_278 : memref<32x512xf32, #tpu.memory_space<hbm>>) target(%dma_start3A_276 : memref<32x512xf32, #tpu.memory_space<vmem>>) target_semaphore(%dma_start3A_272 : memref<!tpu.dma_semaphore, #tpu.memory_space<semaphore_mem>>)
    %dma_wait3A_279 = arith.constant 0 : i32
    %dma_wait3A_280 = arith.constant 0 : i32
    %dma_wait3A_281 = arith.constant 0 : i32
    %dma_wait3A_282 = arith.constant 0 : i32
    %dma_wait3A_283 = tpu.memref_slice %arg6[%dma_wait3A_279, %dma_wait3A_281, %dma_wait3A_282] : memref<4x32x512xf32, #tpu.memory_space<vmem>> -> memref<1x32x512xf32, #tpu.memory_space<vmem>>
    %dma_wait3A_284 = tpu.memref_squeeze %dma_wait3A_283 : memref<1x32x512xf32, #tpu.memory_space<vmem>> -> memref<32x512xf32, #tpu.memory_space<vmem>>
    %dma_wait3A_285 = arith.constant 0 : i32
    %dma_wait3A_286 = tpu.memref_slice %arg2[%add3A_194, %dma_wait3A_285] : memref<32768x512xf32, #tpu.memory_space<hbm>> -> memref<32x512xf32, #tpu.memory_space<hbm>>
    %dma_wait3A_287 = tpu.memref_slice %arg8[%dma_wait3A_280] : memref<4x!tpu.dma_semaphore, #tpu.memory_space<semaphore_mem>> -> memref<1x!tpu.dma_semaphore, #tpu.memory_space<semaphore_mem>>
    %dma_wait3A_288 = tpu.memref_squeeze %dma_wait3A_287 : memref<1x!tpu.dma_semaphore, #tpu.memory_space<semaphore_mem>> -> memref<!tpu.dma_semaphore, #tpu.memory_space<semaphore_mem>>
    %dma_wait3A_289 = arith.constant 0 : i32
    %dma_wait3A_290 = arith.constant 0 : i32
    %dma_wait3A_291 = tpu.memref_slice %arg6[%dma_wait3A_279, %dma_wait3A_289, %dma_wait3A_290] : memref<4x32x512xf32, #tpu.memory_space<vmem>> -> memref<1x32x512xf32, #tpu.memory_space<vmem>>
    %dma_wait3A_292 = tpu.memref_squeeze %dma_wait3A_291 : memref<1x32x512xf32, #tpu.memory_space<vmem>> -> memref<32x512xf32, #tpu.memory_space<vmem>>
    %dma_wait3A_293 = arith.constant 0 : i32
    %dma_wait3A_294 = tpu.memref_slice %arg2[%add3A_194, %dma_wait3A_293] : memref<32768x512xf32, #tpu.memory_space<hbm>> -> memref<32x512xf32, #tpu.memory_space<hbm>>
    tpu.wait_dma2 semaphore(%dma_wait3A_288 : memref<!tpu.dma_semaphore, #tpu.memory_space<semaphore_mem>>) src(%dma_wait3A_294 : memref<32x512xf32, #tpu.memory_space<hbm>>) dst(%dma_wait3A_292 : memref<32x512xf32, #tpu.memory_space<vmem>>)
    %add3A_295 = arith.constant 128 : i32
    %add3A_296 = arith.addi %mul3A_2, %add3A_295 : i32
    %dma_start3A_297 = arith.constant 0 : i32
    %dma_start3A_298 = arith.constant 0 : i32
    %dma_start3A_299 = arith.constant 0 : i32
    %dma_start3A_300 = arith.constant 0 : i32
    %dma_start3A_301 = tpu.memref_slice %arg6[%dma_start3A_297, %dma_start3A_299, %dma_start3A_300] : memref<4x32x512xf32, #tpu.memory_space<vmem>> -> memref<1x32x512xf32, #tpu.memory_space<vmem>>
    %dma_start3A_302 = tpu.memref_squeeze %dma_start3A_301 : memref<1x32x512xf32, #tpu.memory_space<vmem>> -> memref<32x512xf32, #tpu.memory_space<vmem>>
    %dma_start3A_303 = arith.constant 0 : i32
    %dma_start3A_304 = tpu.memref_slice %arg4[%add3A_296, %dma_start3A_303] : memref<32768x512xf32, #tpu.memory_space<hbm>> -> memref<32x512xf32, #tpu.memory_space<hbm>>
    %dma_start3A_305 = tpu.memref_slice %arg9[%dma_start3A_298] : memref<4x!tpu.dma_semaphore, #tpu.memory_space<semaphore_mem>> -> memref<1x!tpu.dma_semaphore, #tpu.memory_space<semaphore_mem>>
    %dma_start3A_306 = tpu.memref_squeeze %dma_start3A_305 : memref<1x!tpu.dma_semaphore, #tpu.memory_space<semaphore_mem>> -> memref<!tpu.dma_semaphore, #tpu.memory_space<semaphore_mem>>
    %dma_start3A_307 = arith.constant 0 : i32
    %dma_start3A_308 = tpu.memref_slice %arg4[%add3A_296, %dma_start3A_307] : memref<32768x512xf32, #tpu.memory_space<hbm>> -> memref<32x512xf32, #tpu.memory_space<hbm>>
    %dma_start3A_309 = arith.constant 0 : i32
    %dma_start3A_310 = arith.constant 0 : i32
    %dma_start3A_311 = tpu.memref_slice %arg6[%dma_start3A_297, %dma_start3A_309, %dma_start3A_310] : memref<4x32x512xf32, #tpu.memory_space<vmem>> -> memref<1x32x512xf32, #tpu.memory_space<vmem>>
    %dma_start3A_312 = tpu.memref_squeeze %dma_start3A_311 : memref<1x32x512xf32, #tpu.memory_space<vmem>> -> memref<32x512xf32, #tpu.memory_space<vmem>>
    tpu.enqueue_dma source(%dma_start3A_312 : memref<32x512xf32, #tpu.memory_space<vmem>>) target(%dma_start3A_308 : memref<32x512xf32, #tpu.memory_space<hbm>>) target_semaphore(%dma_start3A_306 : memref<!tpu.dma_semaphore, #tpu.memory_space<semaphore_mem>>)
    %dma_wait3A_313 = arith.constant 2 : i32
    %dma_wait3A_314 = arith.constant 2 : i32
    %dma_wait3A_315 = arith.constant 0 : i32
    %dma_wait3A_316 = arith.constant 0 : i32
    %dma_wait3A_317 = tpu.memref_slice %arg6[%dma_wait3A_313, %dma_wait3A_315, %dma_wait3A_316] : memref<4x32x512xf32, #tpu.memory_space<vmem>> -> memref<1x32x512xf32, #tpu.memory_space<vmem>>
    %dma_wait3A_318 = tpu.memref_squeeze %dma_wait3A_317 : memref<1x32x512xf32, #tpu.memory_space<vmem>> -> memref<32x512xf32, #tpu.memory_space<vmem>>
    %dma_wait3A_319 = arith.constant 0 : i32
    %dma_wait3A_320 = tpu.memref_slice %arg4[%add3A_160, %dma_wait3A_319] : memref<32768x512xf32, #tpu.memory_space<hbm>> -> memref<32x512xf32, #tpu.memory_space<hbm>>
    %dma_wait3A_321 = tpu.memref_slice %arg9[%dma_wait3A_314] : memref<4x!tpu.dma_semaphore, #tpu.memory_space<semaphore_mem>> -> memref<1x!tpu.dma_semaphore, #tpu.memory_space<semaphore_mem>>
    %dma_wait3A_322 = tpu.memref_squeeze %dma_wait3A_321 : memref<1x!tpu.dma_semaphore, #tpu.memory_space<semaphore_mem>> -> memref<!tpu.dma_semaphore, #tpu.memory_space<semaphore_mem>>
    %dma_wait3A_323 = arith.constant 0 : i32
    %dma_wait3A_324 = tpu.memref_slice %arg4[%add3A_160, %dma_wait3A_323] : memref<32768x512xf32, #tpu.memory_space<hbm>> -> memref<32x512xf32, #tpu.memory_space<hbm>>
    %dma_wait3A_325 = arith.constant 0 : i32
    %dma_wait3A_326 = arith.constant 0 : i32
    %dma_wait3A_327 = tpu.memref_slice %arg6[%dma_wait3A_313, %dma_wait3A_325, %dma_wait3A_326] : memref<4x32x512xf32, #tpu.memory_space<vmem>> -> memref<1x32x512xf32, #tpu.memory_space<vmem>>
    %dma_wait3A_328 = tpu.memref_squeeze %dma_wait3A_327 : memref<1x32x512xf32, #tpu.memory_space<vmem>> -> memref<32x512xf32, #tpu.memory_space<vmem>>
    tpu.wait_dma2 semaphore(%dma_wait3A_322 : memref<!tpu.dma_semaphore, #tpu.memory_space<semaphore_mem>>) src(%dma_wait3A_328 : memref<32x512xf32, #tpu.memory_space<vmem>>) dst(%dma_wait3A_324 : memref<32x512xf32, #tpu.memory_space<hbm>>)
    %add3A_329 = arith.constant 192 : i32
    %add3A_330 = arith.addi %mul3A_2, %add3A_329 : i32
    %dma_start3A_331 = arith.constant 2 : i32
    %dma_start3A_332 = arith.constant 2 : i32
    %dma_start3A_333 = arith.constant 0 : i32
    %dma_start3A_334 = arith.constant 0 : i32
    %dma_start3A_335 = tpu.memref_slice %arg6[%dma_start3A_331, %dma_start3A_333, %dma_start3A_334] : memref<4x32x512xf32, #tpu.memory_space<vmem>> -> memref<1x32x512xf32, #tpu.memory_space<vmem>>
    %dma_start3A_336 = tpu.memref_squeeze %dma_start3A_335 : memref<1x32x512xf32, #tpu.memory_space<vmem>> -> memref<32x512xf32, #tpu.memory_space<vmem>>
    %dma_start3A_337 = arith.constant 0 : i32
    %dma_start3A_338 = tpu.memref_slice %arg2[%add3A_330, %dma_start3A_337] : memref<32768x512xf32, #tpu.memory_space<hbm>> -> memref<32x512xf32, #tpu.memory_space<hbm>>
    %dma_start3A_339 = tpu.memref_slice %arg8[%dma_start3A_332] : memref<4x!tpu.dma_semaphore, #tpu.memory_space<semaphore_mem>> -> memref<1x!tpu.dma_semaphore, #tpu.memory_space<semaphore_mem>>
    %dma_start3A_340 = tpu.memref_squeeze %dma_start3A_339 : memref<1x!tpu.dma_semaphore, #tpu.memory_space<semaphore_mem>> -> memref<!tpu.dma_semaphore, #tpu.memory_space<semaphore_mem>>
    %dma_start3A_341 = arith.constant 0 : i32
    %dma_start3A_342 = arith.constant 0 : i32
    %dma_start3A_343 = tpu.memref_slice %arg6[%dma_start3A_331, %dma_start3A_341, %dma_start3A_342] : memref<4x32x512xf32, #tpu.memory_space<vmem>> -> memref<1x32x512xf32, #tpu.memory_space<vmem>>
    %dma_start3A_344 = tpu.memref_squeeze %dma_start3A_343 : memref<1x32x512xf32, #tpu.memory_space<vmem>> -> memref<32x512xf32, #tpu.memory_space<vmem>>
    %dma_start3A_345 = arith.constant 0 : i32
    %dma_start3A_346 = tpu.memref_slice %arg2[%add3A_330, %dma_start3A_345] : memref<32768x512xf32, #tpu.memory_space<hbm>> -> memref<32x512xf32, #tpu.memory_space<hbm>>
    tpu.enqueue_dma source(%dma_start3A_346 : memref<32x512xf32, #tpu.memory_space<hbm>>) target(%dma_start3A_344 : memref<32x512xf32, #tpu.memory_space<vmem>>) target_semaphore(%dma_start3A_340 : memref<!tpu.dma_semaphore, #tpu.memory_space<semaphore_mem>>)
    %dma_wait3A_347 = arith.constant 1 : i32
    %dma_wait3A_348 = arith.constant 1 : i32
    %dma_wait3A_349 = arith.constant 0 : i32
    %dma_wait3A_350 = arith.constant 0 : i32
    %dma_wait3A_351 = tpu.memref_slice %arg6[%dma_wait3A_347, %dma_wait3A_349, %dma_wait3A_350] : memref<4x32x512xf32, #tpu.memory_space<vmem>> -> memref<1x32x512xf32, #tpu.memory_space<vmem>>
    %dma_wait3A_352 = tpu.memref_squeeze %dma_wait3A_351 : memref<1x32x512xf32, #tpu.memory_space<vmem>> -> memref<32x512xf32, #tpu.memory_space<vmem>>
    %dma_wait3A_353 = arith.constant 0 : i32
    %dma_wait3A_354 = tpu.memref_slice %arg2[%add3A_262, %dma_wait3A_353] : memref<32768x512xf32, #tpu.memory_space<hbm>> -> memref<32x512xf32, #tpu.memory_space<hbm>>
    %dma_wait3A_355 = tpu.memref_slice %arg8[%dma_wait3A_348] : memref<4x!tpu.dma_semaphore, #tpu.memory_space<semaphore_mem>> -> memref<1x!tpu.dma_semaphore, #tpu.memory_space<semaphore_mem>>
    %dma_wait3A_356 = tpu.memref_squeeze %dma_wait3A_355 : memref<1x!tpu.dma_semaphore, #tpu.memory_space<semaphore_mem>> -> memref<!tpu.dma_semaphore, #tpu.memory_space<semaphore_mem>>
    %dma_wait3A_357 = arith.constant 0 : i32
    %dma_wait3A_358 = arith.constant 0 : i32
    %dma_wait3A_359 = tpu.memref_slice %arg6[%dma_wait3A_347, %dma_wait3A_357, %dma_wait3A_358] : memref<4x32x512xf32, #tpu.memory_space<vmem>> -> memref<1x32x512xf32, #tpu.memory_space<vmem>>
    %dma_wait3A_360 = tpu.memref_squeeze %dma_wait3A_359 : memref<1x32x512xf32, #tpu.memory_space<vmem>> -> memref<32x512xf32, #tpu.memory_space<vmem>>
    %dma_wait3A_361 = arith.constant 0 : i32
    %dma_wait3A_362 = tpu.memref_slice %arg2[%add3A_262, %dma_wait3A_361] : memref<32768x512xf32, #tpu.memory_space<hbm>> -> memref<32x512xf32, #tpu.memory_space<hbm>>
    tpu.wait_dma2 semaphore(%dma_wait3A_356 : memref<!tpu.dma_semaphore, #tpu.memory_space<semaphore_mem>>) src(%dma_wait3A_362 : memref<32x512xf32, #tpu.memory_space<hbm>>) dst(%dma_wait3A_360 : memref<32x512xf32, #tpu.memory_space<vmem>>)
    %add3A_363 = arith.constant 160 : i32
    %add3A_364 = arith.addi %mul3A_2, %add3A_363 : i32
    %dma_start3A_365 = arith.constant 1 : i32
    %dma_start3A_366 = arith.constant 1 : i32
    %dma_start3A_367 = arith.constant 0 : i32
    %dma_start3A_368 = arith.constant 0 : i32
    %dma_start3A_369 = tpu.memref_slice %arg6[%dma_start3A_365, %dma_start3A_367, %dma_start3A_368] : memref<4x32x512xf32, #tpu.memory_space<vmem>> -> memref<1x32x512xf32, #tpu.memory_space<vmem>>
    %dma_start3A_370 = tpu.memref_squeeze %dma_start3A_369 : memref<1x32x512xf32, #tpu.memory_space<vmem>> -> memref<32x512xf32, #tpu.memory_space<vmem>>
    %dma_start3A_371 = arith.constant 0 : i32
    %dma_start3A_372 = tpu.memref_slice %arg4[%add3A_364, %dma_start3A_371] : memref<32768x512xf32, #tpu.memory_space<hbm>> -> memref<32x512xf32, #tpu.memory_space<hbm>>
    %dma_start3A_373 = tpu.memref_slice %arg9[%dma_start3A_366] : memref<4x!tpu.dma_semaphore, #tpu.memory_space<semaphore_mem>> -> memref<1x!tpu.dma_semaphore, #tpu.memory_space<semaphore_mem>>
    %dma_start3A_374 = tpu.memref_squeeze %dma_start3A_373 : memref<1x!tpu.dma_semaphore, #tpu.memory_space<semaphore_mem>> -> memref<!tpu.dma_semaphore, #tpu.memory_space<semaphore_mem>>
    %dma_start3A_375 = arith.constant 0 : i32
    %dma_start3A_376 = tpu.memref_slice %arg4[%add3A_364, %dma_start3A_375] : memref<32768x512xf32, #tpu.memory_space<hbm>> -> memref<32x512xf32, #tpu.memory_space<hbm>>
    %dma_start3A_377 = arith.constant 0 : i32
    %dma_start3A_378 = arith.constant 0 : i32
    %dma_start3A_379 = tpu.memref_slice %arg6[%dma_start3A_365, %dma_start3A_377, %dma_start3A_378] : memref<4x32x512xf32, #tpu.memory_space<vmem>> -> memref<1x32x512xf32, #tpu.memory_space<vmem>>
    %dma_start3A_380 = tpu.memref_squeeze %dma_start3A_379 : memref<1x32x512xf32, #tpu.memory_space<vmem>> -> memref<32x512xf32, #tpu.memory_space<vmem>>
    tpu.enqueue_dma source(%dma_start3A_380 : memref<32x512xf32, #tpu.memory_space<vmem>>) target(%dma_start3A_376 : memref<32x512xf32, #tpu.memory_space<hbm>>) target_semaphore(%dma_start3A_374 : memref<!tpu.dma_semaphore, #tpu.memory_space<semaphore_mem>>)
    %dma_wait3A_381 = arith.constant 3 : i32
    %dma_wait3A_382 = arith.constant 3 : i32
    %dma_wait3A_383 = arith.constant 0 : i32
    %dma_wait3A_384 = arith.constant 0 : i32
    %dma_wait3A_385 = tpu.memref_slice %arg6[%dma_wait3A_381, %dma_wait3A_383, %dma_wait3A_384] : memref<4x32x512xf32, #tpu.memory_space<vmem>> -> memref<1x32x512xf32, #tpu.memory_space<vmem>>
    %dma_wait3A_386 = tpu.memref_squeeze %dma_wait3A_385 : memref<1x32x512xf32, #tpu.memory_space<vmem>> -> memref<32x512xf32, #tpu.memory_space<vmem>>
    %dma_wait3A_387 = arith.constant 0 : i32
    %dma_wait3A_388 = tpu.memref_slice %arg4[%add3A_228, %dma_wait3A_387] : memref<32768x512xf32, #tpu.memory_space<hbm>> -> memref<32x512xf32, #tpu.memory_space<hbm>>
    %dma_wait3A_389 = tpu.memref_slice %arg9[%dma_wait3A_382] : memref<4x!tpu.dma_semaphore, #tpu.memory_space<semaphore_mem>> -> memref<1x!tpu.dma_semaphore, #tpu.memory_space<semaphore_mem>>
    %dma_wait3A_390 = tpu.memref_squeeze %dma_wait3A_389 : memref<1x!tpu.dma_semaphore, #tpu.memory_space<semaphore_mem>> -> memref<!tpu.dma_semaphore, #tpu.memory_space<semaphore_mem>>
    %dma_wait3A_391 = arith.constant 0 : i32
    %dma_wait3A_392 = tpu.memref_slice %arg4[%add3A_228, %dma_wait3A_391] : memref<32768x512xf32, #tpu.memory_space<hbm>> -> memref<32x512xf32, #tpu.memory_space<hbm>>
    %dma_wait3A_393 = arith.constant 0 : i32
    %dma_wait3A_394 = arith.constant 0 : i32
    %dma_wait3A_395 = tpu.memref_slice %arg6[%dma_wait3A_381, %dma_wait3A_393, %dma_wait3A_394] : memref<4x32x512xf32, #tpu.memory_space<vmem>> -> memref<1x32x512xf32, #tpu.memory_space<vmem>>
    %dma_wait3A_396 = tpu.memref_squeeze %dma_wait3A_395 : memref<1x32x512xf32, #tpu.memory_space<vmem>> -> memref<32x512xf32, #tpu.memory_space<vmem>>
    tpu.wait_dma2 semaphore(%dma_wait3A_390 : memref<!tpu.dma_semaphore, #tpu.memory_space<semaphore_mem>>) src(%dma_wait3A_396 : memref<32x512xf32, #tpu.memory_space<vmem>>) dst(%dma_wait3A_392 : memref<32x512xf32, #tpu.memory_space<hbm>>)
    %add3A_397 = arith.constant 224 : i32
    %add3A_398 = arith.addi %mul3A_2, %add3A_397 : i32
    %dma_start3A_399 = arith.constant 3 : i32
    %dma_start3A_400 = arith.constant 3 : i32
    %dma_start3A_401 = arith.constant 0 : i32
    %dma_start3A_402 = arith.constant 0 : i32
    %dma_start3A_403 = tpu.memref_slice %arg6[%dma_start3A_399, %dma_start3A_401, %dma_start3A_402] : memref<4x32x512xf32, #tpu.memory_space<vmem>> -> memref<1x32x512xf32, #tpu.memory_space<vmem>>
    %dma_start3A_404 = tpu.memref_squeeze %dma_start3A_403 : memref<1x32x512xf32, #tpu.memory_space<vmem>> -> memref<32x512xf32, #tpu.memory_space<vmem>>
    %dma_start3A_405 = arith.constant 0 : i32
    %dma_start3A_406 = tpu.memref_slice %arg2[%add3A_398, %dma_start3A_405] : memref<32768x512xf32, #tpu.memory_space<hbm>> -> memref<32x512xf32, #tpu.memory_space<hbm>>
    %dma_start3A_407 = tpu.memref_slice %arg8[%dma_start3A_400] : memref<4x!tpu.dma_semaphore, #tpu.memory_space<semaphore_mem>> -> memref<1x!tpu.dma_semaphore, #tpu.memory_space<semaphore_mem>>
    %dma_start3A_408 = tpu.memref_squeeze %dma_start3A_407 : memref<1x!tpu.dma_semaphore, #tpu.memory_space<semaphore_mem>> -> memref<!tpu.dma_semaphore, #tpu.memory_space<semaphore_mem>>
    %dma_start3A_409 = arith.constant 0 : i32
    %dma_start3A_410 = arith.constant 0 : i32
    %dma_start3A_411 = tpu.memref_slice %arg6[%dma_start3A_399, %dma_start3A_409, %dma_start3A_410] : memref<4x32x512xf32, #tpu.memory_space<vmem>> -> memref<1x32x512xf32, #tpu.memory_space<vmem>>
    %dma_start3A_412 = tpu.memref_squeeze %dma_start3A_411 : memref<1x32x512xf32, #tpu.memory_space<vmem>> -> memref<32x512xf32, #tpu.memory_space<vmem>>
    %dma_start3A_413 = arith.constant 0 : i32
    %dma_start3A_414 = tpu.memref_slice %arg2[%add3A_398, %dma_start3A_413] : memref<32768x512xf32, #tpu.memory_space<hbm>> -> memref<32x512xf32, #tpu.memory_space<hbm>>
    tpu.enqueue_dma source(%dma_start3A_414 : memref<32x512xf32, #tpu.memory_space<hbm>>) target(%dma_start3A_412 : memref<32x512xf32, #tpu.memory_space<vmem>>) target_semaphore(%dma_start3A_408 : memref<!tpu.dma_semaphore, #tpu.memory_space<semaphore_mem>>)
    %dma_wait3A_415 = arith.constant 2 : i32
    %dma_wait3A_416 = arith.constant 2 : i32
    %dma_wait3A_417 = arith.constant 0 : i32
    %dma_wait3A_418 = arith.constant 0 : i32
    %dma_wait3A_419 = tpu.memref_slice %arg6[%dma_wait3A_415, %dma_wait3A_417, %dma_wait3A_418] : memref<4x32x512xf32, #tpu.memory_space<vmem>> -> memref<1x32x512xf32, #tpu.memory_space<vmem>>
    %dma_wait3A_420 = tpu.memref_squeeze %dma_wait3A_419 : memref<1x32x512xf32, #tpu.memory_space<vmem>> -> memref<32x512xf32, #tpu.memory_space<vmem>>
    %dma_wait3A_421 = arith.constant 0 : i32
    %dma_wait3A_422 = tpu.memref_slice %arg2[%add3A_330, %dma_wait3A_421] : memref<32768x512xf32, #tpu.memory_space<hbm>> -> memref<32x512xf32, #tpu.memory_space<hbm>>
    %dma_wait3A_423 = tpu.memref_slice %arg8[%dma_wait3A_416] : memref<4x!tpu.dma_semaphore, #tpu.memory_space<semaphore_mem>> -> memref<1x!tpu.dma_semaphore, #tpu.memory_space<semaphore_mem>>
    %dma_wait3A_424 = tpu.memref_squeeze %dma_wait3A_423 : memref<1x!tpu.dma_semaphore, #tpu.memory_space<semaphore_mem>> -> memref<!tpu.dma_semaphore, #tpu.memory_space<semaphore_mem>>
    %dma_wait3A_425 = arith.constant 0 : i32
    %dma_wait3A_426 = arith.constant 0 : i32
    %dma_wait3A_427 = tpu.memref_slice %arg6[%dma_wait3A_415, %dma_wait3A_425, %dma_wait3A_426] : memref<4x32x512xf32, #tpu.memory_space<vmem>> -> memref<1x32x512xf32, #tpu.memory_space<vmem>>
    %dma_wait3A_428 = tpu.memref_squeeze %dma_wait3A_427 : memref<1x32x512xf32, #tpu.memory_space<vmem>> -> memref<32x512xf32, #tpu.memory_space<vmem>>
    %dma_wait3A_429 = arith.constant 0 : i32
    %dma_wait3A_430 = tpu.memref_slice %arg2[%add3A_330, %dma_wait3A_429] : memref<32768x512xf32, #tpu.memory_space<hbm>> -> memref<32x512xf32, #tpu.memory_space<hbm>>
    tpu.wait_dma2 semaphore(%dma_wait3A_424 : memref<!tpu.dma_semaphore, #tpu.memory_space<semaphore_mem>>) src(%dma_wait3A_430 : memref<32x512xf32, #tpu.memory_space<hbm>>) dst(%dma_wait3A_428 : memref<32x512xf32, #tpu.memory_space<vmem>>)
    %add3A_431 = arith.constant 192 : i32
    %add3A_432 = arith.addi %mul3A_2, %add3A_431 : i32
    %dma_start3A_433 = arith.constant 2 : i32
    %dma_start3A_434 = arith.constant 2 : i32
    %dma_start3A_435 = arith.constant 0 : i32
    %dma_start3A_436 = arith.constant 0 : i32
    %dma_start3A_437 = tpu.memref_slice %arg6[%dma_start3A_433, %dma_start3A_435, %dma_start3A_436] : memref<4x32x512xf32, #tpu.memory_space<vmem>> -> memref<1x32x512xf32, #tpu.memory_space<vmem>>
    %dma_start3A_438 = tpu.memref_squeeze %dma_start3A_437 : memref<1x32x512xf32, #tpu.memory_space<vmem>> -> memref<32x512xf32, #tpu.memory_space<vmem>>
    %dma_start3A_439 = arith.constant 0 : i32
    %dma_start3A_440 = tpu.memref_slice %arg4[%add3A_432, %dma_start3A_439] : memref<32768x512xf32, #tpu.memory_space<hbm>> -> memref<32x512xf32, #tpu.memory_space<hbm>>
    %dma_start3A_441 = tpu.memref_slice %arg9[%dma_start3A_434] : memref<4x!tpu.dma_semaphore, #tpu.memory_space<semaphore_mem>> -> memref<1x!tpu.dma_semaphore, #tpu.memory_space<semaphore_mem>>
    %dma_start3A_442 = tpu.memref_squeeze %dma_start3A_441 : memref<1x!tpu.dma_semaphore, #tpu.memory_space<semaphore_mem>> -> memref<!tpu.dma_semaphore, #tpu.memory_space<semaphore_mem>>
    %dma_start3A_443 = arith.constant 0 : i32
    %dma_start3A_444 = tpu.memref_slice %arg4[%add3A_432, %dma_start3A_443] : memref<32768x512xf32, #tpu.memory_space<hbm>> -> memref<32x512xf32, #tpu.memory_space<hbm>>
    %dma_start3A_445 = arith.constant 0 : i32
    %dma_start3A_446 = arith.constant 0 : i32
    %dma_start3A_447 = tpu.memref_slice %arg6[%dma_start3A_433, %dma_start3A_445, %dma_start3A_446] : memref<4x32x512xf32, #tpu.memory_space<vmem>> -> memref<1x32x512xf32, #tpu.memory_space<vmem>>
    %dma_start3A_448 = tpu.memref_squeeze %dma_start3A_447 : memref<1x32x512xf32, #tpu.memory_space<vmem>> -> memref<32x512xf32, #tpu.memory_space<vmem>>
    tpu.enqueue_dma source(%dma_start3A_448 : memref<32x512xf32, #tpu.memory_space<vmem>>) target(%dma_start3A_444 : memref<32x512xf32, #tpu.memory_space<hbm>>) target_semaphore(%dma_start3A_442 : memref<!tpu.dma_semaphore, #tpu.memory_space<semaphore_mem>>)
    %dma_wait3A_449 = arith.constant 0 : i32
    %dma_wait3A_450 = arith.constant 0 : i32
    %dma_wait3A_451 = arith.constant 0 : i32
    %dma_wait3A_452 = arith.constant 0 : i32
    %dma_wait3A_453 = tpu.memref_slice %arg6[%dma_wait3A_449, %dma_wait3A_451, %dma_wait3A_452] : memref<4x32x512xf32, #tpu.memory_space<vmem>> -> memref<1x32x512xf32, #tpu.memory_space<vmem>>
    %dma_wait3A_454 = tpu.memref_squeeze %dma_wait3A_453 : memref<1x32x512xf32, #tpu.memory_space<vmem>> -> memref<32x512xf32, #tpu.memory_space<vmem>>
    %dma_wait3A_455 = arith.constant 0 : i32
    %dma_wait3A_456 = tpu.memref_slice %arg4[%add3A_296, %dma_wait3A_455] : memref<32768x512xf32, #tpu.memory_space<hbm>> -> memref<32x512xf32, #tpu.memory_space<hbm>>
    %dma_wait3A_457 = tpu.memref_slice %arg9[%dma_wait3A_450] : memref<4x!tpu.dma_semaphore, #tpu.memory_space<semaphore_mem>> -> memref<1x!tpu.dma_semaphore, #tpu.memory_space<semaphore_mem>>
    %dma_wait3A_458 = tpu.memref_squeeze %dma_wait3A_457 : memref<1x!tpu.dma_semaphore, #tpu.memory_space<semaphore_mem>> -> memref<!tpu.dma_semaphore, #tpu.memory_space<semaphore_mem>>
    %dma_wait3A_459 = arith.constant 0 : i32
    %dma_wait3A_460 = tpu.memref_slice %arg4[%add3A_296, %dma_wait3A_459] : memref<32768x512xf32, #tpu.memory_space<hbm>> -> memref<32x512xf32, #tpu.memory_space<hbm>>
    %dma_wait3A_461 = arith.constant 0 : i32
    %dma_wait3A_462 = arith.constant 0 : i32
    %dma_wait3A_463 = tpu.memref_slice %arg6[%dma_wait3A_449, %dma_wait3A_461, %dma_wait3A_462] : memref<4x32x512xf32, #tpu.memory_space<vmem>> -> memref<1x32x512xf32, #tpu.memory_space<vmem>>
    %dma_wait3A_464 = tpu.memref_squeeze %dma_wait3A_463 : memref<1x32x512xf32, #tpu.memory_space<vmem>> -> memref<32x512xf32, #tpu.memory_space<vmem>>
    tpu.wait_dma2 semaphore(%dma_wait3A_458 : memref<!tpu.dma_semaphore, #tpu.memory_space<semaphore_mem>>) src(%dma_wait3A_464 : memref<32x512xf32, #tpu.memory_space<vmem>>) dst(%dma_wait3A_460 : memref<32x512xf32, #tpu.memory_space<hbm>>)
    %add3A_465 = arith.constant 256 : i32
    %add3A_466 = arith.addi %mul3A_2, %add3A_465 : i32
    %dma_start3A_467 = arith.constant 0 : i32
    %dma_start3A_468 = arith.constant 0 : i32
    %dma_start3A_469 = arith.constant 0 : i32
    %dma_start3A_470 = arith.constant 0 : i32
    %dma_start3A_471 = tpu.memref_slice %arg6[%dma_start3A_467, %dma_start3A_469, %dma_start3A_470] : memref<4x32x512xf32, #tpu.memory_space<vmem>> -> memref<1x32x512xf32, #tpu.memory_space<vmem>>
    %dma_start3A_472 = tpu.memref_squeeze %dma_start3A_471 : memref<1x32x512xf32, #tpu.memory_space<vmem>> -> memref<32x512xf32, #tpu.memory_space<vmem>>
    %dma_start3A_473 = arith.constant 0 : i32
    %dma_start3A_474 = tpu.memref_slice %arg2[%add3A_466, %dma_start3A_473] : memref<32768x512xf32, #tpu.memory_space<hbm>> -> memref<32x512xf32, #tpu.memory_space<hbm>>
    %dma_start3A_475 = tpu.memref_slice %arg8[%dma_start3A_468] : memref<4x!tpu.dma_semaphore, #tpu.memory_space<semaphore_mem>> -> memref<1x!tpu.dma_semaphore, #tpu.memory_space<semaphore_mem>>
    %dma_start3A_476 = tpu.memref_squeeze %dma_start3A_475 : memref<1x!tpu.dma_semaphore, #tpu.memory_space<semaphore_mem>> -> memref<!tpu.dma_semaphore, #tpu.memory_space<semaphore_mem>>
    %dma_start3A_477 = arith.constant 0 : i32
    %dma_start3A_478 = arith.constant 0 : i32
    %dma_start3A_479 = tpu.memref_slice %arg6[%dma_start3A_467, %dma_start3A_477, %dma_start3A_478] : memref<4x32x512xf32, #tpu.memory_space<vmem>> -> memref<1x32x512xf32, #tpu.memory_space<vmem>>
    %dma_start3A_480 = tpu.memref_squeeze %dma_start3A_479 : memref<1x32x512xf32, #tpu.memory_space<vmem>> -> memref<32x512xf32, #tpu.memory_space<vmem>>
    %dma_start3A_481 = arith.constant 0 : i32
    %dma_start3A_482 = tpu.memref_slice %arg2[%add3A_466, %dma_start3A_481] : memref<32768x512xf32, #tpu.memory_space<hbm>> -> memref<32x512xf32, #tpu.memory_space<hbm>>
    tpu.enqueue_dma source(%dma_start3A_482 : memref<32x512xf32, #tpu.memory_space<hbm>>) target(%dma_start3A_480 : memref<32x512xf32, #tpu.memory_space<vmem>>) target_semaphore(%dma_start3A_476 : memref<!tpu.dma_semaphore, #tpu.memory_space<semaphore_mem>>)
    %dma_wait3A_483 = arith.constant 3 : i32
    %dma_wait3A_484 = arith.constant 3 : i32
    %dma_wait3A_485 = arith.constant 0 : i32
    %dma_wait3A_486 = arith.constant 0 : i32
    %dma_wait3A_487 = tpu.memref_slice %arg6[%dma_wait3A_483, %dma_wait3A_485, %dma_wait3A_486] : memref<4x32x512xf32, #tpu.memory_space<vmem>> -> memref<1x32x512xf32, #tpu.memory_space<vmem>>
    %dma_wait3A_488 = tpu.memref_squeeze %dma_wait3A_487 : memref<1x32x512xf32, #tpu.memory_space<vmem>> -> memref<32x512xf32, #tpu.memory_space<vmem>>
    %dma_wait3A_489 = arith.constant 0 : i32
    %dma_wait3A_490 = tpu.memref_slice %arg2[%add3A_398, %dma_wait3A_489] : memref<32768x512xf32, #tpu.memory_space<hbm>> -> memref<32x512xf32, #tpu.memory_space<hbm>>
    %dma_wait3A_491 = tpu.memref_slice %arg8[%dma_wait3A_484] : memref<4x!tpu.dma_semaphore, #tpu.memory_space<semaphore_mem>> -> memref<1x!tpu.dma_semaphore, #tpu.memory_space<semaphore_mem>>
    %dma_wait3A_492 = tpu.memref_squeeze %dma_wait3A_491 : memref<1x!tpu.dma_semaphore, #tpu.memory_space<semaphore_mem>> -> memref<!tpu.dma_semaphore, #tpu.memory_space<semaphore_mem>>
    %dma_wait3A_493 = arith.constant 0 : i32
    %dma_wait3A_494 = arith.constant 0 : i32
    %dma_wait3A_495 = tpu.memref_slice %arg6[%dma_wait3A_483, %dma_wait3A_493, %dma_wait3A_494] : memref<4x32x512xf32, #tpu.memory_space<vmem>> -> memref<1x32x512xf32, #tpu.memory_space<vmem>>
    %dma_wait3A_496 = tpu.memref_squeeze %dma_wait3A_495 : memref<1x32x512xf32, #tpu.memory_space<vmem>> -> memref<32x512xf32, #tpu.memory_space<vmem>>
    %dma_wait3A_497 = arith.constant 0 : i32
    %dma_wait3A_498 = tpu.memref_slice %arg2[%add3A_398, %dma_wait3A_497] : memref<32768x512xf32, #tpu.memory_space<hbm>> -> memref<32x512xf32, #tpu.memory_space<hbm>>
    tpu.wait_dma2 semaphore(%dma_wait3A_492 : memref<!tpu.dma_semaphore, #tpu.memory_space<semaphore_mem>>) src(%dma_wait3A_498 : memref<32x512xf32, #tpu.memory_space<hbm>>) dst(%dma_wait3A_496 : memref<32x512xf32, #tpu.memory_space<vmem>>)
    %add3A_499 = arith.constant 224 : i32
    %add3A_500 = arith.addi %mul3A_2, %add3A_499 : i32
    %dma_start3A_501 = arith.constant 3 : i32
    %dma_start3A_502 = arith.constant 3 : i32
    %dma_start3A_503 = arith.constant 0 : i32
    %dma_start3A_504 = arith.constant 0 : i32
    %dma_start3A_505 = tpu.memref_slice %arg6[%dma_start3A_501, %dma_start3A_503, %dma_start3A_504] : memref<4x32x512xf32, #tpu.memory_space<vmem>> -> memref<1x32x512xf32, #tpu.memory_space<vmem>>
    %dma_start3A_506 = tpu.memref_squeeze %dma_start3A_505 : memref<1x32x512xf32, #tpu.memory_space<vmem>> -> memref<32x512xf32, #tpu.memory_space<vmem>>
    %dma_start3A_507 = arith.constant 0 : i32
    %dma_start3A_508 = tpu.memref_slice %arg4[%add3A_500, %dma_start3A_507] : memref<32768x512xf32, #tpu.memory_space<hbm>> -> memref<32x512xf32, #tpu.memory_space<hbm>>
    %dma_start3A_509 = tpu.memref_slice %arg9[%dma_start3A_502] : memref<4x!tpu.dma_semaphore, #tpu.memory_space<semaphore_mem>> -> memref<1x!tpu.dma_semaphore, #tpu.memory_space<semaphore_mem>>
    %dma_start3A_510 = tpu.memref_squeeze %dma_start3A_509 : memref<1x!tpu.dma_semaphore, #tpu.memory_space<semaphore_mem>> -> memref<!tpu.dma_semaphore, #tpu.memory_space<semaphore_mem>>
    %dma_start3A_511 = arith.constant 0 : i32
    %dma_start3A_512 = tpu.memref_slice %arg4[%add3A_500, %dma_start3A_511] : memref<32768x512xf32, #tpu.memory_space<hbm>> -> memref<32x512xf32, #tpu.memory_space<hbm>>
    %dma_start3A_513 = arith.constant 0 : i32
    %dma_start3A_514 = arith.constant 0 : i32
    %dma_start3A_515 = tpu.memref_slice %arg6[%dma_start3A_501, %dma_start3A_513, %dma_start3A_514] : memref<4x32x512xf32, #tpu.memory_space<vmem>> -> memref<1x32x512xf32, #tpu.memory_space<vmem>>
    %dma_start3A_516 = tpu.memref_squeeze %dma_start3A_515 : memref<1x32x512xf32, #tpu.memory_space<vmem>> -> memref<32x512xf32, #tpu.memory_space<vmem>>
    tpu.enqueue_dma source(%dma_start3A_516 : memref<32x512xf32, #tpu.memory_space<vmem>>) target(%dma_start3A_512 : memref<32x512xf32, #tpu.memory_space<hbm>>) target_semaphore(%dma_start3A_510 : memref<!tpu.dma_semaphore, #tpu.memory_space<semaphore_mem>>)
    %dma_wait3A_517 = arith.constant 1 : i32
    %dma_wait3A_518 = arith.constant 1 : i32
    %dma_wait3A_519 = arith.constant 0 : i32
    %dma_wait3A_520 = arith.constant 0 : i32
    %dma_wait3A_521 = tpu.memref_slice %arg6[%dma_wait3A_517, %dma_wait3A_519, %dma_wait3A_520] : memref<4x32x512xf32, #tpu.memory_space<vmem>> -> memref<1x32x512xf32, #tpu.memory_space<vmem>>
    %dma_wait3A_522 = tpu.memref_squeeze %dma_wait3A_521 : memref<1x32x512xf32, #tpu.memory_space<vmem>> -> memref<32x512xf32, #tpu.memory_space<vmem>>
    %dma_wait3A_523 = arith.constant 0 : i32
    %dma_wait3A_524 = tpu.memref_slice %arg4[%add3A_364, %dma_wait3A_523] : memref<32768x512xf32, #tpu.memory_space<hbm>> -> memref<32x512xf32, #tpu.memory_space<hbm>>
    %dma_wait3A_525 = tpu.memref_slice %arg9[%dma_wait3A_518] : memref<4x!tpu.dma_semaphore, #tpu.memory_space<semaphore_mem>> -> memref<1x!tpu.dma_semaphore, #tpu.memory_space<semaphore_mem>>
    %dma_wait3A_526 = tpu.memref_squeeze %dma_wait3A_525 : memref<1x!tpu.dma_semaphore, #tpu.memory_space<semaphore_mem>> -> memref<!tpu.dma_semaphore, #tpu.memory_space<semaphore_mem>>
    %dma_wait3A_527 = arith.constant 0 : i32
    %dma_wait3A_528 = tpu.memref_slice %arg4[%add3A_364, %dma_wait3A_527] : memref<32768x512xf32, #tpu.memory_space<hbm>> -> memref<32x512xf32, #tpu.memory_space<hbm>>
    %dma_wait3A_529 = arith.constant 0 : i32
    %dma_wait3A_530 = arith.constant 0 : i32
    %dma_wait3A_531 = tpu.memref_slice %arg6[%dma_wait3A_517, %dma_wait3A_529, %dma_wait3A_530] : memref<4x32x512xf32, #tpu.memory_space<vmem>> -> memref<1x32x512xf32, #tpu.memory_space<vmem>>
    %dma_wait3A_532 = tpu.memref_squeeze %dma_wait3A_531 : memref<1x32x512xf32, #tpu.memory_space<vmem>> -> memref<32x512xf32, #tpu.memory_space<vmem>>
    tpu.wait_dma2 semaphore(%dma_wait3A_526 : memref<!tpu.dma_semaphore, #tpu.memory_space<semaphore_mem>>) src(%dma_wait3A_532 : memref<32x512xf32, #tpu.memory_space<vmem>>) dst(%dma_wait3A_528 : memref<32x512xf32, #tpu.memory_space<hbm>>)
    %add3A_533 = arith.constant 288 : i32
    %add3A_534 = arith.addi %mul3A_2, %add3A_533 : i32
    %dma_start3A_535 = arith.constant 1 : i32
    %dma_start3A_536 = arith.constant 1 : i32
    %dma_start3A_537 = arith.constant 0 : i32
    %dma_start3A_538 = arith.constant 0 : i32
    %dma_start3A_539 = tpu.memref_slice %arg6[%dma_start3A_535, %dma_start3A_537, %dma_start3A_538] : memref<4x32x512xf32, #tpu.memory_space<vmem>> -> memref<1x32x512xf32, #tpu.memory_space<vmem>>
    %dma_start3A_540 = tpu.memref_squeeze %dma_start3A_539 : memref<1x32x512xf32, #tpu.memory_space<vmem>> -> memref<32x512xf32, #tpu.memory_space<vmem>>
    %dma_start3A_541 = arith.constant 0 : i32
    %dma_start3A_542 = tpu.memref_slice %arg2[%add3A_534, %dma_start3A_541] : memref<32768x512xf32, #tpu.memory_space<hbm>> -> memref<32x512xf32, #tpu.memory_space<hbm>>
    %dma_start3A_543 = tpu.memref_slice %arg8[%dma_start3A_536] : memref<4x!tpu.dma_semaphore, #tpu.memory_space<semaphore_mem>> -> memref<1x!tpu.dma_semaphore, #tpu.memory_space<semaphore_mem>>
    %dma_start3A_544 = tpu.memref_squeeze %dma_start3A_543 : memref<1x!tpu.dma_semaphore, #tpu.memory_space<semaphore_mem>> -> memref<!tpu.dma_semaphore, #tpu.memory_space<semaphore_mem>>
    %dma_start3A_545 = arith.constant 0 : i32
    %dma_start3A_546 = arith.constant 0 : i32
    %dma_start3A_547 = tpu.memref_slice %arg6[%dma_start3A_535, %dma_start3A_545, %dma_start3A_546] : memref<4x32x512xf32, #tpu.memory_space<vmem>> -> memref<1x32x512xf32, #tpu.memory_space<vmem>>
    %dma_start3A_548 = tpu.memref_squeeze %dma_start3A_547 : memref<1x32x512xf32, #tpu.memory_space<vmem>> -> memref<32x512xf32, #tpu.memory_space<vmem>>
    %dma_start3A_549 = arith.constant 0 : i32
    %dma_start3A_550 = tpu.memref_slice %arg2[%add3A_534, %dma_start3A_549] : memref<32768x512xf32, #tpu.memory_space<hbm>> -> memref<32x512xf32, #tpu.memory_space<hbm>>
    tpu.enqueue_dma source(%dma_start3A_550 : memref<32x512xf32, #tpu.memory_space<hbm>>) target(%dma_start3A_548 : memref<32x512xf32, #tpu.memory_space<vmem>>) target_semaphore(%dma_start3A_544 : memref<!tpu.dma_semaphore, #tpu.memory_space<semaphore_mem>>)
    %dma_wait3A_551 = arith.constant 0 : i32
    %dma_wait3A_552 = arith.constant 0 : i32
    %dma_wait3A_553 = arith.constant 0 : i32
    %dma_wait3A_554 = arith.constant 0 : i32
    %dma_wait3A_555 = tpu.memref_slice %arg6[%dma_wait3A_551, %dma_wait3A_553, %dma_wait3A_554] : memref<4x32x512xf32, #tpu.memory_space<vmem>> -> memref<1x32x512xf32, #tpu.memory_space<vmem>>
    %dma_wait3A_556 = tpu.memref_squeeze %dma_wait3A_555 : memref<1x32x512xf32, #tpu.memory_space<vmem>> -> memref<32x512xf32, #tpu.memory_space<vmem>>
    %dma_wait3A_557 = arith.constant 0 : i32
    %dma_wait3A_558 = tpu.memref_slice %arg2[%add3A_466, %dma_wait3A_557] : memref<32768x512xf32, #tpu.memory_space<hbm>> -> memref<32x512xf32, #tpu.memory_space<hbm>>
    %dma_wait3A_559 = tpu.memref_slice %arg8[%dma_wait3A_552] : memref<4x!tpu.dma_semaphore, #tpu.memory_space<semaphore_mem>> -> memref<1x!tpu.dma_semaphore, #tpu.memory_space<semaphore_mem>>
    %dma_wait3A_560 = tpu.memref_squeeze %dma_wait3A_559 : memref<1x!tpu.dma_semaphore, #tpu.memory_space<semaphore_mem>> -> memref<!tpu.dma_semaphore, #tpu.memory_space<semaphore_mem>>
    %dma_wait3A_561 = arith.constant 0 : i32
    %dma_wait3A_562 = arith.constant 0 : i32
    %dma_wait3A_563 = tpu.memref_slice %arg6[%dma_wait3A_551, %dma_wait3A_561, %dma_wait3A_562] : memref<4x32x512xf32, #tpu.memory_space<vmem>> -> memref<1x32x512xf32, #tpu.memory_space<vmem>>
    %dma_wait3A_564 = tpu.memref_squeeze %dma_wait3A_563 : memref<1x32x512xf32, #tpu.memory_space<vmem>> -> memref<32x512xf32, #tpu.memory_space<vmem>>
    %dma_wait3A_565 = arith.constant 0 : i32
    %dma_wait3A_566 = tpu.memref_slice %arg2[%add3A_466, %dma_wait3A_565] : memref<32768x512xf32, #tpu.memory_space<hbm>> -> memref<32x512xf32, #tpu.memory_space<hbm>>
    tpu.wait_dma2 semaphore(%dma_wait3A_560 : memref<!tpu.dma_semaphore, #tpu.memory_space<semaphore_mem>>) src(%dma_wait3A_566 : memref<32x512xf32, #tpu.memory_space<hbm>>) dst(%dma_wait3A_564 : memref<32x512xf32, #tpu.memory_space<vmem>>)
    %add3A_567 = arith.constant 256 : i32
    %add3A_568 = arith.addi %mul3A_2, %add3A_567 : i32
    %dma_start3A_569 = arith.constant 0 : i32
    %dma_start3A_570 = arith.constant 0 : i32
    %dma_start3A_571 = arith.constant 0 : i32
    %dma_start3A_572 = arith.constant 0 : i32
    %dma_start3A_573 = tpu.memref_slice %arg6[%dma_start3A_569, %dma_start3A_571, %dma_start3A_572] : memref<4x32x512xf32, #tpu.memory_space<vmem>> -> memref<1x32x512xf32, #tpu.memory_space<vmem>>
    %dma_start3A_574 = tpu.memref_squeeze %dma_start3A_573 : memref<1x32x512xf32, #tpu.memory_space<vmem>> -> memref<32x512xf32, #tpu.memory_space<vmem>>
    %dma_start3A_575 = arith.constant 0 : i32
    %dma_start3A_576 = tpu.memref_slice %arg4[%add3A_568, %dma_start3A_575] : memref<32768x512xf32, #tpu.memory_space<hbm>> -> memref<32x512xf32, #tpu.memory_space<hbm>>
    %dma_start3A_577 = tpu.memref_slice %arg9[%dma_start3A_570] : memref<4x!tpu.dma_semaphore, #tpu.memory_space<semaphore_mem>> -> memref<1x!tpu.dma_semaphore, #tpu.memory_space<semaphore_mem>>
    %dma_start3A_578 = tpu.memref_squeeze %dma_start3A_577 : memref<1x!tpu.dma_semaphore, #tpu.memory_space<semaphore_mem>> -> memref<!tpu.dma_semaphore, #tpu.memory_space<semaphore_mem>>
    %dma_start3A_579 = arith.constant 0 : i32
    %dma_start3A_580 = tpu.memref_slice %arg4[%add3A_568, %dma_start3A_579] : memref<32768x512xf32, #tpu.memory_space<hbm>> -> memref<32x512xf32, #tpu.memory_space<hbm>>
    %dma_start3A_581 = arith.constant 0 : i32
    %dma_start3A_582 = arith.constant 0 : i32
    %dma_start3A_583 = tpu.memref_slice %arg6[%dma_start3A_569, %dma_start3A_581, %dma_start3A_582] : memref<4x32x512xf32, #tpu.memory_space<vmem>> -> memref<1x32x512xf32, #tpu.memory_space<vmem>>
    %dma_start3A_584 = tpu.memref_squeeze %dma_start3A_583 : memref<1x32x512xf32, #tpu.memory_space<vmem>> -> memref<32x512xf32, #tpu.memory_space<vmem>>
    tpu.enqueue_dma source(%dma_start3A_584 : memref<32x512xf32, #tpu.memory_space<vmem>>) target(%dma_start3A_580 : memref<32x512xf32, #tpu.memory_space<hbm>>) target_semaphore(%dma_start3A_578 : memref<!tpu.dma_semaphore, #tpu.memory_space<semaphore_mem>>)
    %dma_wait3A_585 = arith.constant 2 : i32
    %dma_wait3A_586 = arith.constant 2 : i32
    %dma_wait3A_587 = arith.constant 0 : i32
    %dma_wait3A_588 = arith.constant 0 : i32
    %dma_wait3A_589 = tpu.memref_slice %arg6[%dma_wait3A_585, %dma_wait3A_587, %dma_wait3A_588] : memref<4x32x512xf32, #tpu.memory_space<vmem>> -> memref<1x32x512xf32, #tpu.memory_space<vmem>>
    %dma_wait3A_590 = tpu.memref_squeeze %dma_wait3A_589 : memref<1x32x512xf32, #tpu.memory_space<vmem>> -> memref<32x512xf32, #tpu.memory_space<vmem>>
    %dma_wait3A_591 = arith.constant 0 : i32
    %dma_wait3A_592 = tpu.memref_slice %arg4[%add3A_432, %dma_wait3A_591] : memref<32768x512xf32, #tpu.memory_space<hbm>> -> memref<32x512xf32, #tpu.memory_space<hbm>>
    %dma_wait3A_593 = tpu.memref_slice %arg9[%dma_wait3A_586] : memref<4x!tpu.dma_semaphore, #tpu.memory_space<semaphore_mem>> -> memref<1x!tpu.dma_semaphore, #tpu.memory_space<semaphore_mem>>
    %dma_wait3A_594 = tpu.memref_squeeze %dma_wait3A_593 : memref<1x!tpu.dma_semaphore, #tpu.memory_space<semaphore_mem>> -> memref<!tpu.dma_semaphore, #tpu.memory_space<semaphore_mem>>
    %dma_wait3A_595 = arith.constant 0 : i32
    %dma_wait3A_596 = tpu.memref_slice %arg4[%add3A_432, %dma_wait3A_595] : memref<32768x512xf32, #tpu.memory_space<hbm>> -> memref<32x512xf32, #tpu.memory_space<hbm>>
    %dma_wait3A_597 = arith.constant 0 : i32
    %dma_wait3A_598 = arith.constant 0 : i32
    %dma_wait3A_599 = tpu.memref_slice %arg6[%dma_wait3A_585, %dma_wait3A_597, %dma_wait3A_598] : memref<4x32x512xf32, #tpu.memory_space<vmem>> -> memref<1x32x512xf32, #tpu.memory_space<vmem>>
    %dma_wait3A_600 = tpu.memref_squeeze %dma_wait3A_599 : memref<1x32x512xf32, #tpu.memory_space<vmem>> -> memref<32x512xf32, #tpu.memory_space<vmem>>
    tpu.wait_dma2 semaphore(%dma_wait3A_594 : memref<!tpu.dma_semaphore, #tpu.memory_space<semaphore_mem>>) src(%dma_wait3A_600 : memref<32x512xf32, #tpu.memory_space<vmem>>) dst(%dma_wait3A_596 : memref<32x512xf32, #tpu.memory_space<hbm>>)
    %add3A_601 = arith.constant 320 : i32
    %add3A_602 = arith.addi %mul3A_2, %add3A_601 : i32
    %dma_start3A_603 = arith.constant 2 : i32
    %dma_start3A_604 = arith.constant 2 : i32
    %dma_start3A_605 = arith.constant 0 : i32
    %dma_start3A_606 = arith.constant 0 : i32
    %dma_start3A_607 = tpu.memref_slice %arg6[%dma_start3A_603, %dma_start3A_605, %dma_start3A_606] : memref<4x32x512xf32, #tpu.memory_space<vmem>> -> memref<1x32x512xf32, #tpu.memory_space<vmem>>
    %dma_start3A_608 = tpu.memref_squeeze %dma_start3A_607 : memref<1x32x512xf32, #tpu.memory_space<vmem>> -> memref<32x512xf32, #tpu.memory_space<vmem>>
    %dma_start3A_609 = arith.constant 0 : i32
    %dma_start3A_610 = tpu.memref_slice %arg2[%add3A_602, %dma_start3A_609] : memref<32768x512xf32, #tpu.memory_space<hbm>> -> memref<32x512xf32, #tpu.memory_space<hbm>>
    %dma_start3A_611 = tpu.memref_slice %arg8[%dma_start3A_604] : memref<4x!tpu.dma_semaphore, #tpu.memory_space<semaphore_mem>> -> memref<1x!tpu.dma_semaphore, #tpu.memory_space<semaphore_mem>>
    %dma_start3A_612 = tpu.memref_squeeze %dma_start3A_611 : memref<1x!tpu.dma_semaphore, #tpu.memory_space<semaphore_mem>> -> memref<!tpu.dma_semaphore, #tpu.memory_space<semaphore_mem>>
    %dma_start3A_613 = arith.constant 0 : i32
    %dma_start3A_614 = arith.constant 0 : i32
    %dma_start3A_615 = tpu.memref_slice %arg6[%dma_start3A_603, %dma_start3A_613, %dma_start3A_614] : memref<4x32x512xf32, #tpu.memory_space<vmem>> -> memref<1x32x512xf32, #tpu.memory_space<vmem>>
    %dma_start3A_616 = tpu.memref_squeeze %dma_start3A_615 : memref<1x32x512xf32, #tpu.memory_space<vmem>> -> memref<32x512xf32, #tpu.memory_space<vmem>>
    %dma_start3A_617 = arith.constant 0 : i32
    %dma_start3A_618 = tpu.memref_slice %arg2[%add3A_602, %dma_start3A_617] : memref<32768x512xf32, #tpu.memory_space<hbm>> -> memref<32x512xf32, #tpu.memory_space<hbm>>
    tpu.enqueue_dma source(%dma_start3A_618 : memref<32x512xf32, #tpu.memory_space<hbm>>) target(%dma_start3A_616 : memref<32x512xf32, #tpu.memory_space<vmem>>) target_semaphore(%dma_start3A_612 : memref<!tpu.dma_semaphore, #tpu.memory_space<semaphore_mem>>)
    %dma_wait3A_619 = arith.constant 1 : i32
    %dma_wait3A_620 = arith.constant 1 : i32
    %dma_wait3A_621 = arith.constant 0 : i32
    %dma_wait3A_622 = arith.constant 0 : i32
    %dma_wait3A_623 = tpu.memref_slice %arg6[%dma_wait3A_619, %dma_wait3A_621, %dma_wait3A_622] : memref<4x32x512xf32, #tpu.memory_space<vmem>> -> memref<1x32x512xf32, #tpu.memory_space<vmem>>
    %dma_wait3A_624 = tpu.memref_squeeze %dma_wait3A_623 : memref<1x32x512xf32, #tpu.memory_space<vmem>> -> memref<32x512xf32, #tpu.memory_space<vmem>>
    %dma_wait3A_625 = arith.constant 0 : i32
    %dma_wait3A_626 = tpu.memref_slice %arg2[%add3A_534, %dma_wait3A_625] : memref<32768x512xf32, #tpu.memory_space<hbm>> -> memref<32x512xf32, #tpu.memory_space<hbm>>
    %dma_wait3A_627 = tpu.memref_slice %arg8[%dma_wait3A_620] : memref<4x!tpu.dma_semaphore, #tpu.memory_space<semaphore_mem>> -> memref<1x!tpu.dma_semaphore, #tpu.memory_space<semaphore_mem>>
    %dma_wait3A_628 = tpu.memref_squeeze %dma_wait3A_627 : memref<1x!tpu.dma_semaphore, #tpu.memory_space<semaphore_mem>> -> memref<!tpu.dma_semaphore, #tpu.memory_space<semaphore_mem>>
    %dma_wait3A_629 = arith.constant 0 : i32
    %dma_wait3A_630 = arith.constant 0 : i32
    %dma_wait3A_631 = tpu.memref_slice %arg6[%dma_wait3A_619, %dma_wait3A_629, %dma_wait3A_630] : memref<4x32x512xf32, #tpu.memory_space<vmem>> -> memref<1x32x512xf32, #tpu.memory_space<vmem>>
    %dma_wait3A_632 = tpu.memref_squeeze %dma_wait3A_631 : memref<1x32x512xf32, #tpu.memory_space<vmem>> -> memref<32x512xf32, #tpu.memory_space<vmem>>
    %dma_wait3A_633 = arith.constant 0 : i32
    %dma_wait3A_634 = tpu.memref_slice %arg2[%add3A_534, %dma_wait3A_633] : memref<32768x512xf32, #tpu.memory_space<hbm>> -> memref<32x512xf32, #tpu.memory_space<hbm>>
    tpu.wait_dma2 semaphore(%dma_wait3A_628 : memref<!tpu.dma_semaphore, #tpu.memory_space<semaphore_mem>>) src(%dma_wait3A_634 : memref<32x512xf32, #tpu.memory_space<hbm>>) dst(%dma_wait3A_632 : memref<32x512xf32, #tpu.memory_space<vmem>>)
    %add3A_635 = arith.constant 288 : i32
    %add3A_636 = arith.addi %mul3A_2, %add3A_635 : i32
    %dma_start3A_637 = arith.constant 1 : i32
    %dma_start3A_638 = arith.constant 1 : i32
    %dma_start3A_639 = arith.constant 0 : i32
    %dma_start3A_640 = arith.constant 0 : i32
    %dma_start3A_641 = tpu.memref_slice %arg6[%dma_start3A_637, %dma_start3A_639, %dma_start3A_640] : memref<4x32x512xf32, #tpu.memory_space<vmem>> -> memref<1x32x512xf32, #tpu.memory_space<vmem>>
    %dma_start3A_642 = tpu.memref_squeeze %dma_start3A_641 : memref<1x32x512xf32, #tpu.memory_space<vmem>> -> memref<32x512xf32, #tpu.memory_space<vmem>>
    %dma_start3A_643 = arith.constant 0 : i32
    %dma_start3A_644 = tpu.memref_slice %arg4[%add3A_636, %dma_start3A_643] : memref<32768x512xf32, #tpu.memory_space<hbm>> -> memref<32x512xf32, #tpu.memory_space<hbm>>
    %dma_start3A_645 = tpu.memref_slice %arg9[%dma_start3A_638] : memref<4x!tpu.dma_semaphore, #tpu.memory_space<semaphore_mem>> -> memref<1x!tpu.dma_semaphore, #tpu.memory_space<semaphore_mem>>
    %dma_start3A_646 = tpu.memref_squeeze %dma_start3A_645 : memref<1x!tpu.dma_semaphore, #tpu.memory_space<semaphore_mem>> -> memref<!tpu.dma_semaphore, #tpu.memory_space<semaphore_mem>>
    %dma_start3A_647 = arith.constant 0 : i32
    %dma_start3A_648 = tpu.memref_slice %arg4[%add3A_636, %dma_start3A_647] : memref<32768x512xf32, #tpu.memory_space<hbm>> -> memref<32x512xf32, #tpu.memory_space<hbm>>
    %dma_start3A_649 = arith.constant 0 : i32
    %dma_start3A_650 = arith.constant 0 : i32
    %dma_start3A_651 = tpu.memref_slice %arg6[%dma_start3A_637, %dma_start3A_649, %dma_start3A_650] : memref<4x32x512xf32, #tpu.memory_space<vmem>> -> memref<1x32x512xf32, #tpu.memory_space<vmem>>
    %dma_start3A_652 = tpu.memref_squeeze %dma_start3A_651 : memref<1x32x512xf32, #tpu.memory_space<vmem>> -> memref<32x512xf32, #tpu.memory_space<vmem>>
    tpu.enqueue_dma source(%dma_start3A_652 : memref<32x512xf32, #tpu.memory_space<vmem>>) target(%dma_start3A_648 : memref<32x512xf32, #tpu.memory_space<hbm>>) target_semaphore(%dma_start3A_646 : memref<!tpu.dma_semaphore, #tpu.memory_space<semaphore_mem>>)
    %dma_wait3A_653 = arith.constant 3 : i32
    %dma_wait3A_654 = arith.constant 3 : i32
    %dma_wait3A_655 = arith.constant 0 : i32
    %dma_wait3A_656 = arith.constant 0 : i32
    %dma_wait3A_657 = tpu.memref_slice %arg6[%dma_wait3A_653, %dma_wait3A_655, %dma_wait3A_656] : memref<4x32x512xf32, #tpu.memory_space<vmem>> -> memref<1x32x512xf32, #tpu.memory_space<vmem>>
    %dma_wait3A_658 = tpu.memref_squeeze %dma_wait3A_657 : memref<1x32x512xf32, #tpu.memory_space<vmem>> -> memref<32x512xf32, #tpu.memory_space<vmem>>
    %dma_wait3A_659 = arith.constant 0 : i32
    %dma_wait3A_660 = tpu.memref_slice %arg4[%add3A_500, %dma_wait3A_659] : memref<32768x512xf32, #tpu.memory_space<hbm>> -> memref<32x512xf32, #tpu.memory_space<hbm>>
    %dma_wait3A_661 = tpu.memref_slice %arg9[%dma_wait3A_654] : memref<4x!tpu.dma_semaphore, #tpu.memory_space<semaphore_mem>> -> memref<1x!tpu.dma_semaphore, #tpu.memory_space<semaphore_mem>>
    %dma_wait3A_662 = tpu.memref_squeeze %dma_wait3A_661 : memref<1x!tpu.dma_semaphore, #tpu.memory_space<semaphore_mem>> -> memref<!tpu.dma_semaphore, #tpu.memory_space<semaphore_mem>>
    %dma_wait3A_663 = arith.constant 0 : i32
    %dma_wait3A_664 = tpu.memref_slice %arg4[%add3A_500, %dma_wait3A_663] : memref<32768x512xf32, #tpu.memory_space<hbm>> -> memref<32x512xf32, #tpu.memory_space<hbm>>
    %dma_wait3A_665 = arith.constant 0 : i32
    %dma_wait3A_666 = arith.constant 0 : i32
    %dma_wait3A_667 = tpu.memref_slice %arg6[%dma_wait3A_653, %dma_wait3A_665, %dma_wait3A_666] : memref<4x32x512xf32, #tpu.memory_space<vmem>> -> memref<1x32x512xf32, #tpu.memory_space<vmem>>
    %dma_wait3A_668 = tpu.memref_squeeze %dma_wait3A_667 : memref<1x32x512xf32, #tpu.memory_space<vmem>> -> memref<32x512xf32, #tpu.memory_space<vmem>>
    tpu.wait_dma2 semaphore(%dma_wait3A_662 : memref<!tpu.dma_semaphore, #tpu.memory_space<semaphore_mem>>) src(%dma_wait3A_668 : memref<32x512xf32, #tpu.memory_space<vmem>>) dst(%dma_wait3A_664 : memref<32x512xf32, #tpu.memory_space<hbm>>)
    %add3A_669 = arith.constant 352 : i32
    %add3A_670 = arith.addi %mul3A_2, %add3A_669 : i32
    %dma_start3A_671 = arith.constant 3 : i32
    %dma_start3A_672 = arith.constant 3 : i32
    %dma_start3A_673 = arith.constant 0 : i32
    %dma_start3A_674 = arith.constant 0 : i32
    %dma_start3A_675 = tpu.memref_slice %arg6[%dma_start3A_671, %dma_start3A_673, %dma_start3A_674] : memref<4x32x512xf32, #tpu.memory_space<vmem>> -> memref<1x32x512xf32, #tpu.memory_space<vmem>>
    %dma_start3A_676 = tpu.memref_squeeze %dma_start3A_675 : memref<1x32x512xf32, #tpu.memory_space<vmem>> -> memref<32x512xf32, #tpu.memory_space<vmem>>
    %dma_start3A_677 = arith.constant 0 : i32
    %dma_start3A_678 = tpu.memref_slice %arg2[%add3A_670, %dma_start3A_677] : memref<32768x512xf32, #tpu.memory_space<hbm>> -> memref<32x512xf32, #tpu.memory_space<hbm>>
    %dma_start3A_679 = tpu.memref_slice %arg8[%dma_start3A_672] : memref<4x!tpu.dma_semaphore, #tpu.memory_space<semaphore_mem>> -> memref<1x!tpu.dma_semaphore, #tpu.memory_space<semaphore_mem>>
    %dma_start3A_680 = tpu.memref_squeeze %dma_start3A_679 : memref<1x!tpu.dma_semaphore, #tpu.memory_space<semaphore_mem>> -> memref<!tpu.dma_semaphore, #tpu.memory_space<semaphore_mem>>
    %dma_start3A_681 = arith.constant 0 : i32
    %dma_start3A_682 = arith.constant 0 : i32
    %dma_start3A_683 = tpu.memref_slice %arg6[%dma_start3A_671, %dma_start3A_681, %dma_start3A_682] : memref<4x32x512xf32, #tpu.memory_space<vmem>> -> memref<1x32x512xf32, #tpu.memory_space<vmem>>
    %dma_start3A_684 = tpu.memref_squeeze %dma_start3A_683 : memref<1x32x512xf32, #tpu.memory_space<vmem>> -> memref<32x512xf32, #tpu.memory_space<vmem>>
    %dma_start3A_685 = arith.constant 0 : i32
    %dma_start3A_686 = tpu.memref_slice %arg2[%add3A_670, %dma_start3A_685] : memref<32768x512xf32, #tpu.memory_space<hbm>> -> memref<32x512xf32, #tpu.memory_space<hbm>>
    tpu.enqueue_dma source(%dma_start3A_686 : memref<32x512xf32, #tpu.memory_space<hbm>>) target(%dma_start3A_684 : memref<32x512xf32, #tpu.memory_space<vmem>>) target_semaphore(%dma_start3A_680 : memref<!tpu.dma_semaphore, #tpu.memory_space<semaphore_mem>>)
    %dma_wait3A_687 = arith.constant 2 : i32
    %dma_wait3A_688 = arith.constant 2 : i32
    %dma_wait3A_689 = arith.constant 0 : i32
    %dma_wait3A_690 = arith.constant 0 : i32
    %dma_wait3A_691 = tpu.memref_slice %arg6[%dma_wait3A_687, %dma_wait3A_689, %dma_wait3A_690] : memref<4x32x512xf32, #tpu.memory_space<vmem>> -> memref<1x32x512xf32, #tpu.memory_space<vmem>>
    %dma_wait3A_692 = tpu.memref_squeeze %dma_wait3A_691 : memref<1x32x512xf32, #tpu.memory_space<vmem>> -> memref<32x512xf32, #tpu.memory_space<vmem>>
    %dma_wait3A_693 = arith.constant 0 : i32
    %dma_wait3A_694 = tpu.memref_slice %arg2[%add3A_602, %dma_wait3A_693] : memref<32768x512xf32, #tpu.memory_space<hbm>> -> memref<32x512xf32, #tpu.memory_space<hbm>>
    %dma_wait3A_695 = tpu.memref_slice %arg8[%dma_wait3A_688] : memref<4x!tpu.dma_semaphore, #tpu.memory_space<semaphore_mem>> -> memref<1x!tpu.dma_semaphore, #tpu.memory_space<semaphore_mem>>
    %dma_wait3A_696 = tpu.memref_squeeze %dma_wait3A_695 : memref<1x!tpu.dma_semaphore, #tpu.memory_space<semaphore_mem>> -> memref<!tpu.dma_semaphore, #tpu.memory_space<semaphore_mem>>
    %dma_wait3A_697 = arith.constant 0 : i32
    %dma_wait3A_698 = arith.constant 0 : i32
    %dma_wait3A_699 = tpu.memref_slice %arg6[%dma_wait3A_687, %dma_wait3A_697, %dma_wait3A_698] : memref<4x32x512xf32, #tpu.memory_space<vmem>> -> memref<1x32x512xf32, #tpu.memory_space<vmem>>
    %dma_wait3A_700 = tpu.memref_squeeze %dma_wait3A_699 : memref<1x32x512xf32, #tpu.memory_space<vmem>> -> memref<32x512xf32, #tpu.memory_space<vmem>>
    %dma_wait3A_701 = arith.constant 0 : i32
    %dma_wait3A_702 = tpu.memref_slice %arg2[%add3A_602, %dma_wait3A_701] : memref<32768x512xf32, #tpu.memory_space<hbm>> -> memref<32x512xf32, #tpu.memory_space<hbm>>
    tpu.wait_dma2 semaphore(%dma_wait3A_696 : memref<!tpu.dma_semaphore, #tpu.memory_space<semaphore_mem>>) src(%dma_wait3A_702 : memref<32x512xf32, #tpu.memory_space<hbm>>) dst(%dma_wait3A_700 : memref<32x512xf32, #tpu.memory_space<vmem>>)
    %add3A_703 = arith.constant 320 : i32
    %add3A_704 = arith.addi %mul3A_2, %add3A_703 : i32
    %dma_start3A_705 = arith.constant 2 : i32
    %dma_start3A_706 = arith.constant 2 : i32
    %dma_start3A_707 = arith.constant 0 : i32
    %dma_start3A_708 = arith.constant 0 : i32
    %dma_start3A_709 = tpu.memref_slice %arg6[%dma_start3A_705, %dma_start3A_707, %dma_start3A_708] : memref<4x32x512xf32, #tpu.memory_space<vmem>> -> memref<1x32x512xf32, #tpu.memory_space<vmem>>
    %dma_start3A_710 = tpu.memref_squeeze %dma_start3A_709 : memref<1x32x512xf32, #tpu.memory_space<vmem>> -> memref<32x512xf32, #tpu.memory_space<vmem>>
    %dma_start3A_711 = arith.constant 0 : i32
    %dma_start3A_712 = tpu.memref_slice %arg4[%add3A_704, %dma_start3A_711] : memref<32768x512xf32, #tpu.memory_space<hbm>> -> memref<32x512xf32, #tpu.memory_space<hbm>>
    %dma_start3A_713 = tpu.memref_slice %arg9[%dma_start3A_706] : memref<4x!tpu.dma_semaphore, #tpu.memory_space<semaphore_mem>> -> memref<1x!tpu.dma_semaphore, #tpu.memory_space<semaphore_mem>>
    %dma_start3A_714 = tpu.memref_squeeze %dma_start3A_713 : memref<1x!tpu.dma_semaphore, #tpu.memory_space<semaphore_mem>> -> memref<!tpu.dma_semaphore, #tpu.memory_space<semaphore_mem>>
    %dma_start3A_715 = arith.constant 0 : i32
    %dma_start3A_716 = tpu.memref_slice %arg4[%add3A_704, %dma_start3A_715] : memref<32768x512xf32, #tpu.memory_space<hbm>> -> memref<32x512xf32, #tpu.memory_space<hbm>>
    %dma_start3A_717 = arith.constant 0 : i32
    %dma_start3A_718 = arith.constant 0 : i32
    %dma_start3A_719 = tpu.memref_slice %arg6[%dma_start3A_705, %dma_start3A_717, %dma_start3A_718] : memref<4x32x512xf32, #tpu.memory_space<vmem>> -> memref<1x32x512xf32, #tpu.memory_space<vmem>>
    %dma_start3A_720 = tpu.memref_squeeze %dma_start3A_719 : memref<1x32x512xf32, #tpu.memory_space<vmem>> -> memref<32x512xf32, #tpu.memory_space<vmem>>
    tpu.enqueue_dma source(%dma_start3A_720 : memref<32x512xf32, #tpu.memory_space<vmem>>) target(%dma_start3A_716 : memref<32x512xf32, #tpu.memory_space<hbm>>) target_semaphore(%dma_start3A_714 : memref<!tpu.dma_semaphore, #tpu.memory_space<semaphore_mem>>)
    %dma_wait3A_721 = arith.constant 0 : i32
    %dma_wait3A_722 = arith.constant 0 : i32
    %dma_wait3A_723 = arith.constant 0 : i32
    %dma_wait3A_724 = arith.constant 0 : i32
    %dma_wait3A_725 = tpu.memref_slice %arg6[%dma_wait3A_721, %dma_wait3A_723, %dma_wait3A_724] : memref<4x32x512xf32, #tpu.memory_space<vmem>> -> memref<1x32x512xf32, #tpu.memory_space<vmem>>
    %dma_wait3A_726 = tpu.memref_squeeze %dma_wait3A_725 : memref<1x32x512xf32, #tpu.memory_space<vmem>> -> memref<32x512xf32, #tpu.memory_space<vmem>>
    %dma_wait3A_727 = arith.constant 0 : i32
    %dma_wait3A_728 = tpu.memref_slice %arg4[%add3A_568, %dma_wait3A_727] : memref<32768x512xf32, #tpu.memory_space<hbm>> -> memref<32x512xf32, #tpu.memory_space<hbm>>
    %dma_wait3A_729 = tpu.memref_slice %arg9[%dma_wait3A_722] : memref<4x!tpu.dma_semaphore, #tpu.memory_space<semaphore_mem>> -> memref<1x!tpu.dma_semaphore, #tpu.memory_space<semaphore_mem>>
    %dma_wait3A_730 = tpu.memref_squeeze %dma_wait3A_729 : memref<1x!tpu.dma_semaphore, #tpu.memory_space<semaphore_mem>> -> memref<!tpu.dma_semaphore, #tpu.memory_space<semaphore_mem>>
    %dma_wait3A_731 = arith.constant 0 : i32
    %dma_wait3A_732 = tpu.memref_slice %arg4[%add3A_568, %dma_wait3A_731] : memref<32768x512xf32, #tpu.memory_space<hbm>> -> memref<32x512xf32, #tpu.memory_space<hbm>>
    %dma_wait3A_733 = arith.constant 0 : i32
    %dma_wait3A_734 = arith.constant 0 : i32
    %dma_wait3A_735 = tpu.memref_slice %arg6[%dma_wait3A_721, %dma_wait3A_733, %dma_wait3A_734] : memref<4x32x512xf32, #tpu.memory_space<vmem>> -> memref<1x32x512xf32, #tpu.memory_space<vmem>>
    %dma_wait3A_736 = tpu.memref_squeeze %dma_wait3A_735 : memref<1x32x512xf32, #tpu.memory_space<vmem>> -> memref<32x512xf32, #tpu.memory_space<vmem>>
    tpu.wait_dma2 semaphore(%dma_wait3A_730 : memref<!tpu.dma_semaphore, #tpu.memory_space<semaphore_mem>>) src(%dma_wait3A_736 : memref<32x512xf32, #tpu.memory_space<vmem>>) dst(%dma_wait3A_732 : memref<32x512xf32, #tpu.memory_space<hbm>>)
    %add3A_737 = arith.constant 384 : i32
    %add3A_738 = arith.addi %mul3A_2, %add3A_737 : i32
    %dma_start3A_739 = arith.constant 0 : i32
    %dma_start3A_740 = arith.constant 0 : i32
    %dma_start3A_741 = arith.constant 0 : i32
    %dma_start3A_742 = arith.constant 0 : i32
    %dma_start3A_743 = tpu.memref_slice %arg6[%dma_start3A_739, %dma_start3A_741, %dma_start3A_742] : memref<4x32x512xf32, #tpu.memory_space<vmem>> -> memref<1x32x512xf32, #tpu.memory_space<vmem>>
    %dma_start3A_744 = tpu.memref_squeeze %dma_start3A_743 : memref<1x32x512xf32, #tpu.memory_space<vmem>> -> memref<32x512xf32, #tpu.memory_space<vmem>>
    %dma_start3A_745 = arith.constant 0 : i32
    %dma_start3A_746 = tpu.memref_slice %arg2[%add3A_738, %dma_start3A_745] : memref<32768x512xf32, #tpu.memory_space<hbm>> -> memref<32x512xf32, #tpu.memory_space<hbm>>
    %dma_start3A_747 = tpu.memref_slice %arg8[%dma_start3A_740] : memref<4x!tpu.dma_semaphore, #tpu.memory_space<semaphore_mem>> -> memref<1x!tpu.dma_semaphore, #tpu.memory_space<semaphore_mem>>
    %dma_start3A_748 = tpu.memref_squeeze %dma_start3A_747 : memref<1x!tpu.dma_semaphore, #tpu.memory_space<semaphore_mem>> -> memref<!tpu.dma_semaphore, #tpu.memory_space<semaphore_mem>>
    %dma_start3A_749 = arith.constant 0 : i32
    %dma_start3A_750 = arith.constant 0 : i32
    %dma_start3A_751 = tpu.memref_slice %arg6[%dma_start3A_739, %dma_start3A_749, %dma_start3A_750] : memref<4x32x512xf32, #tpu.memory_space<vmem>> -> memref<1x32x512xf32, #tpu.memory_space<vmem>>
    %dma_start3A_752 = tpu.memref_squeeze %dma_start3A_751 : memref<1x32x512xf32, #tpu.memory_space<vmem>> -> memref<32x512xf32, #tpu.memory_space<vmem>>
    %dma_start3A_753 = arith.constant 0 : i32
    %dma_start3A_754 = tpu.memref_slice %arg2[%add3A_738, %dma_start3A_753] : memref<32768x512xf32, #tpu.memory_space<hbm>> -> memref<32x512xf32, #tpu.memory_space<hbm>>
    tpu.enqueue_dma source(%dma_start3A_754 : memref<32x512xf32, #tpu.memory_space<hbm>>) target(%dma_start3A_752 : memref<32x512xf32, #tpu.memory_space<vmem>>) target_semaphore(%dma_start3A_748 : memref<!tpu.dma_semaphore, #tpu.memory_space<semaphore_mem>>)
    %dma_wait3A_755 = arith.constant 3 : i32
    %dma_wait3A_756 = arith.constant 3 : i32
    %dma_wait3A_757 = arith.constant 0 : i32
    %dma_wait3A_758 = arith.constant 0 : i32
    %dma_wait3A_759 = tpu.memref_slice %arg6[%dma_wait3A_755, %dma_wait3A_757, %dma_wait3A_758] : memref<4x32x512xf32, #tpu.memory_space<vmem>> -> memref<1x32x512xf32, #tpu.memory_space<vmem>>
    %dma_wait3A_760 = tpu.memref_squeeze %dma_wait3A_759 : memref<1x32x512xf32, #tpu.memory_space<vmem>> -> memref<32x512xf32, #tpu.memory_space<vmem>>
    %dma_wait3A_761 = arith.constant 0 : i32
    %dma_wait3A_762 = tpu.memref_slice %arg2[%add3A_670, %dma_wait3A_761] : memref<32768x512xf32, #tpu.memory_space<hbm>> -> memref<32x512xf32, #tpu.memory_space<hbm>>
    %dma_wait3A_763 = tpu.memref_slice %arg8[%dma_wait3A_756] : memref<4x!tpu.dma_semaphore, #tpu.memory_space<semaphore_mem>> -> memref<1x!tpu.dma_semaphore, #tpu.memory_space<semaphore_mem>>
    %dma_wait3A_764 = tpu.memref_squeeze %dma_wait3A_763 : memref<1x!tpu.dma_semaphore, #tpu.memory_space<semaphore_mem>> -> memref<!tpu.dma_semaphore, #tpu.memory_space<semaphore_mem>>
    %dma_wait3A_765 = arith.constant 0 : i32
    %dma_wait3A_766 = arith.constant 0 : i32
    %dma_wait3A_767 = tpu.memref_slice %arg6[%dma_wait3A_755, %dma_wait3A_765, %dma_wait3A_766] : memref<4x32x512xf32, #tpu.memory_space<vmem>> -> memref<1x32x512xf32, #tpu.memory_space<vmem>>
    %dma_wait3A_768 = tpu.memref_squeeze %dma_wait3A_767 : memref<1x32x512xf32, #tpu.memory_space<vmem>> -> memref<32x512xf32, #tpu.memory_space<vmem>>
    %dma_wait3A_769 = arith.constant 0 : i32
    %dma_wait3A_770 = tpu.memref_slice %arg2[%add3A_670, %dma_wait3A_769] : memref<32768x512xf32, #tpu.memory_space<hbm>> -> memref<32x512xf32, #tpu.memory_space<hbm>>
    tpu.wait_dma2 semaphore(%dma_wait3A_764 : memref<!tpu.dma_semaphore, #tpu.memory_space<semaphore_mem>>) src(%dma_wait3A_770 : memref<32x512xf32, #tpu.memory_space<hbm>>) dst(%dma_wait3A_768 : memref<32x512xf32, #tpu.memory_space<vmem>>)
    %add3A_771 = arith.constant 352 : i32
    %add3A_772 = arith.addi %mul3A_2, %add3A_771 : i32
    %dma_start3A_773 = arith.constant 3 : i32
    %dma_start3A_774 = arith.constant 3 : i32
    %dma_start3A_775 = arith.constant 0 : i32
    %dma_start3A_776 = arith.constant 0 : i32
    %dma_start3A_777 = tpu.memref_slice %arg6[%dma_start3A_773, %dma_start3A_775, %dma_start3A_776] : memref<4x32x512xf32, #tpu.memory_space<vmem>> -> memref<1x32x512xf32, #tpu.memory_space<vmem>>
    %dma_start3A_778 = tpu.memref_squeeze %dma_start3A_777 : memref<1x32x512xf32, #tpu.memory_space<vmem>> -> memref<32x512xf32, #tpu.memory_space<vmem>>
    %dma_start3A_779 = arith.constant 0 : i32
    %dma_start3A_780 = tpu.memref_slice %arg4[%add3A_772, %dma_start3A_779] : memref<32768x512xf32, #tpu.memory_space<hbm>> -> memref<32x512xf32, #tpu.memory_space<hbm>>
    %dma_start3A_781 = tpu.memref_slice %arg9[%dma_start3A_774] : memref<4x!tpu.dma_semaphore, #tpu.memory_space<semaphore_mem>> -> memref<1x!tpu.dma_semaphore, #tpu.memory_space<semaphore_mem>>
    %dma_start3A_782 = tpu.memref_squeeze %dma_start3A_781 : memref<1x!tpu.dma_semaphore, #tpu.memory_space<semaphore_mem>> -> memref<!tpu.dma_semaphore, #tpu.memory_space<semaphore_mem>>
    %dma_start3A_783 = arith.constant 0 : i32
    %dma_start3A_784 = tpu.memref_slice %arg4[%add3A_772, %dma_start3A_783] : memref<32768x512xf32, #tpu.memory_space<hbm>> -> memref<32x512xf32, #tpu.memory_space<hbm>>
    %dma_start3A_785 = arith.constant 0 : i32
    %dma_start3A_786 = arith.constant 0 : i32
    %dma_start3A_787 = tpu.memref_slice %arg6[%dma_start3A_773, %dma_start3A_785, %dma_start3A_786] : memref<4x32x512xf32, #tpu.memory_space<vmem>> -> memref<1x32x512xf32, #tpu.memory_space<vmem>>
    %dma_start3A_788 = tpu.memref_squeeze %dma_start3A_787 : memref<1x32x512xf32, #tpu.memory_space<vmem>> -> memref<32x512xf32, #tpu.memory_space<vmem>>
    tpu.enqueue_dma source(%dma_start3A_788 : memref<32x512xf32, #tpu.memory_space<vmem>>) target(%dma_start3A_784 : memref<32x512xf32, #tpu.memory_space<hbm>>) target_semaphore(%dma_start3A_782 : memref<!tpu.dma_semaphore, #tpu.memory_space<semaphore_mem>>)
    %dma_wait3A_789 = arith.constant 1 : i32
    %dma_wait3A_790 = arith.constant 1 : i32
    %dma_wait3A_791 = arith.constant 0 : i32
    %dma_wait3A_792 = arith.constant 0 : i32
    %dma_wait3A_793 = tpu.memref_slice %arg6[%dma_wait3A_789, %dma_wait3A_791, %dma_wait3A_792] : memref<4x32x512xf32, #tpu.memory_space<vmem>> -> memref<1x32x512xf32, #tpu.memory_space<vmem>>
    %dma_wait3A_794 = tpu.memref_squeeze %dma_wait3A_793 : memref<1x32x512xf32, #tpu.memory_space<vmem>> -> memref<32x512xf32, #tpu.memory_space<vmem>>
    %dma_wait3A_795 = arith.constant 0 : i32
    %dma_wait3A_796 = tpu.memref_slice %arg4[%add3A_636, %dma_wait3A_795] : memref<32768x512xf32, #tpu.memory_space<hbm>> -> memref<32x512xf32, #tpu.memory_space<hbm>>
    %dma_wait3A_797 = tpu.memref_slice %arg9[%dma_wait3A_790] : memref<4x!tpu.dma_semaphore, #tpu.memory_space<semaphore_mem>> -> memref<1x!tpu.dma_semaphore, #tpu.memory_space<semaphore_mem>>
    %dma_wait3A_798 = tpu.memref_squeeze %dma_wait3A_797 : memref<1x!tpu.dma_semaphore, #tpu.memory_space<semaphore_mem>> -> memref<!tpu.dma_semaphore, #tpu.memory_space<semaphore_mem>>
    %dma_wait3A_799 = arith.constant 0 : i32
    %dma_wait3A_800 = tpu.memref_slice %arg4[%add3A_636, %dma_wait3A_799] : memref<32768x512xf32, #tpu.memory_space<hbm>> -> memref<32x512xf32, #tpu.memory_space<hbm>>
    %dma_wait3A_801 = arith.constant 0 : i32
    %dma_wait3A_802 = arith.constant 0 : i32
    %dma_wait3A_803 = tpu.memref_slice %arg6[%dma_wait3A_789, %dma_wait3A_801, %dma_wait3A_802] : memref<4x32x512xf32, #tpu.memory_space<vmem>> -> memref<1x32x512xf32, #tpu.memory_space<vmem>>
    %dma_wait3A_804 = tpu.memref_squeeze %dma_wait3A_803 : memref<1x32x512xf32, #tpu.memory_space<vmem>> -> memref<32x512xf32, #tpu.memory_space<vmem>>
    tpu.wait_dma2 semaphore(%dma_wait3A_798 : memref<!tpu.dma_semaphore, #tpu.memory_space<semaphore_mem>>) src(%dma_wait3A_804 : memref<32x512xf32, #tpu.memory_space<vmem>>) dst(%dma_wait3A_800 : memref<32x512xf32, #tpu.memory_space<hbm>>)
    %add3A_805 = arith.constant 416 : i32
    %add3A_806 = arith.addi %mul3A_2, %add3A_805 : i32
    %dma_start3A_807 = arith.constant 1 : i32
    %dma_start3A_808 = arith.constant 1 : i32
    %dma_start3A_809 = arith.constant 0 : i32
    %dma_start3A_810 = arith.constant 0 : i32
    %dma_start3A_811 = tpu.memref_slice %arg6[%dma_start3A_807, %dma_start3A_809, %dma_start3A_810] : memref<4x32x512xf32, #tpu.memory_space<vmem>> -> memref<1x32x512xf32, #tpu.memory_space<vmem>>
    %dma_start3A_812 = tpu.memref_squeeze %dma_start3A_811 : memref<1x32x512xf32, #tpu.memory_space<vmem>> -> memref<32x512xf32, #tpu.memory_space<vmem>>
    %dma_start3A_813 = arith.constant 0 : i32
    %dma_start3A_814 = tpu.memref_slice %arg2[%add3A_806, %dma_start3A_813] : memref<32768x512xf32, #tpu.memory_space<hbm>> -> memref<32x512xf32, #tpu.memory_space<hbm>>
    %dma_start3A_815 = tpu.memref_slice %arg8[%dma_start3A_808] : memref<4x!tpu.dma_semaphore, #tpu.memory_space<semaphore_mem>> -> memref<1x!tpu.dma_semaphore, #tpu.memory_space<semaphore_mem>>
    %dma_start3A_816 = tpu.memref_squeeze %dma_start3A_815 : memref<1x!tpu.dma_semaphore, #tpu.memory_space<semaphore_mem>> -> memref<!tpu.dma_semaphore, #tpu.memory_space<semaphore_mem>>
    %dma_start3A_817 = arith.constant 0 : i32
    %dma_start3A_818 = arith.constant 0 : i32
    %dma_start3A_819 = tpu.memref_slice %arg6[%dma_start3A_807, %dma_start3A_817, %dma_start3A_818] : memref<4x32x512xf32, #tpu.memory_space<vmem>> -> memref<1x32x512xf32, #tpu.memory_space<vmem>>
    %dma_start3A_820 = tpu.memref_squeeze %dma_start3A_819 : memref<1x32x512xf32, #tpu.memory_space<vmem>> -> memref<32x512xf32, #tpu.memory_space<vmem>>
    %dma_start3A_821 = arith.constant 0 : i32
    %dma_start3A_822 = tpu.memref_slice %arg2[%add3A_806, %dma_start3A_821] : memref<32768x512xf32, #tpu.memory_space<hbm>> -> memref<32x512xf32, #tpu.memory_space<hbm>>
    tpu.enqueue_dma source(%dma_start3A_822 : memref<32x512xf32, #tpu.memory_space<hbm>>) target(%dma_start3A_820 : memref<32x512xf32, #tpu.memory_space<vmem>>) target_semaphore(%dma_start3A_816 : memref<!tpu.dma_semaphore, #tpu.memory_space<semaphore_mem>>)
    %dma_wait3A_823 = arith.constant 0 : i32
    %dma_wait3A_824 = arith.constant 0 : i32
    %dma_wait3A_825 = arith.constant 0 : i32
    %dma_wait3A_826 = arith.constant 0 : i32
    %dma_wait3A_827 = tpu.memref_slice %arg6[%dma_wait3A_823, %dma_wait3A_825, %dma_wait3A_826] : memref<4x32x512xf32, #tpu.memory_space<vmem>> -> memref<1x32x512xf32, #tpu.memory_space<vmem>>
    %dma_wait3A_828 = tpu.memref_squeeze %dma_wait3A_827 : memref<1x32x512xf32, #tpu.memory_space<vmem>> -> memref<32x512xf32, #tpu.memory_space<vmem>>
    %dma_wait3A_829 = arith.constant 0 : i32
    %dma_wait3A_830 = tpu.memref_slice %arg2[%add3A_738, %dma_wait3A_829] : memref<32768x512xf32, #tpu.memory_space<hbm>> -> memref<32x512xf32, #tpu.memory_space<hbm>>
    %dma_wait3A_831 = tpu.memref_slice %arg8[%dma_wait3A_824] : memref<4x!tpu.dma_semaphore, #tpu.memory_space<semaphore_mem>> -> memref<1x!tpu.dma_semaphore, #tpu.memory_space<semaphore_mem>>
    %dma_wait3A_832 = tpu.memref_squeeze %dma_wait3A_831 : memref<1x!tpu.dma_semaphore, #tpu.memory_space<semaphore_mem>> -> memref<!tpu.dma_semaphore, #tpu.memory_space<semaphore_mem>>
    %dma_wait3A_833 = arith.constant 0 : i32
    %dma_wait3A_834 = arith.constant 0 : i32
    %dma_wait3A_835 = tpu.memref_slice %arg6[%dma_wait3A_823, %dma_wait3A_833, %dma_wait3A_834] : memref<4x32x512xf32, #tpu.memory_space<vmem>> -> memref<1x32x512xf32, #tpu.memory_space<vmem>>
    %dma_wait3A_836 = tpu.memref_squeeze %dma_wait3A_835 : memref<1x32x512xf32, #tpu.memory_space<vmem>> -> memref<32x512xf32, #tpu.memory_space<vmem>>
    %dma_wait3A_837 = arith.constant 0 : i32
    %dma_wait3A_838 = tpu.memref_slice %arg2[%add3A_738, %dma_wait3A_837] : memref<32768x512xf32, #tpu.memory_space<hbm>> -> memref<32x512xf32, #tpu.memory_space<hbm>>
    tpu.wait_dma2 semaphore(%dma_wait3A_832 : memref<!tpu.dma_semaphore, #tpu.memory_space<semaphore_mem>>) src(%dma_wait3A_838 : memref<32x512xf32, #tpu.memory_space<hbm>>) dst(%dma_wait3A_836 : memref<32x512xf32, #tpu.memory_space<vmem>>)
    %add3A_839 = arith.constant 384 : i32
    %add3A_840 = arith.addi %mul3A_2, %add3A_839 : i32
    %dma_start3A_841 = arith.constant 0 : i32
    %dma_start3A_842 = arith.constant 0 : i32
    %dma_start3A_843 = arith.constant 0 : i32
    %dma_start3A_844 = arith.constant 0 : i32
    %dma_start3A_845 = tpu.memref_slice %arg6[%dma_start3A_841, %dma_start3A_843, %dma_start3A_844] : memref<4x32x512xf32, #tpu.memory_space<vmem>> -> memref<1x32x512xf32, #tpu.memory_space<vmem>>
    %dma_start3A_846 = tpu.memref_squeeze %dma_start3A_845 : memref<1x32x512xf32, #tpu.memory_space<vmem>> -> memref<32x512xf32, #tpu.memory_space<vmem>>
    %dma_start3A_847 = arith.constant 0 : i32
    %dma_start3A_848 = tpu.memref_slice %arg4[%add3A_840, %dma_start3A_847] : memref<32768x512xf32, #tpu.memory_space<hbm>> -> memref<32x512xf32, #tpu.memory_space<hbm>>
    %dma_start3A_849 = tpu.memref_slice %arg9[%dma_start3A_842] : memref<4x!tpu.dma_semaphore, #tpu.memory_space<semaphore_mem>> -> memref<1x!tpu.dma_semaphore, #tpu.memory_space<semaphore_mem>>
    %dma_start3A_850 = tpu.memref_squeeze %dma_start3A_849 : memref<1x!tpu.dma_semaphore, #tpu.memory_space<semaphore_mem>> -> memref<!tpu.dma_semaphore, #tpu.memory_space<semaphore_mem>>
    %dma_start3A_851 = arith.constant 0 : i32
    %dma_start3A_852 = tpu.memref_slice %arg4[%add3A_840, %dma_start3A_851] : memref<32768x512xf32, #tpu.memory_space<hbm>> -> memref<32x512xf32, #tpu.memory_space<hbm>>
    %dma_start3A_853 = arith.constant 0 : i32
    %dma_start3A_854 = arith.constant 0 : i32
    %dma_start3A_855 = tpu.memref_slice %arg6[%dma_start3A_841, %dma_start3A_853, %dma_start3A_854] : memref<4x32x512xf32, #tpu.memory_space<vmem>> -> memref<1x32x512xf32, #tpu.memory_space<vmem>>
    %dma_start3A_856 = tpu.memref_squeeze %dma_start3A_855 : memref<1x32x512xf32, #tpu.memory_space<vmem>> -> memref<32x512xf32, #tpu.memory_space<vmem>>
    tpu.enqueue_dma source(%dma_start3A_856 : memref<32x512xf32, #tpu.memory_space<vmem>>) target(%dma_start3A_852 : memref<32x512xf32, #tpu.memory_space<hbm>>) target_semaphore(%dma_start3A_850 : memref<!tpu.dma_semaphore, #tpu.memory_space<semaphore_mem>>)
    %dma_wait3A_857 = arith.constant 2 : i32
    %dma_wait3A_858 = arith.constant 2 : i32
    %dma_wait3A_859 = arith.constant 0 : i32
    %dma_wait3A_860 = arith.constant 0 : i32
    %dma_wait3A_861 = tpu.memref_slice %arg6[%dma_wait3A_857, %dma_wait3A_859, %dma_wait3A_860] : memref<4x32x512xf32, #tpu.memory_space<vmem>> -> memref<1x32x512xf32, #tpu.memory_space<vmem>>
    %dma_wait3A_862 = tpu.memref_squeeze %dma_wait3A_861 : memref<1x32x512xf32, #tpu.memory_space<vmem>> -> memref<32x512xf32, #tpu.memory_space<vmem>>
    %dma_wait3A_863 = arith.constant 0 : i32
    %dma_wait3A_864 = tpu.memref_slice %arg4[%add3A_704, %dma_wait3A_863] : memref<32768x512xf32, #tpu.memory_space<hbm>> -> memref<32x512xf32, #tpu.memory_space<hbm>>
    %dma_wait3A_865 = tpu.memref_slice %arg9[%dma_wait3A_858] : memref<4x!tpu.dma_semaphore, #tpu.memory_space<semaphore_mem>> -> memref<1x!tpu.dma_semaphore, #tpu.memory_space<semaphore_mem>>
    %dma_wait3A_866 = tpu.memref_squeeze %dma_wait3A_865 : memref<1x!tpu.dma_semaphore, #tpu.memory_space<semaphore_mem>> -> memref<!tpu.dma_semaphore, #tpu.memory_space<semaphore_mem>>
    %dma_wait3A_867 = arith.constant 0 : i32
    %dma_wait3A_868 = tpu.memref_slice %arg4[%add3A_704, %dma_wait3A_867] : memref<32768x512xf32, #tpu.memory_space<hbm>> -> memref<32x512xf32, #tpu.memory_space<hbm>>
    %dma_wait3A_869 = arith.constant 0 : i32
    %dma_wait3A_870 = arith.constant 0 : i32
    %dma_wait3A_871 = tpu.memref_slice %arg6[%dma_wait3A_857, %dma_wait3A_869, %dma_wait3A_870] : memref<4x32x512xf32, #tpu.memory_space<vmem>> -> memref<1x32x512xf32, #tpu.memory_space<vmem>>
    %dma_wait3A_872 = tpu.memref_squeeze %dma_wait3A_871 : memref<1x32x512xf32, #tpu.memory_space<vmem>> -> memref<32x512xf32, #tpu.memory_space<vmem>>
    tpu.wait_dma2 semaphore(%dma_wait3A_866 : memref<!tpu.dma_semaphore, #tpu.memory_space<semaphore_mem>>) src(%dma_wait3A_872 : memref<32x512xf32, #tpu.memory_space<vmem>>) dst(%dma_wait3A_868 : memref<32x512xf32, #tpu.memory_space<hbm>>)
    %add3A_873 = arith.constant 448 : i32
    %add3A_874 = arith.addi %mul3A_2, %add3A_873 : i32
    %dma_start3A_875 = arith.constant 2 : i32
    %dma_start3A_876 = arith.constant 2 : i32
    %dma_start3A_877 = arith.constant 0 : i32
    %dma_start3A_878 = arith.constant 0 : i32
    %dma_start3A_879 = tpu.memref_slice %arg6[%dma_start3A_875, %dma_start3A_877, %dma_start3A_878] : memref<4x32x512xf32, #tpu.memory_space<vmem>> -> memref<1x32x512xf32, #tpu.memory_space<vmem>>
    %dma_start3A_880 = tpu.memref_squeeze %dma_start3A_879 : memref<1x32x512xf32, #tpu.memory_space<vmem>> -> memref<32x512xf32, #tpu.memory_space<vmem>>
    %dma_start3A_881 = arith.constant 0 : i32
    %dma_start3A_882 = tpu.memref_slice %arg2[%add3A_874, %dma_start3A_881] : memref<32768x512xf32, #tpu.memory_space<hbm>> -> memref<32x512xf32, #tpu.memory_space<hbm>>
    %dma_start3A_883 = tpu.memref_slice %arg8[%dma_start3A_876] : memref<4x!tpu.dma_semaphore, #tpu.memory_space<semaphore_mem>> -> memref<1x!tpu.dma_semaphore, #tpu.memory_space<semaphore_mem>>
    %dma_start3A_884 = tpu.memref_squeeze %dma_start3A_883 : memref<1x!tpu.dma_semaphore, #tpu.memory_space<semaphore_mem>> -> memref<!tpu.dma_semaphore, #tpu.memory_space<semaphore_mem>>
    %dma_start3A_885 = arith.constant 0 : i32
    %dma_start3A_886 = arith.constant 0 : i32
    %dma_start3A_887 = tpu.memref_slice %arg6[%dma_start3A_875, %dma_start3A_885, %dma_start3A_886] : memref<4x32x512xf32, #tpu.memory_space<vmem>> -> memref<1x32x512xf32, #tpu.memory_space<vmem>>
    %dma_start3A_888 = tpu.memref_squeeze %dma_start3A_887 : memref<1x32x512xf32, #tpu.memory_space<vmem>> -> memref<32x512xf32, #tpu.memory_space<vmem>>
    %dma_start3A_889 = arith.constant 0 : i32
    %dma_start3A_890 = tpu.memref_slice %arg2[%add3A_874, %dma_start3A_889] : memref<32768x512xf32, #tpu.memory_space<hbm>> -> memref<32x512xf32, #tpu.memory_space<hbm>>
    tpu.enqueue_dma source(%dma_start3A_890 : memref<32x512xf32, #tpu.memory_space<hbm>>) target(%dma_start3A_888 : memref<32x512xf32, #tpu.memory_space<vmem>>) target_semaphore(%dma_start3A_884 : memref<!tpu.dma_semaphore, #tpu.memory_space<semaphore_mem>>)
    %dma_wait3A_891 = arith.constant 1 : i32
    %dma_wait3A_892 = arith.constant 1 : i32
    %dma_wait3A_893 = arith.constant 0 : i32
    %dma_wait3A_894 = arith.constant 0 : i32
    %dma_wait3A_895 = tpu.memref_slice %arg6[%dma_wait3A_891, %dma_wait3A_893, %dma_wait3A_894] : memref<4x32x512xf32, #tpu.memory_space<vmem>> -> memref<1x32x512xf32, #tpu.memory_space<vmem>>
    %dma_wait3A_896 = tpu.memref_squeeze %dma_wait3A_895 : memref<1x32x512xf32, #tpu.memory_space<vmem>> -> memref<32x512xf32, #tpu.memory_space<vmem>>
    %dma_wait3A_897 = arith.constant 0 : i32
    %dma_wait3A_898 = tpu.memref_slice %arg2[%add3A_806, %dma_wait3A_897] : memref<32768x512xf32, #tpu.memory_space<hbm>> -> memref<32x512xf32, #tpu.memory_space<hbm>>
    %dma_wait3A_899 = tpu.memref_slice %arg8[%dma_wait3A_892] : memref<4x!tpu.dma_semaphore, #tpu.memory_space<semaphore_mem>> -> memref<1x!tpu.dma_semaphore, #tpu.memory_space<semaphore_mem>>
    %dma_wait3A_900 = tpu.memref_squeeze %dma_wait3A_899 : memref<1x!tpu.dma_semaphore, #tpu.memory_space<semaphore_mem>> -> memref<!tpu.dma_semaphore, #tpu.memory_space<semaphore_mem>>
    %dma_wait3A_901 = arith.constant 0 : i32
    %dma_wait3A_902 = arith.constant 0 : i32
    %dma_wait3A_903 = tpu.memref_slice %arg6[%dma_wait3A_891, %dma_wait3A_901, %dma_wait3A_902] : memref<4x32x512xf32, #tpu.memory_space<vmem>> -> memref<1x32x512xf32, #tpu.memory_space<vmem>>
    %dma_wait3A_904 = tpu.memref_squeeze %dma_wait3A_903 : memref<1x32x512xf32, #tpu.memory_space<vmem>> -> memref<32x512xf32, #tpu.memory_space<vmem>>
    %dma_wait3A_905 = arith.constant 0 : i32
    %dma_wait3A_906 = tpu.memref_slice %arg2[%add3A_806, %dma_wait3A_905] : memref<32768x512xf32, #tpu.memory_space<hbm>> -> memref<32x512xf32, #tpu.memory_space<hbm>>
    tpu.wait_dma2 semaphore(%dma_wait3A_900 : memref<!tpu.dma_semaphore, #tpu.memory_space<semaphore_mem>>) src(%dma_wait3A_906 : memref<32x512xf32, #tpu.memory_space<hbm>>) dst(%dma_wait3A_904 : memref<32x512xf32, #tpu.memory_space<vmem>>)
    %add3A_907 = arith.constant 416 : i32
    %add3A_908 = arith.addi %mul3A_2, %add3A_907 : i32
    %dma_start3A_909 = arith.constant 1 : i32
    %dma_start3A_910 = arith.constant 1 : i32
    %dma_start3A_911 = arith.constant 0 : i32
    %dma_start3A_912 = arith.constant 0 : i32
    %dma_start3A_913 = tpu.memref_slice %arg6[%dma_start3A_909, %dma_start3A_911, %dma_start3A_912] : memref<4x32x512xf32, #tpu.memory_space<vmem>> -> memref<1x32x512xf32, #tpu.memory_space<vmem>>
    %dma_start3A_914 = tpu.memref_squeeze %dma_start3A_913 : memref<1x32x512xf32, #tpu.memory_space<vmem>> -> memref<32x512xf32, #tpu.memory_space<vmem>>
    %dma_start3A_915 = arith.constant 0 : i32
    %dma_start3A_916 = tpu.memref_slice %arg4[%add3A_908, %dma_start3A_915] : memref<32768x512xf32, #tpu.memory_space<hbm>> -> memref<32x512xf32, #tpu.memory_space<hbm>>
    %dma_start3A_917 = tpu.memref_slice %arg9[%dma_start3A_910] : memref<4x!tpu.dma_semaphore, #tpu.memory_space<semaphore_mem>> -> memref<1x!tpu.dma_semaphore, #tpu.memory_space<semaphore_mem>>
    %dma_start3A_918 = tpu.memref_squeeze %dma_start3A_917 : memref<1x!tpu.dma_semaphore, #tpu.memory_space<semaphore_mem>> -> memref<!tpu.dma_semaphore, #tpu.memory_space<semaphore_mem>>
    %dma_start3A_919 = arith.constant 0 : i32
    %dma_start3A_920 = tpu.memref_slice %arg4[%add3A_908, %dma_start3A_919] : memref<32768x512xf32, #tpu.memory_space<hbm>> -> memref<32x512xf32, #tpu.memory_space<hbm>>
    %dma_start3A_921 = arith.constant 0 : i32
    %dma_start3A_922 = arith.constant 0 : i32
    %dma_start3A_923 = tpu.memref_slice %arg6[%dma_start3A_909, %dma_start3A_921, %dma_start3A_922] : memref<4x32x512xf32, #tpu.memory_space<vmem>> -> memref<1x32x512xf32, #tpu.memory_space<vmem>>
    %dma_start3A_924 = tpu.memref_squeeze %dma_start3A_923 : memref<1x32x512xf32, #tpu.memory_space<vmem>> -> memref<32x512xf32, #tpu.memory_space<vmem>>
    tpu.enqueue_dma source(%dma_start3A_924 : memref<32x512xf32, #tpu.memory_space<vmem>>) target(%dma_start3A_920 : memref<32x512xf32, #tpu.memory_space<hbm>>) target_semaphore(%dma_start3A_918 : memref<!tpu.dma_semaphore, #tpu.memory_space<semaphore_mem>>)
    %dma_wait3A_925 = arith.constant 3 : i32
    %dma_wait3A_926 = arith.constant 3 : i32
    %dma_wait3A_927 = arith.constant 0 : i32
    %dma_wait3A_928 = arith.constant 0 : i32
    %dma_wait3A_929 = tpu.memref_slice %arg6[%dma_wait3A_925, %dma_wait3A_927, %dma_wait3A_928] : memref<4x32x512xf32, #tpu.memory_space<vmem>> -> memref<1x32x512xf32, #tpu.memory_space<vmem>>
    %dma_wait3A_930 = tpu.memref_squeeze %dma_wait3A_929 : memref<1x32x512xf32, #tpu.memory_space<vmem>> -> memref<32x512xf32, #tpu.memory_space<vmem>>
    %dma_wait3A_931 = arith.constant 0 : i32
    %dma_wait3A_932 = tpu.memref_slice %arg4[%add3A_772, %dma_wait3A_931] : memref<32768x512xf32, #tpu.memory_space<hbm>> -> memref<32x512xf32, #tpu.memory_space<hbm>>
    %dma_wait3A_933 = tpu.memref_slice %arg9[%dma_wait3A_926] : memref<4x!tpu.dma_semaphore, #tpu.memory_space<semaphore_mem>> -> memref<1x!tpu.dma_semaphore, #tpu.memory_space<semaphore_mem>>
    %dma_wait3A_934 = tpu.memref_squeeze %dma_wait3A_933 : memref<1x!tpu.dma_semaphore, #tpu.memory_space<semaphore_mem>> -> memref<!tpu.dma_semaphore, #tpu.memory_space<semaphore_mem>>
    %dma_wait3A_935 = arith.constant 0 : i32
    %dma_wait3A_936 = tpu.memref_slice %arg4[%add3A_772, %dma_wait3A_935] : memref<32768x512xf32, #tpu.memory_space<hbm>> -> memref<32x512xf32, #tpu.memory_space<hbm>>
    %dma_wait3A_937 = arith.constant 0 : i32
    %dma_wait3A_938 = arith.constant 0 : i32
    %dma_wait3A_939 = tpu.memref_slice %arg6[%dma_wait3A_925, %dma_wait3A_937, %dma_wait3A_938] : memref<4x32x512xf32, #tpu.memory_space<vmem>> -> memref<1x32x512xf32, #tpu.memory_space<vmem>>
    %dma_wait3A_940 = tpu.memref_squeeze %dma_wait3A_939 : memref<1x32x512xf32, #tpu.memory_space<vmem>> -> memref<32x512xf32, #tpu.memory_space<vmem>>
    tpu.wait_dma2 semaphore(%dma_wait3A_934 : memref<!tpu.dma_semaphore, #tpu.memory_space<semaphore_mem>>) src(%dma_wait3A_940 : memref<32x512xf32, #tpu.memory_space<vmem>>) dst(%dma_wait3A_936 : memref<32x512xf32, #tpu.memory_space<hbm>>)
    %add3A_941 = arith.constant 480 : i32
    %add3A_942 = arith.addi %mul3A_2, %add3A_941 : i32
    %dma_start3A_943 = arith.constant 3 : i32
    %dma_start3A_944 = arith.constant 3 : i32
    %dma_start3A_945 = arith.constant 0 : i32
    %dma_start3A_946 = arith.constant 0 : i32
    %dma_start3A_947 = tpu.memref_slice %arg6[%dma_start3A_943, %dma_start3A_945, %dma_start3A_946] : memref<4x32x512xf32, #tpu.memory_space<vmem>> -> memref<1x32x512xf32, #tpu.memory_space<vmem>>
    %dma_start3A_948 = tpu.memref_squeeze %dma_start3A_947 : memref<1x32x512xf32, #tpu.memory_space<vmem>> -> memref<32x512xf32, #tpu.memory_space<vmem>>
    %dma_start3A_949 = arith.constant 0 : i32
    %dma_start3A_950 = tpu.memref_slice %arg2[%add3A_942, %dma_start3A_949] : memref<32768x512xf32, #tpu.memory_space<hbm>> -> memref<32x512xf32, #tpu.memory_space<hbm>>
    %dma_start3A_951 = tpu.memref_slice %arg8[%dma_start3A_944] : memref<4x!tpu.dma_semaphore, #tpu.memory_space<semaphore_mem>> -> memref<1x!tpu.dma_semaphore, #tpu.memory_space<semaphore_mem>>
    %dma_start3A_952 = tpu.memref_squeeze %dma_start3A_951 : memref<1x!tpu.dma_semaphore, #tpu.memory_space<semaphore_mem>> -> memref<!tpu.dma_semaphore, #tpu.memory_space<semaphore_mem>>
    %dma_start3A_953 = arith.constant 0 : i32
    %dma_start3A_954 = arith.constant 0 : i32
    %dma_start3A_955 = tpu.memref_slice %arg6[%dma_start3A_943, %dma_start3A_953, %dma_start3A_954] : memref<4x32x512xf32, #tpu.memory_space<vmem>> -> memref<1x32x512xf32, #tpu.memory_space<vmem>>
    %dma_start3A_956 = tpu.memref_squeeze %dma_start3A_955 : memref<1x32x512xf32, #tpu.memory_space<vmem>> -> memref<32x512xf32, #tpu.memory_space<vmem>>
    %dma_start3A_957 = arith.constant 0 : i32
    %dma_start3A_958 = tpu.memref_slice %arg2[%add3A_942, %dma_start3A_957] : memref<32768x512xf32, #tpu.memory_space<hbm>> -> memref<32x512xf32, #tpu.memory_space<hbm>>
    tpu.enqueue_dma source(%dma_start3A_958 : memref<32x512xf32, #tpu.memory_space<hbm>>) target(%dma_start3A_956 : memref<32x512xf32, #tpu.memory_space<vmem>>) target_semaphore(%dma_start3A_952 : memref<!tpu.dma_semaphore, #tpu.memory_space<semaphore_mem>>)
    %dma_wait3A_959 = arith.constant 2 : i32
    %dma_wait3A_960 = arith.constant 2 : i32
    %dma_wait3A_961 = arith.constant 0 : i32
    %dma_wait3A_962 = arith.constant 0 : i32
    %dma_wait3A_963 = tpu.memref_slice %arg6[%dma_wait3A_959, %dma_wait3A_961, %dma_wait3A_962] : memref<4x32x512xf32, #tpu.memory_space<vmem>> -> memref<1x32x512xf32, #tpu.memory_space<vmem>>
    %dma_wait3A_964 = tpu.memref_squeeze %dma_wait3A_963 : memref<1x32x512xf32, #tpu.memory_space<vmem>> -> memref<32x512xf32, #tpu.memory_space<vmem>>
    %dma_wait3A_965 = arith.constant 0 : i32
    %dma_wait3A_966 = tpu.memref_slice %arg2[%add3A_874, %dma_wait3A_965] : memref<32768x512xf32, #tpu.memory_space<hbm>> -> memref<32x512xf32, #tpu.memory_space<hbm>>
    %dma_wait3A_967 = tpu.memref_slice %arg8[%dma_wait3A_960] : memref<4x!tpu.dma_semaphore, #tpu.memory_space<semaphore_mem>> -> memref<1x!tpu.dma_semaphore, #tpu.memory_space<semaphore_mem>>
    %dma_wait3A_968 = tpu.memref_squeeze %dma_wait3A_967 : memref<1x!tpu.dma_semaphore, #tpu.memory_space<semaphore_mem>> -> memref<!tpu.dma_semaphore, #tpu.memory_space<semaphore_mem>>
    %dma_wait3A_969 = arith.constant 0 : i32
    %dma_wait3A_970 = arith.constant 0 : i32
    %dma_wait3A_971 = tpu.memref_slice %arg6[%dma_wait3A_959, %dma_wait3A_969, %dma_wait3A_970] : memref<4x32x512xf32, #tpu.memory_space<vmem>> -> memref<1x32x512xf32, #tpu.memory_space<vmem>>
    %dma_wait3A_972 = tpu.memref_squeeze %dma_wait3A_971 : memref<1x32x512xf32, #tpu.memory_space<vmem>> -> memref<32x512xf32, #tpu.memory_space<vmem>>
    %dma_wait3A_973 = arith.constant 0 : i32
    %dma_wait3A_974 = tpu.memref_slice %arg2[%add3A_874, %dma_wait3A_973] : memref<32768x512xf32, #tpu.memory_space<hbm>> -> memref<32x512xf32, #tpu.memory_space<hbm>>
    tpu.wait_dma2 semaphore(%dma_wait3A_968 : memref<!tpu.dma_semaphore, #tpu.memory_space<semaphore_mem>>) src(%dma_wait3A_974 : memref<32x512xf32, #tpu.memory_space<hbm>>) dst(%dma_wait3A_972 : memref<32x512xf32, #tpu.memory_space<vmem>>)
    %add3A_975 = arith.constant 448 : i32
    %add3A_976 = arith.addi %mul3A_2, %add3A_975 : i32
    %dma_start3A_977 = arith.constant 2 : i32
    %dma_start3A_978 = arith.constant 2 : i32
    %dma_start3A_979 = arith.constant 0 : i32
    %dma_start3A_980 = arith.constant 0 : i32
    %dma_start3A_981 = tpu.memref_slice %arg6[%dma_start3A_977, %dma_start3A_979, %dma_start3A_980] : memref<4x32x512xf32, #tpu.memory_space<vmem>> -> memref<1x32x512xf32, #tpu.memory_space<vmem>>
    %dma_start3A_982 = tpu.memref_squeeze %dma_start3A_981 : memref<1x32x512xf32, #tpu.memory_space<vmem>> -> memref<32x512xf32, #tpu.memory_space<vmem>>
    %dma_start3A_983 = arith.constant 0 : i32
    %dma_start3A_984 = tpu.memref_slice %arg4[%add3A_976, %dma_start3A_983] : memref<32768x512xf32, #tpu.memory_space<hbm>> -> memref<32x512xf32, #tpu.memory_space<hbm>>
    %dma_start3A_985 = tpu.memref_slice %arg9[%dma_start3A_978] : memref<4x!tpu.dma_semaphore, #tpu.memory_space<semaphore_mem>> -> memref<1x!tpu.dma_semaphore, #tpu.memory_space<semaphore_mem>>
    %dma_start3A_986 = tpu.memref_squeeze %dma_start3A_985 : memref<1x!tpu.dma_semaphore, #tpu.memory_space<semaphore_mem>> -> memref<!tpu.dma_semaphore, #tpu.memory_space<semaphore_mem>>
    %dma_start3A_987 = arith.constant 0 : i32
    %dma_start3A_988 = tpu.memref_slice %arg4[%add3A_976, %dma_start3A_987] : memref<32768x512xf32, #tpu.memory_space<hbm>> -> memref<32x512xf32, #tpu.memory_space<hbm>>
    %dma_start3A_989 = arith.constant 0 : i32
    %dma_start3A_990 = arith.constant 0 : i32
    %dma_start3A_991 = tpu.memref_slice %arg6[%dma_start3A_977, %dma_start3A_989, %dma_start3A_990] : memref<4x32x512xf32, #tpu.memory_space<vmem>> -> memref<1x32x512xf32, #tpu.memory_space<vmem>>
    %dma_start3A_992 = tpu.memref_squeeze %dma_start3A_991 : memref<1x32x512xf32, #tpu.memory_space<vmem>> -> memref<32x512xf32, #tpu.memory_space<vmem>>
    tpu.enqueue_dma source(%dma_start3A_992 : memref<32x512xf32, #tpu.memory_space<vmem>>) target(%dma_start3A_988 : memref<32x512xf32, #tpu.memory_space<hbm>>) target_semaphore(%dma_start3A_986 : memref<!tpu.dma_semaphore, #tpu.memory_space<semaphore_mem>>)
    %dma_wait3A_993 = arith.constant 0 : i32
    %dma_wait3A_994 = arith.constant 0 : i32
    %dma_wait3A_995 = arith.constant 0 : i32
    %dma_wait3A_996 = arith.constant 0 : i32
    %dma_wait3A_997 = tpu.memref_slice %arg6[%dma_wait3A_993, %dma_wait3A_995, %dma_wait3A_996] : memref<4x32x512xf32, #tpu.memory_space<vmem>> -> memref<1x32x512xf32, #tpu.memory_space<vmem>>
    %dma_wait3A_998 = tpu.memref_squeeze %dma_wait3A_997 : memref<1x32x512xf32, #tpu.memory_space<vmem>> -> memref<32x512xf32, #tpu.memory_space<vmem>>
    %dma_wait3A_999 = arith.constant 0 : i32
    %dma_wait3A_1000 = tpu.memref_slice %arg4[%add3A_840, %dma_wait3A_999] : memref<32768x512xf32, #tpu.memory_space<hbm>> -> memref<32x512xf32, #tpu.memory_space<hbm>>
    %dma_wait3A_1001 = tpu.memref_slice %arg9[%dma_wait3A_994] : memref<4x!tpu.dma_semaphore, #tpu.memory_space<semaphore_mem>> -> memref<1x!tpu.dma_semaphore, #tpu.memory_space<semaphore_mem>>
    %dma_wait3A_1002 = tpu.memref_squeeze %dma_wait3A_1001 : memref<1x!tpu.dma_semaphore, #tpu.memory_space<semaphore_mem>> -> memref<!tpu.dma_semaphore, #tpu.memory_space<semaphore_mem>>
    %dma_wait3A_1003 = arith.constant 0 : i32
    %dma_wait3A_1004 = tpu.memref_slice %arg4[%add3A_840, %dma_wait3A_1003] : memref<32768x512xf32, #tpu.memory_space<hbm>> -> memref<32x512xf32, #tpu.memory_space<hbm>>
    %dma_wait3A_1005 = arith.constant 0 : i32
    %dma_wait3A_1006 = arith.constant 0 : i32
    %dma_wait3A_1007 = tpu.memref_slice %arg6[%dma_wait3A_993, %dma_wait3A_1005, %dma_wait3A_1006] : memref<4x32x512xf32, #tpu.memory_space<vmem>> -> memref<1x32x512xf32, #tpu.memory_space<vmem>>
    %dma_wait3A_1008 = tpu.memref_squeeze %dma_wait3A_1007 : memref<1x32x512xf32, #tpu.memory_space<vmem>> -> memref<32x512xf32, #tpu.memory_space<vmem>>
    tpu.wait_dma2 semaphore(%dma_wait3A_1002 : memref<!tpu.dma_semaphore, #tpu.memory_space<semaphore_mem>>) src(%dma_wait3A_1008 : memref<32x512xf32, #tpu.memory_space<vmem>>) dst(%dma_wait3A_1004 : memref<32x512xf32, #tpu.memory_space<hbm>>)
    %add3A_1009 = arith.constant 512 : i32
    %add3A_1010 = arith.addi %mul3A_2, %add3A_1009 : i32
    %dma_start3A_1011 = arith.constant 0 : i32
    %dma_start3A_1012 = arith.constant 0 : i32
    %dma_start3A_1013 = arith.constant 0 : i32
    %dma_start3A_1014 = arith.constant 0 : i32
    %dma_start3A_1015 = tpu.memref_slice %arg6[%dma_start3A_1011, %dma_start3A_1013, %dma_start3A_1014] : memref<4x32x512xf32, #tpu.memory_space<vmem>> -> memref<1x32x512xf32, #tpu.memory_space<vmem>>
    %dma_start3A_1016 = tpu.memref_squeeze %dma_start3A_1015 : memref<1x32x512xf32, #tpu.memory_space<vmem>> -> memref<32x512xf32, #tpu.memory_space<vmem>>
    %dma_start3A_1017 = arith.constant 0 : i32
    %dma_start3A_1018 = tpu.memref_slice %arg2[%add3A_1010, %dma_start3A_1017] : memref<32768x512xf32, #tpu.memory_space<hbm>> -> memref<32x512xf32, #tpu.memory_space<hbm>>
    %dma_start3A_1019 = tpu.memref_slice %arg8[%dma_start3A_1012] : memref<4x!tpu.dma_semaphore, #tpu.memory_space<semaphore_mem>> -> memref<1x!tpu.dma_semaphore, #tpu.memory_space<semaphore_mem>>
    %dma_start3A_1020 = tpu.memref_squeeze %dma_start3A_1019 : memref<1x!tpu.dma_semaphore, #tpu.memory_space<semaphore_mem>> -> memref<!tpu.dma_semaphore, #tpu.memory_space<semaphore_mem>>
    %dma_start3A_1021 = arith.constant 0 : i32
    %dma_start3A_1022 = arith.constant 0 : i32
    %dma_start3A_1023 = tpu.memref_slice %arg6[%dma_start3A_1011, %dma_start3A_1021, %dma_start3A_1022] : memref<4x32x512xf32, #tpu.memory_space<vmem>> -> memref<1x32x512xf32, #tpu.memory_space<vmem>>
    %dma_start3A_1024 = tpu.memref_squeeze %dma_start3A_1023 : memref<1x32x512xf32, #tpu.memory_space<vmem>> -> memref<32x512xf32, #tpu.memory_space<vmem>>
    %dma_start3A_1025 = arith.constant 0 : i32
    %dma_start3A_1026 = tpu.memref_slice %arg2[%add3A_1010, %dma_start3A_1025] : memref<32768x512xf32, #tpu.memory_space<hbm>> -> memref<32x512xf32, #tpu.memory_space<hbm>>
    tpu.enqueue_dma source(%dma_start3A_1026 : memref<32x512xf32, #tpu.memory_space<hbm>>) target(%dma_start3A_1024 : memref<32x512xf32, #tpu.memory_space<vmem>>) target_semaphore(%dma_start3A_1020 : memref<!tpu.dma_semaphore, #tpu.memory_space<semaphore_mem>>)
    %dma_wait3A_1027 = arith.constant 3 : i32
    %dma_wait3A_1028 = arith.constant 3 : i32
    %dma_wait3A_1029 = arith.constant 0 : i32
    %dma_wait3A_1030 = arith.constant 0 : i32
    %dma_wait3A_1031 = tpu.memref_slice %arg6[%dma_wait3A_1027, %dma_wait3A_1029, %dma_wait3A_1030] : memref<4x32x512xf32, #tpu.memory_space<vmem>> -> memref<1x32x512xf32, #tpu.memory_space<vmem>>
    %dma_wait3A_1032 = tpu.memref_squeeze %dma_wait3A_1031 : memref<1x32x512xf32, #tpu.memory_space<vmem>> -> memref<32x512xf32, #tpu.memory_space<vmem>>
    %dma_wait3A_1033 = arith.constant 0 : i32
    %dma_wait3A_1034 = tpu.memref_slice %arg2[%add3A_942, %dma_wait3A_1033] : memref<32768x512xf32, #tpu.memory_space<hbm>> -> memref<32x512xf32, #tpu.memory_space<hbm>>
    %dma_wait3A_1035 = tpu.memref_slice %arg8[%dma_wait3A_1028] : memref<4x!tpu.dma_semaphore, #tpu.memory_space<semaphore_mem>> -> memref<1x!tpu.dma_semaphore, #tpu.memory_space<semaphore_mem>>
    %dma_wait3A_1036 = tpu.memref_squeeze %dma_wait3A_1035 : memref<1x!tpu.dma_semaphore, #tpu.memory_space<semaphore_mem>> -> memref<!tpu.dma_semaphore, #tpu.memory_space<semaphore_mem>>
    %dma_wait3A_1037 = arith.constant 0 : i32
    %dma_wait3A_1038 = arith.constant 0 : i32
    %dma_wait3A_1039 = tpu.memref_slice %arg6[%dma_wait3A_1027, %dma_wait3A_1037, %dma_wait3A_1038] : memref<4x32x512xf32, #tpu.memory_space<vmem>> -> memref<1x32x512xf32, #tpu.memory_space<vmem>>
    %dma_wait3A_1040 = tpu.memref_squeeze %dma_wait3A_1039 : memref<1x32x512xf32, #tpu.memory_space<vmem>> -> memref<32x512xf32, #tpu.memory_space<vmem>>
    %dma_wait3A_1041 = arith.constant 0 : i32
    %dma_wait3A_1042 = tpu.memref_slice %arg2[%add3A_942, %dma_wait3A_1041] : memref<32768x512xf32, #tpu.memory_space<hbm>> -> memref<32x512xf32, #tpu.memory_space<hbm>>
    tpu.wait_dma2 semaphore(%dma_wait3A_1036 : memref<!tpu.dma_semaphore, #tpu.memory_space<semaphore_mem>>) src(%dma_wait3A_1042 : memref<32x512xf32, #tpu.memory_space<hbm>>) dst(%dma_wait3A_1040 : memref<32x512xf32, #tpu.memory_space<vmem>>)
    %add3A_1043 = arith.constant 480 : i32
    %add3A_1044 = arith.addi %mul3A_2, %add3A_1043 : i32
    %dma_start3A_1045 = arith.constant 3 : i32
    %dma_start3A_1046 = arith.constant 3 : i32
    %dma_start3A_1047 = arith.constant 0 : i32
    %dma_start3A_1048 = arith.constant 0 : i32
    %dma_start3A_1049 = tpu.memref_slice %arg6[%dma_start3A_1045, %dma_start3A_1047, %dma_start3A_1048] : memref<4x32x512xf32, #tpu.memory_space<vmem>> -> memref<1x32x512xf32, #tpu.memory_space<vmem>>
    %dma_start3A_1050 = tpu.memref_squeeze %dma_start3A_1049 : memref<1x32x512xf32, #tpu.memory_space<vmem>> -> memref<32x512xf32, #tpu.memory_space<vmem>>
    %dma_start3A_1051 = arith.constant 0 : i32
    %dma_start3A_1052 = tpu.memref_slice %arg4[%add3A_1044, %dma_start3A_1051] : memref<32768x512xf32, #tpu.memory_space<hbm>> -> memref<32x512xf32, #tpu.memory_space<hbm>>
    %dma_start3A_1053 = tpu.memref_slice %arg9[%dma_start3A_1046] : memref<4x!tpu.dma_semaphore, #tpu.memory_space<semaphore_mem>> -> memref<1x!tpu.dma_semaphore, #tpu.memory_space<semaphore_mem>>
    %dma_start3A_1054 = tpu.memref_squeeze %dma_start3A_1053 : memref<1x!tpu.dma_semaphore, #tpu.memory_space<semaphore_mem>> -> memref<!tpu.dma_semaphore, #tpu.memory_space<semaphore_mem>>
    %dma_start3A_1055 = arith.constant 0 : i32
    %dma_start3A_1056 = tpu.memref_slice %arg4[%add3A_1044, %dma_start3A_1055] : memref<32768x512xf32, #tpu.memory_space<hbm>> -> memref<32x512xf32, #tpu.memory_space<hbm>>
    %dma_start3A_1057 = arith.constant 0 : i32
    %dma_start3A_1058 = arith.constant 0 : i32
    %dma_start3A_1059 = tpu.memref_slice %arg6[%dma_start3A_1045, %dma_start3A_1057, %dma_start3A_1058] : memref<4x32x512xf32, #tpu.memory_space<vmem>> -> memref<1x32x512xf32, #tpu.memory_space<vmem>>
    %dma_start3A_1060 = tpu.memref_squeeze %dma_start3A_1059 : memref<1x32x512xf32, #tpu.memory_space<vmem>> -> memref<32x512xf32, #tpu.memory_space<vmem>>
    tpu.enqueue_dma source(%dma_start3A_1060 : memref<32x512xf32, #tpu.memory_space<vmem>>) target(%dma_start3A_1056 : memref<32x512xf32, #tpu.memory_space<hbm>>) target_semaphore(%dma_start3A_1054 : memref<!tpu.dma_semaphore, #tpu.memory_space<semaphore_mem>>)
    %dma_wait3A_1061 = arith.constant 1 : i32
    %dma_wait3A_1062 = arith.constant 1 : i32
    %dma_wait3A_1063 = arith.constant 0 : i32
    %dma_wait3A_1064 = arith.constant 0 : i32
    %dma_wait3A_1065 = tpu.memref_slice %arg6[%dma_wait3A_1061, %dma_wait3A_1063, %dma_wait3A_1064] : memref<4x32x512xf32, #tpu.memory_space<vmem>> -> memref<1x32x512xf32, #tpu.memory_space<vmem>>
    %dma_wait3A_1066 = tpu.memref_squeeze %dma_wait3A_1065 : memref<1x32x512xf32, #tpu.memory_space<vmem>> -> memref<32x512xf32, #tpu.memory_space<vmem>>
    %dma_wait3A_1067 = arith.constant 0 : i32
    %dma_wait3A_1068 = tpu.memref_slice %arg4[%add3A_908, %dma_wait3A_1067] : memref<32768x512xf32, #tpu.memory_space<hbm>> -> memref<32x512xf32, #tpu.memory_space<hbm>>
    %dma_wait3A_1069 = tpu.memref_slice %arg9[%dma_wait3A_1062] : memref<4x!tpu.dma_semaphore, #tpu.memory_space<semaphore_mem>> -> memref<1x!tpu.dma_semaphore, #tpu.memory_space<semaphore_mem>>
    %dma_wait3A_1070 = tpu.memref_squeeze %dma_wait3A_1069 : memref<1x!tpu.dma_semaphore, #tpu.memory_space<semaphore_mem>> -> memref<!tpu.dma_semaphore, #tpu.memory_space<semaphore_mem>>
    %dma_wait3A_1071 = arith.constant 0 : i32
    %dma_wait3A_1072 = tpu.memref_slice %arg4[%add3A_908, %dma_wait3A_1071] : memref<32768x512xf32, #tpu.memory_space<hbm>> -> memref<32x512xf32, #tpu.memory_space<hbm>>
    %dma_wait3A_1073 = arith.constant 0 : i32
    %dma_wait3A_1074 = arith.constant 0 : i32
    %dma_wait3A_1075 = tpu.memref_slice %arg6[%dma_wait3A_1061, %dma_wait3A_1073, %dma_wait3A_1074] : memref<4x32x512xf32, #tpu.memory_space<vmem>> -> memref<1x32x512xf32, #tpu.memory_space<vmem>>
    %dma_wait3A_1076 = tpu.memref_squeeze %dma_wait3A_1075 : memref<1x32x512xf32, #tpu.memory_space<vmem>> -> memref<32x512xf32, #tpu.memory_space<vmem>>
    tpu.wait_dma2 semaphore(%dma_wait3A_1070 : memref<!tpu.dma_semaphore, #tpu.memory_space<semaphore_mem>>) src(%dma_wait3A_1076 : memref<32x512xf32, #tpu.memory_space<vmem>>) dst(%dma_wait3A_1072 : memref<32x512xf32, #tpu.memory_space<hbm>>)
    %add3A_1077 = arith.constant 544 : i32
    %add3A_1078 = arith.addi %mul3A_2, %add3A_1077 : i32
    %dma_start3A_1079 = arith.constant 1 : i32
    %dma_start3A_1080 = arith.constant 1 : i32
    %dma_start3A_1081 = arith.constant 0 : i32
    %dma_start3A_1082 = arith.constant 0 : i32
    %dma_start3A_1083 = tpu.memref_slice %arg6[%dma_start3A_1079, %dma_start3A_1081, %dma_start3A_1082] : memref<4x32x512xf32, #tpu.memory_space<vmem>> -> memref<1x32x512xf32, #tpu.memory_space<vmem>>
    %dma_start3A_1084 = tpu.memref_squeeze %dma_start3A_1083 : memref<1x32x512xf32, #tpu.memory_space<vmem>> -> memref<32x512xf32, #tpu.memory_space<vmem>>
    %dma_start3A_1085 = arith.constant 0 : i32
    %dma_start3A_1086 = tpu.memref_slice %arg2[%add3A_1078, %dma_start3A_1085] : memref<32768x512xf32, #tpu.memory_space<hbm>> -> memref<32x512xf32, #tpu.memory_space<hbm>>
    %dma_start3A_1087 = tpu.memref_slice %arg8[%dma_start3A_1080] : memref<4x!tpu.dma_semaphore, #tpu.memory_space<semaphore_mem>> -> memref<1x!tpu.dma_semaphore, #tpu.memory_space<semaphore_mem>>
    %dma_start3A_1088 = tpu.memref_squeeze %dma_start3A_1087 : memref<1x!tpu.dma_semaphore, #tpu.memory_space<semaphore_mem>> -> memref<!tpu.dma_semaphore, #tpu.memory_space<semaphore_mem>>
    %dma_start3A_1089 = arith.constant 0 : i32
    %dma_start3A_1090 = arith.constant 0 : i32
    %dma_start3A_1091 = tpu.memref_slice %arg6[%dma_start3A_1079, %dma_start3A_1089, %dma_start3A_1090] : memref<4x32x512xf32, #tpu.memory_space<vmem>> -> memref<1x32x512xf32, #tpu.memory_space<vmem>>
    %dma_start3A_1092 = tpu.memref_squeeze %dma_start3A_1091 : memref<1x32x512xf32, #tpu.memory_space<vmem>> -> memref<32x512xf32, #tpu.memory_space<vmem>>
    %dma_start3A_1093 = arith.constant 0 : i32
    %dma_start3A_1094 = tpu.memref_slice %arg2[%add3A_1078, %dma_start3A_1093] : memref<32768x512xf32, #tpu.memory_space<hbm>> -> memref<32x512xf32, #tpu.memory_space<hbm>>
    tpu.enqueue_dma source(%dma_start3A_1094 : memref<32x512xf32, #tpu.memory_space<hbm>>) target(%dma_start3A_1092 : memref<32x512xf32, #tpu.memory_space<vmem>>) target_semaphore(%dma_start3A_1088 : memref<!tpu.dma_semaphore, #tpu.memory_space<semaphore_mem>>)
    %dma_wait3A_1095 = arith.constant 0 : i32
    %dma_wait3A_1096 = arith.constant 0 : i32
    %dma_wait3A_1097 = arith.constant 0 : i32
    %dma_wait3A_1098 = arith.constant 0 : i32
    %dma_wait3A_1099 = tpu.memref_slice %arg6[%dma_wait3A_1095, %dma_wait3A_1097, %dma_wait3A_1098] : memref<4x32x512xf32, #tpu.memory_space<vmem>> -> memref<1x32x512xf32, #tpu.memory_space<vmem>>
    %dma_wait3A_1100 = tpu.memref_squeeze %dma_wait3A_1099 : memref<1x32x512xf32, #tpu.memory_space<vmem>> -> memref<32x512xf32, #tpu.memory_space<vmem>>
    %dma_wait3A_1101 = arith.constant 0 : i32
    %dma_wait3A_1102 = tpu.memref_slice %arg2[%add3A_1010, %dma_wait3A_1101] : memref<32768x512xf32, #tpu.memory_space<hbm>> -> memref<32x512xf32, #tpu.memory_space<hbm>>
    %dma_wait3A_1103 = tpu.memref_slice %arg8[%dma_wait3A_1096] : memref<4x!tpu.dma_semaphore, #tpu.memory_space<semaphore_mem>> -> memref<1x!tpu.dma_semaphore, #tpu.memory_space<semaphore_mem>>
    %dma_wait3A_1104 = tpu.memref_squeeze %dma_wait3A_1103 : memref<1x!tpu.dma_semaphore, #tpu.memory_space<semaphore_mem>> -> memref<!tpu.dma_semaphore, #tpu.memory_space<semaphore_mem>>
    %dma_wait3A_1105 = arith.constant 0 : i32
    %dma_wait3A_1106 = arith.constant 0 : i32
    %dma_wait3A_1107 = tpu.memref_slice %arg6[%dma_wait3A_1095, %dma_wait3A_1105, %dma_wait3A_1106] : memref<4x32x512xf32, #tpu.memory_space<vmem>> -> memref<1x32x512xf32, #tpu.memory_space<vmem>>
    %dma_wait3A_1108 = tpu.memref_squeeze %dma_wait3A_1107 : memref<1x32x512xf32, #tpu.memory_space<vmem>> -> memref<32x512xf32, #tpu.memory_space<vmem>>
    %dma_wait3A_1109 = arith.constant 0 : i32
    %dma_wait3A_1110 = tpu.memref_slice %arg2[%add3A_1010, %dma_wait3A_1109] : memref<32768x512xf32, #tpu.memory_space<hbm>> -> memref<32x512xf32, #tpu.memory_space<hbm>>
    tpu.wait_dma2 semaphore(%dma_wait3A_1104 : memref<!tpu.dma_semaphore, #tpu.memory_space<semaphore_mem>>) src(%dma_wait3A_1110 : memref<32x512xf32, #tpu.memory_space<hbm>>) dst(%dma_wait3A_1108 : memref<32x512xf32, #tpu.memory_space<vmem>>)
    %add3A_1111 = arith.constant 512 : i32
    %add3A_1112 = arith.addi %mul3A_2, %add3A_1111 : i32
    %dma_start3A_1113 = arith.constant 0 : i32
    %dma_start3A_1114 = arith.constant 0 : i32
    %dma_start3A_1115 = arith.constant 0 : i32
    %dma_start3A_1116 = arith.constant 0 : i32
    %dma_start3A_1117 = tpu.memref_slice %arg6[%dma_start3A_1113, %dma_start3A_1115, %dma_start3A_1116] : memref<4x32x512xf32, #tpu.memory_space<vmem>> -> memref<1x32x512xf32, #tpu.memory_space<vmem>>
    %dma_start3A_1118 = tpu.memref_squeeze %dma_start3A_1117 : memref<1x32x512xf32, #tpu.memory_space<vmem>> -> memref<32x512xf32, #tpu.memory_space<vmem>>
    %dma_start3A_1119 = arith.constant 0 : i32
    %dma_start3A_1120 = tpu.memref_slice %arg4[%add3A_1112, %dma_start3A_1119] : memref<32768x512xf32, #tpu.memory_space<hbm>> -> memref<32x512xf32, #tpu.memory_space<hbm>>
    %dma_start3A_1121 = tpu.memref_slice %arg9[%dma_start3A_1114] : memref<4x!tpu.dma_semaphore, #tpu.memory_space<semaphore_mem>> -> memref<1x!tpu.dma_semaphore, #tpu.memory_space<semaphore_mem>>
    %dma_start3A_1122 = tpu.memref_squeeze %dma_start3A_1121 : memref<1x!tpu.dma_semaphore, #tpu.memory_space<semaphore_mem>> -> memref<!tpu.dma_semaphore, #tpu.memory_space<semaphore_mem>>
    %dma_start3A_1123 = arith.constant 0 : i32
    %dma_start3A_1124 = tpu.memref_slice %arg4[%add3A_1112, %dma_start3A_1123] : memref<32768x512xf32, #tpu.memory_space<hbm>> -> memref<32x512xf32, #tpu.memory_space<hbm>>
    %dma_start3A_1125 = arith.constant 0 : i32
    %dma_start3A_1126 = arith.constant 0 : i32
    %dma_start3A_1127 = tpu.memref_slice %arg6[%dma_start3A_1113, %dma_start3A_1125, %dma_start3A_1126] : memref<4x32x512xf32, #tpu.memory_space<vmem>> -> memref<1x32x512xf32, #tpu.memory_space<vmem>>
    %dma_start3A_1128 = tpu.memref_squeeze %dma_start3A_1127 : memref<1x32x512xf32, #tpu.memory_space<vmem>> -> memref<32x512xf32, #tpu.memory_space<vmem>>
    tpu.enqueue_dma source(%dma_start3A_1128 : memref<32x512xf32, #tpu.memory_space<vmem>>) target(%dma_start3A_1124 : memref<32x512xf32, #tpu.memory_space<hbm>>) target_semaphore(%dma_start3A_1122 : memref<!tpu.dma_semaphore, #tpu.memory_space<semaphore_mem>>)
    %dma_wait3A_1129 = arith.constant 2 : i32
    %dma_wait3A_1130 = arith.constant 2 : i32
    %dma_wait3A_1131 = arith.constant 0 : i32
    %dma_wait3A_1132 = arith.constant 0 : i32
    %dma_wait3A_1133 = tpu.memref_slice %arg6[%dma_wait3A_1129, %dma_wait3A_1131, %dma_wait3A_1132] : memref<4x32x512xf32, #tpu.memory_space<vmem>> -> memref<1x32x512xf32, #tpu.memory_space<vmem>>
    %dma_wait3A_1134 = tpu.memref_squeeze %dma_wait3A_1133 : memref<1x32x512xf32, #tpu.memory_space<vmem>> -> memref<32x512xf32, #tpu.memory_space<vmem>>
    %dma_wait3A_1135 = arith.constant 0 : i32
    %dma_wait3A_1136 = tpu.memref_slice %arg4[%add3A_976, %dma_wait3A_1135] : memref<32768x512xf32, #tpu.memory_space<hbm>> -> memref<32x512xf32, #tpu.memory_space<hbm>>
    %dma_wait3A_1137 = tpu.memref_slice %arg9[%dma_wait3A_1130] : memref<4x!tpu.dma_semaphore, #tpu.memory_space<semaphore_mem>> -> memref<1x!tpu.dma_semaphore, #tpu.memory_space<semaphore_mem>>
    %dma_wait3A_1138 = tpu.memref_squeeze %dma_wait3A_1137 : memref<1x!tpu.dma_semaphore, #tpu.memory_space<semaphore_mem>> -> memref<!tpu.dma_semaphore, #tpu.memory_space<semaphore_mem>>
    %dma_wait3A_1139 = arith.constant 0 : i32
    %dma_wait3A_1140 = tpu.memref_slice %arg4[%add3A_976, %dma_wait3A_1139] : memref<32768x512xf32, #tpu.memory_space<hbm>> -> memref<32x512xf32, #tpu.memory_space<hbm>>
    %dma_wait3A_1141 = arith.constant 0 : i32
    %dma_wait3A_1142 = arith.constant 0 : i32
    %dma_wait3A_1143 = tpu.memref_slice %arg6[%dma_wait3A_1129, %dma_wait3A_1141, %dma_wait3A_1142] : memref<4x32x512xf32, #tpu.memory_space<vmem>> -> memref<1x32x512xf32, #tpu.memory_space<vmem>>
    %dma_wait3A_1144 = tpu.memref_squeeze %dma_wait3A_1143 : memref<1x32x512xf32, #tpu.memory_space<vmem>> -> memref<32x512xf32, #tpu.memory_space<vmem>>
    tpu.wait_dma2 semaphore(%dma_wait3A_1138 : memref<!tpu.dma_semaphore, #tpu.memory_space<semaphore_mem>>) src(%dma_wait3A_1144 : memref<32x512xf32, #tpu.memory_space<vmem>>) dst(%dma_wait3A_1140 : memref<32x512xf32, #tpu.memory_space<hbm>>)
    %add3A_1145 = arith.constant 576 : i32
    %add3A_1146 = arith.addi %mul3A_2, %add3A_1145 : i32
    %dma_start3A_1147 = arith.constant 2 : i32
    %dma_start3A_1148 = arith.constant 2 : i32
    %dma_start3A_1149 = arith.constant 0 : i32
    %dma_start3A_1150 = arith.constant 0 : i32
    %dma_start3A_1151 = tpu.memref_slice %arg6[%dma_start3A_1147, %dma_start3A_1149, %dma_start3A_1150] : memref<4x32x512xf32, #tpu.memory_space<vmem>> -> memref<1x32x512xf32, #tpu.memory_space<vmem>>
    %dma_start3A_1152 = tpu.memref_squeeze %dma_start3A_1151 : memref<1x32x512xf32, #tpu.memory_space<vmem>> -> memref<32x512xf32, #tpu.memory_space<vmem>>
    %dma_start3A_1153 = arith.constant 0 : i32
    %dma_start3A_1154 = tpu.memref_slice %arg2[%add3A_1146, %dma_start3A_1153] : memref<32768x512xf32, #tpu.memory_space<hbm>> -> memref<32x512xf32, #tpu.memory_space<hbm>>
    %dma_start3A_1155 = tpu.memref_slice %arg8[%dma_start3A_1148] : memref<4x!tpu.dma_semaphore, #tpu.memory_space<semaphore_mem>> -> memref<1x!tpu.dma_semaphore, #tpu.memory_space<semaphore_mem>>
    %dma_start3A_1156 = tpu.memref_squeeze %dma_start3A_1155 : memref<1x!tpu.dma_semaphore, #tpu.memory_space<semaphore_mem>> -> memref<!tpu.dma_semaphore, #tpu.memory_space<semaphore_mem>>
    %dma_start3A_1157 = arith.constant 0 : i32
    %dma_start3A_1158 = arith.constant 0 : i32
    %dma_start3A_1159 = tpu.memref_slice %arg6[%dma_start3A_1147, %dma_start3A_1157, %dma_start3A_1158] : memref<4x32x512xf32, #tpu.memory_space<vmem>> -> memref<1x32x512xf32, #tpu.memory_space<vmem>>
    %dma_start3A_1160 = tpu.memref_squeeze %dma_start3A_1159 : memref<1x32x512xf32, #tpu.memory_space<vmem>> -> memref<32x512xf32, #tpu.memory_space<vmem>>
    %dma_start3A_1161 = arith.constant 0 : i32
    %dma_start3A_1162 = tpu.memref_slice %arg2[%add3A_1146, %dma_start3A_1161] : memref<32768x512xf32, #tpu.memory_space<hbm>> -> memref<32x512xf32, #tpu.memory_space<hbm>>
    tpu.enqueue_dma source(%dma_start3A_1162 : memref<32x512xf32, #tpu.memory_space<hbm>>) target(%dma_start3A_1160 : memref<32x512xf32, #tpu.memory_space<vmem>>) target_semaphore(%dma_start3A_1156 : memref<!tpu.dma_semaphore, #tpu.memory_space<semaphore_mem>>)
    %dma_wait3A_1163 = arith.constant 1 : i32
    %dma_wait3A_1164 = arith.constant 1 : i32
    %dma_wait3A_1165 = arith.constant 0 : i32
    %dma_wait3A_1166 = arith.constant 0 : i32
    %dma_wait3A_1167 = tpu.memref_slice %arg6[%dma_wait3A_1163, %dma_wait3A_1165, %dma_wait3A_1166] : memref<4x32x512xf32, #tpu.memory_space<vmem>> -> memref<1x32x512xf32, #tpu.memory_space<vmem>>
    %dma_wait3A_1168 = tpu.memref_squeeze %dma_wait3A_1167 : memref<1x32x512xf32, #tpu.memory_space<vmem>> -> memref<32x512xf32, #tpu.memory_space<vmem>>
    %dma_wait3A_1169 = arith.constant 0 : i32
    %dma_wait3A_1170 = tpu.memref_slice %arg2[%add3A_1078, %dma_wait3A_1169] : memref<32768x512xf32, #tpu.memory_space<hbm>> -> memref<32x512xf32, #tpu.memory_space<hbm>>
    %dma_wait3A_1171 = tpu.memref_slice %arg8[%dma_wait3A_1164] : memref<4x!tpu.dma_semaphore, #tpu.memory_space<semaphore_mem>> -> memref<1x!tpu.dma_semaphore, #tpu.memory_space<semaphore_mem>>
    %dma_wait3A_1172 = tpu.memref_squeeze %dma_wait3A_1171 : memref<1x!tpu.dma_semaphore, #tpu.memory_space<semaphore_mem>> -> memref<!tpu.dma_semaphore, #tpu.memory_space<semaphore_mem>>
    %dma_wait3A_1173 = arith.constant 0 : i32
    %dma_wait3A_1174 = arith.constant 0 : i32
    %dma_wait3A_1175 = tpu.memref_slice %arg6[%dma_wait3A_1163, %dma_wait3A_1173, %dma_wait3A_1174] : memref<4x32x512xf32, #tpu.memory_space<vmem>> -> memref<1x32x512xf32, #tpu.memory_space<vmem>>
    %dma_wait3A_1176 = tpu.memref_squeeze %dma_wait3A_1175 : memref<1x32x512xf32, #tpu.memory_space<vmem>> -> memref<32x512xf32, #tpu.memory_space<vmem>>
    %dma_wait3A_1177 = arith.constant 0 : i32
    %dma_wait3A_1178 = tpu.memref_slice %arg2[%add3A_1078, %dma_wait3A_1177] : memref<32768x512xf32, #tpu.memory_space<hbm>> -> memref<32x512xf32, #tpu.memory_space<hbm>>
    tpu.wait_dma2 semaphore(%dma_wait3A_1172 : memref<!tpu.dma_semaphore, #tpu.memory_space<semaphore_mem>>) src(%dma_wait3A_1178 : memref<32x512xf32, #tpu.memory_space<hbm>>) dst(%dma_wait3A_1176 : memref<32x512xf32, #tpu.memory_space<vmem>>)
    %add3A_1179 = arith.constant 544 : i32
    %add3A_1180 = arith.addi %mul3A_2, %add3A_1179 : i32
    %dma_start3A_1181 = arith.constant 1 : i32
    %dma_start3A_1182 = arith.constant 1 : i32
    %dma_start3A_1183 = arith.constant 0 : i32
    %dma_start3A_1184 = arith.constant 0 : i32
    %dma_start3A_1185 = tpu.memref_slice %arg6[%dma_start3A_1181, %dma_start3A_1183, %dma_start3A_1184] : memref<4x32x512xf32, #tpu.memory_space<vmem>> -> memref<1x32x512xf32, #tpu.memory_space<vmem>>
    %dma_start3A_1186 = tpu.memref_squeeze %dma_start3A_1185 : memref<1x32x512xf32, #tpu.memory_space<vmem>> -> memref<32x512xf32, #tpu.memory_space<vmem>>
    %dma_start3A_1187 = arith.constant 0 : i32
    %dma_start3A_1188 = tpu.memref_slice %arg4[%add3A_1180, %dma_start3A_1187] : memref<32768x512xf32, #tpu.memory_space<hbm>> -> memref<32x512xf32, #tpu.memory_space<hbm>>
    %dma_start3A_1189 = tpu.memref_slice %arg9[%dma_start3A_1182] : memref<4x!tpu.dma_semaphore, #tpu.memory_space<semaphore_mem>> -> memref<1x!tpu.dma_semaphore, #tpu.memory_space<semaphore_mem>>
    %dma_start3A_1190 = tpu.memref_squeeze %dma_start3A_1189 : memref<1x!tpu.dma_semaphore, #tpu.memory_space<semaphore_mem>> -> memref<!tpu.dma_semaphore, #tpu.memory_space<semaphore_mem>>
    %dma_start3A_1191 = arith.constant 0 : i32
    %dma_start3A_1192 = tpu.memref_slice %arg4[%add3A_1180, %dma_start3A_1191] : memref<32768x512xf32, #tpu.memory_space<hbm>> -> memref<32x512xf32, #tpu.memory_space<hbm>>
    %dma_start3A_1193 = arith.constant 0 : i32
    %dma_start3A_1194 = arith.constant 0 : i32
    %dma_start3A_1195 = tpu.memref_slice %arg6[%dma_start3A_1181, %dma_start3A_1193, %dma_start3A_1194] : memref<4x32x512xf32, #tpu.memory_space<vmem>> -> memref<1x32x512xf32, #tpu.memory_space<vmem>>
    %dma_start3A_1196 = tpu.memref_squeeze %dma_start3A_1195 : memref<1x32x512xf32, #tpu.memory_space<vmem>> -> memref<32x512xf32, #tpu.memory_space<vmem>>
    tpu.enqueue_dma source(%dma_start3A_1196 : memref<32x512xf32, #tpu.memory_space<vmem>>) target(%dma_start3A_1192 : memref<32x512xf32, #tpu.memory_space<hbm>>) target_semaphore(%dma_start3A_1190 : memref<!tpu.dma_semaphore, #tpu.memory_space<semaphore_mem>>)
    %dma_wait3A_1197 = arith.constant 3 : i32
    %dma_wait3A_1198 = arith.constant 3 : i32
    %dma_wait3A_1199 = arith.constant 0 : i32
    %dma_wait3A_1200 = arith.constant 0 : i32
    %dma_wait3A_1201 = tpu.memref_slice %arg6[%dma_wait3A_1197, %dma_wait3A_1199, %dma_wait3A_1200] : memref<4x32x512xf32, #tpu.memory_space<vmem>> -> memref<1x32x512xf32, #tpu.memory_space<vmem>>
    %dma_wait3A_1202 = tpu.memref_squeeze %dma_wait3A_1201 : memref<1x32x512xf32, #tpu.memory_space<vmem>> -> memref<32x512xf32, #tpu.memory_space<vmem>>
    %dma_wait3A_1203 = arith.constant 0 : i32
    %dma_wait3A_1204 = tpu.memref_slice %arg4[%add3A_1044, %dma_wait3A_1203] : memref<32768x512xf32, #tpu.memory_space<hbm>> -> memref<32x512xf32, #tpu.memory_space<hbm>>
    %dma_wait3A_1205 = tpu.memref_slice %arg9[%dma_wait3A_1198] : memref<4x!tpu.dma_semaphore, #tpu.memory_space<semaphore_mem>> -> memref<1x!tpu.dma_semaphore, #tpu.memory_space<semaphore_mem>>
    %dma_wait3A_1206 = tpu.memref_squeeze %dma_wait3A_1205 : memref<1x!tpu.dma_semaphore, #tpu.memory_space<semaphore_mem>> -> memref<!tpu.dma_semaphore, #tpu.memory_space<semaphore_mem>>
    %dma_wait3A_1207 = arith.constant 0 : i32
    %dma_wait3A_1208 = tpu.memref_slice %arg4[%add3A_1044, %dma_wait3A_1207] : memref<32768x512xf32, #tpu.memory_space<hbm>> -> memref<32x512xf32, #tpu.memory_space<hbm>>
    %dma_wait3A_1209 = arith.constant 0 : i32
    %dma_wait3A_1210 = arith.constant 0 : i32
    %dma_wait3A_1211 = tpu.memref_slice %arg6[%dma_wait3A_1197, %dma_wait3A_1209, %dma_wait3A_1210] : memref<4x32x512xf32, #tpu.memory_space<vmem>> -> memref<1x32x512xf32, #tpu.memory_space<vmem>>
    %dma_wait3A_1212 = tpu.memref_squeeze %dma_wait3A_1211 : memref<1x32x512xf32, #tpu.memory_space<vmem>> -> memref<32x512xf32, #tpu.memory_space<vmem>>
    tpu.wait_dma2 semaphore(%dma_wait3A_1206 : memref<!tpu.dma_semaphore, #tpu.memory_space<semaphore_mem>>) src(%dma_wait3A_1212 : memref<32x512xf32, #tpu.memory_space<vmem>>) dst(%dma_wait3A_1208 : memref<32x512xf32, #tpu.memory_space<hbm>>)
    %add3A_1213 = arith.constant 608 : i32
    %add3A_1214 = arith.addi %mul3A_2, %add3A_1213 : i32
    %dma_start3A_1215 = arith.constant 3 : i32
    %dma_start3A_1216 = arith.constant 3 : i32
    %dma_start3A_1217 = arith.constant 0 : i32
    %dma_start3A_1218 = arith.constant 0 : i32
    %dma_start3A_1219 = tpu.memref_slice %arg6[%dma_start3A_1215, %dma_start3A_1217, %dma_start3A_1218] : memref<4x32x512xf32, #tpu.memory_space<vmem>> -> memref<1x32x512xf32, #tpu.memory_space<vmem>>
    %dma_start3A_1220 = tpu.memref_squeeze %dma_start3A_1219 : memref<1x32x512xf32, #tpu.memory_space<vmem>> -> memref<32x512xf32, #tpu.memory_space<vmem>>
    %dma_start3A_1221 = arith.constant 0 : i32
    %dma_start3A_1222 = tpu.memref_slice %arg2[%add3A_1214, %dma_start3A_1221] : memref<32768x512xf32, #tpu.memory_space<hbm>> -> memref<32x512xf32, #tpu.memory_space<hbm>>
    %dma_start3A_1223 = tpu.memref_slice %arg8[%dma_start3A_1216] : memref<4x!tpu.dma_semaphore, #tpu.memory_space<semaphore_mem>> -> memref<1x!tpu.dma_semaphore, #tpu.memory_space<semaphore_mem>>
    %dma_start3A_1224 = tpu.memref_squeeze %dma_start3A_1223 : memref<1x!tpu.dma_semaphore, #tpu.memory_space<semaphore_mem>> -> memref<!tpu.dma_semaphore, #tpu.memory_space<semaphore_mem>>
    %dma_start3A_1225 = arith.constant 0 : i32
    %dma_start3A_1226 = arith.constant 0 : i32
    %dma_start3A_1227 = tpu.memref_slice %arg6[%dma_start3A_1215, %dma_start3A_1225, %dma_start3A_1226] : memref<4x32x512xf32, #tpu.memory_space<vmem>> -> memref<1x32x512xf32, #tpu.memory_space<vmem>>
    %dma_start3A_1228 = tpu.memref_squeeze %dma_start3A_1227 : memref<1x32x512xf32, #tpu.memory_space<vmem>> -> memref<32x512xf32, #tpu.memory_space<vmem>>
    %dma_start3A_1229 = arith.constant 0 : i32
    %dma_start3A_1230 = tpu.memref_slice %arg2[%add3A_1214, %dma_start3A_1229] : memref<32768x512xf32, #tpu.memory_space<hbm>> -> memref<32x512xf32, #tpu.memory_space<hbm>>
    tpu.enqueue_dma source(%dma_start3A_1230 : memref<32x512xf32, #tpu.memory_space<hbm>>) target(%dma_start3A_1228 : memref<32x512xf32, #tpu.memory_space<vmem>>) target_semaphore(%dma_start3A_1224 : memref<!tpu.dma_semaphore, #tpu.memory_space<semaphore_mem>>)
    %dma_wait3A_1231 = arith.constant 2 : i32
    %dma_wait3A_1232 = arith.constant 2 : i32
    %dma_wait3A_1233 = arith.constant 0 : i32
    %dma_wait3A_1234 = arith.constant 0 : i32
    %dma_wait3A_1235 = tpu.memref_slice %arg6[%dma_wait3A_1231, %dma_wait3A_1233, %dma_wait3A_1234] : memref<4x32x512xf32, #tpu.memory_space<vmem>> -> memref<1x32x512xf32, #tpu.memory_space<vmem>>
    %dma_wait3A_1236 = tpu.memref_squeeze %dma_wait3A_1235 : memref<1x32x512xf32, #tpu.memory_space<vmem>> -> memref<32x512xf32, #tpu.memory_space<vmem>>
    %dma_wait3A_1237 = arith.constant 0 : i32
    %dma_wait3A_1238 = tpu.memref_slice %arg2[%add3A_1146, %dma_wait3A_1237] : memref<32768x512xf32, #tpu.memory_space<hbm>> -> memref<32x512xf32, #tpu.memory_space<hbm>>
    %dma_wait3A_1239 = tpu.memref_slice %arg8[%dma_wait3A_1232] : memref<4x!tpu.dma_semaphore, #tpu.memory_space<semaphore_mem>> -> memref<1x!tpu.dma_semaphore, #tpu.memory_space<semaphore_mem>>
    %dma_wait3A_1240 = tpu.memref_squeeze %dma_wait3A_1239 : memref<1x!tpu.dma_semaphore, #tpu.memory_space<semaphore_mem>> -> memref<!tpu.dma_semaphore, #tpu.memory_space<semaphore_mem>>
    %dma_wait3A_1241 = arith.constant 0 : i32
    %dma_wait3A_1242 = arith.constant 0 : i32
    %dma_wait3A_1243 = tpu.memref_slice %arg6[%dma_wait3A_1231, %dma_wait3A_1241, %dma_wait3A_1242] : memref<4x32x512xf32, #tpu.memory_space<vmem>> -> memref<1x32x512xf32, #tpu.memory_space<vmem>>
    %dma_wait3A_1244 = tpu.memref_squeeze %dma_wait3A_1243 : memref<1x32x512xf32, #tpu.memory_space<vmem>> -> memref<32x512xf32, #tpu.memory_space<vmem>>
    %dma_wait3A_1245 = arith.constant 0 : i32
    %dma_wait3A_1246 = tpu.memref_slice %arg2[%add3A_1146, %dma_wait3A_1245] : memref<32768x512xf32, #tpu.memory_space<hbm>> -> memref<32x512xf32, #tpu.memory_space<hbm>>
    tpu.wait_dma2 semaphore(%dma_wait3A_1240 : memref<!tpu.dma_semaphore, #tpu.memory_space<semaphore_mem>>) src(%dma_wait3A_1246 : memref<32x512xf32, #tpu.memory_space<hbm>>) dst(%dma_wait3A_1244 : memref<32x512xf32, #tpu.memory_space<vmem>>)
    %add3A_1247 = arith.constant 576 : i32
    %add3A_1248 = arith.addi %mul3A_2, %add3A_1247 : i32
    %dma_start3A_1249 = arith.constant 2 : i32
    %dma_start3A_1250 = arith.constant 2 : i32
    %dma_start3A_1251 = arith.constant 0 : i32
    %dma_start3A_1252 = arith.constant 0 : i32
    %dma_start3A_1253 = tpu.memref_slice %arg6[%dma_start3A_1249, %dma_start3A_1251, %dma_start3A_1252] : memref<4x32x512xf32, #tpu.memory_space<vmem>> -> memref<1x32x512xf32, #tpu.memory_space<vmem>>
    %dma_start3A_1254 = tpu.memref_squeeze %dma_start3A_1253 : memref<1x32x512xf32, #tpu.memory_space<vmem>> -> memref<32x512xf32, #tpu.memory_space<vmem>>
    %dma_start3A_1255 = arith.constant 0 : i32
    %dma_start3A_1256 = tpu.memref_slice %arg4[%add3A_1248, %dma_start3A_1255] : memref<32768x512xf32, #tpu.memory_space<hbm>> -> memref<32x512xf32, #tpu.memory_space<hbm>>
    %dma_start3A_1257 = tpu.memref_slice %arg9[%dma_start3A_1250] : memref<4x!tpu.dma_semaphore, #tpu.memory_space<semaphore_mem>> -> memref<1x!tpu.dma_semaphore, #tpu.memory_space<semaphore_mem>>
    %dma_start3A_1258 = tpu.memref_squeeze %dma_start3A_1257 : memref<1x!tpu.dma_semaphore, #tpu.memory_space<semaphore_mem>> -> memref<!tpu.dma_semaphore, #tpu.memory_space<semaphore_mem>>
    %dma_start3A_1259 = arith.constant 0 : i32
    %dma_start3A_1260 = tpu.memref_slice %arg4[%add3A_1248, %dma_start3A_1259] : memref<32768x512xf32, #tpu.memory_space<hbm>> -> memref<32x512xf32, #tpu.memory_space<hbm>>
    %dma_start3A_1261 = arith.constant 0 : i32
    %dma_start3A_1262 = arith.constant 0 : i32
    %dma_start3A_1263 = tpu.memref_slice %arg6[%dma_start3A_1249, %dma_start3A_1261, %dma_start3A_1262] : memref<4x32x512xf32, #tpu.memory_space<vmem>> -> memref<1x32x512xf32, #tpu.memory_space<vmem>>
    %dma_start3A_1264 = tpu.memref_squeeze %dma_start3A_1263 : memref<1x32x512xf32, #tpu.memory_space<vmem>> -> memref<32x512xf32, #tpu.memory_space<vmem>>
    tpu.enqueue_dma source(%dma_start3A_1264 : memref<32x512xf32, #tpu.memory_space<vmem>>) target(%dma_start3A_1260 : memref<32x512xf32, #tpu.memory_space<hbm>>) target_semaphore(%dma_start3A_1258 : memref<!tpu.dma_semaphore, #tpu.memory_space<semaphore_mem>>)
    %dma_wait3A_1265 = arith.constant 0 : i32
    %dma_wait3A_1266 = arith.constant 0 : i32
    %dma_wait3A_1267 = arith.constant 0 : i32
    %dma_wait3A_1268 = arith.constant 0 : i32
    %dma_wait3A_1269 = tpu.memref_slice %arg6[%dma_wait3A_1265, %dma_wait3A_1267, %dma_wait3A_1268] : memref<4x32x512xf32, #tpu.memory_space<vmem>> -> memref<1x32x512xf32, #tpu.memory_space<vmem>>
    %dma_wait3A_1270 = tpu.memref_squeeze %dma_wait3A_1269 : memref<1x32x512xf32, #tpu.memory_space<vmem>> -> memref<32x512xf32, #tpu.memory_space<vmem>>
    %dma_wait3A_1271 = arith.constant 0 : i32
    %dma_wait3A_1272 = tpu.memref_slice %arg4[%add3A_1112, %dma_wait3A_1271] : memref<32768x512xf32, #tpu.memory_space<hbm>> -> memref<32x512xf32, #tpu.memory_space<hbm>>
    %dma_wait3A_1273 = tpu.memref_slice %arg9[%dma_wait3A_1266] : memref<4x!tpu.dma_semaphore, #tpu.memory_space<semaphore_mem>> -> memref<1x!tpu.dma_semaphore, #tpu.memory_space<semaphore_mem>>
    %dma_wait3A_1274 = tpu.memref_squeeze %dma_wait3A_1273 : memref<1x!tpu.dma_semaphore, #tpu.memory_space<semaphore_mem>> -> memref<!tpu.dma_semaphore, #tpu.memory_space<semaphore_mem>>
    %dma_wait3A_1275 = arith.constant 0 : i32
    %dma_wait3A_1276 = tpu.memref_slice %arg4[%add3A_1112, %dma_wait3A_1275] : memref<32768x512xf32, #tpu.memory_space<hbm>> -> memref<32x512xf32, #tpu.memory_space<hbm>>
    %dma_wait3A_1277 = arith.constant 0 : i32
    %dma_wait3A_1278 = arith.constant 0 : i32
    %dma_wait3A_1279 = tpu.memref_slice %arg6[%dma_wait3A_1265, %dma_wait3A_1277, %dma_wait3A_1278] : memref<4x32x512xf32, #tpu.memory_space<vmem>> -> memref<1x32x512xf32, #tpu.memory_space<vmem>>
    %dma_wait3A_1280 = tpu.memref_squeeze %dma_wait3A_1279 : memref<1x32x512xf32, #tpu.memory_space<vmem>> -> memref<32x512xf32, #tpu.memory_space<vmem>>
    tpu.wait_dma2 semaphore(%dma_wait3A_1274 : memref<!tpu.dma_semaphore, #tpu.memory_space<semaphore_mem>>) src(%dma_wait3A_1280 : memref<32x512xf32, #tpu.memory_space<vmem>>) dst(%dma_wait3A_1276 : memref<32x512xf32, #tpu.memory_space<hbm>>)
    %add3A_1281 = arith.constant 640 : i32
    %add3A_1282 = arith.addi %mul3A_2, %add3A_1281 : i32
    %dma_start3A_1283 = arith.constant 0 : i32
    %dma_start3A_1284 = arith.constant 0 : i32
    %dma_start3A_1285 = arith.constant 0 : i32
    %dma_start3A_1286 = arith.constant 0 : i32
    %dma_start3A_1287 = tpu.memref_slice %arg6[%dma_start3A_1283, %dma_start3A_1285, %dma_start3A_1286] : memref<4x32x512xf32, #tpu.memory_space<vmem>> -> memref<1x32x512xf32, #tpu.memory_space<vmem>>
    %dma_start3A_1288 = tpu.memref_squeeze %dma_start3A_1287 : memref<1x32x512xf32, #tpu.memory_space<vmem>> -> memref<32x512xf32, #tpu.memory_space<vmem>>
    %dma_start3A_1289 = arith.constant 0 : i32
    %dma_start3A_1290 = tpu.memref_slice %arg2[%add3A_1282, %dma_start3A_1289] : memref<32768x512xf32, #tpu.memory_space<hbm>> -> memref<32x512xf32, #tpu.memory_space<hbm>>
    %dma_start3A_1291 = tpu.memref_slice %arg8[%dma_start3A_1284] : memref<4x!tpu.dma_semaphore, #tpu.memory_space<semaphore_mem>> -> memref<1x!tpu.dma_semaphore, #tpu.memory_space<semaphore_mem>>
    %dma_start3A_1292 = tpu.memref_squeeze %dma_start3A_1291 : memref<1x!tpu.dma_semaphore, #tpu.memory_space<semaphore_mem>> -> memref<!tpu.dma_semaphore, #tpu.memory_space<semaphore_mem>>
    %dma_start3A_1293 = arith.constant 0 : i32
    %dma_start3A_1294 = arith.constant 0 : i32
    %dma_start3A_1295 = tpu.memref_slice %arg6[%dma_start3A_1283, %dma_start3A_1293, %dma_start3A_1294] : memref<4x32x512xf32, #tpu.memory_space<vmem>> -> memref<1x32x512xf32, #tpu.memory_space<vmem>>
    %dma_start3A_1296 = tpu.memref_squeeze %dma_start3A_1295 : memref<1x32x512xf32, #tpu.memory_space<vmem>> -> memref<32x512xf32, #tpu.memory_space<vmem>>
    %dma_start3A_1297 = arith.constant 0 : i32
    %dma_start3A_1298 = tpu.memref_slice %arg2[%add3A_1282, %dma_start3A_1297] : memref<32768x512xf32, #tpu.memory_space<hbm>> -> memref<32x512xf32, #tpu.memory_space<hbm>>
    tpu.enqueue_dma source(%dma_start3A_1298 : memref<32x512xf32, #tpu.memory_space<hbm>>) target(%dma_start3A_1296 : memref<32x512xf32, #tpu.memory_space<vmem>>) target_semaphore(%dma_start3A_1292 : memref<!tpu.dma_semaphore, #tpu.memory_space<semaphore_mem>>)
    %dma_wait3A_1299 = arith.constant 3 : i32
    %dma_wait3A_1300 = arith.constant 3 : i32
    %dma_wait3A_1301 = arith.constant 0 : i32
    %dma_wait3A_1302 = arith.constant 0 : i32
    %dma_wait3A_1303 = tpu.memref_slice %arg6[%dma_wait3A_1299, %dma_wait3A_1301, %dma_wait3A_1302] : memref<4x32x512xf32, #tpu.memory_space<vmem>> -> memref<1x32x512xf32, #tpu.memory_space<vmem>>
    %dma_wait3A_1304 = tpu.memref_squeeze %dma_wait3A_1303 : memref<1x32x512xf32, #tpu.memory_space<vmem>> -> memref<32x512xf32, #tpu.memory_space<vmem>>
    %dma_wait3A_1305 = arith.constant 0 : i32
    %dma_wait3A_1306 = tpu.memref_slice %arg2[%add3A_1214, %dma_wait3A_1305] : memref<32768x512xf32, #tpu.memory_space<hbm>> -> memref<32x512xf32, #tpu.memory_space<hbm>>
    %dma_wait3A_1307 = tpu.memref_slice %arg8[%dma_wait3A_1300] : memref<4x!tpu.dma_semaphore, #tpu.memory_space<semaphore_mem>> -> memref<1x!tpu.dma_semaphore, #tpu.memory_space<semaphore_mem>>
    %dma_wait3A_1308 = tpu.memref_squeeze %dma_wait3A_1307 : memref<1x!tpu.dma_semaphore, #tpu.memory_space<semaphore_mem>> -> memref<!tpu.dma_semaphore, #tpu.memory_space<semaphore_mem>>
    %dma_wait3A_1309 = arith.constant 0 : i32
    %dma_wait3A_1310 = arith.constant 0 : i32
    %dma_wait3A_1311 = tpu.memref_slice %arg6[%dma_wait3A_1299, %dma_wait3A_1309, %dma_wait3A_1310] : memref<4x32x512xf32, #tpu.memory_space<vmem>> -> memref<1x32x512xf32, #tpu.memory_space<vmem>>
    %dma_wait3A_1312 = tpu.memref_squeeze %dma_wait3A_1311 : memref<1x32x512xf32, #tpu.memory_space<vmem>> -> memref<32x512xf32, #tpu.memory_space<vmem>>
    %dma_wait3A_1313 = arith.constant 0 : i32
    %dma_wait3A_1314 = tpu.memref_slice %arg2[%add3A_1214, %dma_wait3A_1313] : memref<32768x512xf32, #tpu.memory_space<hbm>> -> memref<32x512xf32, #tpu.memory_space<hbm>>
    tpu.wait_dma2 semaphore(%dma_wait3A_1308 : memref<!tpu.dma_semaphore, #tpu.memory_space<semaphore_mem>>) src(%dma_wait3A_1314 : memref<32x512xf32, #tpu.memory_space<hbm>>) dst(%dma_wait3A_1312 : memref<32x512xf32, #tpu.memory_space<vmem>>)
    %add3A_1315 = arith.constant 608 : i32
    %add3A_1316 = arith.addi %mul3A_2, %add3A_1315 : i32
    %dma_start3A_1317 = arith.constant 3 : i32
    %dma_start3A_1318 = arith.constant 3 : i32
    %dma_start3A_1319 = arith.constant 0 : i32
    %dma_start3A_1320 = arith.constant 0 : i32
    %dma_start3A_1321 = tpu.memref_slice %arg6[%dma_start3A_1317, %dma_start3A_1319, %dma_start3A_1320] : memref<4x32x512xf32, #tpu.memory_space<vmem>> -> memref<1x32x512xf32, #tpu.memory_space<vmem>>
    %dma_start3A_1322 = tpu.memref_squeeze %dma_start3A_1321 : memref<1x32x512xf32, #tpu.memory_space<vmem>> -> memref<32x512xf32, #tpu.memory_space<vmem>>
    %dma_start3A_1323 = arith.constant 0 : i32
    %dma_start3A_1324 = tpu.memref_slice %arg4[%add3A_1316, %dma_start3A_1323] : memref<32768x512xf32, #tpu.memory_space<hbm>> -> memref<32x512xf32, #tpu.memory_space<hbm>>
    %dma_start3A_1325 = tpu.memref_slice %arg9[%dma_start3A_1318] : memref<4x!tpu.dma_semaphore, #tpu.memory_space<semaphore_mem>> -> memref<1x!tpu.dma_semaphore, #tpu.memory_space<semaphore_mem>>
    %dma_start3A_1326 = tpu.memref_squeeze %dma_start3A_1325 : memref<1x!tpu.dma_semaphore, #tpu.memory_space<semaphore_mem>> -> memref<!tpu.dma_semaphore, #tpu.memory_space<semaphore_mem>>
    %dma_start3A_1327 = arith.constant 0 : i32
    %dma_start3A_1328 = tpu.memref_slice %arg4[%add3A_1316, %dma_start3A_1327] : memref<32768x512xf32, #tpu.memory_space<hbm>> -> memref<32x512xf32, #tpu.memory_space<hbm>>
    %dma_start3A_1329 = arith.constant 0 : i32
    %dma_start3A_1330 = arith.constant 0 : i32
    %dma_start3A_1331 = tpu.memref_slice %arg6[%dma_start3A_1317, %dma_start3A_1329, %dma_start3A_1330] : memref<4x32x512xf32, #tpu.memory_space<vmem>> -> memref<1x32x512xf32, #tpu.memory_space<vmem>>
    %dma_start3A_1332 = tpu.memref_squeeze %dma_start3A_1331 : memref<1x32x512xf32, #tpu.memory_space<vmem>> -> memref<32x512xf32, #tpu.memory_space<vmem>>
    tpu.enqueue_dma source(%dma_start3A_1332 : memref<32x512xf32, #tpu.memory_space<vmem>>) target(%dma_start3A_1328 : memref<32x512xf32, #tpu.memory_space<hbm>>) target_semaphore(%dma_start3A_1326 : memref<!tpu.dma_semaphore, #tpu.memory_space<semaphore_mem>>)
    %dma_wait3A_1333 = arith.constant 1 : i32
    %dma_wait3A_1334 = arith.constant 1 : i32
    %dma_wait3A_1335 = arith.constant 0 : i32
    %dma_wait3A_1336 = arith.constant 0 : i32
    %dma_wait3A_1337 = tpu.memref_slice %arg6[%dma_wait3A_1333, %dma_wait3A_1335, %dma_wait3A_1336] : memref<4x32x512xf32, #tpu.memory_space<vmem>> -> memref<1x32x512xf32, #tpu.memory_space<vmem>>
    %dma_wait3A_1338 = tpu.memref_squeeze %dma_wait3A_1337 : memref<1x32x512xf32, #tpu.memory_space<vmem>> -> memref<32x512xf32, #tpu.memory_space<vmem>>
    %dma_wait3A_1339 = arith.constant 0 : i32
    %dma_wait3A_1340 = tpu.memref_slice %arg4[%add3A_1180, %dma_wait3A_1339] : memref<32768x512xf32, #tpu.memory_space<hbm>> -> memref<32x512xf32, #tpu.memory_space<hbm>>
    %dma_wait3A_1341 = tpu.memref_slice %arg9[%dma_wait3A_1334] : memref<4x!tpu.dma_semaphore, #tpu.memory_space<semaphore_mem>> -> memref<1x!tpu.dma_semaphore, #tpu.memory_space<semaphore_mem>>
    %dma_wait3A_1342 = tpu.memref_squeeze %dma_wait3A_1341 : memref<1x!tpu.dma_semaphore, #tpu.memory_space<semaphore_mem>> -> memref<!tpu.dma_semaphore, #tpu.memory_space<semaphore_mem>>
    %dma_wait3A_1343 = arith.constant 0 : i32
    %dma_wait3A_1344 = tpu.memref_slice %arg4[%add3A_1180, %dma_wait3A_1343] : memref<32768x512xf32, #tpu.memory_space<hbm>> -> memref<32x512xf32, #tpu.memory_space<hbm>>
    %dma_wait3A_1345 = arith.constant 0 : i32
    %dma_wait3A_1346 = arith.constant 0 : i32
    %dma_wait3A_1347 = tpu.memref_slice %arg6[%dma_wait3A_1333, %dma_wait3A_1345, %dma_wait3A_1346] : memref<4x32x512xf32, #tpu.memory_space<vmem>> -> memref<1x32x512xf32, #tpu.memory_space<vmem>>
    %dma_wait3A_1348 = tpu.memref_squeeze %dma_wait3A_1347 : memref<1x32x512xf32, #tpu.memory_space<vmem>> -> memref<32x512xf32, #tpu.memory_space<vmem>>
    tpu.wait_dma2 semaphore(%dma_wait3A_1342 : memref<!tpu.dma_semaphore, #tpu.memory_space<semaphore_mem>>) src(%dma_wait3A_1348 : memref<32x512xf32, #tpu.memory_space<vmem>>) dst(%dma_wait3A_1344 : memref<32x512xf32, #tpu.memory_space<hbm>>)
    %add3A_1349 = arith.constant 672 : i32
    %add3A_1350 = arith.addi %mul3A_2, %add3A_1349 : i32
    %dma_start3A_1351 = arith.constant 1 : i32
    %dma_start3A_1352 = arith.constant 1 : i32
    %dma_start3A_1353 = arith.constant 0 : i32
    %dma_start3A_1354 = arith.constant 0 : i32
    %dma_start3A_1355 = tpu.memref_slice %arg6[%dma_start3A_1351, %dma_start3A_1353, %dma_start3A_1354] : memref<4x32x512xf32, #tpu.memory_space<vmem>> -> memref<1x32x512xf32, #tpu.memory_space<vmem>>
    %dma_start3A_1356 = tpu.memref_squeeze %dma_start3A_1355 : memref<1x32x512xf32, #tpu.memory_space<vmem>> -> memref<32x512xf32, #tpu.memory_space<vmem>>
    %dma_start3A_1357 = arith.constant 0 : i32
    %dma_start3A_1358 = tpu.memref_slice %arg2[%add3A_1350, %dma_start3A_1357] : memref<32768x512xf32, #tpu.memory_space<hbm>> -> memref<32x512xf32, #tpu.memory_space<hbm>>
    %dma_start3A_1359 = tpu.memref_slice %arg8[%dma_start3A_1352] : memref<4x!tpu.dma_semaphore, #tpu.memory_space<semaphore_mem>> -> memref<1x!tpu.dma_semaphore, #tpu.memory_space<semaphore_mem>>
    %dma_start3A_1360 = tpu.memref_squeeze %dma_start3A_1359 : memref<1x!tpu.dma_semaphore, #tpu.memory_space<semaphore_mem>> -> memref<!tpu.dma_semaphore, #tpu.memory_space<semaphore_mem>>
    %dma_start3A_1361 = arith.constant 0 : i32
    %dma_start3A_1362 = arith.constant 0 : i32
    %dma_start3A_1363 = tpu.memref_slice %arg6[%dma_start3A_1351, %dma_start3A_1361, %dma_start3A_1362] : memref<4x32x512xf32, #tpu.memory_space<vmem>> -> memref<1x32x512xf32, #tpu.memory_space<vmem>>
    %dma_start3A_1364 = tpu.memref_squeeze %dma_start3A_1363 : memref<1x32x512xf32, #tpu.memory_space<vmem>> -> memref<32x512xf32, #tpu.memory_space<vmem>>
    %dma_start3A_1365 = arith.constant 0 : i32
    %dma_start3A_1366 = tpu.memref_slice %arg2[%add3A_1350, %dma_start3A_1365] : memref<32768x512xf32, #tpu.memory_space<hbm>> -> memref<32x512xf32, #tpu.memory_space<hbm>>
    tpu.enqueue_dma source(%dma_start3A_1366 : memref<32x512xf32, #tpu.memory_space<hbm>>) target(%dma_start3A_1364 : memref<32x512xf32, #tpu.memory_space<vmem>>) target_semaphore(%dma_start3A_1360 : memref<!tpu.dma_semaphore, #tpu.memory_space<semaphore_mem>>)
    %dma_wait3A_1367 = arith.constant 0 : i32
    %dma_wait3A_1368 = arith.constant 0 : i32
    %dma_wait3A_1369 = arith.constant 0 : i32
    %dma_wait3A_1370 = arith.constant 0 : i32
    %dma_wait3A_1371 = tpu.memref_slice %arg6[%dma_wait3A_1367, %dma_wait3A_1369, %dma_wait3A_1370] : memref<4x32x512xf32, #tpu.memory_space<vmem>> -> memref<1x32x512xf32, #tpu.memory_space<vmem>>
    %dma_wait3A_1372 = tpu.memref_squeeze %dma_wait3A_1371 : memref<1x32x512xf32, #tpu.memory_space<vmem>> -> memref<32x512xf32, #tpu.memory_space<vmem>>
    %dma_wait3A_1373 = arith.constant 0 : i32
    %dma_wait3A_1374 = tpu.memref_slice %arg2[%add3A_1282, %dma_wait3A_1373] : memref<32768x512xf32, #tpu.memory_space<hbm>> -> memref<32x512xf32, #tpu.memory_space<hbm>>
    %dma_wait3A_1375 = tpu.memref_slice %arg8[%dma_wait3A_1368] : memref<4x!tpu.dma_semaphore, #tpu.memory_space<semaphore_mem>> -> memref<1x!tpu.dma_semaphore, #tpu.memory_space<semaphore_mem>>
    %dma_wait3A_1376 = tpu.memref_squeeze %dma_wait3A_1375 : memref<1x!tpu.dma_semaphore, #tpu.memory_space<semaphore_mem>> -> memref<!tpu.dma_semaphore, #tpu.memory_space<semaphore_mem>>
    %dma_wait3A_1377 = arith.constant 0 : i32
    %dma_wait3A_1378 = arith.constant 0 : i32
    %dma_wait3A_1379 = tpu.memref_slice %arg6[%dma_wait3A_1367, %dma_wait3A_1377, %dma_wait3A_1378] : memref<4x32x512xf32, #tpu.memory_space<vmem>> -> memref<1x32x512xf32, #tpu.memory_space<vmem>>
    %dma_wait3A_1380 = tpu.memref_squeeze %dma_wait3A_1379 : memref<1x32x512xf32, #tpu.memory_space<vmem>> -> memref<32x512xf32, #tpu.memory_space<vmem>>
    %dma_wait3A_1381 = arith.constant 0 : i32
    %dma_wait3A_1382 = tpu.memref_slice %arg2[%add3A_1282, %dma_wait3A_1381] : memref<32768x512xf32, #tpu.memory_space<hbm>> -> memref<32x512xf32, #tpu.memory_space<hbm>>
    tpu.wait_dma2 semaphore(%dma_wait3A_1376 : memref<!tpu.dma_semaphore, #tpu.memory_space<semaphore_mem>>) src(%dma_wait3A_1382 : memref<32x512xf32, #tpu.memory_space<hbm>>) dst(%dma_wait3A_1380 : memref<32x512xf32, #tpu.memory_space<vmem>>)
    %add3A_1383 = arith.constant 640 : i32
    %add3A_1384 = arith.addi %mul3A_2, %add3A_1383 : i32
    %dma_start3A_1385 = arith.constant 0 : i32
    %dma_start3A_1386 = arith.constant 0 : i32
    %dma_start3A_1387 = arith.constant 0 : i32
    %dma_start3A_1388 = arith.constant 0 : i32
    %dma_start3A_1389 = tpu.memref_slice %arg6[%dma_start3A_1385, %dma_start3A_1387, %dma_start3A_1388] : memref<4x32x512xf32, #tpu.memory_space<vmem>> -> memref<1x32x512xf32, #tpu.memory_space<vmem>>
    %dma_start3A_1390 = tpu.memref_squeeze %dma_start3A_1389 : memref<1x32x512xf32, #tpu.memory_space<vmem>> -> memref<32x512xf32, #tpu.memory_space<vmem>>
    %dma_start3A_1391 = arith.constant 0 : i32
    %dma_start3A_1392 = tpu.memref_slice %arg4[%add3A_1384, %dma_start3A_1391] : memref<32768x512xf32, #tpu.memory_space<hbm>> -> memref<32x512xf32, #tpu.memory_space<hbm>>
    %dma_start3A_1393 = tpu.memref_slice %arg9[%dma_start3A_1386] : memref<4x!tpu.dma_semaphore, #tpu.memory_space<semaphore_mem>> -> memref<1x!tpu.dma_semaphore, #tpu.memory_space<semaphore_mem>>
    %dma_start3A_1394 = tpu.memref_squeeze %dma_start3A_1393 : memref<1x!tpu.dma_semaphore, #tpu.memory_space<semaphore_mem>> -> memref<!tpu.dma_semaphore, #tpu.memory_space<semaphore_mem>>
    %dma_start3A_1395 = arith.constant 0 : i32
    %dma_start3A_1396 = tpu.memref_slice %arg4[%add3A_1384, %dma_start3A_1395] : memref<32768x512xf32, #tpu.memory_space<hbm>> -> memref<32x512xf32, #tpu.memory_space<hbm>>
    %dma_start3A_1397 = arith.constant 0 : i32
    %dma_start3A_1398 = arith.constant 0 : i32
    %dma_start3A_1399 = tpu.memref_slice %arg6[%dma_start3A_1385, %dma_start3A_1397, %dma_start3A_1398] : memref<4x32x512xf32, #tpu.memory_space<vmem>> -> memref<1x32x512xf32, #tpu.memory_space<vmem>>
    %dma_start3A_1400 = tpu.memref_squeeze %dma_start3A_1399 : memref<1x32x512xf32, #tpu.memory_space<vmem>> -> memref<32x512xf32, #tpu.memory_space<vmem>>
    tpu.enqueue_dma source(%dma_start3A_1400 : memref<32x512xf32, #tpu.memory_space<vmem>>) target(%dma_start3A_1396 : memref<32x512xf32, #tpu.memory_space<hbm>>) target_semaphore(%dma_start3A_1394 : memref<!tpu.dma_semaphore, #tpu.memory_space<semaphore_mem>>)
    %dma_wait3A_1401 = arith.constant 2 : i32
    %dma_wait3A_1402 = arith.constant 2 : i32
    %dma_wait3A_1403 = arith.constant 0 : i32
    %dma_wait3A_1404 = arith.constant 0 : i32
    %dma_wait3A_1405 = tpu.memref_slice %arg6[%dma_wait3A_1401, %dma_wait3A_1403, %dma_wait3A_1404] : memref<4x32x512xf32, #tpu.memory_space<vmem>> -> memref<1x32x512xf32, #tpu.memory_space<vmem>>
    %dma_wait3A_1406 = tpu.memref_squeeze %dma_wait3A_1405 : memref<1x32x512xf32, #tpu.memory_space<vmem>> -> memref<32x512xf32, #tpu.memory_space<vmem>>
    %dma_wait3A_1407 = arith.constant 0 : i32
    %dma_wait3A_1408 = tpu.memref_slice %arg4[%add3A_1248, %dma_wait3A_1407] : memref<32768x512xf32, #tpu.memory_space<hbm>> -> memref<32x512xf32, #tpu.memory_space<hbm>>
    %dma_wait3A_1409 = tpu.memref_slice %arg9[%dma_wait3A_1402] : memref<4x!tpu.dma_semaphore, #tpu.memory_space<semaphore_mem>> -> memref<1x!tpu.dma_semaphore, #tpu.memory_space<semaphore_mem>>
    %dma_wait3A_1410 = tpu.memref_squeeze %dma_wait3A_1409 : memref<1x!tpu.dma_semaphore, #tpu.memory_space<semaphore_mem>> -> memref<!tpu.dma_semaphore, #tpu.memory_space<semaphore_mem>>
    %dma_wait3A_1411 = arith.constant 0 : i32
    %dma_wait3A_1412 = tpu.memref_slice %arg4[%add3A_1248, %dma_wait3A_1411] : memref<32768x512xf32, #tpu.memory_space<hbm>> -> memref<32x512xf32, #tpu.memory_space<hbm>>
    %dma_wait3A_1413 = arith.constant 0 : i32
    %dma_wait3A_1414 = arith.constant 0 : i32
    %dma_wait3A_1415 = tpu.memref_slice %arg6[%dma_wait3A_1401, %dma_wait3A_1413, %dma_wait3A_1414] : memref<4x32x512xf32, #tpu.memory_space<vmem>> -> memref<1x32x512xf32, #tpu.memory_space<vmem>>
    %dma_wait3A_1416 = tpu.memref_squeeze %dma_wait3A_1415 : memref<1x32x512xf32, #tpu.memory_space<vmem>> -> memref<32x512xf32, #tpu.memory_space<vmem>>
    tpu.wait_dma2 semaphore(%dma_wait3A_1410 : memref<!tpu.dma_semaphore, #tpu.memory_space<semaphore_mem>>) src(%dma_wait3A_1416 : memref<32x512xf32, #tpu.memory_space<vmem>>) dst(%dma_wait3A_1412 : memref<32x512xf32, #tpu.memory_space<hbm>>)
    %add3A_1417 = arith.constant 704 : i32
    %add3A_1418 = arith.addi %mul3A_2, %add3A_1417 : i32
    %dma_start3A_1419 = arith.constant 2 : i32
    %dma_start3A_1420 = arith.constant 2 : i32
    %dma_start3A_1421 = arith.constant 0 : i32
    %dma_start3A_1422 = arith.constant 0 : i32
    %dma_start3A_1423 = tpu.memref_slice %arg6[%dma_start3A_1419, %dma_start3A_1421, %dma_start3A_1422] : memref<4x32x512xf32, #tpu.memory_space<vmem>> -> memref<1x32x512xf32, #tpu.memory_space<vmem>>
    %dma_start3A_1424 = tpu.memref_squeeze %dma_start3A_1423 : memref<1x32x512xf32, #tpu.memory_space<vmem>> -> memref<32x512xf32, #tpu.memory_space<vmem>>
    %dma_start3A_1425 = arith.constant 0 : i32
    %dma_start3A_1426 = tpu.memref_slice %arg2[%add3A_1418, %dma_start3A_1425] : memref<32768x512xf32, #tpu.memory_space<hbm>> -> memref<32x512xf32, #tpu.memory_space<hbm>>
    %dma_start3A_1427 = tpu.memref_slice %arg8[%dma_start3A_1420] : memref<4x!tpu.dma_semaphore, #tpu.memory_space<semaphore_mem>> -> memref<1x!tpu.dma_semaphore, #tpu.memory_space<semaphore_mem>>
    %dma_start3A_1428 = tpu.memref_squeeze %dma_start3A_1427 : memref<1x!tpu.dma_semaphore, #tpu.memory_space<semaphore_mem>> -> memref<!tpu.dma_semaphore, #tpu.memory_space<semaphore_mem>>
    %dma_start3A_1429 = arith.constant 0 : i32
    %dma_start3A_1430 = arith.constant 0 : i32
    %dma_start3A_1431 = tpu.memref_slice %arg6[%dma_start3A_1419, %dma_start3A_1429, %dma_start3A_1430] : memref<4x32x512xf32, #tpu.memory_space<vmem>> -> memref<1x32x512xf32, #tpu.memory_space<vmem>>
    %dma_start3A_1432 = tpu.memref_squeeze %dma_start3A_1431 : memref<1x32x512xf32, #tpu.memory_space<vmem>> -> memref<32x512xf32, #tpu.memory_space<vmem>>
    %dma_start3A_1433 = arith.constant 0 : i32
    %dma_start3A_1434 = tpu.memref_slice %arg2[%add3A_1418, %dma_start3A_1433] : memref<32768x512xf32, #tpu.memory_space<hbm>> -> memref<32x512xf32, #tpu.memory_space<hbm>>
    tpu.enqueue_dma source(%dma_start3A_1434 : memref<32x512xf32, #tpu.memory_space<hbm>>) target(%dma_start3A_1432 : memref<32x512xf32, #tpu.memory_space<vmem>>) target_semaphore(%dma_start3A_1428 : memref<!tpu.dma_semaphore, #tpu.memory_space<semaphore_mem>>)
    %dma_wait3A_1435 = arith.constant 1 : i32
    %dma_wait3A_1436 = arith.constant 1 : i32
    %dma_wait3A_1437 = arith.constant 0 : i32
    %dma_wait3A_1438 = arith.constant 0 : i32
    %dma_wait3A_1439 = tpu.memref_slice %arg6[%dma_wait3A_1435, %dma_wait3A_1437, %dma_wait3A_1438] : memref<4x32x512xf32, #tpu.memory_space<vmem>> -> memref<1x32x512xf32, #tpu.memory_space<vmem>>
    %dma_wait3A_1440 = tpu.memref_squeeze %dma_wait3A_1439 : memref<1x32x512xf32, #tpu.memory_space<vmem>> -> memref<32x512xf32, #tpu.memory_space<vmem>>
    %dma_wait3A_1441 = arith.constant 0 : i32
    %dma_wait3A_1442 = tpu.memref_slice %arg2[%add3A_1350, %dma_wait3A_1441] : memref<32768x512xf32, #tpu.memory_space<hbm>> -> memref<32x512xf32, #tpu.memory_space<hbm>>
    %dma_wait3A_1443 = tpu.memref_slice %arg8[%dma_wait3A_1436] : memref<4x!tpu.dma_semaphore, #tpu.memory_space<semaphore_mem>> -> memref<1x!tpu.dma_semaphore, #tpu.memory_space<semaphore_mem>>
    %dma_wait3A_1444 = tpu.memref_squeeze %dma_wait3A_1443 : memref<1x!tpu.dma_semaphore, #tpu.memory_space<semaphore_mem>> -> memref<!tpu.dma_semaphore, #tpu.memory_space<semaphore_mem>>
    %dma_wait3A_1445 = arith.constant 0 : i32
    %dma_wait3A_1446 = arith.constant 0 : i32
    %dma_wait3A_1447 = tpu.memref_slice %arg6[%dma_wait3A_1435, %dma_wait3A_1445, %dma_wait3A_1446] : memref<4x32x512xf32, #tpu.memory_space<vmem>> -> memref<1x32x512xf32, #tpu.memory_space<vmem>>
    %dma_wait3A_1448 = tpu.memref_squeeze %dma_wait3A_1447 : memref<1x32x512xf32, #tpu.memory_space<vmem>> -> memref<32x512xf32, #tpu.memory_space<vmem>>
    %dma_wait3A_1449 = arith.constant 0 : i32
    %dma_wait3A_1450 = tpu.memref_slice %arg2[%add3A_1350, %dma_wait3A_1449] : memref<32768x512xf32, #tpu.memory_space<hbm>> -> memref<32x512xf32, #tpu.memory_space<hbm>>
    tpu.wait_dma2 semaphore(%dma_wait3A_1444 : memref<!tpu.dma_semaphore, #tpu.memory_space<semaphore_mem>>) src(%dma_wait3A_1450 : memref<32x512xf32, #tpu.memory_space<hbm>>) dst(%dma_wait3A_1448 : memref<32x512xf32, #tpu.memory_space<vmem>>)
    %add3A_1451 = arith.constant 672 : i32
    %add3A_1452 = arith.addi %mul3A_2, %add3A_1451 : i32
    %dma_start3A_1453 = arith.constant 1 : i32
    %dma_start3A_1454 = arith.constant 1 : i32
    %dma_start3A_1455 = arith.constant 0 : i32
    %dma_start3A_1456 = arith.constant 0 : i32
    %dma_start3A_1457 = tpu.memref_slice %arg6[%dma_start3A_1453, %dma_start3A_1455, %dma_start3A_1456] : memref<4x32x512xf32, #tpu.memory_space<vmem>> -> memref<1x32x512xf32, #tpu.memory_space<vmem>>
    %dma_start3A_1458 = tpu.memref_squeeze %dma_start3A_1457 : memref<1x32x512xf32, #tpu.memory_space<vmem>> -> memref<32x512xf32, #tpu.memory_space<vmem>>
    %dma_start3A_1459 = arith.constant 0 : i32
    %dma_start3A_1460 = tpu.memref_slice %arg4[%add3A_1452, %dma_start3A_1459] : memref<32768x512xf32, #tpu.memory_space<hbm>> -> memref<32x512xf32, #tpu.memory_space<hbm>>
    %dma_start3A_1461 = tpu.memref_slice %arg9[%dma_start3A_1454] : memref<4x!tpu.dma_semaphore, #tpu.memory_space<semaphore_mem>> -> memref<1x!tpu.dma_semaphore, #tpu.memory_space<semaphore_mem>>
    %dma_start3A_1462 = tpu.memref_squeeze %dma_start3A_1461 : memref<1x!tpu.dma_semaphore, #tpu.memory_space<semaphore_mem>> -> memref<!tpu.dma_semaphore, #tpu.memory_space<semaphore_mem>>
    %dma_start3A_1463 = arith.constant 0 : i32
    %dma_start3A_1464 = tpu.memref_slice %arg4[%add3A_1452, %dma_start3A_1463] : memref<32768x512xf32, #tpu.memory_space<hbm>> -> memref<32x512xf32, #tpu.memory_space<hbm>>
    %dma_start3A_1465 = arith.constant 0 : i32
    %dma_start3A_1466 = arith.constant 0 : i32
    %dma_start3A_1467 = tpu.memref_slice %arg6[%dma_start3A_1453, %dma_start3A_1465, %dma_start3A_1466] : memref<4x32x512xf32, #tpu.memory_space<vmem>> -> memref<1x32x512xf32, #tpu.memory_space<vmem>>
    %dma_start3A_1468 = tpu.memref_squeeze %dma_start3A_1467 : memref<1x32x512xf32, #tpu.memory_space<vmem>> -> memref<32x512xf32, #tpu.memory_space<vmem>>
    tpu.enqueue_dma source(%dma_start3A_1468 : memref<32x512xf32, #tpu.memory_space<vmem>>) target(%dma_start3A_1464 : memref<32x512xf32, #tpu.memory_space<hbm>>) target_semaphore(%dma_start3A_1462 : memref<!tpu.dma_semaphore, #tpu.memory_space<semaphore_mem>>)
    %dma_wait3A_1469 = arith.constant 3 : i32
    %dma_wait3A_1470 = arith.constant 3 : i32
    %dma_wait3A_1471 = arith.constant 0 : i32
    %dma_wait3A_1472 = arith.constant 0 : i32
    %dma_wait3A_1473 = tpu.memref_slice %arg6[%dma_wait3A_1469, %dma_wait3A_1471, %dma_wait3A_1472] : memref<4x32x512xf32, #tpu.memory_space<vmem>> -> memref<1x32x512xf32, #tpu.memory_space<vmem>>
    %dma_wait3A_1474 = tpu.memref_squeeze %dma_wait3A_1473 : memref<1x32x512xf32, #tpu.memory_space<vmem>> -> memref<32x512xf32, #tpu.memory_space<vmem>>
    %dma_wait3A_1475 = arith.constant 0 : i32
    %dma_wait3A_1476 = tpu.memref_slice %arg4[%add3A_1316, %dma_wait3A_1475] : memref<32768x512xf32, #tpu.memory_space<hbm>> -> memref<32x512xf32, #tpu.memory_space<hbm>>
    %dma_wait3A_1477 = tpu.memref_slice %arg9[%dma_wait3A_1470] : memref<4x!tpu.dma_semaphore, #tpu.memory_space<semaphore_mem>> -> memref<1x!tpu.dma_semaphore, #tpu.memory_space<semaphore_mem>>
    %dma_wait3A_1478 = tpu.memref_squeeze %dma_wait3A_1477 : memref<1x!tpu.dma_semaphore, #tpu.memory_space<semaphore_mem>> -> memref<!tpu.dma_semaphore, #tpu.memory_space<semaphore_mem>>
    %dma_wait3A_1479 = arith.constant 0 : i32
    %dma_wait3A_1480 = tpu.memref_slice %arg4[%add3A_1316, %dma_wait3A_1479] : memref<32768x512xf32, #tpu.memory_space<hbm>> -> memref<32x512xf32, #tpu.memory_space<hbm>>
    %dma_wait3A_1481 = arith.constant 0 : i32
    %dma_wait3A_1482 = arith.constant 0 : i32
    %dma_wait3A_1483 = tpu.memref_slice %arg6[%dma_wait3A_1469, %dma_wait3A_1481, %dma_wait3A_1482] : memref<4x32x512xf32, #tpu.memory_space<vmem>> -> memref<1x32x512xf32, #tpu.memory_space<vmem>>
    %dma_wait3A_1484 = tpu.memref_squeeze %dma_wait3A_1483 : memref<1x32x512xf32, #tpu.memory_space<vmem>> -> memref<32x512xf32, #tpu.memory_space<vmem>>
    tpu.wait_dma2 semaphore(%dma_wait3A_1478 : memref<!tpu.dma_semaphore, #tpu.memory_space<semaphore_mem>>) src(%dma_wait3A_1484 : memref<32x512xf32, #tpu.memory_space<vmem>>) dst(%dma_wait3A_1480 : memref<32x512xf32, #tpu.memory_space<hbm>>)
    %add3A_1485 = arith.constant 736 : i32
    %add3A_1486 = arith.addi %mul3A_2, %add3A_1485 : i32
    %dma_start3A_1487 = arith.constant 3 : i32
    %dma_start3A_1488 = arith.constant 3 : i32
    %dma_start3A_1489 = arith.constant 0 : i32
    %dma_start3A_1490 = arith.constant 0 : i32
    %dma_start3A_1491 = tpu.memref_slice %arg6[%dma_start3A_1487, %dma_start3A_1489, %dma_start3A_1490] : memref<4x32x512xf32, #tpu.memory_space<vmem>> -> memref<1x32x512xf32, #tpu.memory_space<vmem>>
    %dma_start3A_1492 = tpu.memref_squeeze %dma_start3A_1491 : memref<1x32x512xf32, #tpu.memory_space<vmem>> -> memref<32x512xf32, #tpu.memory_space<vmem>>
    %dma_start3A_1493 = arith.constant 0 : i32
    %dma_start3A_1494 = tpu.memref_slice %arg2[%add3A_1486, %dma_start3A_1493] : memref<32768x512xf32, #tpu.memory_space<hbm>> -> memref<32x512xf32, #tpu.memory_space<hbm>>
    %dma_start3A_1495 = tpu.memref_slice %arg8[%dma_start3A_1488] : memref<4x!tpu.dma_semaphore, #tpu.memory_space<semaphore_mem>> -> memref<1x!tpu.dma_semaphore, #tpu.memory_space<semaphore_mem>>
    %dma_start3A_1496 = tpu.memref_squeeze %dma_start3A_1495 : memref<1x!tpu.dma_semaphore, #tpu.memory_space<semaphore_mem>> -> memref<!tpu.dma_semaphore, #tpu.memory_space<semaphore_mem>>
    %dma_start3A_1497 = arith.constant 0 : i32
    %dma_start3A_1498 = arith.constant 0 : i32
    %dma_start3A_1499 = tpu.memref_slice %arg6[%dma_start3A_1487, %dma_start3A_1497, %dma_start3A_1498] : memref<4x32x512xf32, #tpu.memory_space<vmem>> -> memref<1x32x512xf32, #tpu.memory_space<vmem>>
    %dma_start3A_1500 = tpu.memref_squeeze %dma_start3A_1499 : memref<1x32x512xf32, #tpu.memory_space<vmem>> -> memref<32x512xf32, #tpu.memory_space<vmem>>
    %dma_start3A_1501 = arith.constant 0 : i32
    %dma_start3A_1502 = tpu.memref_slice %arg2[%add3A_1486, %dma_start3A_1501] : memref<32768x512xf32, #tpu.memory_space<hbm>> -> memref<32x512xf32, #tpu.memory_space<hbm>>
    tpu.enqueue_dma source(%dma_start3A_1502 : memref<32x512xf32, #tpu.memory_space<hbm>>) target(%dma_start3A_1500 : memref<32x512xf32, #tpu.memory_space<vmem>>) target_semaphore(%dma_start3A_1496 : memref<!tpu.dma_semaphore, #tpu.memory_space<semaphore_mem>>)
    %dma_wait3A_1503 = arith.constant 2 : i32
    %dma_wait3A_1504 = arith.constant 2 : i32
    %dma_wait3A_1505 = arith.constant 0 : i32
    %dma_wait3A_1506 = arith.constant 0 : i32
    %dma_wait3A_1507 = tpu.memref_slice %arg6[%dma_wait3A_1503, %dma_wait3A_1505, %dma_wait3A_1506] : memref<4x32x512xf32, #tpu.memory_space<vmem>> -> memref<1x32x512xf32, #tpu.memory_space<vmem>>
    %dma_wait3A_1508 = tpu.memref_squeeze %dma_wait3A_1507 : memref<1x32x512xf32, #tpu.memory_space<vmem>> -> memref<32x512xf32, #tpu.memory_space<vmem>>
    %dma_wait3A_1509 = arith.constant 0 : i32
    %dma_wait3A_1510 = tpu.memref_slice %arg2[%add3A_1418, %dma_wait3A_1509] : memref<32768x512xf32, #tpu.memory_space<hbm>> -> memref<32x512xf32, #tpu.memory_space<hbm>>
    %dma_wait3A_1511 = tpu.memref_slice %arg8[%dma_wait3A_1504] : memref<4x!tpu.dma_semaphore, #tpu.memory_space<semaphore_mem>> -> memref<1x!tpu.dma_semaphore, #tpu.memory_space<semaphore_mem>>
    %dma_wait3A_1512 = tpu.memref_squeeze %dma_wait3A_1511 : memref<1x!tpu.dma_semaphore, #tpu.memory_space<semaphore_mem>> -> memref<!tpu.dma_semaphore, #tpu.memory_space<semaphore_mem>>
    %dma_wait3A_1513 = arith.constant 0 : i32
    %dma_wait3A_1514 = arith.constant 0 : i32
    %dma_wait3A_1515 = tpu.memref_slice %arg6[%dma_wait3A_1503, %dma_wait3A_1513, %dma_wait3A_1514] : memref<4x32x512xf32, #tpu.memory_space<vmem>> -> memref<1x32x512xf32, #tpu.memory_space<vmem>>
    %dma_wait3A_1516 = tpu.memref_squeeze %dma_wait3A_1515 : memref<1x32x512xf32, #tpu.memory_space<vmem>> -> memref<32x512xf32, #tpu.memory_space<vmem>>
    %dma_wait3A_1517 = arith.constant 0 : i32
    %dma_wait3A_1518 = tpu.memref_slice %arg2[%add3A_1418, %dma_wait3A_1517] : memref<32768x512xf32, #tpu.memory_space<hbm>> -> memref<32x512xf32, #tpu.memory_space<hbm>>
    tpu.wait_dma2 semaphore(%dma_wait3A_1512 : memref<!tpu.dma_semaphore, #tpu.memory_space<semaphore_mem>>) src(%dma_wait3A_1518 : memref<32x512xf32, #tpu.memory_space<hbm>>) dst(%dma_wait3A_1516 : memref<32x512xf32, #tpu.memory_space<vmem>>)
    %add3A_1519 = arith.constant 704 : i32
    %add3A_1520 = arith.addi %mul3A_2, %add3A_1519 : i32
    %dma_start3A_1521 = arith.constant 2 : i32
    %dma_start3A_1522 = arith.constant 2 : i32
    %dma_start3A_1523 = arith.constant 0 : i32
    %dma_start3A_1524 = arith.constant 0 : i32
    %dma_start3A_1525 = tpu.memref_slice %arg6[%dma_start3A_1521, %dma_start3A_1523, %dma_start3A_1524] : memref<4x32x512xf32, #tpu.memory_space<vmem>> -> memref<1x32x512xf32, #tpu.memory_space<vmem>>
    %dma_start3A_1526 = tpu.memref_squeeze %dma_start3A_1525 : memref<1x32x512xf32, #tpu.memory_space<vmem>> -> memref<32x512xf32, #tpu.memory_space<vmem>>
    %dma_start3A_1527 = arith.constant 0 : i32
    %dma_start3A_1528 = tpu.memref_slice %arg4[%add3A_1520, %dma_start3A_1527] : memref<32768x512xf32, #tpu.memory_space<hbm>> -> memref<32x512xf32, #tpu.memory_space<hbm>>
    %dma_start3A_1529 = tpu.memref_slice %arg9[%dma_start3A_1522] : memref<4x!tpu.dma_semaphore, #tpu.memory_space<semaphore_mem>> -> memref<1x!tpu.dma_semaphore, #tpu.memory_space<semaphore_mem>>
    %dma_start3A_1530 = tpu.memref_squeeze %dma_start3A_1529 : memref<1x!tpu.dma_semaphore, #tpu.memory_space<semaphore_mem>> -> memref<!tpu.dma_semaphore, #tpu.memory_space<semaphore_mem>>
    %dma_start3A_1531 = arith.constant 0 : i32
    %dma_start3A_1532 = tpu.memref_slice %arg4[%add3A_1520, %dma_start3A_1531] : memref<32768x512xf32, #tpu.memory_space<hbm>> -> memref<32x512xf32, #tpu.memory_space<hbm>>
    %dma_start3A_1533 = arith.constant 0 : i32
    %dma_start3A_1534 = arith.constant 0 : i32
    %dma_start3A_1535 = tpu.memref_slice %arg6[%dma_start3A_1521, %dma_start3A_1533, %dma_start3A_1534] : memref<4x32x512xf32, #tpu.memory_space<vmem>> -> memref<1x32x512xf32, #tpu.memory_space<vmem>>
    %dma_start3A_1536 = tpu.memref_squeeze %dma_start3A_1535 : memref<1x32x512xf32, #tpu.memory_space<vmem>> -> memref<32x512xf32, #tpu.memory_space<vmem>>
    tpu.enqueue_dma source(%dma_start3A_1536 : memref<32x512xf32, #tpu.memory_space<vmem>>) target(%dma_start3A_1532 : memref<32x512xf32, #tpu.memory_space<hbm>>) target_semaphore(%dma_start3A_1530 : memref<!tpu.dma_semaphore, #tpu.memory_space<semaphore_mem>>)
    %dma_wait3A_1537 = arith.constant 0 : i32
    %dma_wait3A_1538 = arith.constant 0 : i32
    %dma_wait3A_1539 = arith.constant 0 : i32
    %dma_wait3A_1540 = arith.constant 0 : i32
    %dma_wait3A_1541 = tpu.memref_slice %arg6[%dma_wait3A_1537, %dma_wait3A_1539, %dma_wait3A_1540] : memref<4x32x512xf32, #tpu.memory_space<vmem>> -> memref<1x32x512xf32, #tpu.memory_space<vmem>>
    %dma_wait3A_1542 = tpu.memref_squeeze %dma_wait3A_1541 : memref<1x32x512xf32, #tpu.memory_space<vmem>> -> memref<32x512xf32, #tpu.memory_space<vmem>>
    %dma_wait3A_1543 = arith.constant 0 : i32
    %dma_wait3A_1544 = tpu.memref_slice %arg4[%add3A_1384, %dma_wait3A_1543] : memref<32768x512xf32, #tpu.memory_space<hbm>> -> memref<32x512xf32, #tpu.memory_space<hbm>>
    %dma_wait3A_1545 = tpu.memref_slice %arg9[%dma_wait3A_1538] : memref<4x!tpu.dma_semaphore, #tpu.memory_space<semaphore_mem>> -> memref<1x!tpu.dma_semaphore, #tpu.memory_space<semaphore_mem>>
    %dma_wait3A_1546 = tpu.memref_squeeze %dma_wait3A_1545 : memref<1x!tpu.dma_semaphore, #tpu.memory_space<semaphore_mem>> -> memref<!tpu.dma_semaphore, #tpu.memory_space<semaphore_mem>>
    %dma_wait3A_1547 = arith.constant 0 : i32
    %dma_wait3A_1548 = tpu.memref_slice %arg4[%add3A_1384, %dma_wait3A_1547] : memref<32768x512xf32, #tpu.memory_space<hbm>> -> memref<32x512xf32, #tpu.memory_space<hbm>>
    %dma_wait3A_1549 = arith.constant 0 : i32
    %dma_wait3A_1550 = arith.constant 0 : i32
    %dma_wait3A_1551 = tpu.memref_slice %arg6[%dma_wait3A_1537, %dma_wait3A_1549, %dma_wait3A_1550] : memref<4x32x512xf32, #tpu.memory_space<vmem>> -> memref<1x32x512xf32, #tpu.memory_space<vmem>>
    %dma_wait3A_1552 = tpu.memref_squeeze %dma_wait3A_1551 : memref<1x32x512xf32, #tpu.memory_space<vmem>> -> memref<32x512xf32, #tpu.memory_space<vmem>>
    tpu.wait_dma2 semaphore(%dma_wait3A_1546 : memref<!tpu.dma_semaphore, #tpu.memory_space<semaphore_mem>>) src(%dma_wait3A_1552 : memref<32x512xf32, #tpu.memory_space<vmem>>) dst(%dma_wait3A_1548 : memref<32x512xf32, #tpu.memory_space<hbm>>)
    %add3A_1553 = arith.constant 768 : i32
    %add3A_1554 = arith.addi %mul3A_2, %add3A_1553 : i32
    %dma_start3A_1555 = arith.constant 0 : i32
    %dma_start3A_1556 = arith.constant 0 : i32
    %dma_start3A_1557 = arith.constant 0 : i32
    %dma_start3A_1558 = arith.constant 0 : i32
    %dma_start3A_1559 = tpu.memref_slice %arg6[%dma_start3A_1555, %dma_start3A_1557, %dma_start3A_1558] : memref<4x32x512xf32, #tpu.memory_space<vmem>> -> memref<1x32x512xf32, #tpu.memory_space<vmem>>
    %dma_start3A_1560 = tpu.memref_squeeze %dma_start3A_1559 : memref<1x32x512xf32, #tpu.memory_space<vmem>> -> memref<32x512xf32, #tpu.memory_space<vmem>>
    %dma_start3A_1561 = arith.constant 0 : i32
    %dma_start3A_1562 = tpu.memref_slice %arg2[%add3A_1554, %dma_start3A_1561] : memref<32768x512xf32, #tpu.memory_space<hbm>> -> memref<32x512xf32, #tpu.memory_space<hbm>>
    %dma_start3A_1563 = tpu.memref_slice %arg8[%dma_start3A_1556] : memref<4x!tpu.dma_semaphore, #tpu.memory_space<semaphore_mem>> -> memref<1x!tpu.dma_semaphore, #tpu.memory_space<semaphore_mem>>
    %dma_start3A_1564 = tpu.memref_squeeze %dma_start3A_1563 : memref<1x!tpu.dma_semaphore, #tpu.memory_space<semaphore_mem>> -> memref<!tpu.dma_semaphore, #tpu.memory_space<semaphore_mem>>
    %dma_start3A_1565 = arith.constant 0 : i32
    %dma_start3A_1566 = arith.constant 0 : i32
    %dma_start3A_1567 = tpu.memref_slice %arg6[%dma_start3A_1555, %dma_start3A_1565, %dma_start3A_1566] : memref<4x32x512xf32, #tpu.memory_space<vmem>> -> memref<1x32x512xf32, #tpu.memory_space<vmem>>
    %dma_start3A_1568 = tpu.memref_squeeze %dma_start3A_1567 : memref<1x32x512xf32, #tpu.memory_space<vmem>> -> memref<32x512xf32, #tpu.memory_space<vmem>>
    %dma_start3A_1569 = arith.constant 0 : i32
    %dma_start3A_1570 = tpu.memref_slice %arg2[%add3A_1554, %dma_start3A_1569] : memref<32768x512xf32, #tpu.memory_space<hbm>> -> memref<32x512xf32, #tpu.memory_space<hbm>>
    tpu.enqueue_dma source(%dma_start3A_1570 : memref<32x512xf32, #tpu.memory_space<hbm>>) target(%dma_start3A_1568 : memref<32x512xf32, #tpu.memory_space<vmem>>) target_semaphore(%dma_start3A_1564 : memref<!tpu.dma_semaphore, #tpu.memory_space<semaphore_mem>>)
    %dma_wait3A_1571 = arith.constant 3 : i32
    %dma_wait3A_1572 = arith.constant 3 : i32
    %dma_wait3A_1573 = arith.constant 0 : i32
    %dma_wait3A_1574 = arith.constant 0 : i32
    %dma_wait3A_1575 = tpu.memref_slice %arg6[%dma_wait3A_1571, %dma_wait3A_1573, %dma_wait3A_1574] : memref<4x32x512xf32, #tpu.memory_space<vmem>> -> memref<1x32x512xf32, #tpu.memory_space<vmem>>
    %dma_wait3A_1576 = tpu.memref_squeeze %dma_wait3A_1575 : memref<1x32x512xf32, #tpu.memory_space<vmem>> -> memref<32x512xf32, #tpu.memory_space<vmem>>
    %dma_wait3A_1577 = arith.constant 0 : i32
    %dma_wait3A_1578 = tpu.memref_slice %arg2[%add3A_1486, %dma_wait3A_1577] : memref<32768x512xf32, #tpu.memory_space<hbm>> -> memref<32x512xf32, #tpu.memory_space<hbm>>
    %dma_wait3A_1579 = tpu.memref_slice %arg8[%dma_wait3A_1572] : memref<4x!tpu.dma_semaphore, #tpu.memory_space<semaphore_mem>> -> memref<1x!tpu.dma_semaphore, #tpu.memory_space<semaphore_mem>>
    %dma_wait3A_1580 = tpu.memref_squeeze %dma_wait3A_1579 : memref<1x!tpu.dma_semaphore, #tpu.memory_space<semaphore_mem>> -> memref<!tpu.dma_semaphore, #tpu.memory_space<semaphore_mem>>
    %dma_wait3A_1581 = arith.constant 0 : i32
    %dma_wait3A_1582 = arith.constant 0 : i32
    %dma_wait3A_1583 = tpu.memref_slice %arg6[%dma_wait3A_1571, %dma_wait3A_1581, %dma_wait3A_1582] : memref<4x32x512xf32, #tpu.memory_space<vmem>> -> memref<1x32x512xf32, #tpu.memory_space<vmem>>
    %dma_wait3A_1584 = tpu.memref_squeeze %dma_wait3A_1583 : memref<1x32x512xf32, #tpu.memory_space<vmem>> -> memref<32x512xf32, #tpu.memory_space<vmem>>
    %dma_wait3A_1585 = arith.constant 0 : i32
    %dma_wait3A_1586 = tpu.memref_slice %arg2[%add3A_1486, %dma_wait3A_1585] : memref<32768x512xf32, #tpu.memory_space<hbm>> -> memref<32x512xf32, #tpu.memory_space<hbm>>
    tpu.wait_dma2 semaphore(%dma_wait3A_1580 : memref<!tpu.dma_semaphore, #tpu.memory_space<semaphore_mem>>) src(%dma_wait3A_1586 : memref<32x512xf32, #tpu.memory_space<hbm>>) dst(%dma_wait3A_1584 : memref<32x512xf32, #tpu.memory_space<vmem>>)
    %add3A_1587 = arith.constant 736 : i32
    %add3A_1588 = arith.addi %mul3A_2, %add3A_1587 : i32
    %dma_start3A_1589 = arith.constant 3 : i32
    %dma_start3A_1590 = arith.constant 3 : i32
    %dma_start3A_1591 = arith.constant 0 : i32
    %dma_start3A_1592 = arith.constant 0 : i32
    %dma_start3A_1593 = tpu.memref_slice %arg6[%dma_start3A_1589, %dma_start3A_1591, %dma_start3A_1592] : memref<4x32x512xf32, #tpu.memory_space<vmem>> -> memref<1x32x512xf32, #tpu.memory_space<vmem>>
    %dma_start3A_1594 = tpu.memref_squeeze %dma_start3A_1593 : memref<1x32x512xf32, #tpu.memory_space<vmem>> -> memref<32x512xf32, #tpu.memory_space<vmem>>
    %dma_start3A_1595 = arith.constant 0 : i32
    %dma_start3A_1596 = tpu.memref_slice %arg4[%add3A_1588, %dma_start3A_1595] : memref<32768x512xf32, #tpu.memory_space<hbm>> -> memref<32x512xf32, #tpu.memory_space<hbm>>
    %dma_start3A_1597 = tpu.memref_slice %arg9[%dma_start3A_1590] : memref<4x!tpu.dma_semaphore, #tpu.memory_space<semaphore_mem>> -> memref<1x!tpu.dma_semaphore, #tpu.memory_space<semaphore_mem>>
    %dma_start3A_1598 = tpu.memref_squeeze %dma_start3A_1597 : memref<1x!tpu.dma_semaphore, #tpu.memory_space<semaphore_mem>> -> memref<!tpu.dma_semaphore, #tpu.memory_space<semaphore_mem>>
    %dma_start3A_1599 = arith.constant 0 : i32
    %dma_start3A_1600 = tpu.memref_slice %arg4[%add3A_1588, %dma_start3A_1599] : memref<32768x512xf32, #tpu.memory_space<hbm>> -> memref<32x512xf32, #tpu.memory_space<hbm>>
    %dma_start3A_1601 = arith.constant 0 : i32
    %dma_start3A_1602 = arith.constant 0 : i32
    %dma_start3A_1603 = tpu.memref_slice %arg6[%dma_start3A_1589, %dma_start3A_1601, %dma_start3A_1602] : memref<4x32x512xf32, #tpu.memory_space<vmem>> -> memref<1x32x512xf32, #tpu.memory_space<vmem>>
    %dma_start3A_1604 = tpu.memref_squeeze %dma_start3A_1603 : memref<1x32x512xf32, #tpu.memory_space<vmem>> -> memref<32x512xf32, #tpu.memory_space<vmem>>
    tpu.enqueue_dma source(%dma_start3A_1604 : memref<32x512xf32, #tpu.memory_space<vmem>>) target(%dma_start3A_1600 : memref<32x512xf32, #tpu.memory_space<hbm>>) target_semaphore(%dma_start3A_1598 : memref<!tpu.dma_semaphore, #tpu.memory_space<semaphore_mem>>)
    %dma_wait3A_1605 = arith.constant 1 : i32
    %dma_wait3A_1606 = arith.constant 1 : i32
    %dma_wait3A_1607 = arith.constant 0 : i32
    %dma_wait3A_1608 = arith.constant 0 : i32
    %dma_wait3A_1609 = tpu.memref_slice %arg6[%dma_wait3A_1605, %dma_wait3A_1607, %dma_wait3A_1608] : memref<4x32x512xf32, #tpu.memory_space<vmem>> -> memref<1x32x512xf32, #tpu.memory_space<vmem>>
    %dma_wait3A_1610 = tpu.memref_squeeze %dma_wait3A_1609 : memref<1x32x512xf32, #tpu.memory_space<vmem>> -> memref<32x512xf32, #tpu.memory_space<vmem>>
    %dma_wait3A_1611 = arith.constant 0 : i32
    %dma_wait3A_1612 = tpu.memref_slice %arg4[%add3A_1452, %dma_wait3A_1611] : memref<32768x512xf32, #tpu.memory_space<hbm>> -> memref<32x512xf32, #tpu.memory_space<hbm>>
    %dma_wait3A_1613 = tpu.memref_slice %arg9[%dma_wait3A_1606] : memref<4x!tpu.dma_semaphore, #tpu.memory_space<semaphore_mem>> -> memref<1x!tpu.dma_semaphore, #tpu.memory_space<semaphore_mem>>
    %dma_wait3A_1614 = tpu.memref_squeeze %dma_wait3A_1613 : memref<1x!tpu.dma_semaphore, #tpu.memory_space<semaphore_mem>> -> memref<!tpu.dma_semaphore, #tpu.memory_space<semaphore_mem>>
    %dma_wait3A_1615 = arith.constant 0 : i32
    %dma_wait3A_1616 = tpu.memref_slice %arg4[%add3A_1452, %dma_wait3A_1615] : memref<32768x512xf32, #tpu.memory_space<hbm>> -> memref<32x512xf32, #tpu.memory_space<hbm>>
    %dma_wait3A_1617 = arith.constant 0 : i32
    %dma_wait3A_1618 = arith.constant 0 : i32
    %dma_wait3A_1619 = tpu.memref_slice %arg6[%dma_wait3A_1605, %dma_wait3A_1617, %dma_wait3A_1618] : memref<4x32x512xf32, #tpu.memory_space<vmem>> -> memref<1x32x512xf32, #tpu.memory_space<vmem>>
    %dma_wait3A_1620 = tpu.memref_squeeze %dma_wait3A_1619 : memref<1x32x512xf32, #tpu.memory_space<vmem>> -> memref<32x512xf32, #tpu.memory_space<vmem>>
    tpu.wait_dma2 semaphore(%dma_wait3A_1614 : memref<!tpu.dma_semaphore, #tpu.memory_space<semaphore_mem>>) src(%dma_wait3A_1620 : memref<32x512xf32, #tpu.memory_space<vmem>>) dst(%dma_wait3A_1616 : memref<32x512xf32, #tpu.memory_space<hbm>>)
    %add3A_1621 = arith.constant 800 : i32
    %add3A_1622 = arith.addi %mul3A_2, %add3A_1621 : i32
    %dma_start3A_1623 = arith.constant 1 : i32
    %dma_start3A_1624 = arith.constant 1 : i32
    %dma_start3A_1625 = arith.constant 0 : i32
    %dma_start3A_1626 = arith.constant 0 : i32
    %dma_start3A_1627 = tpu.memref_slice %arg6[%dma_start3A_1623, %dma_start3A_1625, %dma_start3A_1626] : memref<4x32x512xf32, #tpu.memory_space<vmem>> -> memref<1x32x512xf32, #tpu.memory_space<vmem>>
    %dma_start3A_1628 = tpu.memref_squeeze %dma_start3A_1627 : memref<1x32x512xf32, #tpu.memory_space<vmem>> -> memref<32x512xf32, #tpu.memory_space<vmem>>
    %dma_start3A_1629 = arith.constant 0 : i32
    %dma_start3A_1630 = tpu.memref_slice %arg2[%add3A_1622, %dma_start3A_1629] : memref<32768x512xf32, #tpu.memory_space<hbm>> -> memref<32x512xf32, #tpu.memory_space<hbm>>
    %dma_start3A_1631 = tpu.memref_slice %arg8[%dma_start3A_1624] : memref<4x!tpu.dma_semaphore, #tpu.memory_space<semaphore_mem>> -> memref<1x!tpu.dma_semaphore, #tpu.memory_space<semaphore_mem>>
    %dma_start3A_1632 = tpu.memref_squeeze %dma_start3A_1631 : memref<1x!tpu.dma_semaphore, #tpu.memory_space<semaphore_mem>> -> memref<!tpu.dma_semaphore, #tpu.memory_space<semaphore_mem>>
    %dma_start3A_1633 = arith.constant 0 : i32
    %dma_start3A_1634 = arith.constant 0 : i32
    %dma_start3A_1635 = tpu.memref_slice %arg6[%dma_start3A_1623, %dma_start3A_1633, %dma_start3A_1634] : memref<4x32x512xf32, #tpu.memory_space<vmem>> -> memref<1x32x512xf32, #tpu.memory_space<vmem>>
    %dma_start3A_1636 = tpu.memref_squeeze %dma_start3A_1635 : memref<1x32x512xf32, #tpu.memory_space<vmem>> -> memref<32x512xf32, #tpu.memory_space<vmem>>
    %dma_start3A_1637 = arith.constant 0 : i32
    %dma_start3A_1638 = tpu.memref_slice %arg2[%add3A_1622, %dma_start3A_1637] : memref<32768x512xf32, #tpu.memory_space<hbm>> -> memref<32x512xf32, #tpu.memory_space<hbm>>
    tpu.enqueue_dma source(%dma_start3A_1638 : memref<32x512xf32, #tpu.memory_space<hbm>>) target(%dma_start3A_1636 : memref<32x512xf32, #tpu.memory_space<vmem>>) target_semaphore(%dma_start3A_1632 : memref<!tpu.dma_semaphore, #tpu.memory_space<semaphore_mem>>)
    %dma_wait3A_1639 = arith.constant 0 : i32
    %dma_wait3A_1640 = arith.constant 0 : i32
    %dma_wait3A_1641 = arith.constant 0 : i32
    %dma_wait3A_1642 = arith.constant 0 : i32
    %dma_wait3A_1643 = tpu.memref_slice %arg6[%dma_wait3A_1639, %dma_wait3A_1641, %dma_wait3A_1642] : memref<4x32x512xf32, #tpu.memory_space<vmem>> -> memref<1x32x512xf32, #tpu.memory_space<vmem>>
    %dma_wait3A_1644 = tpu.memref_squeeze %dma_wait3A_1643 : memref<1x32x512xf32, #tpu.memory_space<vmem>> -> memref<32x512xf32, #tpu.memory_space<vmem>>
    %dma_wait3A_1645 = arith.constant 0 : i32
    %dma_wait3A_1646 = tpu.memref_slice %arg2[%add3A_1554, %dma_wait3A_1645] : memref<32768x512xf32, #tpu.memory_space<hbm>> -> memref<32x512xf32, #tpu.memory_space<hbm>>
    %dma_wait3A_1647 = tpu.memref_slice %arg8[%dma_wait3A_1640] : memref<4x!tpu.dma_semaphore, #tpu.memory_space<semaphore_mem>> -> memref<1x!tpu.dma_semaphore, #tpu.memory_space<semaphore_mem>>
    %dma_wait3A_1648 = tpu.memref_squeeze %dma_wait3A_1647 : memref<1x!tpu.dma_semaphore, #tpu.memory_space<semaphore_mem>> -> memref<!tpu.dma_semaphore, #tpu.memory_space<semaphore_mem>>
    %dma_wait3A_1649 = arith.constant 0 : i32
    %dma_wait3A_1650 = arith.constant 0 : i32
    %dma_wait3A_1651 = tpu.memref_slice %arg6[%dma_wait3A_1639, %dma_wait3A_1649, %dma_wait3A_1650] : memref<4x32x512xf32, #tpu.memory_space<vmem>> -> memref<1x32x512xf32, #tpu.memory_space<vmem>>
    %dma_wait3A_1652 = tpu.memref_squeeze %dma_wait3A_1651 : memref<1x32x512xf32, #tpu.memory_space<vmem>> -> memref<32x512xf32, #tpu.memory_space<vmem>>
    %dma_wait3A_1653 = arith.constant 0 : i32
    %dma_wait3A_1654 = tpu.memref_slice %arg2[%add3A_1554, %dma_wait3A_1653] : memref<32768x512xf32, #tpu.memory_space<hbm>> -> memref<32x512xf32, #tpu.memory_space<hbm>>
    tpu.wait_dma2 semaphore(%dma_wait3A_1648 : memref<!tpu.dma_semaphore, #tpu.memory_space<semaphore_mem>>) src(%dma_wait3A_1654 : memref<32x512xf32, #tpu.memory_space<hbm>>) dst(%dma_wait3A_1652 : memref<32x512xf32, #tpu.memory_space<vmem>>)
    %add3A_1655 = arith.constant 768 : i32
    %add3A_1656 = arith.addi %mul3A_2, %add3A_1655 : i32
    %dma_start3A_1657 = arith.constant 0 : i32
    %dma_start3A_1658 = arith.constant 0 : i32
    %dma_start3A_1659 = arith.constant 0 : i32
    %dma_start3A_1660 = arith.constant 0 : i32
    %dma_start3A_1661 = tpu.memref_slice %arg6[%dma_start3A_1657, %dma_start3A_1659, %dma_start3A_1660] : memref<4x32x512xf32, #tpu.memory_space<vmem>> -> memref<1x32x512xf32, #tpu.memory_space<vmem>>
    %dma_start3A_1662 = tpu.memref_squeeze %dma_start3A_1661 : memref<1x32x512xf32, #tpu.memory_space<vmem>> -> memref<32x512xf32, #tpu.memory_space<vmem>>
    %dma_start3A_1663 = arith.constant 0 : i32
    %dma_start3A_1664 = tpu.memref_slice %arg4[%add3A_1656, %dma_start3A_1663] : memref<32768x512xf32, #tpu.memory_space<hbm>> -> memref<32x512xf32, #tpu.memory_space<hbm>>
    %dma_start3A_1665 = tpu.memref_slice %arg9[%dma_start3A_1658] : memref<4x!tpu.dma_semaphore, #tpu.memory_space<semaphore_mem>> -> memref<1x!tpu.dma_semaphore, #tpu.memory_space<semaphore_mem>>
    %dma_start3A_1666 = tpu.memref_squeeze %dma_start3A_1665 : memref<1x!tpu.dma_semaphore, #tpu.memory_space<semaphore_mem>> -> memref<!tpu.dma_semaphore, #tpu.memory_space<semaphore_mem>>
    %dma_start3A_1667 = arith.constant 0 : i32
    %dma_start3A_1668 = tpu.memref_slice %arg4[%add3A_1656, %dma_start3A_1667] : memref<32768x512xf32, #tpu.memory_space<hbm>> -> memref<32x512xf32, #tpu.memory_space<hbm>>
    %dma_start3A_1669 = arith.constant 0 : i32
    %dma_start3A_1670 = arith.constant 0 : i32
    %dma_start3A_1671 = tpu.memref_slice %arg6[%dma_start3A_1657, %dma_start3A_1669, %dma_start3A_1670] : memref<4x32x512xf32, #tpu.memory_space<vmem>> -> memref<1x32x512xf32, #tpu.memory_space<vmem>>
    %dma_start3A_1672 = tpu.memref_squeeze %dma_start3A_1671 : memref<1x32x512xf32, #tpu.memory_space<vmem>> -> memref<32x512xf32, #tpu.memory_space<vmem>>
    tpu.enqueue_dma source(%dma_start3A_1672 : memref<32x512xf32, #tpu.memory_space<vmem>>) target(%dma_start3A_1668 : memref<32x512xf32, #tpu.memory_space<hbm>>) target_semaphore(%dma_start3A_1666 : memref<!tpu.dma_semaphore, #tpu.memory_space<semaphore_mem>>)
    %dma_wait3A_1673 = arith.constant 2 : i32
    %dma_wait3A_1674 = arith.constant 2 : i32
    %dma_wait3A_1675 = arith.constant 0 : i32
    %dma_wait3A_1676 = arith.constant 0 : i32
    %dma_wait3A_1677 = tpu.memref_slice %arg6[%dma_wait3A_1673, %dma_wait3A_1675, %dma_wait3A_1676] : memref<4x32x512xf32, #tpu.memory_space<vmem>> -> memref<1x32x512xf32, #tpu.memory_space<vmem>>
    %dma_wait3A_1678 = tpu.memref_squeeze %dma_wait3A_1677 : memref<1x32x512xf32, #tpu.memory_space<vmem>> -> memref<32x512xf32, #tpu.memory_space<vmem>>
    %dma_wait3A_1679 = arith.constant 0 : i32
    %dma_wait3A_1680 = tpu.memref_slice %arg4[%add3A_1520, %dma_wait3A_1679] : memref<32768x512xf32, #tpu.memory_space<hbm>> -> memref<32x512xf32, #tpu.memory_space<hbm>>
    %dma_wait3A_1681 = tpu.memref_slice %arg9[%dma_wait3A_1674] : memref<4x!tpu.dma_semaphore, #tpu.memory_space<semaphore_mem>> -> memref<1x!tpu.dma_semaphore, #tpu.memory_space<semaphore_mem>>
    %dma_wait3A_1682 = tpu.memref_squeeze %dma_wait3A_1681 : memref<1x!tpu.dma_semaphore, #tpu.memory_space<semaphore_mem>> -> memref<!tpu.dma_semaphore, #tpu.memory_space<semaphore_mem>>
    %dma_wait3A_1683 = arith.constant 0 : i32
    %dma_wait3A_1684 = tpu.memref_slice %arg4[%add3A_1520, %dma_wait3A_1683] : memref<32768x512xf32, #tpu.memory_space<hbm>> -> memref<32x512xf32, #tpu.memory_space<hbm>>
    %dma_wait3A_1685 = arith.constant 0 : i32
    %dma_wait3A_1686 = arith.constant 0 : i32
    %dma_wait3A_1687 = tpu.memref_slice %arg6[%dma_wait3A_1673, %dma_wait3A_1685, %dma_wait3A_1686] : memref<4x32x512xf32, #tpu.memory_space<vmem>> -> memref<1x32x512xf32, #tpu.memory_space<vmem>>
    %dma_wait3A_1688 = tpu.memref_squeeze %dma_wait3A_1687 : memref<1x32x512xf32, #tpu.memory_space<vmem>> -> memref<32x512xf32, #tpu.memory_space<vmem>>
    tpu.wait_dma2 semaphore(%dma_wait3A_1682 : memref<!tpu.dma_semaphore, #tpu.memory_space<semaphore_mem>>) src(%dma_wait3A_1688 : memref<32x512xf32, #tpu.memory_space<vmem>>) dst(%dma_wait3A_1684 : memref<32x512xf32, #tpu.memory_space<hbm>>)
    %add3A_1689 = arith.constant 832 : i32
    %add3A_1690 = arith.addi %mul3A_2, %add3A_1689 : i32
    %dma_start3A_1691 = arith.constant 2 : i32
    %dma_start3A_1692 = arith.constant 2 : i32
    %dma_start3A_1693 = arith.constant 0 : i32
    %dma_start3A_1694 = arith.constant 0 : i32
    %dma_start3A_1695 = tpu.memref_slice %arg6[%dma_start3A_1691, %dma_start3A_1693, %dma_start3A_1694] : memref<4x32x512xf32, #tpu.memory_space<vmem>> -> memref<1x32x512xf32, #tpu.memory_space<vmem>>
    %dma_start3A_1696 = tpu.memref_squeeze %dma_start3A_1695 : memref<1x32x512xf32, #tpu.memory_space<vmem>> -> memref<32x512xf32, #tpu.memory_space<vmem>>
    %dma_start3A_1697 = arith.constant 0 : i32
    %dma_start3A_1698 = tpu.memref_slice %arg2[%add3A_1690, %dma_start3A_1697] : memref<32768x512xf32, #tpu.memory_space<hbm>> -> memref<32x512xf32, #tpu.memory_space<hbm>>
    %dma_start3A_1699 = tpu.memref_slice %arg8[%dma_start3A_1692] : memref<4x!tpu.dma_semaphore, #tpu.memory_space<semaphore_mem>> -> memref<1x!tpu.dma_semaphore, #tpu.memory_space<semaphore_mem>>
    %dma_start3A_1700 = tpu.memref_squeeze %dma_start3A_1699 : memref<1x!tpu.dma_semaphore, #tpu.memory_space<semaphore_mem>> -> memref<!tpu.dma_semaphore, #tpu.memory_space<semaphore_mem>>
    %dma_start3A_1701 = arith.constant 0 : i32
    %dma_start3A_1702 = arith.constant 0 : i32
    %dma_start3A_1703 = tpu.memref_slice %arg6[%dma_start3A_1691, %dma_start3A_1701, %dma_start3A_1702] : memref<4x32x512xf32, #tpu.memory_space<vmem>> -> memref<1x32x512xf32, #tpu.memory_space<vmem>>
    %dma_start3A_1704 = tpu.memref_squeeze %dma_start3A_1703 : memref<1x32x512xf32, #tpu.memory_space<vmem>> -> memref<32x512xf32, #tpu.memory_space<vmem>>
    %dma_start3A_1705 = arith.constant 0 : i32
    %dma_start3A_1706 = tpu.memref_slice %arg2[%add3A_1690, %dma_start3A_1705] : memref<32768x512xf32, #tpu.memory_space<hbm>> -> memref<32x512xf32, #tpu.memory_space<hbm>>
    tpu.enqueue_dma source(%dma_start3A_1706 : memref<32x512xf32, #tpu.memory_space<hbm>>) target(%dma_start3A_1704 : memref<32x512xf32, #tpu.memory_space<vmem>>) target_semaphore(%dma_start3A_1700 : memref<!tpu.dma_semaphore, #tpu.memory_space<semaphore_mem>>)
    %dma_wait3A_1707 = arith.constant 1 : i32
    %dma_wait3A_1708 = arith.constant 1 : i32
    %dma_wait3A_1709 = arith.constant 0 : i32
    %dma_wait3A_1710 = arith.constant 0 : i32
    %dma_wait3A_1711 = tpu.memref_slice %arg6[%dma_wait3A_1707, %dma_wait3A_1709, %dma_wait3A_1710] : memref<4x32x512xf32, #tpu.memory_space<vmem>> -> memref<1x32x512xf32, #tpu.memory_space<vmem>>
    %dma_wait3A_1712 = tpu.memref_squeeze %dma_wait3A_1711 : memref<1x32x512xf32, #tpu.memory_space<vmem>> -> memref<32x512xf32, #tpu.memory_space<vmem>>
    %dma_wait3A_1713 = arith.constant 0 : i32
    %dma_wait3A_1714 = tpu.memref_slice %arg2[%add3A_1622, %dma_wait3A_1713] : memref<32768x512xf32, #tpu.memory_space<hbm>> -> memref<32x512xf32, #tpu.memory_space<hbm>>
    %dma_wait3A_1715 = tpu.memref_slice %arg8[%dma_wait3A_1708] : memref<4x!tpu.dma_semaphore, #tpu.memory_space<semaphore_mem>> -> memref<1x!tpu.dma_semaphore, #tpu.memory_space<semaphore_mem>>
    %dma_wait3A_1716 = tpu.memref_squeeze %dma_wait3A_1715 : memref<1x!tpu.dma_semaphore, #tpu.memory_space<semaphore_mem>> -> memref<!tpu.dma_semaphore, #tpu.memory_space<semaphore_mem>>
    %dma_wait3A_1717 = arith.constant 0 : i32
    %dma_wait3A_1718 = arith.constant 0 : i32
    %dma_wait3A_1719 = tpu.memref_slice %arg6[%dma_wait3A_1707, %dma_wait3A_1717, %dma_wait3A_1718] : memref<4x32x512xf32, #tpu.memory_space<vmem>> -> memref<1x32x512xf32, #tpu.memory_space<vmem>>
    %dma_wait3A_1720 = tpu.memref_squeeze %dma_wait3A_1719 : memref<1x32x512xf32, #tpu.memory_space<vmem>> -> memref<32x512xf32, #tpu.memory_space<vmem>>
    %dma_wait3A_1721 = arith.constant 0 : i32
    %dma_wait3A_1722 = tpu.memref_slice %arg2[%add3A_1622, %dma_wait3A_1721] : memref<32768x512xf32, #tpu.memory_space<hbm>> -> memref<32x512xf32, #tpu.memory_space<hbm>>
    tpu.wait_dma2 semaphore(%dma_wait3A_1716 : memref<!tpu.dma_semaphore, #tpu.memory_space<semaphore_mem>>) src(%dma_wait3A_1722 : memref<32x512xf32, #tpu.memory_space<hbm>>) dst(%dma_wait3A_1720 : memref<32x512xf32, #tpu.memory_space<vmem>>)
    %add3A_1723 = arith.constant 800 : i32
    %add3A_1724 = arith.addi %mul3A_2, %add3A_1723 : i32
    %dma_start3A_1725 = arith.constant 1 : i32
    %dma_start3A_1726 = arith.constant 1 : i32
    %dma_start3A_1727 = arith.constant 0 : i32
    %dma_start3A_1728 = arith.constant 0 : i32
    %dma_start3A_1729 = tpu.memref_slice %arg6[%dma_start3A_1725, %dma_start3A_1727, %dma_start3A_1728] : memref<4x32x512xf32, #tpu.memory_space<vmem>> -> memref<1x32x512xf32, #tpu.memory_space<vmem>>
    %dma_start3A_1730 = tpu.memref_squeeze %dma_start3A_1729 : memref<1x32x512xf32, #tpu.memory_space<vmem>> -> memref<32x512xf32, #tpu.memory_space<vmem>>
    %dma_start3A_1731 = arith.constant 0 : i32
    %dma_start3A_1732 = tpu.memref_slice %arg4[%add3A_1724, %dma_start3A_1731] : memref<32768x512xf32, #tpu.memory_space<hbm>> -> memref<32x512xf32, #tpu.memory_space<hbm>>
    %dma_start3A_1733 = tpu.memref_slice %arg9[%dma_start3A_1726] : memref<4x!tpu.dma_semaphore, #tpu.memory_space<semaphore_mem>> -> memref<1x!tpu.dma_semaphore, #tpu.memory_space<semaphore_mem>>
    %dma_start3A_1734 = tpu.memref_squeeze %dma_start3A_1733 : memref<1x!tpu.dma_semaphore, #tpu.memory_space<semaphore_mem>> -> memref<!tpu.dma_semaphore, #tpu.memory_space<semaphore_mem>>
    %dma_start3A_1735 = arith.constant 0 : i32
    %dma_start3A_1736 = tpu.memref_slice %arg4[%add3A_1724, %dma_start3A_1735] : memref<32768x512xf32, #tpu.memory_space<hbm>> -> memref<32x512xf32, #tpu.memory_space<hbm>>
    %dma_start3A_1737 = arith.constant 0 : i32
    %dma_start3A_1738 = arith.constant 0 : i32
    %dma_start3A_1739 = tpu.memref_slice %arg6[%dma_start3A_1725, %dma_start3A_1737, %dma_start3A_1738] : memref<4x32x512xf32, #tpu.memory_space<vmem>> -> memref<1x32x512xf32, #tpu.memory_space<vmem>>
    %dma_start3A_1740 = tpu.memref_squeeze %dma_start3A_1739 : memref<1x32x512xf32, #tpu.memory_space<vmem>> -> memref<32x512xf32, #tpu.memory_space<vmem>>
    tpu.enqueue_dma source(%dma_start3A_1740 : memref<32x512xf32, #tpu.memory_space<vmem>>) target(%dma_start3A_1736 : memref<32x512xf32, #tpu.memory_space<hbm>>) target_semaphore(%dma_start3A_1734 : memref<!tpu.dma_semaphore, #tpu.memory_space<semaphore_mem>>)
    %dma_wait3A_1741 = arith.constant 3 : i32
    %dma_wait3A_1742 = arith.constant 3 : i32
    %dma_wait3A_1743 = arith.constant 0 : i32
    %dma_wait3A_1744 = arith.constant 0 : i32
    %dma_wait3A_1745 = tpu.memref_slice %arg6[%dma_wait3A_1741, %dma_wait3A_1743, %dma_wait3A_1744] : memref<4x32x512xf32, #tpu.memory_space<vmem>> -> memref<1x32x512xf32, #tpu.memory_space<vmem>>
    %dma_wait3A_1746 = tpu.memref_squeeze %dma_wait3A_1745 : memref<1x32x512xf32, #tpu.memory_space<vmem>> -> memref<32x512xf32, #tpu.memory_space<vmem>>
    %dma_wait3A_1747 = arith.constant 0 : i32
    %dma_wait3A_1748 = tpu.memref_slice %arg4[%add3A_1588, %dma_wait3A_1747] : memref<32768x512xf32, #tpu.memory_space<hbm>> -> memref<32x512xf32, #tpu.memory_space<hbm>>
    %dma_wait3A_1749 = tpu.memref_slice %arg9[%dma_wait3A_1742] : memref<4x!tpu.dma_semaphore, #tpu.memory_space<semaphore_mem>> -> memref<1x!tpu.dma_semaphore, #tpu.memory_space<semaphore_mem>>
    %dma_wait3A_1750 = tpu.memref_squeeze %dma_wait3A_1749 : memref<1x!tpu.dma_semaphore, #tpu.memory_space<semaphore_mem>> -> memref<!tpu.dma_semaphore, #tpu.memory_space<semaphore_mem>>
    %dma_wait3A_1751 = arith.constant 0 : i32
    %dma_wait3A_1752 = tpu.memref_slice %arg4[%add3A_1588, %dma_wait3A_1751] : memref<32768x512xf32, #tpu.memory_space<hbm>> -> memref<32x512xf32, #tpu.memory_space<hbm>>
    %dma_wait3A_1753 = arith.constant 0 : i32
    %dma_wait3A_1754 = arith.constant 0 : i32
    %dma_wait3A_1755 = tpu.memref_slice %arg6[%dma_wait3A_1741, %dma_wait3A_1753, %dma_wait3A_1754] : memref<4x32x512xf32, #tpu.memory_space<vmem>> -> memref<1x32x512xf32, #tpu.memory_space<vmem>>
    %dma_wait3A_1756 = tpu.memref_squeeze %dma_wait3A_1755 : memref<1x32x512xf32, #tpu.memory_space<vmem>> -> memref<32x512xf32, #tpu.memory_space<vmem>>
    tpu.wait_dma2 semaphore(%dma_wait3A_1750 : memref<!tpu.dma_semaphore, #tpu.memory_space<semaphore_mem>>) src(%dma_wait3A_1756 : memref<32x512xf32, #tpu.memory_space<vmem>>) dst(%dma_wait3A_1752 : memref<32x512xf32, #tpu.memory_space<hbm>>)
    %add3A_1757 = arith.constant 864 : i32
    %add3A_1758 = arith.addi %mul3A_2, %add3A_1757 : i32
    %dma_start3A_1759 = arith.constant 3 : i32
    %dma_start3A_1760 = arith.constant 3 : i32
    %dma_start3A_1761 = arith.constant 0 : i32
    %dma_start3A_1762 = arith.constant 0 : i32
    %dma_start3A_1763 = tpu.memref_slice %arg6[%dma_start3A_1759, %dma_start3A_1761, %dma_start3A_1762] : memref<4x32x512xf32, #tpu.memory_space<vmem>> -> memref<1x32x512xf32, #tpu.memory_space<vmem>>
    %dma_start3A_1764 = tpu.memref_squeeze %dma_start3A_1763 : memref<1x32x512xf32, #tpu.memory_space<vmem>> -> memref<32x512xf32, #tpu.memory_space<vmem>>
    %dma_start3A_1765 = arith.constant 0 : i32
    %dma_start3A_1766 = tpu.memref_slice %arg2[%add3A_1758, %dma_start3A_1765] : memref<32768x512xf32, #tpu.memory_space<hbm>> -> memref<32x512xf32, #tpu.memory_space<hbm>>
    %dma_start3A_1767 = tpu.memref_slice %arg8[%dma_start3A_1760] : memref<4x!tpu.dma_semaphore, #tpu.memory_space<semaphore_mem>> -> memref<1x!tpu.dma_semaphore, #tpu.memory_space<semaphore_mem>>
    %dma_start3A_1768 = tpu.memref_squeeze %dma_start3A_1767 : memref<1x!tpu.dma_semaphore, #tpu.memory_space<semaphore_mem>> -> memref<!tpu.dma_semaphore, #tpu.memory_space<semaphore_mem>>
    %dma_start3A_1769 = arith.constant 0 : i32
    %dma_start3A_1770 = arith.constant 0 : i32
    %dma_start3A_1771 = tpu.memref_slice %arg6[%dma_start3A_1759, %dma_start3A_1769, %dma_start3A_1770] : memref<4x32x512xf32, #tpu.memory_space<vmem>> -> memref<1x32x512xf32, #tpu.memory_space<vmem>>
    %dma_start3A_1772 = tpu.memref_squeeze %dma_start3A_1771 : memref<1x32x512xf32, #tpu.memory_space<vmem>> -> memref<32x512xf32, #tpu.memory_space<vmem>>
    %dma_start3A_1773 = arith.constant 0 : i32
    %dma_start3A_1774 = tpu.memref_slice %arg2[%add3A_1758, %dma_start3A_1773] : memref<32768x512xf32, #tpu.memory_space<hbm>> -> memref<32x512xf32, #tpu.memory_space<hbm>>
    tpu.enqueue_dma source(%dma_start3A_1774 : memref<32x512xf32, #tpu.memory_space<hbm>>) target(%dma_start3A_1772 : memref<32x512xf32, #tpu.memory_space<vmem>>) target_semaphore(%dma_start3A_1768 : memref<!tpu.dma_semaphore, #tpu.memory_space<semaphore_mem>>)
    %dma_wait3A_1775 = arith.constant 2 : i32
    %dma_wait3A_1776 = arith.constant 2 : i32
    %dma_wait3A_1777 = arith.constant 0 : i32
    %dma_wait3A_1778 = arith.constant 0 : i32
    %dma_wait3A_1779 = tpu.memref_slice %arg6[%dma_wait3A_1775, %dma_wait3A_1777, %dma_wait3A_1778] : memref<4x32x512xf32, #tpu.memory_space<vmem>> -> memref<1x32x512xf32, #tpu.memory_space<vmem>>
    %dma_wait3A_1780 = tpu.memref_squeeze %dma_wait3A_1779 : memref<1x32x512xf32, #tpu.memory_space<vmem>> -> memref<32x512xf32, #tpu.memory_space<vmem>>
    %dma_wait3A_1781 = arith.constant 0 : i32
    %dma_wait3A_1782 = tpu.memref_slice %arg2[%add3A_1690, %dma_wait3A_1781] : memref<32768x512xf32, #tpu.memory_space<hbm>> -> memref<32x512xf32, #tpu.memory_space<hbm>>
    %dma_wait3A_1783 = tpu.memref_slice %arg8[%dma_wait3A_1776] : memref<4x!tpu.dma_semaphore, #tpu.memory_space<semaphore_mem>> -> memref<1x!tpu.dma_semaphore, #tpu.memory_space<semaphore_mem>>
    %dma_wait3A_1784 = tpu.memref_squeeze %dma_wait3A_1783 : memref<1x!tpu.dma_semaphore, #tpu.memory_space<semaphore_mem>> -> memref<!tpu.dma_semaphore, #tpu.memory_space<semaphore_mem>>
    %dma_wait3A_1785 = arith.constant 0 : i32
    %dma_wait3A_1786 = arith.constant 0 : i32
    %dma_wait3A_1787 = tpu.memref_slice %arg6[%dma_wait3A_1775, %dma_wait3A_1785, %dma_wait3A_1786] : memref<4x32x512xf32, #tpu.memory_space<vmem>> -> memref<1x32x512xf32, #tpu.memory_space<vmem>>
    %dma_wait3A_1788 = tpu.memref_squeeze %dma_wait3A_1787 : memref<1x32x512xf32, #tpu.memory_space<vmem>> -> memref<32x512xf32, #tpu.memory_space<vmem>>
    %dma_wait3A_1789 = arith.constant 0 : i32
    %dma_wait3A_1790 = tpu.memref_slice %arg2[%add3A_1690, %dma_wait3A_1789] : memref<32768x512xf32, #tpu.memory_space<hbm>> -> memref<32x512xf32, #tpu.memory_space<hbm>>
    tpu.wait_dma2 semaphore(%dma_wait3A_1784 : memref<!tpu.dma_semaphore, #tpu.memory_space<semaphore_mem>>) src(%dma_wait3A_1790 : memref<32x512xf32, #tpu.memory_space<hbm>>) dst(%dma_wait3A_1788 : memref<32x512xf32, #tpu.memory_space<vmem>>)
    %add3A_1791 = arith.constant 832 : i32
    %add3A_1792 = arith.addi %mul3A_2, %add3A_1791 : i32
    %dma_start3A_1793 = arith.constant 2 : i32
    %dma_start3A_1794 = arith.constant 2 : i32
    %dma_start3A_1795 = arith.constant 0 : i32
    %dma_start3A_1796 = arith.constant 0 : i32
    %dma_start3A_1797 = tpu.memref_slice %arg6[%dma_start3A_1793, %dma_start3A_1795, %dma_start3A_1796] : memref<4x32x512xf32, #tpu.memory_space<vmem>> -> memref<1x32x512xf32, #tpu.memory_space<vmem>>
    %dma_start3A_1798 = tpu.memref_squeeze %dma_start3A_1797 : memref<1x32x512xf32, #tpu.memory_space<vmem>> -> memref<32x512xf32, #tpu.memory_space<vmem>>
    %dma_start3A_1799 = arith.constant 0 : i32
    %dma_start3A_1800 = tpu.memref_slice %arg4[%add3A_1792, %dma_start3A_1799] : memref<32768x512xf32, #tpu.memory_space<hbm>> -> memref<32x512xf32, #tpu.memory_space<hbm>>
    %dma_start3A_1801 = tpu.memref_slice %arg9[%dma_start3A_1794] : memref<4x!tpu.dma_semaphore, #tpu.memory_space<semaphore_mem>> -> memref<1x!tpu.dma_semaphore, #tpu.memory_space<semaphore_mem>>
    %dma_start3A_1802 = tpu.memref_squeeze %dma_start3A_1801 : memref<1x!tpu.dma_semaphore, #tpu.memory_space<semaphore_mem>> -> memref<!tpu.dma_semaphore, #tpu.memory_space<semaphore_mem>>
    %dma_start3A_1803 = arith.constant 0 : i32
    %dma_start3A_1804 = tpu.memref_slice %arg4[%add3A_1792, %dma_start3A_1803] : memref<32768x512xf32, #tpu.memory_space<hbm>> -> memref<32x512xf32, #tpu.memory_space<hbm>>
    %dma_start3A_1805 = arith.constant 0 : i32
    %dma_start3A_1806 = arith.constant 0 : i32
    %dma_start3A_1807 = tpu.memref_slice %arg6[%dma_start3A_1793, %dma_start3A_1805, %dma_start3A_1806] : memref<4x32x512xf32, #tpu.memory_space<vmem>> -> memref<1x32x512xf32, #tpu.memory_space<vmem>>
    %dma_start3A_1808 = tpu.memref_squeeze %dma_start3A_1807 : memref<1x32x512xf32, #tpu.memory_space<vmem>> -> memref<32x512xf32, #tpu.memory_space<vmem>>
    tpu.enqueue_dma source(%dma_start3A_1808 : memref<32x512xf32, #tpu.memory_space<vmem>>) target(%dma_start3A_1804 : memref<32x512xf32, #tpu.memory_space<hbm>>) target_semaphore(%dma_start3A_1802 : memref<!tpu.dma_semaphore, #tpu.memory_space<semaphore_mem>>)
    %dma_wait3A_1809 = arith.constant 0 : i32
    %dma_wait3A_1810 = arith.constant 0 : i32
    %dma_wait3A_1811 = arith.constant 0 : i32
    %dma_wait3A_1812 = arith.constant 0 : i32
    %dma_wait3A_1813 = tpu.memref_slice %arg6[%dma_wait3A_1809, %dma_wait3A_1811, %dma_wait3A_1812] : memref<4x32x512xf32, #tpu.memory_space<vmem>> -> memref<1x32x512xf32, #tpu.memory_space<vmem>>
    %dma_wait3A_1814 = tpu.memref_squeeze %dma_wait3A_1813 : memref<1x32x512xf32, #tpu.memory_space<vmem>> -> memref<32x512xf32, #tpu.memory_space<vmem>>
    %dma_wait3A_1815 = arith.constant 0 : i32
    %dma_wait3A_1816 = tpu.memref_slice %arg4[%add3A_1656, %dma_wait3A_1815] : memref<32768x512xf32, #tpu.memory_space<hbm>> -> memref<32x512xf32, #tpu.memory_space<hbm>>
    %dma_wait3A_1817 = tpu.memref_slice %arg9[%dma_wait3A_1810] : memref<4x!tpu.dma_semaphore, #tpu.memory_space<semaphore_mem>> -> memref<1x!tpu.dma_semaphore, #tpu.memory_space<semaphore_mem>>
    %dma_wait3A_1818 = tpu.memref_squeeze %dma_wait3A_1817 : memref<1x!tpu.dma_semaphore, #tpu.memory_space<semaphore_mem>> -> memref<!tpu.dma_semaphore, #tpu.memory_space<semaphore_mem>>
    %dma_wait3A_1819 = arith.constant 0 : i32
    %dma_wait3A_1820 = tpu.memref_slice %arg4[%add3A_1656, %dma_wait3A_1819] : memref<32768x512xf32, #tpu.memory_space<hbm>> -> memref<32x512xf32, #tpu.memory_space<hbm>>
    %dma_wait3A_1821 = arith.constant 0 : i32
    %dma_wait3A_1822 = arith.constant 0 : i32
    %dma_wait3A_1823 = tpu.memref_slice %arg6[%dma_wait3A_1809, %dma_wait3A_1821, %dma_wait3A_1822] : memref<4x32x512xf32, #tpu.memory_space<vmem>> -> memref<1x32x512xf32, #tpu.memory_space<vmem>>
    %dma_wait3A_1824 = tpu.memref_squeeze %dma_wait3A_1823 : memref<1x32x512xf32, #tpu.memory_space<vmem>> -> memref<32x512xf32, #tpu.memory_space<vmem>>
    tpu.wait_dma2 semaphore(%dma_wait3A_1818 : memref<!tpu.dma_semaphore, #tpu.memory_space<semaphore_mem>>) src(%dma_wait3A_1824 : memref<32x512xf32, #tpu.memory_space<vmem>>) dst(%dma_wait3A_1820 : memref<32x512xf32, #tpu.memory_space<hbm>>)
    %add3A_1825 = arith.constant 896 : i32
    %add3A_1826 = arith.addi %mul3A_2, %add3A_1825 : i32
    %dma_start3A_1827 = arith.constant 0 : i32
    %dma_start3A_1828 = arith.constant 0 : i32
    %dma_start3A_1829 = arith.constant 0 : i32
    %dma_start3A_1830 = arith.constant 0 : i32
    %dma_start3A_1831 = tpu.memref_slice %arg6[%dma_start3A_1827, %dma_start3A_1829, %dma_start3A_1830] : memref<4x32x512xf32, #tpu.memory_space<vmem>> -> memref<1x32x512xf32, #tpu.memory_space<vmem>>
    %dma_start3A_1832 = tpu.memref_squeeze %dma_start3A_1831 : memref<1x32x512xf32, #tpu.memory_space<vmem>> -> memref<32x512xf32, #tpu.memory_space<vmem>>
    %dma_start3A_1833 = arith.constant 0 : i32
    %dma_start3A_1834 = tpu.memref_slice %arg2[%add3A_1826, %dma_start3A_1833] : memref<32768x512xf32, #tpu.memory_space<hbm>> -> memref<32x512xf32, #tpu.memory_space<hbm>>
    %dma_start3A_1835 = tpu.memref_slice %arg8[%dma_start3A_1828] : memref<4x!tpu.dma_semaphore, #tpu.memory_space<semaphore_mem>> -> memref<1x!tpu.dma_semaphore, #tpu.memory_space<semaphore_mem>>
    %dma_start3A_1836 = tpu.memref_squeeze %dma_start3A_1835 : memref<1x!tpu.dma_semaphore, #tpu.memory_space<semaphore_mem>> -> memref<!tpu.dma_semaphore, #tpu.memory_space<semaphore_mem>>
    %dma_start3A_1837 = arith.constant 0 : i32
    %dma_start3A_1838 = arith.constant 0 : i32
    %dma_start3A_1839 = tpu.memref_slice %arg6[%dma_start3A_1827, %dma_start3A_1837, %dma_start3A_1838] : memref<4x32x512xf32, #tpu.memory_space<vmem>> -> memref<1x32x512xf32, #tpu.memory_space<vmem>>
    %dma_start3A_1840 = tpu.memref_squeeze %dma_start3A_1839 : memref<1x32x512xf32, #tpu.memory_space<vmem>> -> memref<32x512xf32, #tpu.memory_space<vmem>>
    %dma_start3A_1841 = arith.constant 0 : i32
    %dma_start3A_1842 = tpu.memref_slice %arg2[%add3A_1826, %dma_start3A_1841] : memref<32768x512xf32, #tpu.memory_space<hbm>> -> memref<32x512xf32, #tpu.memory_space<hbm>>
    tpu.enqueue_dma source(%dma_start3A_1842 : memref<32x512xf32, #tpu.memory_space<hbm>>) target(%dma_start3A_1840 : memref<32x512xf32, #tpu.memory_space<vmem>>) target_semaphore(%dma_start3A_1836 : memref<!tpu.dma_semaphore, #tpu.memory_space<semaphore_mem>>)
    %dma_wait3A_1843 = arith.constant 3 : i32
    %dma_wait3A_1844 = arith.constant 3 : i32
    %dma_wait3A_1845 = arith.constant 0 : i32
    %dma_wait3A_1846 = arith.constant 0 : i32
    %dma_wait3A_1847 = tpu.memref_slice %arg6[%dma_wait3A_1843, %dma_wait3A_1845, %dma_wait3A_1846] : memref<4x32x512xf32, #tpu.memory_space<vmem>> -> memref<1x32x512xf32, #tpu.memory_space<vmem>>
    %dma_wait3A_1848 = tpu.memref_squeeze %dma_wait3A_1847 : memref<1x32x512xf32, #tpu.memory_space<vmem>> -> memref<32x512xf32, #tpu.memory_space<vmem>>
    %dma_wait3A_1849 = arith.constant 0 : i32
    %dma_wait3A_1850 = tpu.memref_slice %arg2[%add3A_1758, %dma_wait3A_1849] : memref<32768x512xf32, #tpu.memory_space<hbm>> -> memref<32x512xf32, #tpu.memory_space<hbm>>
    %dma_wait3A_1851 = tpu.memref_slice %arg8[%dma_wait3A_1844] : memref<4x!tpu.dma_semaphore, #tpu.memory_space<semaphore_mem>> -> memref<1x!tpu.dma_semaphore, #tpu.memory_space<semaphore_mem>>
    %dma_wait3A_1852 = tpu.memref_squeeze %dma_wait3A_1851 : memref<1x!tpu.dma_semaphore, #tpu.memory_space<semaphore_mem>> -> memref<!tpu.dma_semaphore, #tpu.memory_space<semaphore_mem>>
    %dma_wait3A_1853 = arith.constant 0 : i32
    %dma_wait3A_1854 = arith.constant 0 : i32
    %dma_wait3A_1855 = tpu.memref_slice %arg6[%dma_wait3A_1843, %dma_wait3A_1853, %dma_wait3A_1854] : memref<4x32x512xf32, #tpu.memory_space<vmem>> -> memref<1x32x512xf32, #tpu.memory_space<vmem>>
    %dma_wait3A_1856 = tpu.memref_squeeze %dma_wait3A_1855 : memref<1x32x512xf32, #tpu.memory_space<vmem>> -> memref<32x512xf32, #tpu.memory_space<vmem>>
    %dma_wait3A_1857 = arith.constant 0 : i32
    %dma_wait3A_1858 = tpu.memref_slice %arg2[%add3A_1758, %dma_wait3A_1857] : memref<32768x512xf32, #tpu.memory_space<hbm>> -> memref<32x512xf32, #tpu.memory_space<hbm>>
    tpu.wait_dma2 semaphore(%dma_wait3A_1852 : memref<!tpu.dma_semaphore, #tpu.memory_space<semaphore_mem>>) src(%dma_wait3A_1858 : memref<32x512xf32, #tpu.memory_space<hbm>>) dst(%dma_wait3A_1856 : memref<32x512xf32, #tpu.memory_space<vmem>>)
    %add3A_1859 = arith.constant 864 : i32
    %add3A_1860 = arith.addi %mul3A_2, %add3A_1859 : i32
    %dma_start3A_1861 = arith.constant 3 : i32
    %dma_start3A_1862 = arith.constant 3 : i32
    %dma_start3A_1863 = arith.constant 0 : i32
    %dma_start3A_1864 = arith.constant 0 : i32
    %dma_start3A_1865 = tpu.memref_slice %arg6[%dma_start3A_1861, %dma_start3A_1863, %dma_start3A_1864] : memref<4x32x512xf32, #tpu.memory_space<vmem>> -> memref<1x32x512xf32, #tpu.memory_space<vmem>>
    %dma_start3A_1866 = tpu.memref_squeeze %dma_start3A_1865 : memref<1x32x512xf32, #tpu.memory_space<vmem>> -> memref<32x512xf32, #tpu.memory_space<vmem>>
    %dma_start3A_1867 = arith.constant 0 : i32
    %dma_start3A_1868 = tpu.memref_slice %arg4[%add3A_1860, %dma_start3A_1867] : memref<32768x512xf32, #tpu.memory_space<hbm>> -> memref<32x512xf32, #tpu.memory_space<hbm>>
    %dma_start3A_1869 = tpu.memref_slice %arg9[%dma_start3A_1862] : memref<4x!tpu.dma_semaphore, #tpu.memory_space<semaphore_mem>> -> memref<1x!tpu.dma_semaphore, #tpu.memory_space<semaphore_mem>>
    %dma_start3A_1870 = tpu.memref_squeeze %dma_start3A_1869 : memref<1x!tpu.dma_semaphore, #tpu.memory_space<semaphore_mem>> -> memref<!tpu.dma_semaphore, #tpu.memory_space<semaphore_mem>>
    %dma_start3A_1871 = arith.constant 0 : i32
    %dma_start3A_1872 = tpu.memref_slice %arg4[%add3A_1860, %dma_start3A_1871] : memref<32768x512xf32, #tpu.memory_space<hbm>> -> memref<32x512xf32, #tpu.memory_space<hbm>>
    %dma_start3A_1873 = arith.constant 0 : i32
    %dma_start3A_1874 = arith.constant 0 : i32
    %dma_start3A_1875 = tpu.memref_slice %arg6[%dma_start3A_1861, %dma_start3A_1873, %dma_start3A_1874] : memref<4x32x512xf32, #tpu.memory_space<vmem>> -> memref<1x32x512xf32, #tpu.memory_space<vmem>>
    %dma_start3A_1876 = tpu.memref_squeeze %dma_start3A_1875 : memref<1x32x512xf32, #tpu.memory_space<vmem>> -> memref<32x512xf32, #tpu.memory_space<vmem>>
    tpu.enqueue_dma source(%dma_start3A_1876 : memref<32x512xf32, #tpu.memory_space<vmem>>) target(%dma_start3A_1872 : memref<32x512xf32, #tpu.memory_space<hbm>>) target_semaphore(%dma_start3A_1870 : memref<!tpu.dma_semaphore, #tpu.memory_space<semaphore_mem>>)
    %dma_wait3A_1877 = arith.constant 1 : i32
    %dma_wait3A_1878 = arith.constant 1 : i32
    %dma_wait3A_1879 = arith.constant 0 : i32
    %dma_wait3A_1880 = arith.constant 0 : i32
    %dma_wait3A_1881 = tpu.memref_slice %arg6[%dma_wait3A_1877, %dma_wait3A_1879, %dma_wait3A_1880] : memref<4x32x512xf32, #tpu.memory_space<vmem>> -> memref<1x32x512xf32, #tpu.memory_space<vmem>>
    %dma_wait3A_1882 = tpu.memref_squeeze %dma_wait3A_1881 : memref<1x32x512xf32, #tpu.memory_space<vmem>> -> memref<32x512xf32, #tpu.memory_space<vmem>>
    %dma_wait3A_1883 = arith.constant 0 : i32
    %dma_wait3A_1884 = tpu.memref_slice %arg4[%add3A_1724, %dma_wait3A_1883] : memref<32768x512xf32, #tpu.memory_space<hbm>> -> memref<32x512xf32, #tpu.memory_space<hbm>>
    %dma_wait3A_1885 = tpu.memref_slice %arg9[%dma_wait3A_1878] : memref<4x!tpu.dma_semaphore, #tpu.memory_space<semaphore_mem>> -> memref<1x!tpu.dma_semaphore, #tpu.memory_space<semaphore_mem>>
    %dma_wait3A_1886 = tpu.memref_squeeze %dma_wait3A_1885 : memref<1x!tpu.dma_semaphore, #tpu.memory_space<semaphore_mem>> -> memref<!tpu.dma_semaphore, #tpu.memory_space<semaphore_mem>>
    %dma_wait3A_1887 = arith.constant 0 : i32
    %dma_wait3A_1888 = tpu.memref_slice %arg4[%add3A_1724, %dma_wait3A_1887] : memref<32768x512xf32, #tpu.memory_space<hbm>> -> memref<32x512xf32, #tpu.memory_space<hbm>>
    %dma_wait3A_1889 = arith.constant 0 : i32
    %dma_wait3A_1890 = arith.constant 0 : i32
    %dma_wait3A_1891 = tpu.memref_slice %arg6[%dma_wait3A_1877, %dma_wait3A_1889, %dma_wait3A_1890] : memref<4x32x512xf32, #tpu.memory_space<vmem>> -> memref<1x32x512xf32, #tpu.memory_space<vmem>>
    %dma_wait3A_1892 = tpu.memref_squeeze %dma_wait3A_1891 : memref<1x32x512xf32, #tpu.memory_space<vmem>> -> memref<32x512xf32, #tpu.memory_space<vmem>>
    tpu.wait_dma2 semaphore(%dma_wait3A_1886 : memref<!tpu.dma_semaphore, #tpu.memory_space<semaphore_mem>>) src(%dma_wait3A_1892 : memref<32x512xf32, #tpu.memory_space<vmem>>) dst(%dma_wait3A_1888 : memref<32x512xf32, #tpu.memory_space<hbm>>)
    %add3A_1893 = arith.constant 928 : i32
    %add3A_1894 = arith.addi %mul3A_2, %add3A_1893 : i32
    %dma_start3A_1895 = arith.constant 1 : i32
    %dma_start3A_1896 = arith.constant 1 : i32
    %dma_start3A_1897 = arith.constant 0 : i32
    %dma_start3A_1898 = arith.constant 0 : i32
    %dma_start3A_1899 = tpu.memref_slice %arg6[%dma_start3A_1895, %dma_start3A_1897, %dma_start3A_1898] : memref<4x32x512xf32, #tpu.memory_space<vmem>> -> memref<1x32x512xf32, #tpu.memory_space<vmem>>
    %dma_start3A_1900 = tpu.memref_squeeze %dma_start3A_1899 : memref<1x32x512xf32, #tpu.memory_space<vmem>> -> memref<32x512xf32, #tpu.memory_space<vmem>>
    %dma_start3A_1901 = arith.constant 0 : i32
    %dma_start3A_1902 = tpu.memref_slice %arg2[%add3A_1894, %dma_start3A_1901] : memref<32768x512xf32, #tpu.memory_space<hbm>> -> memref<32x512xf32, #tpu.memory_space<hbm>>
    %dma_start3A_1903 = tpu.memref_slice %arg8[%dma_start3A_1896] : memref<4x!tpu.dma_semaphore, #tpu.memory_space<semaphore_mem>> -> memref<1x!tpu.dma_semaphore, #tpu.memory_space<semaphore_mem>>
    %dma_start3A_1904 = tpu.memref_squeeze %dma_start3A_1903 : memref<1x!tpu.dma_semaphore, #tpu.memory_space<semaphore_mem>> -> memref<!tpu.dma_semaphore, #tpu.memory_space<semaphore_mem>>
    %dma_start3A_1905 = arith.constant 0 : i32
    %dma_start3A_1906 = arith.constant 0 : i32
    %dma_start3A_1907 = tpu.memref_slice %arg6[%dma_start3A_1895, %dma_start3A_1905, %dma_start3A_1906] : memref<4x32x512xf32, #tpu.memory_space<vmem>> -> memref<1x32x512xf32, #tpu.memory_space<vmem>>
    %dma_start3A_1908 = tpu.memref_squeeze %dma_start3A_1907 : memref<1x32x512xf32, #tpu.memory_space<vmem>> -> memref<32x512xf32, #tpu.memory_space<vmem>>
    %dma_start3A_1909 = arith.constant 0 : i32
    %dma_start3A_1910 = tpu.memref_slice %arg2[%add3A_1894, %dma_start3A_1909] : memref<32768x512xf32, #tpu.memory_space<hbm>> -> memref<32x512xf32, #tpu.memory_space<hbm>>
    tpu.enqueue_dma source(%dma_start3A_1910 : memref<32x512xf32, #tpu.memory_space<hbm>>) target(%dma_start3A_1908 : memref<32x512xf32, #tpu.memory_space<vmem>>) target_semaphore(%dma_start3A_1904 : memref<!tpu.dma_semaphore, #tpu.memory_space<semaphore_mem>>)
    %dma_wait3A_1911 = arith.constant 0 : i32
    %dma_wait3A_1912 = arith.constant 0 : i32
    %dma_wait3A_1913 = arith.constant 0 : i32
    %dma_wait3A_1914 = arith.constant 0 : i32
    %dma_wait3A_1915 = tpu.memref_slice %arg6[%dma_wait3A_1911, %dma_wait3A_1913, %dma_wait3A_1914] : memref<4x32x512xf32, #tpu.memory_space<vmem>> -> memref<1x32x512xf32, #tpu.memory_space<vmem>>
    %dma_wait3A_1916 = tpu.memref_squeeze %dma_wait3A_1915 : memref<1x32x512xf32, #tpu.memory_space<vmem>> -> memref<32x512xf32, #tpu.memory_space<vmem>>
    %dma_wait3A_1917 = arith.constant 0 : i32
    %dma_wait3A_1918 = tpu.memref_slice %arg2[%add3A_1826, %dma_wait3A_1917] : memref<32768x512xf32, #tpu.memory_space<hbm>> -> memref<32x512xf32, #tpu.memory_space<hbm>>
    %dma_wait3A_1919 = tpu.memref_slice %arg8[%dma_wait3A_1912] : memref<4x!tpu.dma_semaphore, #tpu.memory_space<semaphore_mem>> -> memref<1x!tpu.dma_semaphore, #tpu.memory_space<semaphore_mem>>
    %dma_wait3A_1920 = tpu.memref_squeeze %dma_wait3A_1919 : memref<1x!tpu.dma_semaphore, #tpu.memory_space<semaphore_mem>> -> memref<!tpu.dma_semaphore, #tpu.memory_space<semaphore_mem>>
    %dma_wait3A_1921 = arith.constant 0 : i32
    %dma_wait3A_1922 = arith.constant 0 : i32
    %dma_wait3A_1923 = tpu.memref_slice %arg6[%dma_wait3A_1911, %dma_wait3A_1921, %dma_wait3A_1922] : memref<4x32x512xf32, #tpu.memory_space<vmem>> -> memref<1x32x512xf32, #tpu.memory_space<vmem>>
    %dma_wait3A_1924 = tpu.memref_squeeze %dma_wait3A_1923 : memref<1x32x512xf32, #tpu.memory_space<vmem>> -> memref<32x512xf32, #tpu.memory_space<vmem>>
    %dma_wait3A_1925 = arith.constant 0 : i32
    %dma_wait3A_1926 = tpu.memref_slice %arg2[%add3A_1826, %dma_wait3A_1925] : memref<32768x512xf32, #tpu.memory_space<hbm>> -> memref<32x512xf32, #tpu.memory_space<hbm>>
    tpu.wait_dma2 semaphore(%dma_wait3A_1920 : memref<!tpu.dma_semaphore, #tpu.memory_space<semaphore_mem>>) src(%dma_wait3A_1926 : memref<32x512xf32, #tpu.memory_space<hbm>>) dst(%dma_wait3A_1924 : memref<32x512xf32, #tpu.memory_space<vmem>>)
    %add3A_1927 = arith.constant 896 : i32
    %add3A_1928 = arith.addi %mul3A_2, %add3A_1927 : i32
    %dma_start3A_1929 = arith.constant 0 : i32
    %dma_start3A_1930 = arith.constant 0 : i32
    %dma_start3A_1931 = arith.constant 0 : i32
    %dma_start3A_1932 = arith.constant 0 : i32
    %dma_start3A_1933 = tpu.memref_slice %arg6[%dma_start3A_1929, %dma_start3A_1931, %dma_start3A_1932] : memref<4x32x512xf32, #tpu.memory_space<vmem>> -> memref<1x32x512xf32, #tpu.memory_space<vmem>>
    %dma_start3A_1934 = tpu.memref_squeeze %dma_start3A_1933 : memref<1x32x512xf32, #tpu.memory_space<vmem>> -> memref<32x512xf32, #tpu.memory_space<vmem>>
    %dma_start3A_1935 = arith.constant 0 : i32
    %dma_start3A_1936 = tpu.memref_slice %arg4[%add3A_1928, %dma_start3A_1935] : memref<32768x512xf32, #tpu.memory_space<hbm>> -> memref<32x512xf32, #tpu.memory_space<hbm>>
    %dma_start3A_1937 = tpu.memref_slice %arg9[%dma_start3A_1930] : memref<4x!tpu.dma_semaphore, #tpu.memory_space<semaphore_mem>> -> memref<1x!tpu.dma_semaphore, #tpu.memory_space<semaphore_mem>>
    %dma_start3A_1938 = tpu.memref_squeeze %dma_start3A_1937 : memref<1x!tpu.dma_semaphore, #tpu.memory_space<semaphore_mem>> -> memref<!tpu.dma_semaphore, #tpu.memory_space<semaphore_mem>>
    %dma_start3A_1939 = arith.constant 0 : i32
    %dma_start3A_1940 = tpu.memref_slice %arg4[%add3A_1928, %dma_start3A_1939] : memref<32768x512xf32, #tpu.memory_space<hbm>> -> memref<32x512xf32, #tpu.memory_space<hbm>>
    %dma_start3A_1941 = arith.constant 0 : i32
    %dma_start3A_1942 = arith.constant 0 : i32
    %dma_start3A_1943 = tpu.memref_slice %arg6[%dma_start3A_1929, %dma_start3A_1941, %dma_start3A_1942] : memref<4x32x512xf32, #tpu.memory_space<vmem>> -> memref<1x32x512xf32, #tpu.memory_space<vmem>>
    %dma_start3A_1944 = tpu.memref_squeeze %dma_start3A_1943 : memref<1x32x512xf32, #tpu.memory_space<vmem>> -> memref<32x512xf32, #tpu.memory_space<vmem>>
    tpu.enqueue_dma source(%dma_start3A_1944 : memref<32x512xf32, #tpu.memory_space<vmem>>) target(%dma_start3A_1940 : memref<32x512xf32, #tpu.memory_space<hbm>>) target_semaphore(%dma_start3A_1938 : memref<!tpu.dma_semaphore, #tpu.memory_space<semaphore_mem>>)
    %dma_wait3A_1945 = arith.constant 2 : i32
    %dma_wait3A_1946 = arith.constant 2 : i32
    %dma_wait3A_1947 = arith.constant 0 : i32
    %dma_wait3A_1948 = arith.constant 0 : i32
    %dma_wait3A_1949 = tpu.memref_slice %arg6[%dma_wait3A_1945, %dma_wait3A_1947, %dma_wait3A_1948] : memref<4x32x512xf32, #tpu.memory_space<vmem>> -> memref<1x32x512xf32, #tpu.memory_space<vmem>>
    %dma_wait3A_1950 = tpu.memref_squeeze %dma_wait3A_1949 : memref<1x32x512xf32, #tpu.memory_space<vmem>> -> memref<32x512xf32, #tpu.memory_space<vmem>>
    %dma_wait3A_1951 = arith.constant 0 : i32
    %dma_wait3A_1952 = tpu.memref_slice %arg4[%add3A_1792, %dma_wait3A_1951] : memref<32768x512xf32, #tpu.memory_space<hbm>> -> memref<32x512xf32, #tpu.memory_space<hbm>>
    %dma_wait3A_1953 = tpu.memref_slice %arg9[%dma_wait3A_1946] : memref<4x!tpu.dma_semaphore, #tpu.memory_space<semaphore_mem>> -> memref<1x!tpu.dma_semaphore, #tpu.memory_space<semaphore_mem>>
    %dma_wait3A_1954 = tpu.memref_squeeze %dma_wait3A_1953 : memref<1x!tpu.dma_semaphore, #tpu.memory_space<semaphore_mem>> -> memref<!tpu.dma_semaphore, #tpu.memory_space<semaphore_mem>>
    %dma_wait3A_1955 = arith.constant 0 : i32
    %dma_wait3A_1956 = tpu.memref_slice %arg4[%add3A_1792, %dma_wait3A_1955] : memref<32768x512xf32, #tpu.memory_space<hbm>> -> memref<32x512xf32, #tpu.memory_space<hbm>>
    %dma_wait3A_1957 = arith.constant 0 : i32
    %dma_wait3A_1958 = arith.constant 0 : i32
    %dma_wait3A_1959 = tpu.memref_slice %arg6[%dma_wait3A_1945, %dma_wait3A_1957, %dma_wait3A_1958] : memref<4x32x512xf32, #tpu.memory_space<vmem>> -> memref<1x32x512xf32, #tpu.memory_space<vmem>>
    %dma_wait3A_1960 = tpu.memref_squeeze %dma_wait3A_1959 : memref<1x32x512xf32, #tpu.memory_space<vmem>> -> memref<32x512xf32, #tpu.memory_space<vmem>>
    tpu.wait_dma2 semaphore(%dma_wait3A_1954 : memref<!tpu.dma_semaphore, #tpu.memory_space<semaphore_mem>>) src(%dma_wait3A_1960 : memref<32x512xf32, #tpu.memory_space<vmem>>) dst(%dma_wait3A_1956 : memref<32x512xf32, #tpu.memory_space<hbm>>)
    %add3A_1961 = arith.constant 960 : i32
    %add3A_1962 = arith.addi %mul3A_2, %add3A_1961 : i32
    %dma_start3A_1963 = arith.constant 2 : i32
    %dma_start3A_1964 = arith.constant 2 : i32
    %dma_start3A_1965 = arith.constant 0 : i32
    %dma_start3A_1966 = arith.constant 0 : i32
    %dma_start3A_1967 = tpu.memref_slice %arg6[%dma_start3A_1963, %dma_start3A_1965, %dma_start3A_1966] : memref<4x32x512xf32, #tpu.memory_space<vmem>> -> memref<1x32x512xf32, #tpu.memory_space<vmem>>
    %dma_start3A_1968 = tpu.memref_squeeze %dma_start3A_1967 : memref<1x32x512xf32, #tpu.memory_space<vmem>> -> memref<32x512xf32, #tpu.memory_space<vmem>>
    %dma_start3A_1969 = arith.constant 0 : i32
    %dma_start3A_1970 = tpu.memref_slice %arg2[%add3A_1962, %dma_start3A_1969] : memref<32768x512xf32, #tpu.memory_space<hbm>> -> memref<32x512xf32, #tpu.memory_space<hbm>>
    %dma_start3A_1971 = tpu.memref_slice %arg8[%dma_start3A_1964] : memref<4x!tpu.dma_semaphore, #tpu.memory_space<semaphore_mem>> -> memref<1x!tpu.dma_semaphore, #tpu.memory_space<semaphore_mem>>
    %dma_start3A_1972 = tpu.memref_squeeze %dma_start3A_1971 : memref<1x!tpu.dma_semaphore, #tpu.memory_space<semaphore_mem>> -> memref<!tpu.dma_semaphore, #tpu.memory_space<semaphore_mem>>
    %dma_start3A_1973 = arith.constant 0 : i32
    %dma_start3A_1974 = arith.constant 0 : i32
    %dma_start3A_1975 = tpu.memref_slice %arg6[%dma_start3A_1963, %dma_start3A_1973, %dma_start3A_1974] : memref<4x32x512xf32, #tpu.memory_space<vmem>> -> memref<1x32x512xf32, #tpu.memory_space<vmem>>
    %dma_start3A_1976 = tpu.memref_squeeze %dma_start3A_1975 : memref<1x32x512xf32, #tpu.memory_space<vmem>> -> memref<32x512xf32, #tpu.memory_space<vmem>>
    %dma_start3A_1977 = arith.constant 0 : i32
    %dma_start3A_1978 = tpu.memref_slice %arg2[%add3A_1962, %dma_start3A_1977] : memref<32768x512xf32, #tpu.memory_space<hbm>> -> memref<32x512xf32, #tpu.memory_space<hbm>>
    tpu.enqueue_dma source(%dma_start3A_1978 : memref<32x512xf32, #tpu.memory_space<hbm>>) target(%dma_start3A_1976 : memref<32x512xf32, #tpu.memory_space<vmem>>) target_semaphore(%dma_start3A_1972 : memref<!tpu.dma_semaphore, #tpu.memory_space<semaphore_mem>>)
    %dma_wait3A_1979 = arith.constant 1 : i32
    %dma_wait3A_1980 = arith.constant 1 : i32
    %dma_wait3A_1981 = arith.constant 0 : i32
    %dma_wait3A_1982 = arith.constant 0 : i32
    %dma_wait3A_1983 = tpu.memref_slice %arg6[%dma_wait3A_1979, %dma_wait3A_1981, %dma_wait3A_1982] : memref<4x32x512xf32, #tpu.memory_space<vmem>> -> memref<1x32x512xf32, #tpu.memory_space<vmem>>
    %dma_wait3A_1984 = tpu.memref_squeeze %dma_wait3A_1983 : memref<1x32x512xf32, #tpu.memory_space<vmem>> -> memref<32x512xf32, #tpu.memory_space<vmem>>
    %dma_wait3A_1985 = arith.constant 0 : i32
    %dma_wait3A_1986 = tpu.memref_slice %arg2[%add3A_1894, %dma_wait3A_1985] : memref<32768x512xf32, #tpu.memory_space<hbm>> -> memref<32x512xf32, #tpu.memory_space<hbm>>
    %dma_wait3A_1987 = tpu.memref_slice %arg8[%dma_wait3A_1980] : memref<4x!tpu.dma_semaphore, #tpu.memory_space<semaphore_mem>> -> memref<1x!tpu.dma_semaphore, #tpu.memory_space<semaphore_mem>>
    %dma_wait3A_1988 = tpu.memref_squeeze %dma_wait3A_1987 : memref<1x!tpu.dma_semaphore, #tpu.memory_space<semaphore_mem>> -> memref<!tpu.dma_semaphore, #tpu.memory_space<semaphore_mem>>
    %dma_wait3A_1989 = arith.constant 0 : i32
    %dma_wait3A_1990 = arith.constant 0 : i32
    %dma_wait3A_1991 = tpu.memref_slice %arg6[%dma_wait3A_1979, %dma_wait3A_1989, %dma_wait3A_1990] : memref<4x32x512xf32, #tpu.memory_space<vmem>> -> memref<1x32x512xf32, #tpu.memory_space<vmem>>
    %dma_wait3A_1992 = tpu.memref_squeeze %dma_wait3A_1991 : memref<1x32x512xf32, #tpu.memory_space<vmem>> -> memref<32x512xf32, #tpu.memory_space<vmem>>
    %dma_wait3A_1993 = arith.constant 0 : i32
    %dma_wait3A_1994 = tpu.memref_slice %arg2[%add3A_1894, %dma_wait3A_1993] : memref<32768x512xf32, #tpu.memory_space<hbm>> -> memref<32x512xf32, #tpu.memory_space<hbm>>
    tpu.wait_dma2 semaphore(%dma_wait3A_1988 : memref<!tpu.dma_semaphore, #tpu.memory_space<semaphore_mem>>) src(%dma_wait3A_1994 : memref<32x512xf32, #tpu.memory_space<hbm>>) dst(%dma_wait3A_1992 : memref<32x512xf32, #tpu.memory_space<vmem>>)
    %add3A_1995 = arith.constant 928 : i32
    %add3A_1996 = arith.addi %mul3A_2, %add3A_1995 : i32
    %dma_start3A_1997 = arith.constant 1 : i32
    %dma_start3A_1998 = arith.constant 1 : i32
    %dma_start3A_1999 = arith.constant 0 : i32
    %dma_start3A_2000 = arith.constant 0 : i32
    %dma_start3A_2001 = tpu.memref_slice %arg6[%dma_start3A_1997, %dma_start3A_1999, %dma_start3A_2000] : memref<4x32x512xf32, #tpu.memory_space<vmem>> -> memref<1x32x512xf32, #tpu.memory_space<vmem>>
    %dma_start3A_2002 = tpu.memref_squeeze %dma_start3A_2001 : memref<1x32x512xf32, #tpu.memory_space<vmem>> -> memref<32x512xf32, #tpu.memory_space<vmem>>
    %dma_start3A_2003 = arith.constant 0 : i32
    %dma_start3A_2004 = tpu.memref_slice %arg4[%add3A_1996, %dma_start3A_2003] : memref<32768x512xf32, #tpu.memory_space<hbm>> -> memref<32x512xf32, #tpu.memory_space<hbm>>
    %dma_start3A_2005 = tpu.memref_slice %arg9[%dma_start3A_1998] : memref<4x!tpu.dma_semaphore, #tpu.memory_space<semaphore_mem>> -> memref<1x!tpu.dma_semaphore, #tpu.memory_space<semaphore_mem>>
    %dma_start3A_2006 = tpu.memref_squeeze %dma_start3A_2005 : memref<1x!tpu.dma_semaphore, #tpu.memory_space<semaphore_mem>> -> memref<!tpu.dma_semaphore, #tpu.memory_space<semaphore_mem>>
    %dma_start3A_2007 = arith.constant 0 : i32
    %dma_start3A_2008 = tpu.memref_slice %arg4[%add3A_1996, %dma_start3A_2007] : memref<32768x512xf32, #tpu.memory_space<hbm>> -> memref<32x512xf32, #tpu.memory_space<hbm>>
    %dma_start3A_2009 = arith.constant 0 : i32
    %dma_start3A_2010 = arith.constant 0 : i32
    %dma_start3A_2011 = tpu.memref_slice %arg6[%dma_start3A_1997, %dma_start3A_2009, %dma_start3A_2010] : memref<4x32x512xf32, #tpu.memory_space<vmem>> -> memref<1x32x512xf32, #tpu.memory_space<vmem>>
    %dma_start3A_2012 = tpu.memref_squeeze %dma_start3A_2011 : memref<1x32x512xf32, #tpu.memory_space<vmem>> -> memref<32x512xf32, #tpu.memory_space<vmem>>
    tpu.enqueue_dma source(%dma_start3A_2012 : memref<32x512xf32, #tpu.memory_space<vmem>>) target(%dma_start3A_2008 : memref<32x512xf32, #tpu.memory_space<hbm>>) target_semaphore(%dma_start3A_2006 : memref<!tpu.dma_semaphore, #tpu.memory_space<semaphore_mem>>)
    %dma_wait3A_2013 = arith.constant 3 : i32
    %dma_wait3A_2014 = arith.constant 3 : i32
    %dma_wait3A_2015 = arith.constant 0 : i32
    %dma_wait3A_2016 = arith.constant 0 : i32
    %dma_wait3A_2017 = tpu.memref_slice %arg6[%dma_wait3A_2013, %dma_wait3A_2015, %dma_wait3A_2016] : memref<4x32x512xf32, #tpu.memory_space<vmem>> -> memref<1x32x512xf32, #tpu.memory_space<vmem>>
    %dma_wait3A_2018 = tpu.memref_squeeze %dma_wait3A_2017 : memref<1x32x512xf32, #tpu.memory_space<vmem>> -> memref<32x512xf32, #tpu.memory_space<vmem>>
    %dma_wait3A_2019 = arith.constant 0 : i32
    %dma_wait3A_2020 = tpu.memref_slice %arg4[%add3A_1860, %dma_wait3A_2019] : memref<32768x512xf32, #tpu.memory_space<hbm>> -> memref<32x512xf32, #tpu.memory_space<hbm>>
    %dma_wait3A_2021 = tpu.memref_slice %arg9[%dma_wait3A_2014] : memref<4x!tpu.dma_semaphore, #tpu.memory_space<semaphore_mem>> -> memref<1x!tpu.dma_semaphore, #tpu.memory_space<semaphore_mem>>
    %dma_wait3A_2022 = tpu.memref_squeeze %dma_wait3A_2021 : memref<1x!tpu.dma_semaphore, #tpu.memory_space<semaphore_mem>> -> memref<!tpu.dma_semaphore, #tpu.memory_space<semaphore_mem>>
    %dma_wait3A_2023 = arith.constant 0 : i32
    %dma_wait3A_2024 = tpu.memref_slice %arg4[%add3A_1860, %dma_wait3A_2023] : memref<32768x512xf32, #tpu.memory_space<hbm>> -> memref<32x512xf32, #tpu.memory_space<hbm>>
    %dma_wait3A_2025 = arith.constant 0 : i32
    %dma_wait3A_2026 = arith.constant 0 : i32
    %dma_wait3A_2027 = tpu.memref_slice %arg6[%dma_wait3A_2013, %dma_wait3A_2025, %dma_wait3A_2026] : memref<4x32x512xf32, #tpu.memory_space<vmem>> -> memref<1x32x512xf32, #tpu.memory_space<vmem>>
    %dma_wait3A_2028 = tpu.memref_squeeze %dma_wait3A_2027 : memref<1x32x512xf32, #tpu.memory_space<vmem>> -> memref<32x512xf32, #tpu.memory_space<vmem>>
    tpu.wait_dma2 semaphore(%dma_wait3A_2022 : memref<!tpu.dma_semaphore, #tpu.memory_space<semaphore_mem>>) src(%dma_wait3A_2028 : memref<32x512xf32, #tpu.memory_space<vmem>>) dst(%dma_wait3A_2024 : memref<32x512xf32, #tpu.memory_space<hbm>>)
    %add3A_2029 = arith.constant 992 : i32
    %add3A_2030 = arith.addi %mul3A_2, %add3A_2029 : i32
    %dma_start3A_2031 = arith.constant 3 : i32
    %dma_start3A_2032 = arith.constant 3 : i32
    %dma_start3A_2033 = arith.constant 0 : i32
    %dma_start3A_2034 = arith.constant 0 : i32
    %dma_start3A_2035 = tpu.memref_slice %arg6[%dma_start3A_2031, %dma_start3A_2033, %dma_start3A_2034] : memref<4x32x512xf32, #tpu.memory_space<vmem>> -> memref<1x32x512xf32, #tpu.memory_space<vmem>>
    %dma_start3A_2036 = tpu.memref_squeeze %dma_start3A_2035 : memref<1x32x512xf32, #tpu.memory_space<vmem>> -> memref<32x512xf32, #tpu.memory_space<vmem>>
    %dma_start3A_2037 = arith.constant 0 : i32
    %dma_start3A_2038 = tpu.memref_slice %arg2[%add3A_2030, %dma_start3A_2037] : memref<32768x512xf32, #tpu.memory_space<hbm>> -> memref<32x512xf32, #tpu.memory_space<hbm>>
    %dma_start3A_2039 = tpu.memref_slice %arg8[%dma_start3A_2032] : memref<4x!tpu.dma_semaphore, #tpu.memory_space<semaphore_mem>> -> memref<1x!tpu.dma_semaphore, #tpu.memory_space<semaphore_mem>>
    %dma_start3A_2040 = tpu.memref_squeeze %dma_start3A_2039 : memref<1x!tpu.dma_semaphore, #tpu.memory_space<semaphore_mem>> -> memref<!tpu.dma_semaphore, #tpu.memory_space<semaphore_mem>>
    %dma_start3A_2041 = arith.constant 0 : i32
    %dma_start3A_2042 = arith.constant 0 : i32
    %dma_start3A_2043 = tpu.memref_slice %arg6[%dma_start3A_2031, %dma_start3A_2041, %dma_start3A_2042] : memref<4x32x512xf32, #tpu.memory_space<vmem>> -> memref<1x32x512xf32, #tpu.memory_space<vmem>>
    %dma_start3A_2044 = tpu.memref_squeeze %dma_start3A_2043 : memref<1x32x512xf32, #tpu.memory_space<vmem>> -> memref<32x512xf32, #tpu.memory_space<vmem>>
    %dma_start3A_2045 = arith.constant 0 : i32
    %dma_start3A_2046 = tpu.memref_slice %arg2[%add3A_2030, %dma_start3A_2045] : memref<32768x512xf32, #tpu.memory_space<hbm>> -> memref<32x512xf32, #tpu.memory_space<hbm>>
    tpu.enqueue_dma source(%dma_start3A_2046 : memref<32x512xf32, #tpu.memory_space<hbm>>) target(%dma_start3A_2044 : memref<32x512xf32, #tpu.memory_space<vmem>>) target_semaphore(%dma_start3A_2040 : memref<!tpu.dma_semaphore, #tpu.memory_space<semaphore_mem>>)
    %dma_wait3A_2047 = arith.constant 2 : i32
    %dma_wait3A_2048 = arith.constant 2 : i32
    %dma_wait3A_2049 = arith.constant 0 : i32
    %dma_wait3A_2050 = arith.constant 0 : i32
    %dma_wait3A_2051 = tpu.memref_slice %arg6[%dma_wait3A_2047, %dma_wait3A_2049, %dma_wait3A_2050] : memref<4x32x512xf32, #tpu.memory_space<vmem>> -> memref<1x32x512xf32, #tpu.memory_space<vmem>>
    %dma_wait3A_2052 = tpu.memref_squeeze %dma_wait3A_2051 : memref<1x32x512xf32, #tpu.memory_space<vmem>> -> memref<32x512xf32, #tpu.memory_space<vmem>>
    %dma_wait3A_2053 = arith.constant 0 : i32
    %dma_wait3A_2054 = tpu.memref_slice %arg2[%add3A_1962, %dma_wait3A_2053] : memref<32768x512xf32, #tpu.memory_space<hbm>> -> memref<32x512xf32, #tpu.memory_space<hbm>>
    %dma_wait3A_2055 = tpu.memref_slice %arg8[%dma_wait3A_2048] : memref<4x!tpu.dma_semaphore, #tpu.memory_space<semaphore_mem>> -> memref<1x!tpu.dma_semaphore, #tpu.memory_space<semaphore_mem>>
    %dma_wait3A_2056 = tpu.memref_squeeze %dma_wait3A_2055 : memref<1x!tpu.dma_semaphore, #tpu.memory_space<semaphore_mem>> -> memref<!tpu.dma_semaphore, #tpu.memory_space<semaphore_mem>>
    %dma_wait3A_2057 = arith.constant 0 : i32
    %dma_wait3A_2058 = arith.constant 0 : i32
    %dma_wait3A_2059 = tpu.memref_slice %arg6[%dma_wait3A_2047, %dma_wait3A_2057, %dma_wait3A_2058] : memref<4x32x512xf32, #tpu.memory_space<vmem>> -> memref<1x32x512xf32, #tpu.memory_space<vmem>>
    %dma_wait3A_2060 = tpu.memref_squeeze %dma_wait3A_2059 : memref<1x32x512xf32, #tpu.memory_space<vmem>> -> memref<32x512xf32, #tpu.memory_space<vmem>>
    %dma_wait3A_2061 = arith.constant 0 : i32
    %dma_wait3A_2062 = tpu.memref_slice %arg2[%add3A_1962, %dma_wait3A_2061] : memref<32768x512xf32, #tpu.memory_space<hbm>> -> memref<32x512xf32, #tpu.memory_space<hbm>>
    tpu.wait_dma2 semaphore(%dma_wait3A_2056 : memref<!tpu.dma_semaphore, #tpu.memory_space<semaphore_mem>>) src(%dma_wait3A_2062 : memref<32x512xf32, #tpu.memory_space<hbm>>) dst(%dma_wait3A_2060 : memref<32x512xf32, #tpu.memory_space<vmem>>)
    %add3A_2063 = arith.constant 960 : i32
    %add3A_2064 = arith.addi %mul3A_2, %add3A_2063 : i32
    %dma_start3A_2065 = arith.constant 2 : i32
    %dma_start3A_2066 = arith.constant 2 : i32
    %dma_start3A_2067 = arith.constant 0 : i32
    %dma_start3A_2068 = arith.constant 0 : i32
    %dma_start3A_2069 = tpu.memref_slice %arg6[%dma_start3A_2065, %dma_start3A_2067, %dma_start3A_2068] : memref<4x32x512xf32, #tpu.memory_space<vmem>> -> memref<1x32x512xf32, #tpu.memory_space<vmem>>
    %dma_start3A_2070 = tpu.memref_squeeze %dma_start3A_2069 : memref<1x32x512xf32, #tpu.memory_space<vmem>> -> memref<32x512xf32, #tpu.memory_space<vmem>>
    %dma_start3A_2071 = arith.constant 0 : i32
    %dma_start3A_2072 = tpu.memref_slice %arg4[%add3A_2064, %dma_start3A_2071] : memref<32768x512xf32, #tpu.memory_space<hbm>> -> memref<32x512xf32, #tpu.memory_space<hbm>>
    %dma_start3A_2073 = tpu.memref_slice %arg9[%dma_start3A_2066] : memref<4x!tpu.dma_semaphore, #tpu.memory_space<semaphore_mem>> -> memref<1x!tpu.dma_semaphore, #tpu.memory_space<semaphore_mem>>
    %dma_start3A_2074 = tpu.memref_squeeze %dma_start3A_2073 : memref<1x!tpu.dma_semaphore, #tpu.memory_space<semaphore_mem>> -> memref<!tpu.dma_semaphore, #tpu.memory_space<semaphore_mem>>
    %dma_start3A_2075 = arith.constant 0 : i32
    %dma_start3A_2076 = tpu.memref_slice %arg4[%add3A_2064, %dma_start3A_2075] : memref<32768x512xf32, #tpu.memory_space<hbm>> -> memref<32x512xf32, #tpu.memory_space<hbm>>
    %dma_start3A_2077 = arith.constant 0 : i32
    %dma_start3A_2078 = arith.constant 0 : i32
    %dma_start3A_2079 = tpu.memref_slice %arg6[%dma_start3A_2065, %dma_start3A_2077, %dma_start3A_2078] : memref<4x32x512xf32, #tpu.memory_space<vmem>> -> memref<1x32x512xf32, #tpu.memory_space<vmem>>
    %dma_start3A_2080 = tpu.memref_squeeze %dma_start3A_2079 : memref<1x32x512xf32, #tpu.memory_space<vmem>> -> memref<32x512xf32, #tpu.memory_space<vmem>>
    tpu.enqueue_dma source(%dma_start3A_2080 : memref<32x512xf32, #tpu.memory_space<vmem>>) target(%dma_start3A_2076 : memref<32x512xf32, #tpu.memory_space<hbm>>) target_semaphore(%dma_start3A_2074 : memref<!tpu.dma_semaphore, #tpu.memory_space<semaphore_mem>>)
    %dma_wait3A_2081 = arith.constant 3 : i32
    %dma_wait3A_2082 = arith.constant 3 : i32
    %dma_wait3A_2083 = arith.constant 0 : i32
    %dma_wait3A_2084 = arith.constant 0 : i32
    %dma_wait3A_2085 = tpu.memref_slice %arg6[%dma_wait3A_2081, %dma_wait3A_2083, %dma_wait3A_2084] : memref<4x32x512xf32, #tpu.memory_space<vmem>> -> memref<1x32x512xf32, #tpu.memory_space<vmem>>
    %dma_wait3A_2086 = tpu.memref_squeeze %dma_wait3A_2085 : memref<1x32x512xf32, #tpu.memory_space<vmem>> -> memref<32x512xf32, #tpu.memory_space<vmem>>
    %dma_wait3A_2087 = arith.constant 0 : i32
    %dma_wait3A_2088 = tpu.memref_slice %arg2[%add3A_2030, %dma_wait3A_2087] : memref<32768x512xf32, #tpu.memory_space<hbm>> -> memref<32x512xf32, #tpu.memory_space<hbm>>
    %dma_wait3A_2089 = tpu.memref_slice %arg8[%dma_wait3A_2082] : memref<4x!tpu.dma_semaphore, #tpu.memory_space<semaphore_mem>> -> memref<1x!tpu.dma_semaphore, #tpu.memory_space<semaphore_mem>>
    %dma_wait3A_2090 = tpu.memref_squeeze %dma_wait3A_2089 : memref<1x!tpu.dma_semaphore, #tpu.memory_space<semaphore_mem>> -> memref<!tpu.dma_semaphore, #tpu.memory_space<semaphore_mem>>
    %dma_wait3A_2091 = arith.constant 0 : i32
    %dma_wait3A_2092 = arith.constant 0 : i32
    %dma_wait3A_2093 = tpu.memref_slice %arg6[%dma_wait3A_2081, %dma_wait3A_2091, %dma_wait3A_2092] : memref<4x32x512xf32, #tpu.memory_space<vmem>> -> memref<1x32x512xf32, #tpu.memory_space<vmem>>
    %dma_wait3A_2094 = tpu.memref_squeeze %dma_wait3A_2093 : memref<1x32x512xf32, #tpu.memory_space<vmem>> -> memref<32x512xf32, #tpu.memory_space<vmem>>
    %dma_wait3A_2095 = arith.constant 0 : i32
    %dma_wait3A_2096 = tpu.memref_slice %arg2[%add3A_2030, %dma_wait3A_2095] : memref<32768x512xf32, #tpu.memory_space<hbm>> -> memref<32x512xf32, #tpu.memory_space<hbm>>
    tpu.wait_dma2 semaphore(%dma_wait3A_2090 : memref<!tpu.dma_semaphore, #tpu.memory_space<semaphore_mem>>) src(%dma_wait3A_2096 : memref<32x512xf32, #tpu.memory_space<hbm>>) dst(%dma_wait3A_2094 : memref<32x512xf32, #tpu.memory_space<vmem>>)
    %add3A_2097 = arith.constant 992 : i32
    %add3A_2098 = arith.addi %mul3A_2, %add3A_2097 : i32
    %dma_start3A_2099 = arith.constant 3 : i32
    %dma_start3A_2100 = arith.constant 3 : i32
    %dma_start3A_2101 = arith.constant 0 : i32
    %dma_start3A_2102 = arith.constant 0 : i32
    %dma_start3A_2103 = tpu.memref_slice %arg6[%dma_start3A_2099, %dma_start3A_2101, %dma_start3A_2102] : memref<4x32x512xf32, #tpu.memory_space<vmem>> -> memref<1x32x512xf32, #tpu.memory_space<vmem>>
    %dma_start3A_2104 = tpu.memref_squeeze %dma_start3A_2103 : memref<1x32x512xf32, #tpu.memory_space<vmem>> -> memref<32x512xf32, #tpu.memory_space<vmem>>
    %dma_start3A_2105 = arith.constant 0 : i32
    %dma_start3A_2106 = tpu.memref_slice %arg4[%add3A_2098, %dma_start3A_2105] : memref<32768x512xf32, #tpu.memory_space<hbm>> -> memref<32x512xf32, #tpu.memory_space<hbm>>
    %dma_start3A_2107 = tpu.memref_slice %arg9[%dma_start3A_2100] : memref<4x!tpu.dma_semaphore, #tpu.memory_space<semaphore_mem>> -> memref<1x!tpu.dma_semaphore, #tpu.memory_space<semaphore_mem>>
    %dma_start3A_2108 = tpu.memref_squeeze %dma_start3A_2107 : memref<1x!tpu.dma_semaphore, #tpu.memory_space<semaphore_mem>> -> memref<!tpu.dma_semaphore, #tpu.memory_space<semaphore_mem>>
    %dma_start3A_2109 = arith.constant 0 : i32
    %dma_start3A_2110 = tpu.memref_slice %arg4[%add3A_2098, %dma_start3A_2109] : memref<32768x512xf32, #tpu.memory_space<hbm>> -> memref<32x512xf32, #tpu.memory_space<hbm>>
    %dma_start3A_2111 = arith.constant 0 : i32
    %dma_start3A_2112 = arith.constant 0 : i32
    %dma_start3A_2113 = tpu.memref_slice %arg6[%dma_start3A_2099, %dma_start3A_2111, %dma_start3A_2112] : memref<4x32x512xf32, #tpu.memory_space<vmem>> -> memref<1x32x512xf32, #tpu.memory_space<vmem>>
    %dma_start3A_2114 = tpu.memref_squeeze %dma_start3A_2113 : memref<1x32x512xf32, #tpu.memory_space<vmem>> -> memref<32x512xf32, #tpu.memory_space<vmem>>
    tpu.enqueue_dma source(%dma_start3A_2114 : memref<32x512xf32, #tpu.memory_space<vmem>>) target(%dma_start3A_2110 : memref<32x512xf32, #tpu.memory_space<hbm>>) target_semaphore(%dma_start3A_2108 : memref<!tpu.dma_semaphore, #tpu.memory_space<semaphore_mem>>)
    %dma_wait3A_2115 = arith.constant 0 : i32
    %dma_wait3A_2116 = arith.constant 0 : i32
    %dma_wait3A_2117 = arith.constant 0 : i32
    %dma_wait3A_2118 = arith.constant 0 : i32
    %dma_wait3A_2119 = tpu.memref_slice %arg6[%dma_wait3A_2115, %dma_wait3A_2117, %dma_wait3A_2118] : memref<4x32x512xf32, #tpu.memory_space<vmem>> -> memref<1x32x512xf32, #tpu.memory_space<vmem>>
    %dma_wait3A_2120 = tpu.memref_squeeze %dma_wait3A_2119 : memref<1x32x512xf32, #tpu.memory_space<vmem>> -> memref<32x512xf32, #tpu.memory_space<vmem>>
    %dma_wait3A_2121 = arith.constant 0 : i32
    %dma_wait3A_2122 = tpu.memref_slice %arg4[%add3A_1928, %dma_wait3A_2121] : memref<32768x512xf32, #tpu.memory_space<hbm>> -> memref<32x512xf32, #tpu.memory_space<hbm>>
    %dma_wait3A_2123 = tpu.memref_slice %arg9[%dma_wait3A_2116] : memref<4x!tpu.dma_semaphore, #tpu.memory_space<semaphore_mem>> -> memref<1x!tpu.dma_semaphore, #tpu.memory_space<semaphore_mem>>
    %dma_wait3A_2124 = tpu.memref_squeeze %dma_wait3A_2123 : memref<1x!tpu.dma_semaphore, #tpu.memory_space<semaphore_mem>> -> memref<!tpu.dma_semaphore, #tpu.memory_space<semaphore_mem>>
    %dma_wait3A_2125 = arith.constant 0 : i32
    %dma_wait3A_2126 = tpu.memref_slice %arg4[%add3A_1928, %dma_wait3A_2125] : memref<32768x512xf32, #tpu.memory_space<hbm>> -> memref<32x512xf32, #tpu.memory_space<hbm>>
    %dma_wait3A_2127 = arith.constant 0 : i32
    %dma_wait3A_2128 = arith.constant 0 : i32
    %dma_wait3A_2129 = tpu.memref_slice %arg6[%dma_wait3A_2115, %dma_wait3A_2127, %dma_wait3A_2128] : memref<4x32x512xf32, #tpu.memory_space<vmem>> -> memref<1x32x512xf32, #tpu.memory_space<vmem>>
    %dma_wait3A_2130 = tpu.memref_squeeze %dma_wait3A_2129 : memref<1x32x512xf32, #tpu.memory_space<vmem>> -> memref<32x512xf32, #tpu.memory_space<vmem>>
    tpu.wait_dma2 semaphore(%dma_wait3A_2124 : memref<!tpu.dma_semaphore, #tpu.memory_space<semaphore_mem>>) src(%dma_wait3A_2130 : memref<32x512xf32, #tpu.memory_space<vmem>>) dst(%dma_wait3A_2126 : memref<32x512xf32, #tpu.memory_space<hbm>>)
    %dma_wait3A_2131 = arith.constant 1 : i32
    %dma_wait3A_2132 = arith.constant 1 : i32
    %dma_wait3A_2133 = arith.constant 0 : i32
    %dma_wait3A_2134 = arith.constant 0 : i32
    %dma_wait3A_2135 = tpu.memref_slice %arg6[%dma_wait3A_2131, %dma_wait3A_2133, %dma_wait3A_2134] : memref<4x32x512xf32, #tpu.memory_space<vmem>> -> memref<1x32x512xf32, #tpu.memory_space<vmem>>
    %dma_wait3A_2136 = tpu.memref_squeeze %dma_wait3A_2135 : memref<1x32x512xf32, #tpu.memory_space<vmem>> -> memref<32x512xf32, #tpu.memory_space<vmem>>
    %dma_wait3A_2137 = arith.constant 0 : i32
    %dma_wait3A_2138 = tpu.memref_slice %arg4[%add3A_1996, %dma_wait3A_2137] : memref<32768x512xf32, #tpu.memory_space<hbm>> -> memref<32x512xf32, #tpu.memory_space<hbm>>
    %dma_wait3A_2139 = tpu.memref_slice %arg9[%dma_wait3A_2132] : memref<4x!tpu.dma_semaphore, #tpu.memory_space<semaphore_mem>> -> memref<1x!tpu.dma_semaphore, #tpu.memory_space<semaphore_mem>>
    %dma_wait3A_2140 = tpu.memref_squeeze %dma_wait3A_2139 : memref<1x!tpu.dma_semaphore, #tpu.memory_space<semaphore_mem>> -> memref<!tpu.dma_semaphore, #tpu.memory_space<semaphore_mem>>
    %dma_wait3A_2141 = arith.constant 0 : i32
    %dma_wait3A_2142 = tpu.memref_slice %arg4[%add3A_1996, %dma_wait3A_2141] : memref<32768x512xf32, #tpu.memory_space<hbm>> -> memref<32x512xf32, #tpu.memory_space<hbm>>
    %dma_wait3A_2143 = arith.constant 0 : i32
    %dma_wait3A_2144 = arith.constant 0 : i32
    %dma_wait3A_2145 = tpu.memref_slice %arg6[%dma_wait3A_2131, %dma_wait3A_2143, %dma_wait3A_2144] : memref<4x32x512xf32, #tpu.memory_space<vmem>> -> memref<1x32x512xf32, #tpu.memory_space<vmem>>
    %dma_wait3A_2146 = tpu.memref_squeeze %dma_wait3A_2145 : memref<1x32x512xf32, #tpu.memory_space<vmem>> -> memref<32x512xf32, #tpu.memory_space<vmem>>
    tpu.wait_dma2 semaphore(%dma_wait3A_2140 : memref<!tpu.dma_semaphore, #tpu.memory_space<semaphore_mem>>) src(%dma_wait3A_2146 : memref<32x512xf32, #tpu.memory_space<vmem>>) dst(%dma_wait3A_2142 : memref<32x512xf32, #tpu.memory_space<hbm>>)
    %dma_wait3A_2147 = arith.constant 2 : i32
    %dma_wait3A_2148 = arith.constant 2 : i32
    %dma_wait3A_2149 = arith.constant 0 : i32
    %dma_wait3A_2150 = arith.constant 0 : i32
    %dma_wait3A_2151 = tpu.memref_slice %arg6[%dma_wait3A_2147, %dma_wait3A_2149, %dma_wait3A_2150] : memref<4x32x512xf32, #tpu.memory_space<vmem>> -> memref<1x32x512xf32, #tpu.memory_space<vmem>>
    %dma_wait3A_2152 = tpu.memref_squeeze %dma_wait3A_2151 : memref<1x32x512xf32, #tpu.memory_space<vmem>> -> memref<32x512xf32, #tpu.memory_space<vmem>>
    %dma_wait3A_2153 = arith.constant 0 : i32
    %dma_wait3A_2154 = tpu.memref_slice %arg4[%add3A_2064, %dma_wait3A_2153] : memref<32768x512xf32, #tpu.memory_space<hbm>> -> memref<32x512xf32, #tpu.memory_space<hbm>>
    %dma_wait3A_2155 = tpu.memref_slice %arg9[%dma_wait3A_2148] : memref<4x!tpu.dma_semaphore, #tpu.memory_space<semaphore_mem>> -> memref<1x!tpu.dma_semaphore, #tpu.memory_space<semaphore_mem>>
    %dma_wait3A_2156 = tpu.memref_squeeze %dma_wait3A_2155 : memref<1x!tpu.dma_semaphore, #tpu.memory_space<semaphore_mem>> -> memref<!tpu.dma_semaphore, #tpu.memory_space<semaphore_mem>>
    %dma_wait3A_2157 = arith.constant 0 : i32
    %dma_wait3A_2158 = tpu.memref_slice %arg4[%add3A_2064, %dma_wait3A_2157] : memref<32768x512xf32, #tpu.memory_space<hbm>> -> memref<32x512xf32, #tpu.memory_space<hbm>>
    %dma_wait3A_2159 = arith.constant 0 : i32
    %dma_wait3A_2160 = arith.constant 0 : i32
    %dma_wait3A_2161 = tpu.memref_slice %arg6[%dma_wait3A_2147, %dma_wait3A_2159, %dma_wait3A_2160] : memref<4x32x512xf32, #tpu.memory_space<vmem>> -> memref<1x32x512xf32, #tpu.memory_space<vmem>>
    %dma_wait3A_2162 = tpu.memref_squeeze %dma_wait3A_2161 : memref<1x32x512xf32, #tpu.memory_space<vmem>> -> memref<32x512xf32, #tpu.memory_space<vmem>>
    tpu.wait_dma2 semaphore(%dma_wait3A_2156 : memref<!tpu.dma_semaphore, #tpu.memory_space<semaphore_mem>>) src(%dma_wait3A_2162 : memref<32x512xf32, #tpu.memory_space<vmem>>) dst(%dma_wait3A_2158 : memref<32x512xf32, #tpu.memory_space<hbm>>)
    %dma_wait3A_2163 = arith.constant 3 : i32
    %dma_wait3A_2164 = arith.constant 3 : i32
    %dma_wait3A_2165 = arith.constant 0 : i32
    %dma_wait3A_2166 = arith.constant 0 : i32
    %dma_wait3A_2167 = tpu.memref_slice %arg6[%dma_wait3A_2163, %dma_wait3A_2165, %dma_wait3A_2166] : memref<4x32x512xf32, #tpu.memory_space<vmem>> -> memref<1x32x512xf32, #tpu.memory_space<vmem>>
    %dma_wait3A_2168 = tpu.memref_squeeze %dma_wait3A_2167 : memref<1x32x512xf32, #tpu.memory_space<vmem>> -> memref<32x512xf32, #tpu.memory_space<vmem>>
    %dma_wait3A_2169 = arith.constant 0 : i32
    %dma_wait3A_2170 = tpu.memref_slice %arg4[%add3A_2098, %dma_wait3A_2169] : memref<32768x512xf32, #tpu.memory_space<hbm>> -> memref<32x512xf32, #tpu.memory_space<hbm>>
    %dma_wait3A_2171 = tpu.memref_slice %arg9[%dma_wait3A_2164] : memref<4x!tpu.dma_semaphore, #tpu.memory_space<semaphore_mem>> -> memref<1x!tpu.dma_semaphore, #tpu.memory_space<semaphore_mem>>
    %dma_wait3A_2172 = tpu.memref_squeeze %dma_wait3A_2171 : memref<1x!tpu.dma_semaphore, #tpu.memory_space<semaphore_mem>> -> memref<!tpu.dma_semaphore, #tpu.memory_space<semaphore_mem>>
    %dma_wait3A_2173 = arith.constant 0 : i32
    %dma_wait3A_2174 = tpu.memref_slice %arg4[%add3A_2098, %dma_wait3A_2173] : memref<32768x512xf32, #tpu.memory_space<hbm>> -> memref<32x512xf32, #tpu.memory_space<hbm>>
    %dma_wait3A_2175 = arith.constant 0 : i32
    %dma_wait3A_2176 = arith.constant 0 : i32
    %dma_wait3A_2177 = tpu.memref_slice %arg6[%dma_wait3A_2163, %dma_wait3A_2175, %dma_wait3A_2176] : memref<4x32x512xf32, #tpu.memory_space<vmem>> -> memref<1x32x512xf32, #tpu.memory_space<vmem>>
    %dma_wait3A_2178 = tpu.memref_squeeze %dma_wait3A_2177 : memref<1x32x512xf32, #tpu.memory_space<vmem>> -> memref<32x512xf32, #tpu.memory_space<vmem>>
    tpu.wait_dma2 semaphore(%dma_wait3A_2172 : memref<!tpu.dma_semaphore, #tpu.memory_space<semaphore_mem>>) src(%dma_wait3A_2178 : memref<32x512xf32, #tpu.memory_space<vmem>>) dst(%dma_wait3A_2174 : memref<32x512xf32, #tpu.memory_space<hbm>>)
    return
  }
}

</mosaic_0001>

<sc_bundles>
// kernel: kernel.3.cloned.1.call-start
scs
__scs_entry_jumppad:
0x0: {  	(pc) =	sbr.rel $0x88, $3  }
0x1: {  	(tag) =	ssettag $0x0;
	lr =	simm.s32 $0x1  }
0x2: {  	[smem:$0x3F9F] =	sst lr;
	_ =	strace $0xD0000000  }
0x3: {  	_ = 	snop  }
0x4: {  	_ = 	snop  }
0x5: {  	_ = 	snop  }
0x6: {  	_ = 	snop  }
0x7: {  	_ = 	snop  }
__scs_overlays_trampoline_lowered:
0x8: {  	[smem:$0x3FAE] =	sst s0  }
0x9: {  	[smem:$0x3FAF] =	sst s1  }
0xa: {  	[smem:$0x3FB0] =	sst s2  }
0xb: {  	[smem:$0x3FB1] =	sst s3  }
0xc: {  	[smem:$0x3FB2] =	sst s4  }
0xd: {  	[smem:$0x3FB3] =	sst s5  }
0xe: {  	[smem:$0x3FB4] =	sst s6  }
0xf: {  	[smem:$0x3FB5] =	sst s7  }
0x10: {  	[smem:$0x3FB6] =	sst s8  }
0x11: {  	[smem:$0x3FB7] =	sst s9;
	s0 =	simm.s32 @!p0 $0x0  }
0x12: {  	s1 =	sld [smem:$0x3F9D];
	s0 =	simm.s32 @p0 $0x1  }
0x13: {  	[smem:$0x3FB8] =	sst s0;
	s0 =	simm.s32 @!p1 $0x0  }
0x14: {  	s2 =	sld [smem:$0x3F9C];
	s0 =	simm.s32 @p1 $0x1  }
0x15: {  	[smem:$0x3FB9] =	sst s0;
	s0 =	simm.s32 @!p2 $0x0  }
0x16: {  	s3 =	sld [smem:$0x3FDB];
	s0 =	simm.s32 @p2 $0x1  }
0x17: {  	s4 =	simm.s32 $0x1BF5;
	[smem:$0x3FBB] =	sst s0  }
0x18: {  	s0 =	sld [smem:$0x3F9E];
	_ =	swait.ge [sflag:s4], $0x0  }
0x19: {  	s7 =	sld [smem:$0x3F9F]  }
0x1a: {  	s8 =	sadd.s32 $0xFFFFE003, lr  }
0x1b: {  	s9 =	sadd.s32 $0xFFFFFEF7, lr;
	s5 =	simm.s32 $0xFFFFFFFF;
	p2 =	slt.u32 s8, $0xFFFFF086  }
0x1c: {  	p1 =	slt.u32 s9, $0xF7A;
	s5 =	simm.s32 @!p2 $0x0  }
0x1d: {  	s5 =	simm.s32 @p1 $0x1;
	p0 =	seq.s32 s7, s2  }
0x1e: {  	s7 =	smul.u32 @!p0 $0xF7A, s2;
	p2 =	seq.s32 @!p0 s5, $0x0  }
0x1f: {  	s9 =	smul.u32 $0xF7A, s1;
	s8 =	simm.s32 @!p0 $0x1BF5;
	p2 =	por !p2, p0  }
0x20: {  	[sflag:s8] =	ssyncset.s32 @!p0 $0xFFFFF086;
	s6 =	sadd.s32 @!p0 s3, s7;
	s7 =	simm.s32 @!p0 $0x108  }
0x21: {  	s3 =	sadd.s32 s3, s9;
	s6 =	sadd.s32 @!p0 $0x88, s6;
	s7 =	simm.s32 @p2 $0x1082  }
0x22: {  	[simem:s7], [sflag:s8] =	dma.local @!p0 [hbm:s6], $0xF7A  }
0x23: {  	s9 =	sor.u32 $0xD0000000, s2;
	s6 =	simm.s32 $0x108;
	_ =	swait.ge @!p0 [sflag:s8], $0x0  }
0x24: {  	s3 =	sadd.s32 $0x88, s3;
	s6 =	simm.s32 @!p1 $0x1082;
	[sflag:s4] =	ssyncset.s32 $0xFFFFF086  }
0x25: {  	[simem:s6], [sflag:s4] =	dma.local [hbm:s3], $0xF7A  }
0x26: {  	[smem:$0x3F9F] =	sst s1;
	(tag) =	ssettag s2;
	_ =	strace s9  }
0x27: {  	s1 =	sld [smem:$0x3FAF]  }
0x28: {  	s2 =	sld [smem:$0x3FB0]  }
0x29: {  	s4 =	sld [smem:$0x3FB2]  }
0x2a: {  	p0 =	seq.s32 s5, $0x0;
	s5 =	sld [smem:$0x3FB3]  }
0x2b: {  	s6 =	sld [smem:$0x3FB4]  }
0x2c: {  	s7 =	sld [smem:$0x3FB5]  }
0x2d: {  	s3 =	simm.s32 $0x108;
	s8 =	sld [smem:$0x3FB6]  }
0x2e: {  	s3 =	simm.s32 @!p0 $0x1082;
	s9 =	sld [smem:$0x3FB7]  }
0x2f: {  	lr =	sadd.s32 s0, s3;
	s0 =	sld [smem:$0x3FAE]  }
0x30: {  	s3 =	sld [smem:$0x3FB1]  }
0x31: {  	[smem:$0x3FBA] =	sst s10  }
0x32: {  	s10 =	sld [smem:$0x3FB8];
	_ =	sdelay $0x3  }
0x33: {  	p0 =	seq.s32 s10, $0x1;
	s10 =	sld [smem:$0x3FBA];
	_ =	sdelay $0x3  }
0x34: {  	[smem:$0x3FBA] =	sst s10  }
0x35: {  	s10 =	sld [smem:$0x3FB9];
	_ =	sdelay $0x3  }
0x36: {  	p1 =	seq.s32 s10, $0x1;
	s10 =	sld [smem:$0x3FBA];
	_ =	sdelay $0x3  }
0x37: {  	[smem:$0x3FBA] =	sst s10  }
0x38: {  	s10 =	sld [smem:$0x3FBB]  }
0x39: {  	_ = 	snop;
	(pc) =	sbr.ind lr, $3  }
0x3a: {  	_ = 	snop  }
0x3b: {  	_ = 	snop  }
0x3c: {  	p2 =	seq.s32 s10, $0x1;
	s10 =	sld [smem:$0x3FBA]  }
0x3d: {  	_ =	shalt  }
0x3e: {  	_ =	shalt  }
0x3f: {  	_ =	shalt  }
0x40: {  	_ =	shalt  }
0x41: {  	_ =	shalt  }
0x42: {  	_ =	shalt  }
0x43: {  	_ =	shalt  }
0x44: {  	_ =	shalt  }
0x45: {  	_ =	shalt  }
0x46: {  	_ =	shalt  }
0x47: {  	_ =	shalt  }
0x48: {  	_ =	shalt  }
0x49: {  	_ =	shalt  }
0x4a: {  	_ =	shalt  }
0x4b: {  	_ =	shalt  }
0x4c: {  	_ =	shalt  }
0x4d: {  	_ =	shalt  }
0x4e: {  	_ =	shalt  }
0x4f: {  	_ =	shalt  }
0x50: {  	_ =	shalt  }
0x51: {  	_ =	shalt  }
0x52: {  	_ =	shalt  }
0x53: {  	_ =	shalt  }
0x54: {  	_ =	shalt  }
0x55: {  	_ =	shalt  }
0x56: {  	_ =	shalt  }
0x57: {  	_ =	shalt  }
0x58: {  	_ =	shalt  }
0x59: {  	_ =	shalt  }
0x5a: {  	_ =	shalt  }
0x5b: {  	_ =	shalt  }
0x5c: {  	_ =	shalt  }
0x5d: {  	_ =	shalt  }
0x5e: {  	_ =	shalt  }
0x5f: {  	_ =	shalt  }
0x60: {  	_ =	shalt  }
0x61: {  	_ =	shalt  }
0x62: {  	_ =	shalt  }
0x63: {  	_ =	shalt  }
0x64: {  	_ =	shalt  }
0x65: {  	_ =	shalt  }
0x66: {  	_ =	shalt  }
0x67: {  	_ =	shalt  }
0x68: {  	_ =	shalt  }
0x69: {  	_ =	shalt  }
0x6a: {  	_ =	shalt  }
0x6b: {  	_ =	shalt  }
0x6c: {  	_ =	shalt  }
0x6d: {  	_ =	shalt  }
0x6e: {  	_ =	shalt  }
0x6f: {  	_ =	shalt  }
0x70: {  	_ =	shalt  }
0x71: {  	_ =	shalt  }
0x72: {  	_ =	shalt  }
0x73: {  	_ =	shalt  }
0x74: {  	_ =	shalt  }
0x75: {  	_ =	shalt  }
0x76: {  	_ =	shalt  }
0x77: {  	_ =	shalt  }
0x78: {  	_ =	shalt  }
0x79: {  	_ =	shalt  }
0x7a: {  	_ =	shalt  }
0x7b: {  	_ =	shalt  }
0x7c: {  	_ =	shalt  }
0x7d: {  	_ =	shalt  }
0x7e: {  	_ =	shalt  }
0x7f: {  	_ =	shalt  }
0x80: {  	_ =	shalt  }
0x81: {  	_ =	shalt  }
0x82: {  	_ =	shalt  }
0x83: {  	_ =	shalt  }
0x84: {  	_ =	shalt  }
0x85: {  	_ =	shalt  }
0x86: {  	_ =	shalt  }
0x87: {  	_ =	shalt  }
.Lfunc_end0:
.L_simem_size_0:
called_computation_lowered:
.L_overlay_start_0:
0x88: {  	s2 =	sld [smem:$0x3FD9]  }
0x89: {  	s3 =	sld [smem:$0x3FFE];
	_ =	sdelay $0x1  }
0x8a: {  	s1 =	srdreg.scid  }
0x8b: {  	s0 =	sand.u32 $0x1, s1  }
0x8c: {  	s15 =	sshll.u32 s0, $0xA;
	s2 =	sadd.s32 s3, s2  }
0x8d: {  	s2 =	sadd.s32 s2, s15  }
0x8e: {  	[smem:$0x3FC6] =	sst s2  }
0x8f: {  	_ = 	snop  }
0x90: {  	s2 =	sld [smem:$0x3FD0];
	_ =	sdelay $0x1  }
0x91: {  	s16 =	sld [smem:$0x3FC9]  }
0x92: {  	s5 =	simm.s32 $0xA;
	s6 =	simm.s32 $0x10;
	s4 =	sld [smem:$0x3FC8]  }
0x93: {  	[smem:s6], [sflag:s5] =	dma.local [hbm:s2], $0x1  }
0x94: {  	_ =	swait.eq [sflag:s5], $0x1  }
0x95: {  	[sflag:s5] =	ssyncset.done $0x0  }
0x96: {  	s17 =	sld [smem:$0x10];
	[sflag:s5] =	ssyncadd.s32 $0xFFFFFFFF  }
0x97: {  	s18 =	sld [smem:$0x11];
	(tm) =	ssettm $0x1  }
0x98: {  	s19 =	sld [smem:$0x3FFB];
	_ =	sdelay $0x3  }
0x99: {  	_ =	strace s19  }
0x9a: {  	s6 =	sld [smem:$0x3FFC];
	_ =	sdelay $0x3  }
0x9b: {  	_ =	strace s6  }
0x9c: {  	s6 =	sld [smem:$0x3FFD];
	_ =	sdelay $0x3  }
0x9d: {  	_ =	strace s6  }
0x9e: {  	_ =	strace $0x8FFFFFFF  }
0x9f: {  	s20 =	sld [smem:$0x3FDB];
	_ =	sdelay $0x1  }
0xa0: {  	s7 =	simm.s32 $_scs_section_size  }
0xa1: {  	s8 =	simm.s32 $_size__tile_overlayer_lowered;
	s9 =	simm.s32 $_tile_overlayer_lowered  }
0xa2: {  	s23 =	simm.s32 $0x1BFF;
	s22 =	sshll.u32 s9, $0x1;
	s6 =	sadd.s32 s7, s20  }
0xa3: {  	s10 =	simm.s32 $0x0;
	s21 =	sshll.u32 s8, $0x1;
	s8 =	sadd.s32 s22, s6  }
0xa4: {  	[timem:s10], [sflag:s23] =	dma.local [hbm:s8], s21  }
0xa5: {  	_ =	swait.ge [sflag:s23], s21  }
0xa6: {  	s7 =	ssub.s32 $0x0, s21;
	[sflag:s23] =	ssyncset.done $0x0  }
0xa7: {  	[sflag:s23] =	ssyncadd.s32 s7;
	_ =	sdelay $0x1  }
0xa8: {  	s24 =	simm.s32 $0x1B8B  }
0xa9: {  	_ =	swait.ge [sflag:s24], $0x1  }
0xaa: {  	[sflag:s24] =	ssyncset.done $0x0  }
0xab: {  	s25 =	simm.s32 $0x1B8E;
	[sflag:s24] =	ssyncadd.s32 $0xFFFFFFFF  }
0xac: {  	s26 =	simm.s32 $execute0_lowered;
	[smem:$0x3FD2] =	sst s25  }
0xad: {  	s7 =	sshll.u32 s26, $0x1;
	_ =	strace $0x80000046;
	[dreg:$0x1] =	wrdreg $0xFFFFFFFF  }
0xae: {  	s28 =	simm.s32 $_size_execute0_lowered;
	s6 =	sadd.s32 s6, s7;
	[dreg:$0x0] =	wrdreg $0x0  }
0xaf: {  	s7 =	sshll.u32 s28, $0x1;
	[dreg:$0x2] =	wrdreg s6  }
0xb0: {  	[dreg:$0x3] =	wrdreg s7  }
0xb1: {  	[dreg:$0x4] =	wrdreg $0xC0  }
0xb2: {  	_ =	task [dreg:s10], $0x5FFFF  }
0xb3: {  	[dreg:$0x1] =	wrdreg $0xFFFFFFFF  }
0xb4: {  	[dreg:$0x0] =	wrdreg $0x60  }
0xb5: {  	[dreg:$0x2] =	wrdreg s16  }
0xb6: {  	[dreg:$0x3] =	wrdreg s4  }
0xb7: {  	[dreg:$0x4] =	wrdreg s17  }
0xb8: {  	[dreg:$0x5] =	wrdreg s18  }
0xb9: {  	[dreg:$0x6] =	wrdreg $0x9  }
0xba: {  	_ =	task.clear_ibuf [dreg:s10], $0x7FFFF;
	_ =	strace $0x90000046  }
0xbb: {  	s29 =	simm.s32 $0x9;
	_ =	strace $0x80000048  }
0xbc: {  	_ =	swait.ge [sflag:s29], $0x1  }
0xbd: {  	[sflag:s29] =	ssyncadd.s32 $0xFFFFFFFF  }
0xbe: {  	_ =	strace $0x90000048  }
0xbf: {  	_ =	sfence  }
0xc0: {  	s30 =	sld [smem:$0x0];
	_ =	sdelay $0x2  }
0xc1: {  	s31 =	sshll.u32 s1, $0xD;
	s1 =	sshrl.u32 s1, $0x2  }
0xc2: {  	s3 =	sand.u32 $0x4000, s31;
	s1 =	sadd.s32 s1, s30  }
0xc3: {  	s0 =	sor.u32 s3, s0;
	s1 =	sshll.u32 s1, $0x11  }
0xc4: {  	s0 =	sor.u32 s1, s0  }
0xc5: {  	s0 =	sadd.s32 $0x8F2B, s0  }
0xc6: {  	[sflag:s0] =	ssyncadd.remote.s32 $0x1  }
0xc7: {  	_ =	sfence.sel $0xFFFF  }
0xc8: {  	[dreg:$0x0] =	wrdreg $0xFFFFFFFF;
	(pc) =	sbr.abs _section_cstart, $3  }
0xc9: {  	[dreg:$0x1] =	wrdreg $0xFFFFFFFF  }
0xca: {  	_ =	task.clear_ibuf [dreg:s10], $0x2FFFF;
	_ =	strace $0x9FFFFFFF  }
0xcb: {  	(tm) =	ssettm $0x7FFFFFFF  }
tec
execute0_lowered:
.L_overlay_start_1:
0x0: {  	(tag) =	ssettag $0x1  }
0x1: {  	s1 =	rddreg [dreg:$0x0]  }
0x2: {  	s0 =	rddreg [dreg:$0x1]  }
0x3: {  	s3 =	rddreg [dreg:$0x2]  }
0x4: {  	s16 =	rddreg [dreg:$0x3]  }
0x5: {  	s2 =	srdreg.scid;
	[dreg:$0x5] =	wrdreg s0  }
0x6: {  	s30 =	stileid.u32;
	[dreg:$0x6] =	wrdreg s16  }
0x7: {  	s6 =	sand.u32 $0x1, s2;
	s17 =	sshll.u32 s30, $0x1;
	s2 =	simm.s32 $0x0  }
0x8: {  	s5 =	sor.u32 s6, s17;
	[smem:$0x7FF] =	sst s2  }
0x9: {  	s31 =	rddreg [dreg:$0x4];
	s4 =	sshll.u32 s5, $0x10;
	_ =	strace $0x80000047  }
0xa: {  	s18 =	sadd.s32 s1, s4;
	s0 =	rddreg [dreg:$0x5]  }
0xb: {  	s7 =	sor.u32 $0x800, s4;
	s20 =	sadd.s32 s3, s4;
	[dreg:$0x7] =	wrdreg s18  }
0xc: {  	s8 =	sor.u32 $0x1000, s4;
	s19 =	sadd.s32 s1, s7;
	[dreg:$0x9] =	wrdreg s20  }
0xd: {  	s21 =	sadd.s32 s1, s8;
	[dreg:$0x8] =	wrdreg s19  }
0xe: {  	s23 =	sor.u32 $0x1800, s4;
	s22 =	sadd.s32 s3, s7;
	[dreg:$0xa] =	wrdreg s21  }
0xf: {  	s24 =	sadd.s32 s1, s23;
	[dreg:$0xb] =	wrdreg s22  }
0x10: {  	s26 =	sor.u32 $0x2000, s4;
	s25 =	sadd.s32 s3, s8;
	[dreg:$0xc] =	wrdreg s24  }
0x11: {  	s29 =	sadd.s32 s1, s26;
	[dreg:$0xd] =	wrdreg s25  }
0x12: {  	s9 =	sor.u32 $0x2800, s4;
	s7 =	sadd.s32 s3, s23;
	[dreg:$0xe] =	wrdreg s29  }
0x13: {  	s10 =	sadd.s32 s1, s9;
	[dreg:$0xf] =	wrdreg s7  }
0x14: {  	s12 =	sor.u32 $0x3000, s4;
	s11 =	sadd.s32 s3, s26;
	[dreg:$0x10] =	wrdreg s10  }
0x15: {  	s13 =	sadd.s32 s1, s12;
	[dreg:$0x11] =	wrdreg s11  }
0x16: {  	s15 =	sor.u32 $0x3800, s4;
	s14 =	sadd.s32 s3, s9;
	[dreg:$0x12] =	wrdreg s13  }
0x17: {  	s16 =	sadd.s32 s1, s15;
	[dreg:$0x13] =	wrdreg s14  }
0x18: {  	s17 =	sadd.s32 s3, s12;
	[dreg:$0x14] =	wrdreg s16  }
0x19: {  	s18 =	sor.u32 $0x4000, s4;
	s20 =	sadd.s32 s3, s15;
	[dreg:$0x15] =	wrdreg s17  }
0x1a: {  	s19 =	sadd.s32 s1, s18;
	[dreg:$0x17] =	wrdreg s20  }
0x1b: {  	s21 =	sor.u32 $0x4800, s4;
	s23 =	sadd.s32 s3, s18;
	[dreg:$0x16] =	wrdreg s19  }
0x1c: {  	s24 =	sor.u32 $0x5000, s4;
	s22 =	sadd.s32 s1, s21;
	[dreg:$0x19] =	wrdreg s23  }
0x1d: {  	s25 =	sadd.s32 s1, s24;
	[dreg:$0x18] =	wrdreg s22  }
0x1e: {  	s29 =	sor.u32 $0x5800, s4;
	s26 =	sadd.s32 s3, s21;
	[dreg:$0x1a] =	wrdreg s25  }
0x1f: {  	s9 =	sadd.s32 s1, s29;
	[dreg:$0x1b] =	wrdreg s26  }
0x20: {  	s11 =	sor.u32 $0x6000, s4;
	s10 =	sadd.s32 s3, s24;
	[dreg:$0x1c] =	wrdreg s9  }
0x21: {  	s12 =	sadd.s32 s1, s11;
	[dreg:$0x1d] =	wrdreg s10  }
0x22: {  	s14 =	sor.u32 $0x6800, s4;
	s13 =	sadd.s32 s3, s29;
	[dreg:$0x1e] =	wrdreg s12  }
0x23: {  	s15 =	sadd.s32 s1, s14;
	[dreg:$0x1f] =	wrdreg s13  }
0x24: {  	s17 =	sor.u32 $0x7000, s4;
	s16 =	sadd.s32 s3, s11;
	[smem:$0x7E4] =	sst s15  }
0x25: {  	s18 =	sadd.s32 s1, s17;
	[smem:$0x7E5] =	sst s16  }
0x26: {  	s20 =	sor.u32 $0x7800, s4;
	s19 =	sadd.s32 s3, s14;
	[smem:$0x7E6] =	sst s18  }
0x27: {  	s21 =	sadd.s32 s1, s20;
	[smem:$0x7E7] =	sst s19  }
0x28: {  	s23 =	sor.u32 $0x8000, s4;
	[smem:$0x7E8] =	sst s21;
	s22 =	sadd.s32 s3, s17  }
0x29: {  	s24 =	sadd.s32 s1, s23;
	[smem:$0x7E9] =	sst s22  }
0x2a: {  	p1 =	por $0x0, $0x0;
	s25 =	sadd.s32 s3, s20;
	[smem:$0x7EA] =	sst s24  }
0x2b: {  	s26 =	sor.u32 $0x8800, s4;
	s8 =	sadd.s32 s3, s23;
	[smem:$0x7EB] =	sst s25  }
0x2c: {  	s9 =	sor.u32 $0x9000, s4;
	s29 =	sadd.s32 s1, s26;
	[smem:$0x7ED] =	sst s8  }
0x2d: {  	s6 =	ssub.s32 $0x2, s6;
	s10 =	sadd.s32 s1, s9;
	[smem:$0x7EC] =	sst s29  }
0x2e: {  	s12 =	sor.u32 $0x9800, s4;
	s11 =	sadd.s32 s3, s26;
	[smem:$0x7EE] =	sst s10  }
0x2f: {  	p0 =	sne.s32 s5, $0x0;
	s13 =	sadd.s32 s1, s12;
	[smem:$0x7EF] =	sst s11  }
0x30: {  	s15 =	sor.u32 $0xA000, s4;
	s14 =	sadd.s32 s3, s9;
	[smem:$0x7F0] =	sst s13  }
0x31: {  	s5 =	simm.s32 $0x8;
	s16 =	sadd.s32 s1, s15;
	[smem:$0x7F1] =	sst s14  }
0x32: {  	s18 =	sor.u32 $0xA800, s4;
	s17 =	sadd.s32 s3, s12;
	[smem:$0x7F2] =	sst s16  }
0x33: {  	s7 =	simm.s32 $0x5;
	s19 =	sadd.s32 s1, s18;
	[smem:$0x7F3] =	sst s17  }
0x34: {  	s21 =	sor.u32 $0xB000, s4;
	s20 =	sadd.s32 s3, s15;
	[smem:$0x7F4] =	sst s19  }
0x35: {  	s22 =	sadd.s32 s1, s21;
	s23 =	sadd.s32 s3, s18;
	[smem:$0x7F5] =	sst s20  }
0x36: {  	s24 =	sor.u32 $0xB800, s4;
	s26 =	sadd.s32 s3, s21;
	[smem:$0x7F6] =	sst s22  }
0x37: {  	s15 =	sor.u32 $0xD800, s4;
	s8 =	simm.s32 $0x7;
	[smem:$0x7F7] =	sst s23  }
0x38: {  	s25 =	sadd.s32 s1, s24;
	s29 =	sor.u32 $0xC000, s4;
	[smem:$0x7F9] =	sst s26  }
0x39: {  	s10 =	sadd.s32 s3, s24;
	s11 =	sor.u32 $0xC800, s4;
	s13 =	sor.u32 $0xD000, s4  }
0x3a: {  	s16 =	sor.u32 $0xE000, s4;
	s17 =	sor.u32 $0xE800, s4;
	s21 =	sadd.s32 s3, s15  }
0x3b: {  	s20 =	sor.u32 $0xF000, s4;
	s23 =	sor.u32 $0xF800, s4;
	[smem:$0x7F8] =	sst s25  }
0x3c: {  	s9 =	sadd.s32 s1, s29;
	[smem:$0x7FB] =	sst s10;
	s12 =	sadd.s32 s1, s11  }
0x3d: {  	s14 =	sadd.s32 s3, s29;
	[smem:$0x7FA] =	sst s9;
	s9 =	sshrl.u32 s6, $0x1  }
0x3e: {  	s28 =	sadd.s32 s1, s13;
	s26 =	sadd.s32 s3, s11;
	s9 =	ssub.s32 s6, s9  }
0x3f: {  	s25 =	sadd.s32 s1, s15;
	s24 =	sadd.s32 s3, s13;
	s29 =	smax.u32 s9, $0x1  }
0x40: {  	s22 =	sadd.s32 s1, s16;
	s19 =	sadd.s32 s1, s17;
	s4 =	sadd.s32 $0xFFFFFFFF, s29  }
0x41: {  	s18 =	sadd.s32 s3, s16;
	s16 =	sadd.s32 s1, s20;
	p2 =	sne.s32 s4, $0x0  }
.Ltmp0:
0x42: {  	s13 =	sadd.s32 s3, s17;
	s11 =	sadd.s32 s1, s23;
	(pc) =	sbr.rel @!p2 .LBB2_1-.Ltmp0, $4  }
0x43: {  	s17 =	simm.s32 $0x4000;
	s15 =	simm.s32 $0x3;
	[smem:$0x7FC] =	sst s12  }
0x44: {  	s10 =	simm.s32 $0x6;
	[smem:$0x7FD] =	sst s14;
	s12 =	simm.s32 $0x8000  }
0x45: {  	s14 =	simm.s32 $0x4;
	s6 =	sadd.s32 s3, s20;
	s3 =	sadd.s32 s3, s23  }
0x46: {  	s23 =	simm.s32 $0x1;
	s20 =	simm.s32 $0x2;
	s9 =	simm.s32 $0xC000  }
0x47: {  	s29 =	simm.s32 @!p0 $0x0;
	s30 =	simm.s32 @!p0 $0x10000;
	s31 =	simm.s32 @!p0 $0x9  }
0x48: {  	[tilespmem:s30], [sflag:$0x9] =	stream.linear.gather @!p0 [hbm4b:s0+s29], $0x80, $0x38;
	[tilespmem:$0x10080] =	vst v63  }
0x49: {  	_ =	swait.ge @!p0 [sflag:s31], $0x80  }
0x4a: {  	[sflag:s31] =	ssyncset.done @!p0 $0x0  }
0x4b: {  	s0 =	rddreg [dreg:$0x6];
	[sflag:s31] =	ssyncadd.s32 @!p0 $0xFFFFFF80  }
0x4c: {  	[hbm4b:s0+s29] =	stream.linear.scatter @!p0 [tilespmem:s30], [sflag:$0x9], $0x80, $0x38;
	[tilespmem:$0x10080] =	vst v63  }
0x4d: {  	_ =	swait.ge @!p0 [sflag:s31], $0x80  }
0x4e: {  	[sflag:s31] =	ssyncset.done @!p0 $0x0  }
0x4f: {  	s0 =	rddreg [dreg:$0x7];
	[sflag:s31] =	ssyncadd.s32 @!p0 $0xFFFFFF80  }
0x50: {  	[tilespmem:s2], [sflag:$0x1] =	stream.linear.gather [hbm4b:s0+s2], $0x4000, $0x38;
	[tilespmem:$0x10080] =	vst v63  }
0x51: {  	s1 =	rddreg [dreg:$0x8]  }
0x52: {  	[tilespmem:s17], [sflag:$0x2] =	stream.linear.gather [hbm4b:s1+s2], $0x4000, $0x38;
	[tilespmem:$0x10080] =	vst v63  }
0x53: {  	_ =	swait.ge [sflag:s23], $0x4000  }
0x54: {  	[sflag:s23] =	ssyncset.done $0x0  }
0x55: {  	s0 =	rddreg [dreg:$0x9];
	[sflag:s23] =	ssyncadd.s32 $0xFFFFC000  }
0x56: {  	[hbm4b:s0+s2] =	stream.linear.scatter [tilespmem:s2], [sflag:$0x5], $0x4000, $0x38;
	[tilespmem:$0x10080] =	vst v63  }
0x57: {  	s1 =	rddreg [dreg:$0xa]  }
0x58: {  	[tilespmem:s12], [sflag:$0x3] =	stream.linear.gather [hbm4b:s1+s2], $0x4000, $0x38;
	[tilespmem:$0x10080] =	vst v63  }
0x59: {  	_ =	swait.ge [sflag:s20], $0x4000  }
0x5a: {  	[sflag:s20] =	ssyncset.done $0x0  }
0x5b: {  	s0 =	rddreg [dreg:$0xb];
	[sflag:s20] =	ssyncadd.s32 $0xFFFFC000  }
0x5c: {  	[hbm4b:s0+s2] =	stream.linear.scatter [tilespmem:s17], [sflag:$0x6], $0x4000, $0x38;
	[tilespmem:$0x10080] =	vst v63  }
0x5d: {  	s1 =	rddreg [dreg:$0xc]  }
0x5e: {  	[tilespmem:s9], [sflag:$0x4] =	stream.linear.gather [hbm4b:s1+s2], $0x4000, $0x38;
	[tilespmem:$0x10080] =	vst v63  }
0x5f: {  	_ =	swait.ge [sflag:s15], $0x4000  }
0x60: {  	[sflag:s15] =	ssyncset.done $0x0  }
0x61: {  	s1 =	rddreg [dreg:$0xd];
	[sflag:s15] =	ssyncadd.s32 $0xFFFFC000  }
0x62: {  	[hbm4b:s1+s2] =	stream.linear.scatter [tilespmem:s12], [sflag:$0x7], $0x4000, $0x38;
	[tilespmem:$0x10080] =	vst v63  }
0x63: {  	_ =	swait.ge [sflag:s7], $0x4000  }
0x64: {  	[sflag:s7] =	ssyncset.done $0x0  }
0x65: {  	s1 =	rddreg [dreg:$0xe];
	[sflag:s7] =	ssyncadd.s32 $0xFFFFC000  }
0x66: {  	[tilespmem:s2], [sflag:$0x1] =	stream.linear.gather [hbm4b:s1+s2], $0x4000, $0x38;
	[tilespmem:$0x10080] =	vst v63  }
0x67: {  	_ =	swait.ge [sflag:s14], $0x4000  }
0x68: {  	[sflag:s14] =	ssyncset.done $0x0  }
0x69: {  	s1 =	rddreg [dreg:$0xf];
	[sflag:s14] =	ssyncadd.s32 $0xFFFFC000  }
0x6a: {  	[hbm4b:s1+s2] =	stream.linear.scatter [tilespmem:s9], [sflag:$0x8], $0x4000, $0x38;
	[tilespmem:$0x10080] =	vst v63  }
0x6b: {  	_ =	swait.ge [sflag:s10], $0x4000  }
0x6c: {  	[sflag:s10] =	ssyncset.done $0x0  }
0x6d: {  	s1 =	rddreg [dreg:$0x10];
	[sflag:s10] =	ssyncadd.s32 $0xFFFFC000  }
0x6e: {  	[tilespmem:s17], [sflag:$0x2] =	stream.linear.gather [hbm4b:s1+s2], $0x4000, $0x38;
	[tilespmem:$0x10080] =	vst v63  }
0x6f: {  	_ =	swait.ge [sflag:s23], $0x4000  }
0x70: {  	[sflag:s23] =	ssyncset.done $0x0  }
0x71: {  	s1 =	rddreg [dreg:$0x11];
	[sflag:s23] =	ssyncadd.s32 $0xFFFFC000  }
0x72: {  	[hbm4b:s1+s2] =	stream.linear.scatter [tilespmem:s2], [sflag:$0x5], $0x4000, $0x38;
	[tilespmem:$0x10080] =	vst v63  }
0x73: {  	_ =	swait.ge [sflag:s8], $0x4000  }
0x74: {  	[sflag:s8] =	ssyncset.done $0x0  }
0x75: {  	s1 =	rddreg [dreg:$0x12];
	[sflag:s8] =	ssyncadd.s32 $0xFFFFC000  }
0x76: {  	[tilespmem:s12], [sflag:$0x3] =	stream.linear.gather [hbm4b:s1+s2], $0x4000, $0x38;
	[tilespmem:$0x10080] =	vst v63  }
0x77: {  	_ =	swait.ge [sflag:s20], $0x4000  }
0x78: {  	[sflag:s20] =	ssyncset.done $0x0  }
0x79: {  	s1 =	rddreg [dreg:$0x13];
	[sflag:s20] =	ssyncadd.s32 $0xFFFFC000  }
0x7a: {  	[hbm4b:s1+s2] =	stream.linear.scatter [tilespmem:s17], [sflag:$0x6], $0x4000, $0x38;
	[tilespmem:$0x10080] =	vst v63  }
0x7b: {  	_ =	swait.ge [sflag:s5], $0x4000  }
0x7c: {  	[sflag:s5] =	ssyncset.done $0x0  }
0x7d: {  	s1 =	rddreg [dreg:$0x14];
	[sflag:s5] =	ssyncadd.s32 $0xFFFFC000  }
0x7e: {  	[tilespmem:s9], [sflag:$0x4] =	stream.linear.gather [hbm4b:s1+s2], $0x4000, $0x38;
	[tilespmem:$0x10080] =	vst v63  }
0x7f: {  	_ =	swait.ge [sflag:s15], $0x4000  }
0x80: {  	[sflag:s15] =	ssyncset.done $0x0  }
0x81: {  	s1 =	rddreg [dreg:$0x15];
	[sflag:s15] =	ssyncadd.s32 $0xFFFFC000  }
0x82: {  	[hbm4b:s1+s2] =	stream.linear.scatter [tilespmem:s12], [sflag:$0x7], $0x4000, $0x38;
	[tilespmem:$0x10080] =	vst v63  }
0x83: {  	_ =	swait.ge [sflag:s7], $0x4000  }
0x84: {  	[sflag:s7] =	ssyncset.done $0x0  }
0x85: {  	s1 =	rddreg [dreg:$0x16];
	[sflag:s7] =	ssyncadd.s32 $0xFFFFC000  }
0x86: {  	[tilespmem:s2], [sflag:$0x1] =	stream.linear.gather [hbm4b:s1+s2], $0x4000, $0x38;
	[tilespmem:$0x10080] =	vst v63  }
0x87: {  	_ =	swait.ge [sflag:s14], $0x4000  }
0x88: {  	[sflag:s14] =	ssyncset.done $0x0  }
0x89: {  	s1 =	rddreg [dreg:$0x17];
	[sflag:s14] =	ssyncadd.s32 $0xFFFFC000  }
0x8a: {  	[hbm4b:s1+s2] =	stream.linear.scatter [tilespmem:s9], [sflag:$0x8], $0x4000, $0x38;
	[tilespmem:$0x10080] =	vst v63  }
0x8b: {  	_ =	swait.ge [sflag:s10], $0x4000  }
0x8c: {  	[sflag:s10] =	ssyncset.done $0x0  }
0x8d: {  	s1 =	rddreg [dreg:$0x18];
	[sflag:s10] =	ssyncadd.s32 $0xFFFFC000  }
0x8e: {  	[tilespmem:s17], [sflag:$0x2] =	stream.linear.gather [hbm4b:s1+s2], $0x4000, $0x38;
	[tilespmem:$0x10080] =	vst v63  }
0x8f: {  	_ =	swait.ge [sflag:s23], $0x4000  }
0x90: {  	[sflag:s23] =	ssyncset.done $0x0  }
0x91: {  	s1 =	rddreg [dreg:$0x19];
	[sflag:s23] =	ssyncadd.s32 $0xFFFFC000  }
0x92: {  	[hbm4b:s1+s2] =	stream.linear.scatter [tilespmem:s2], [sflag:$0x5], $0x4000, $0x38;
	[tilespmem:$0x10080] =	vst v63  }
0x93: {  	_ =	swait.ge [sflag:s8], $0x4000  }
0x94: {  	[sflag:s8] =	ssyncset.done $0x0  }
0x95: {  	s1 =	rddreg [dreg:$0x1a];
	[sflag:s8] =	ssyncadd.s32 $0xFFFFC000  }
0x96: {  	[tilespmem:s12], [sflag:$0x3] =	stream.linear.gather [hbm4b:s1+s2], $0x4000, $0x38;
	[tilespmem:$0x10080] =	vst v63  }
0x97: {  	_ =	swait.ge [sflag:s20], $0x4000  }
0x98: {  	[sflag:s20] =	ssyncset.done $0x0  }
0x99: {  	s1 =	rddreg [dreg:$0x1b];
	[sflag:s20] =	ssyncadd.s32 $0xFFFFC000  }
0x9a: {  	[hbm4b:s1+s2] =	stream.linear.scatter [tilespmem:s17], [sflag:$0x6], $0x4000, $0x38;
	[tilespmem:$0x10080] =	vst v63  }
0x9b: {  	_ =	swait.ge [sflag:s5], $0x4000  }
0x9c: {  	[sflag:s5] =	ssyncset.done $0x0  }
0x9d: {  	s1 =	rddreg [dreg:$0x1c];
	[sflag:s5] =	ssyncadd.s32 $0xFFFFC000  }
0x9e: {  	[tilespmem:s9], [sflag:$0x4] =	stream.linear.gather [hbm4b:s1+s2], $0x4000, $0x38;
	[tilespmem:$0x10080] =	vst v63  }
0x9f: {  	_ =	swait.ge [sflag:s15], $0x4000  }
0xa0: {  	[sflag:s15] =	ssyncset.done $0x0  }
0xa1: {  	s1 =	rddreg [dreg:$0x1d];
	[sflag:s15] =	ssyncadd.s32 $0xFFFFC000  }
0xa2: {  	[hbm4b:s1+s2] =	stream.linear.scatter [tilespmem:s12], [sflag:$0x7], $0x4000, $0x38;
	[tilespmem:$0x10080] =	vst v63  }
0xa3: {  	_ =	swait.ge [sflag:s7], $0x4000  }
0xa4: {  	[sflag:s7] =	ssyncset.done $0x0  }
0xa5: {  	s1 =	rddreg [dreg:$0x1e];
	[sflag:s7] =	ssyncadd.s32 $0xFFFFC000  }
0xa6: {  	[tilespmem:s2], [sflag:$0x1] =	stream.linear.gather [hbm4b:s1+s2], $0x4000, $0x38;
	[tilespmem:$0x10080] =	vst v63  }
0xa7: {  	_ =	swait.ge [sflag:s14], $0x4000  }
0xa8: {  	[sflag:s14] =	ssyncset.done $0x0  }
0xa9: {  	s1 =	rddreg [dreg:$0x1f];
	[sflag:s14] =	ssyncadd.s32 $0xFFFFC000  }
0xaa: {  	[hbm4b:s1+s2] =	stream.linear.scatter [tilespmem:s9], [sflag:$0x8], $0x4000, $0x38;
	[tilespmem:$0x10080] =	vst v63  }
0xab: {  	_ =	swait.ge [sflag:s10], $0x4000  }
0xac: {  	s1 =	sld [smem:$0x7E4]  }
0xad: {  	[sflag:s10] =	ssyncset.done $0x0  }
0xae: {  	[sflag:s10] =	ssyncadd.s32 $0xFFFFC000  }
0xaf: {  	[tilespmem:s17], [sflag:$0x2] =	stream.linear.gather [hbm4b:s1+s2], $0x4000, $0x38;
	[tilespmem:$0x10080] =	vst v63  }
0xb0: {  	_ =	swait.ge [sflag:s23], $0x4000  }
0xb1: {  	s1 =	sld [smem:$0x7E5]  }
0xb2: {  	[sflag:s23] =	ssyncset.done $0x0  }
0xb3: {  	[sflag:s23] =	ssyncadd.s32 $0xFFFFC000  }
0xb4: {  	[hbm4b:s1+s2] =	stream.linear.scatter [tilespmem:s2], [sflag:$0x5], $0x4000, $0x38;
	[tilespmem:$0x10080] =	vst v63  }
0xb5: {  	_ =	swait.ge [sflag:s8], $0x4000  }
0xb6: {  	s1 =	sld [smem:$0x7E6]  }
0xb7: {  	[sflag:s8] =	ssyncset.done $0x0  }
0xb8: {  	[sflag:s8] =	ssyncadd.s32 $0xFFFFC000  }
0xb9: {  	[tilespmem:s12], [sflag:$0x3] =	stream.linear.gather [hbm4b:s1+s2], $0x4000, $0x38;
	[tilespmem:$0x10080] =	vst v63  }
0xba: {  	_ =	swait.ge [sflag:s20], $0x4000  }
0xbb: {  	s1 =	sld [smem:$0x7E7]  }
0xbc: {  	[sflag:s20] =	ssyncset.done $0x0  }
0xbd: {  	[sflag:s20] =	ssyncadd.s32 $0xFFFFC000  }
0xbe: {  	[hbm4b:s1+s2] =	stream.linear.scatter [tilespmem:s17], [sflag:$0x6], $0x4000, $0x38;
	[tilespmem:$0x10080] =	vst v63  }
0xbf: {  	_ =	swait.ge [sflag:s5], $0x4000  }
0xc0: {  	s1 =	sld [smem:$0x7E8]  }
0xc1: {  	[sflag:s5] =	ssyncset.done $0x0  }
0xc2: {  	[sflag:s5] =	ssyncadd.s32 $0xFFFFC000  }
0xc3: {  	[tilespmem:s9], [sflag:$0x4] =	stream.linear.gather [hbm4b:s1+s2], $0x4000, $0x38;
	[tilespmem:$0x10080] =	vst v63  }
0xc4: {  	_ =	swait.ge [sflag:s15], $0x4000  }
0xc5: {  	s1 =	sld [smem:$0x7E9]  }
0xc6: {  	[sflag:s15] =	ssyncset.done $0x0  }
0xc7: {  	[sflag:s15] =	ssyncadd.s32 $0xFFFFC000  }
0xc8: {  	[hbm4b:s1+s2] =	stream.linear.scatter [tilespmem:s12], [sflag:$0x7], $0x4000, $0x38;
	[tilespmem:$0x10080] =	vst v63  }
0xc9: {  	_ =	swait.ge [sflag:s7], $0x4000  }
0xca: {  	s1 =	sld [smem:$0x7EA]  }
0xcb: {  	[sflag:s7] =	ssyncset.done $0x0  }
0xcc: {  	[sflag:s7] =	ssyncadd.s32 $0xFFFFC000  }
0xcd: {  	[tilespmem:s2], [sflag:$0x1] =	stream.linear.gather [hbm4b:s1+s2], $0x4000, $0x38;
	[tilespmem:$0x10080] =	vst v63  }
0xce: {  	_ =	swait.ge [sflag:s14], $0x4000  }
0xcf: {  	s1 =	sld [smem:$0x7EB]  }
0xd0: {  	[sflag:s14] =	ssyncset.done $0x0  }
0xd1: {  	[sflag:s14] =	ssyncadd.s32 $0xFFFFC000  }
0xd2: {  	[hbm4b:s1+s2] =	stream.linear.scatter [tilespmem:s9], [sflag:$0x8], $0x4000, $0x38;
	[tilespmem:$0x10080] =	vst v63  }
0xd3: {  	_ =	swait.ge [sflag:s10], $0x4000  }
0xd4: {  	s1 =	sld [smem:$0x7EC]  }
0xd5: {  	[sflag:s10] =	ssyncset.done $0x0  }
0xd6: {  	[sflag:s10] =	ssyncadd.s32 $0xFFFFC000  }
0xd7: {  	[tilespmem:s17], [sflag:$0x2] =	stream.linear.gather [hbm4b:s1+s2], $0x4000, $0x38;
	[tilespmem:$0x10080] =	vst v63  }
0xd8: {  	_ =	swait.ge [sflag:s23], $0x4000  }
0xd9: {  	s1 =	sld [smem:$0x7ED]  }
0xda: {  	[sflag:s23] =	ssyncset.done $0x0  }
0xdb: {  	[sflag:s23] =	ssyncadd.s32 $0xFFFFC000  }
0xdc: {  	[hbm4b:s1+s2] =	stream.linear.scatter [tilespmem:s2], [sflag:$0x5], $0x4000, $0x38;
	[tilespmem:$0x10080] =	vst v63  }
0xdd: {  	_ =	swait.ge [sflag:s8], $0x4000  }
0xde: {  	s1 =	sld [smem:$0x7EE]  }
0xdf: {  	[sflag:s8] =	ssyncset.done $0x0  }
0xe0: {  	[sflag:s8] =	ssyncadd.s32 $0xFFFFC000  }
0xe1: {  	[tilespmem:s12], [sflag:$0x3] =	stream.linear.gather [hbm4b:s1+s2], $0x4000, $0x38;
	[tilespmem:$0x10080] =	vst v63  }
0xe2: {  	_ =	swait.ge [sflag:s20], $0x4000  }
0xe3: {  	s1 =	sld [smem:$0x7EF]  }
0xe4: {  	[sflag:s20] =	ssyncset.done $0x0  }
0xe5: {  	[sflag:s20] =	ssyncadd.s32 $0xFFFFC000  }
0xe6: {  	[hbm4b:s1+s2] =	stream.linear.scatter [tilespmem:s17], [sflag:$0x6], $0x4000, $0x38;
	[tilespmem:$0x10080] =	vst v63  }
0xe7: {  	_ =	swait.ge [sflag:s5], $0x4000  }
0xe8: {  	s1 =	sld [smem:$0x7F0]  }
0xe9: {  	[sflag:s5] =	ssyncset.done $0x0  }
0xea: {  	[sflag:s5] =	ssyncadd.s32 $0xFFFFC000  }
0xeb: {  	[tilespmem:s9], [sflag:$0x4] =	stream.linear.gather [hbm4b:s1+s2], $0x4000, $0x38;
	[tilespmem:$0x10080] =	vst v63  }
0xec: {  	_ =	swait.ge [sflag:s15], $0x4000  }
0xed: {  	s1 =	sld [smem:$0x7F1]  }
0xee: {  	[sflag:s15] =	ssyncset.done $0x0  }
0xef: {  	[sflag:s15] =	ssyncadd.s32 $0xFFFFC000  }
0xf0: {  	[hbm4b:s1+s2] =	stream.linear.scatter [tilespmem:s12], [sflag:$0x7], $0x4000, $0x38;
	[tilespmem:$0x10080] =	vst v63  }
0xf1: {  	_ =	swait.ge [sflag:s7], $0x4000  }
0xf2: {  	s1 =	sld [smem:$0x7F2]  }
0xf3: {  	[sflag:s7] =	ssyncset.done $0x0  }
0xf4: {  	[sflag:s7] =	ssyncadd.s32 $0xFFFFC000  }
0xf5: {  	[tilespmem:s2], [sflag:$0x1] =	stream.linear.gather [hbm4b:s1+s2], $0x4000, $0x38;
	[tilespmem:$0x10080] =	vst v63  }
0xf6: {  	_ =	swait.ge [sflag:s14], $0x4000  }
0xf7: {  	s1 =	sld [smem:$0x7F3]  }
0xf8: {  	[sflag:s14] =	ssyncset.done $0x0  }
0xf9: {  	[sflag:s14] =	ssyncadd.s32 $0xFFFFC000  }
0xfa: {  	[hbm4b:s1+s2] =	stream.linear.scatter [tilespmem:s9], [sflag:$0x8], $0x4000, $0x38;
	[tilespmem:$0x10080] =	vst v63  }
0xfb: {  	_ =	swait.ge [sflag:s10], $0x4000  }
0xfc: {  	s1 =	sld [smem:$0x7F4]  }
0xfd: {  	[sflag:s10] =	ssyncset.done $0x0  }
0xfe: {  	[sflag:s10] =	ssyncadd.s32 $0xFFFFC000  }
0xff: {  	[tilespmem:s17], [sflag:$0x2] =	stream.linear.gather [hbm4b:s1+s2], $0x4000, $0x38;
	[tilespmem:$0x10080] =	vst v63  }
0x100: {  	_ =	swait.ge [sflag:s23], $0x4000  }
0x101: {  	s1 =	sld [smem:$0x7F5]  }
0x102: {  	[sflag:s23] =	ssyncset.done $0x0  }
0x103: {  	[sflag:s23] =	ssyncadd.s32 $0xFFFFC000  }
0x104: {  	[hbm4b:s1+s2] =	stream.linear.scatter [tilespmem:s2], [sflag:$0x5], $0x4000, $0x38;
	[tilespmem:$0x10080] =	vst v63  }
0x105: {  	_ =	swait.ge [sflag:s8], $0x4000  }
0x106: {  	s1 =	sld [smem:$0x7F6]  }
0x107: {  	[sflag:s8] =	ssyncset.done $0x0  }
0x108: {  	[sflag:s8] =	ssyncadd.s32 $0xFFFFC000  }
0x109: {  	[tilespmem:s12], [sflag:$0x3] =	stream.linear.gather [hbm4b:s1+s2], $0x4000, $0x38;
	[tilespmem:$0x10080] =	vst v63  }
0x10a: {  	_ =	swait.ge [sflag:s20], $0x4000  }
0x10b: {  	s1 =	sld [smem:$0x7F7]  }
0x10c: {  	[sflag:s20] =	ssyncset.done $0x0  }
0x10d: {  	[sflag:s20] =	ssyncadd.s32 $0xFFFFC000  }
0x10e: {  	[hbm4b:s1+s2] =	stream.linear.scatter [tilespmem:s17], [sflag:$0x6], $0x4000, $0x38;
	[tilespmem:$0x10080] =	vst v63  }
0x10f: {  	_ =	swait.ge [sflag:s5], $0x4000  }
0x110: {  	s1 =	sld [smem:$0x7F8]  }
0x111: {  	[sflag:s5] =	ssyncset.done $0x0  }
0x112: {  	[sflag:s5] =	ssyncadd.s32 $0xFFFFC000  }
0x113: {  	[tilespmem:s9], [sflag:$0x4] =	stream.linear.gather [hbm4b:s1+s2], $0x4000, $0x38;
	[tilespmem:$0x10080] =	vst v63  }
0x114: {  	_ =	swait.ge [sflag:s15], $0x4000  }
0x115: {  	s1 =	sld [smem:$0x7F9]  }
0x116: {  	[sflag:s15] =	ssyncset.done $0x0  }
0x117: {  	[sflag:s15] =	ssyncadd.s32 $0xFFFFC000  }
0x118: {  	[hbm4b:s1+s2] =	stream.linear.scatter [tilespmem:s12], [sflag:$0x7], $0x4000, $0x38;
	[tilespmem:$0x10080] =	vst v63  }
0x119: {  	_ =	swait.ge [sflag:s7], $0x4000  }
0x11a: {  	s1 =	sld [smem:$0x7FA]  }
0x11b: {  	[sflag:s7] =	ssyncset.done $0x0  }
0x11c: {  	[sflag:s7] =	ssyncadd.s32 $0xFFFFC000  }
0x11d: {  	[tilespmem:s2], [sflag:$0x1] =	stream.linear.gather [hbm4b:s1+s2], $0x4000, $0x38;
	[tilespmem:$0x10080] =	vst v63  }
0x11e: {  	_ =	swait.ge [sflag:s14], $0x4000  }
0x11f: {  	s1 =	sld [smem:$0x7FB]  }
0x120: {  	[sflag:s14] =	ssyncset.done $0x0  }
0x121: {  	[sflag:s14] =	ssyncadd.s32 $0xFFFFC000  }
0x122: {  	[hbm4b:s1+s2] =	stream.linear.scatter [tilespmem:s9], [sflag:$0x8], $0x4000, $0x38;
	[tilespmem:$0x10080] =	vst v63  }
0x123: {  	_ =	swait.ge [sflag:s10], $0x4000  }
0x124: {  	s1 =	sld [smem:$0x7FC]  }
0x125: {  	[sflag:s10] =	ssyncset.done $0x0  }
0x126: {  	[sflag:s10] =	ssyncadd.s32 $0xFFFFC000  }
0x127: {  	[tilespmem:s17], [sflag:$0x2] =	stream.linear.gather [hbm4b:s1+s2], $0x4000, $0x38;
	[tilespmem:$0x10080] =	vst v63  }
0x128: {  	_ =	swait.ge [sflag:s23], $0x4000  }
0x129: {  	s1 =	sld [smem:$0x7FD]  }
0x12a: {  	[sflag:s23] =	ssyncset.done $0x0  }
0x12b: {  	[sflag:s23] =	ssyncadd.s32 $0xFFFFC000  }
0x12c: {  	[hbm4b:s1+s2] =	stream.linear.scatter [tilespmem:s2], [sflag:$0x5], $0x4000, $0x38;
	[tilespmem:$0x10080] =	vst v63  }
0x12d: {  	_ =	swait.ge [sflag:s8], $0x4000  }
0x12e: {  	[sflag:s8] =	ssyncset.done $0x0  }
0x12f: {  	[sflag:s8] =	ssyncadd.s32 $0xFFFFC000  }
0x130: {  	[tilespmem:s12], [sflag:$0x3] =	stream.linear.gather [hbm4b:s28+s2], $0x4000, $0x38;
	[tilespmem:$0x10080] =	vst v63  }
0x131: {  	_ =	swait.ge [sflag:s20], $0x4000  }
0x132: {  	[sflag:s20] =	ssyncset.done $0x0  }
0x133: {  	[sflag:s20] =	ssyncadd.s32 $0xFFFFC000  }
0x134: {  	[hbm4b:s26+s2] =	stream.linear.scatter [tilespmem:s17], [sflag:$0x6], $0x4000, $0x38;
	[tilespmem:$0x10080] =	vst v63  }
0x135: {  	_ =	swait.ge [sflag:s5], $0x4000  }
0x136: {  	[sflag:s5] =	ssyncset.done $0x0  }
0x137: {  	[sflag:s5] =	ssyncadd.s32 $0xFFFFC000  }
0x138: {  	[tilespmem:s9], [sflag:$0x4] =	stream.linear.gather [hbm4b:s25+s2], $0x4000, $0x38;
	[tilespmem:$0x10080] =	vst v63  }
0x139: {  	_ =	swait.ge [sflag:s15], $0x4000  }
0x13a: {  	[sflag:s15] =	ssyncset.done $0x0  }
0x13b: {  	[sflag:s15] =	ssyncadd.s32 $0xFFFFC000  }
0x13c: {  	[hbm4b:s24+s2] =	stream.linear.scatter [tilespmem:s12], [sflag:$0x7], $0x4000, $0x38;
	[tilespmem:$0x10080] =	vst v63  }
0x13d: {  	_ =	swait.ge [sflag:s7], $0x4000  }
0x13e: {  	[sflag:s7] =	ssyncset.done $0x0  }
0x13f: {  	[sflag:s7] =	ssyncadd.s32 $0xFFFFC000  }
0x140: {  	[tilespmem:s2], [sflag:$0x1] =	stream.linear.gather [hbm4b:s22+s2], $0x4000, $0x38;
	[tilespmem:$0x10080] =	vst v63  }
0x141: {  	_ =	swait.ge [sflag:s14], $0x4000  }
0x142: {  	[sflag:s14] =	ssyncset.done $0x0  }
0x143: {  	[sflag:s14] =	ssyncadd.s32 $0xFFFFC000  }
0x144: {  	[hbm4b:s21+s2] =	stream.linear.scatter [tilespmem:s9], [sflag:$0x8], $0x4000, $0x38;
	[tilespmem:$0x10080] =	vst v63  }
0x145: {  	_ =	swait.ge [sflag:s10], $0x4000  }
0x146: {  	[sflag:s10] =	ssyncset.done $0x0  }
0x147: {  	[sflag:s10] =	ssyncadd.s32 $0xFFFFC000  }
0x148: {  	[tilespmem:s17], [sflag:$0x2] =	stream.linear.gather [hbm4b:s19+s2], $0x4000, $0x38;
	[tilespmem:$0x10080] =	vst v63  }
0x149: {  	_ =	swait.ge [sflag:s23], $0x4000  }
0x14a: {  	[sflag:s23] =	ssyncset.done $0x0  }
0x14b: {  	[sflag:s23] =	ssyncadd.s32 $0xFFFFC000  }
0x14c: {  	[hbm4b:s18+s2] =	stream.linear.scatter [tilespmem:s2], [sflag:$0x5], $0x4000, $0x38;
	[tilespmem:$0x10080] =	vst v63  }
0x14d: {  	_ =	swait.ge [sflag:s8], $0x4000  }
0x14e: {  	[sflag:s8] =	ssyncset.done $0x0  }
0x14f: {  	[sflag:s8] =	ssyncadd.s32 $0xFFFFC000  }
0x150: {  	[tilespmem:s12], [sflag:$0x3] =	stream.linear.gather [hbm4b:s16+s2], $0x4000, $0x38;
	[tilespmem:$0x10080] =	vst v63  }
0x151: {  	_ =	swait.ge [sflag:s20], $0x4000  }
0x152: {  	[sflag:s20] =	ssyncset.done $0x0  }
0x153: {  	[sflag:s20] =	ssyncadd.s32 $0xFFFFC000  }
0x154: {  	[hbm4b:s13+s2] =	stream.linear.scatter [tilespmem:s17], [sflag:$0x6], $0x4000, $0x38;
	[tilespmem:$0x10080] =	vst v63  }
0x155: {  	_ =	swait.ge [sflag:s5], $0x4000  }
0x156: {  	[sflag:s5] =	ssyncset.done $0x0  }
0x157: {  	[sflag:s5] =	ssyncadd.s32 $0xFFFFC000  }
0x158: {  	[tilespmem:s9], [sflag:$0x4] =	stream.linear.gather [hbm4b:s11+s2], $0x4000, $0x38;
	[tilespmem:$0x10080] =	vst v63  }
0x159: {  	_ =	swait.ge [sflag:s15], $0x4000  }
0x15a: {  	[sflag:s15] =	ssyncset.done $0x0  }
0x15b: {  	[sflag:s15] =	ssyncadd.s32 $0xFFFFC000  }
0x15c: {  	[hbm4b:s6+s2] =	stream.linear.scatter [tilespmem:s12], [sflag:$0x7], $0x4000, $0x38;
	[tilespmem:$0x10080] =	vst v63  }
0x15d: {  	_ =	swait.ge [sflag:s14], $0x4000  }
0x15e: {  	[sflag:s14] =	ssyncset.done $0x0  }
0x15f: {  	[sflag:s14] =	ssyncadd.s32 $0xFFFFC000  }
0x160: {  	[hbm4b:s3+s2] =	stream.linear.scatter [tilespmem:s9], [sflag:$0x8], $0x4000, $0x38;
	[tilespmem:$0x10080] =	vst v63  }
0x161: {  	_ =	swait.ge [sflag:s7], $0x4000  }
0x162: {  	[sflag:s7] =	ssyncset.done $0x0  }
0x163: {  	[sflag:s7] =	ssyncadd.s32 $0xFFFFC000  }
0x164: {  	_ =	swait.ge [sflag:s10], $0x4000  }
0x165: {  	s1 =	sadd.s32 $0xFFFFFFFF, s4;
	[sflag:s10] =	ssyncset.done $0x0  }
0x166: {  	p2 =	sne.s32 s1, $0x0;
	[sflag:s10] =	ssyncadd.s32 $0xFFFFC000  }
.Ltmp1:
0x167: {  	_ =	swait.ge [sflag:s8], $0x4000;
	(pc) =	sbr.rel @!p2 .LBB2_3-.Ltmp1, $4  }
0x168: {  	[sflag:s8] =	ssyncset.done $0x0  }
0x169: {  	[sflag:s8] =	ssyncadd.s32 $0xFFFFC000  }
0x16a: {  	_ =	swait.ge [sflag:s5], $0x4000  }
0x16b: {  	p1 =	por $0x1, $0x1;
	s0 =	rddreg [dreg:$0x5];
	[sflag:s5] =	ssyncset.done $0x0  }
.LBB2_4:
0x16c: {  	[sflag:s5] =	ssyncadd.s32 $0xFFFFC000  }
0x16d: {  	[tilespmem:s30], [sflag:$0x9] =	stream.linear.gather @!p0 [hbm4b:s0+s29], $0x80, $0x38;
	[tilespmem:$0x10080] =	vst v63  }
0x16e: {  	_ =	swait.ge @!p0 [sflag:s31], $0x80  }
0x16f: {  	[sflag:s31] =	ssyncset.done @!p0 $0x0  }
0x170: {  	s0 =	rddreg [dreg:$0x6];
	[sflag:s31] =	ssyncadd.s32 @!p0 $0xFFFFFF80  }
0x171: {  	[hbm4b:s0+s29] =	stream.linear.scatter @!p0 [tilespmem:s30], [sflag:$0x9], $0x80, $0x38;
	[tilespmem:$0x10080] =	vst v63  }
0x172: {  	_ =	swait.ge @!p0 [sflag:s31], $0x80  }
0x173: {  	[sflag:s31] =	ssyncset.done @!p0 $0x0  }
0x174: {  	s0 =	rddreg [dreg:$0x7];
	[sflag:s31] =	ssyncadd.s32 @!p0 $0xFFFFFF80  }
0x175: {  	[tilespmem:s2], [sflag:$0x1] =	stream.linear.gather [hbm4b:s0+s2], $0x4000, $0x38;
	[tilespmem:$0x10080] =	vst v63  }
0x176: {  	s4 =	smov.u32 s3;
	s3 =	rddreg [dreg:$0x8]  }
0x177: {  	[tilespmem:s17], [sflag:$0x2] =	stream.linear.gather [hbm4b:s3+s2], $0x4000, $0x38;
	[tilespmem:$0x10080] =	vst v63  }
0x178: {  	_ =	swait.ge [sflag:s23], $0x4000  }
0x179: {  	[sflag:s23] =	ssyncset.done $0x0  }
0x17a: {  	s0 =	rddreg [dreg:$0x9];
	[sflag:s23] =	ssyncadd.s32 $0xFFFFC000  }
0x17b: {  	[hbm4b:s0+s2] =	stream.linear.scatter [tilespmem:s2], [sflag:$0x5], $0x4000, $0x38;
	[tilespmem:$0x10080] =	vst v63  }
0x17c: {  	s3 =	rddreg [dreg:$0xa]  }
0x17d: {  	[tilespmem:s12], [sflag:$0x3] =	stream.linear.gather [hbm4b:s3+s2], $0x4000, $0x38;
	[tilespmem:$0x10080] =	vst v63  }
0x17e: {  	_ =	swait.ge [sflag:s20], $0x4000  }
0x17f: {  	[sflag:s20] =	ssyncset.done $0x0  }
0x180: {  	s0 =	rddreg [dreg:$0xb];
	[sflag:s20] =	ssyncadd.s32 $0xFFFFC000  }
0x181: {  	[hbm4b:s0+s2] =	stream.linear.scatter [tilespmem:s17], [sflag:$0x6], $0x4000, $0x38;
	[tilespmem:$0x10080] =	vst v63  }
0x182: {  	s3 =	rddreg [dreg:$0xc]  }
0x183: {  	[tilespmem:s9], [sflag:$0x4] =	stream.linear.gather [hbm4b:s3+s2], $0x4000, $0x38;
	[tilespmem:$0x10080] =	vst v63  }
0x184: {  	_ =	swait.ge [sflag:s15], $0x4000  }
0x185: {  	[sflag:s15] =	ssyncset.done $0x0  }
0x186: {  	s0 =	rddreg [dreg:$0xd];
	[sflag:s15] =	ssyncadd.s32 $0xFFFFC000  }
0x187: {  	[hbm4b:s0+s2] =	stream.linear.scatter [tilespmem:s12], [sflag:$0x7], $0x4000, $0x38;
	[tilespmem:$0x10080] =	vst v63  }
0x188: {  	_ =	swait.ge [sflag:s7], $0x4000  }
0x189: {  	[sflag:s7] =	ssyncset.done $0x0  }
0x18a: {  	s0 =	rddreg [dreg:$0xe];
	[sflag:s7] =	ssyncadd.s32 $0xFFFFC000  }
0x18b: {  	[tilespmem:s2], [sflag:$0x1] =	stream.linear.gather [hbm4b:s0+s2], $0x4000, $0x38;
	[tilespmem:$0x10080] =	vst v63  }
0x18c: {  	_ =	swait.ge [sflag:s14], $0x4000  }
0x18d: {  	[sflag:s14] =	ssyncset.done $0x0  }
0x18e: {  	s0 =	rddreg [dreg:$0xf];
	[sflag:s14] =	ssyncadd.s32 $0xFFFFC000  }
0x18f: {  	[hbm4b:s0+s2] =	stream.linear.scatter [tilespmem:s9], [sflag:$0x8], $0x4000, $0x38;
	[tilespmem:$0x10080] =	vst v63  }
0x190: {  	_ =	swait.ge [sflag:s10], $0x4000  }
0x191: {  	[sflag:s10] =	ssyncset.done $0x0  }
0x192: {  	s0 =	rddreg [dreg:$0x10];
	[sflag:s10] =	ssyncadd.s32 $0xFFFFC000  }
0x193: {  	[tilespmem:s17], [sflag:$0x2] =	stream.linear.gather [hbm4b:s0+s2], $0x4000, $0x38;
	[tilespmem:$0x10080] =	vst v63  }
0x194: {  	_ =	swait.ge [sflag:s23], $0x4000  }
0x195: {  	[sflag:s23] =	ssyncset.done $0x0  }
0x196: {  	s0 =	rddreg [dreg:$0x11];
	[sflag:s23] =	ssyncadd.s32 $0xFFFFC000  }
0x197: {  	[hbm4b:s0+s2] =	stream.linear.scatter [tilespmem:s2], [sflag:$0x5], $0x4000, $0x38;
	[tilespmem:$0x10080] =	vst v63  }
0x198: {  	_ =	swait.ge [sflag:s8], $0x4000  }
0x199: {  	[sflag:s8] =	ssyncset.done $0x0  }
0x19a: {  	s0 =	rddreg [dreg:$0x12];
	[sflag:s8] =	ssyncadd.s32 $0xFFFFC000  }
0x19b: {  	[tilespmem:s12], [sflag:$0x3] =	stream.linear.gather [hbm4b:s0+s2], $0x4000, $0x38;
	[tilespmem:$0x10080] =	vst v63  }
0x19c: {  	_ =	swait.ge [sflag:s20], $0x4000  }
0x19d: {  	[sflag:s20] =	ssyncset.done $0x0  }
0x19e: {  	s0 =	rddreg [dreg:$0x13];
	[sflag:s20] =	ssyncadd.s32 $0xFFFFC000  }
0x19f: {  	[hbm4b:s0+s2] =	stream.linear.scatter [tilespmem:s17], [sflag:$0x6], $0x4000, $0x38;
	[tilespmem:$0x10080] =	vst v63  }
0x1a0: {  	_ =	swait.ge [sflag:s5], $0x4000  }
0x1a1: {  	[sflag:s5] =	ssyncset.done $0x0  }
0x1a2: {  	s0 =	rddreg [dreg:$0x14];
	[sflag:s5] =	ssyncadd.s32 $0xFFFFC000  }
0x1a3: {  	[tilespmem:s9], [sflag:$0x4] =	stream.linear.gather [hbm4b:s0+s2], $0x4000, $0x38;
	[tilespmem:$0x10080] =	vst v63  }
0x1a4: {  	_ =	swait.ge [sflag:s15], $0x4000  }
0x1a5: {  	[sflag:s15] =	ssyncset.done $0x0  }
0x1a6: {  	s0 =	rddreg [dreg:$0x15];
	[sflag:s15] =	ssyncadd.s32 $0xFFFFC000  }
0x1a7: {  	[hbm4b:s0+s2] =	stream.linear.scatter [tilespmem:s12], [sflag:$0x7], $0x4000, $0x38;
	[tilespmem:$0x10080] =	vst v63  }
0x1a8: {  	_ =	swait.ge [sflag:s7], $0x4000  }
0x1a9: {  	[sflag:s7] =	ssyncset.done $0x0  }
0x1aa: {  	s0 =	rddreg [dreg:$0x16];
	[sflag:s7] =	ssyncadd.s32 $0xFFFFC000  }
0x1ab: {  	[tilespmem:s2], [sflag:$0x1] =	stream.linear.gather [hbm4b:s0+s2], $0x4000, $0x38;
	[tilespmem:$0x10080] =	vst v63  }
0x1ac: {  	_ =	swait.ge [sflag:s14], $0x4000  }
0x1ad: {  	[sflag:s14] =	ssyncset.done $0x0  }
0x1ae: {  	s0 =	rddreg [dreg:$0x17];
	[sflag:s14] =	ssyncadd.s32 $0xFFFFC000  }
0x1af: {  	[hbm4b:s0+s2] =	stream.linear.scatter [tilespmem:s9], [sflag:$0x8], $0x4000, $0x38;
	[tilespmem:$0x10080] =	vst v63  }
0x1b0: {  	_ =	swait.ge [sflag:s10], $0x4000  }
0x1b1: {  	[sflag:s10] =	ssyncset.done $0x0  }
0x1b2: {  	s0 =	rddreg [dreg:$0x18];
	[sflag:s10] =	ssyncadd.s32 $0xFFFFC000  }
0x1b3: {  	[tilespmem:s17], [sflag:$0x2] =	stream.linear.gather [hbm4b:s0+s2], $0x4000, $0x38;
	[tilespmem:$0x10080] =	vst v63  }
0x1b4: {  	_ =	swait.ge [sflag:s23], $0x4000  }
0x1b5: {  	[sflag:s23] =	ssyncset.done $0x0  }
0x1b6: {  	s0 =	rddreg [dreg:$0x19];
	[sflag:s23] =	ssyncadd.s32 $0xFFFFC000  }
0x1b7: {  	[hbm4b:s0+s2] =	stream.linear.scatter [tilespmem:s2], [sflag:$0x5], $0x4000, $0x38;
	[tilespmem:$0x10080] =	vst v63  }
0x1b8: {  	_ =	swait.ge [sflag:s8], $0x4000  }
0x1b9: {  	[sflag:s8] =	ssyncset.done $0x0  }
0x1ba: {  	s0 =	rddreg [dreg:$0x1a];
	[sflag:s8] =	ssyncadd.s32 $0xFFFFC000  }
0x1bb: {  	[tilespmem:s12], [sflag:$0x3] =	stream.linear.gather [hbm4b:s0+s2], $0x4000, $0x38;
	[tilespmem:$0x10080] =	vst v63  }
0x1bc: {  	_ =	swait.ge [sflag:s20], $0x4000  }
0x1bd: {  	[sflag:s20] =	ssyncset.done $0x0  }
0x1be: {  	s0 =	rddreg [dreg:$0x1b];
	[sflag:s20] =	ssyncadd.s32 $0xFFFFC000  }
0x1bf: {  	[hbm4b:s0+s2] =	stream.linear.scatter [tilespmem:s17], [sflag:$0x6], $0x4000, $0x38;
	[tilespmem:$0x10080] =	vst v63  }
0x1c0: {  	_ =	swait.ge [sflag:s5], $0x4000  }
0x1c1: {  	[sflag:s5] =	ssyncset.done $0x0  }
0x1c2: {  	s0 =	rddreg [dreg:$0x1c];
	[sflag:s5] =	ssyncadd.s32 $0xFFFFC000  }
0x1c3: {  	[tilespmem:s9], [sflag:$0x4] =	stream.linear.gather [hbm4b:s0+s2], $0x4000, $0x38;
	[tilespmem:$0x10080] =	vst v63  }
0x1c4: {  	_ =	swait.ge [sflag:s15], $0x4000  }
0x1c5: {  	[sflag:s15] =	ssyncset.done $0x0  }
0x1c6: {  	s0 =	rddreg [dreg:$0x1d];
	[sflag:s15] =	ssyncadd.s32 $0xFFFFC000  }
0x1c7: {  	[hbm4b:s0+s2] =	stream.linear.scatter [tilespmem:s12], [sflag:$0x7], $0x4000, $0x38;
	[tilespmem:$0x10080] =	vst v63  }
0x1c8: {  	_ =	swait.ge [sflag:s7], $0x4000  }
0x1c9: {  	[sflag:s7] =	ssyncset.done $0x0  }
0x1ca: {  	s0 =	rddreg [dreg:$0x1e];
	[sflag:s7] =	ssyncadd.s32 $0xFFFFC000  }
0x1cb: {  	[tilespmem:s2], [sflag:$0x1] =	stream.linear.gather [hbm4b:s0+s2], $0x4000, $0x38;
	[tilespmem:$0x10080] =	vst v63  }
0x1cc: {  	_ =	swait.ge [sflag:s14], $0x4000  }
0x1cd: {  	[sflag:s14] =	ssyncset.done $0x0  }
0x1ce: {  	s0 =	rddreg [dreg:$0x1f];
	[sflag:s14] =	ssyncadd.s32 $0xFFFFC000  }
0x1cf: {  	[hbm4b:s0+s2] =	stream.linear.scatter [tilespmem:s9], [sflag:$0x8], $0x4000, $0x38;
	[tilespmem:$0x10080] =	vst v63  }
0x1d0: {  	_ =	swait.ge [sflag:s10], $0x4000  }
0x1d1: {  	s0 =	sld [smem:$0x7E4]  }
0x1d2: {  	[sflag:s10] =	ssyncset.done $0x0  }
0x1d3: {  	[sflag:s10] =	ssyncadd.s32 $0xFFFFC000  }
0x1d4: {  	[tilespmem:s17], [sflag:$0x2] =	stream.linear.gather [hbm4b:s0+s2], $0x4000, $0x38;
	[tilespmem:$0x10080] =	vst v63  }
0x1d5: {  	_ =	swait.ge [sflag:s23], $0x4000  }
0x1d6: {  	s0 =	sld [smem:$0x7E5]  }
0x1d7: {  	[sflag:s23] =	ssyncset.done $0x0  }
0x1d8: {  	[sflag:s23] =	ssyncadd.s32 $0xFFFFC000  }
0x1d9: {  	[hbm4b:s0+s2] =	stream.linear.scatter [tilespmem:s2], [sflag:$0x5], $0x4000, $0x38;
	[tilespmem:$0x10080] =	vst v63  }
0x1da: {  	_ =	swait.ge [sflag:s8], $0x4000  }
0x1db: {  	s0 =	sld [smem:$0x7E6]  }
0x1dc: {  	[sflag:s8] =	ssyncset.done $0x0  }
0x1dd: {  	[sflag:s8] =	ssyncadd.s32 $0xFFFFC000  }
0x1de: {  	[tilespmem:s12], [sflag:$0x3] =	stream.linear.gather [hbm4b:s0+s2], $0x4000, $0x38;
	[tilespmem:$0x10080] =	vst v63  }
0x1df: {  	_ =	swait.ge [sflag:s20], $0x4000  }
0x1e0: {  	s0 =	sld [smem:$0x7E7]  }
0x1e1: {  	[sflag:s20] =	ssyncset.done $0x0  }
0x1e2: {  	[sflag:s20] =	ssyncadd.s32 $0xFFFFC000  }
0x1e3: {  	[hbm4b:s0+s2] =	stream.linear.scatter [tilespmem:s17], [sflag:$0x6], $0x4000, $0x38;
	[tilespmem:$0x10080] =	vst v63  }
0x1e4: {  	_ =	swait.ge [sflag:s5], $0x4000  }
0x1e5: {  	s0 =	sld [smem:$0x7E8]  }
0x1e6: {  	[sflag:s5] =	ssyncset.done $0x0  }
0x1e7: {  	[sflag:s5] =	ssyncadd.s32 $0xFFFFC000  }
0x1e8: {  	[tilespmem:s9], [sflag:$0x4] =	stream.linear.gather [hbm4b:s0+s2], $0x4000, $0x38;
	[tilespmem:$0x10080] =	vst v63  }
0x1e9: {  	_ =	swait.ge [sflag:s15], $0x4000  }
0x1ea: {  	s0 =	sld [smem:$0x7E9]  }
0x1eb: {  	[sflag:s15] =	ssyncset.done $0x0  }
0x1ec: {  	[sflag:s15] =	ssyncadd.s32 $0xFFFFC000  }
0x1ed: {  	[hbm4b:s0+s2] =	stream.linear.scatter [tilespmem:s12], [sflag:$0x7], $0x4000, $0x38;
	[tilespmem:$0x10080] =	vst v63  }
0x1ee: {  	_ =	swait.ge [sflag:s7], $0x4000  }
0x1ef: {  	s0 =	sld [smem:$0x7EA]  }
0x1f0: {  	[sflag:s7] =	ssyncset.done $0x0  }
0x1f1: {  	[sflag:s7] =	ssyncadd.s32 $0xFFFFC000  }
0x1f2: {  	[tilespmem:s2], [sflag:$0x1] =	stream.linear.gather [hbm4b:s0+s2], $0x4000, $0x38;
	[tilespmem:$0x10080] =	vst v63  }
0x1f3: {  	_ =	swait.ge [sflag:s14], $0x4000  }
0x1f4: {  	s0 =	sld [smem:$0x7EB]  }
0x1f5: {  	[sflag:s14] =	ssyncset.done $0x0  }
0x1f6: {  	[sflag:s14] =	ssyncadd.s32 $0xFFFFC000  }
0x1f7: {  	[hbm4b:s0+s2] =	stream.linear.scatter [tilespmem:s9], [sflag:$0x8], $0x4000, $0x38;
	[tilespmem:$0x10080] =	vst v63  }
0x1f8: {  	_ =	swait.ge [sflag:s10], $0x4000  }
0x1f9: {  	s0 =	sld [smem:$0x7EC]  }
0x1fa: {  	[sflag:s10] =	ssyncset.done $0x0  }
0x1fb: {  	[sflag:s10] =	ssyncadd.s32 $0xFFFFC000  }
0x1fc: {  	[tilespmem:s17], [sflag:$0x2] =	stream.linear.gather [hbm4b:s0+s2], $0x4000, $0x38;
	[tilespmem:$0x10080] =	vst v63  }
0x1fd: {  	_ =	swait.ge [sflag:s23], $0x4000  }
0x1fe: {  	s0 =	sld [smem:$0x7ED]  }
0x1ff: {  	[sflag:s23] =	ssyncset.done $0x0  }
0x200: {  	[sflag:s23] =	ssyncadd.s32 $0xFFFFC000  }
0x201: {  	[hbm4b:s0+s2] =	stream.linear.scatter [tilespmem:s2], [sflag:$0x5], $0x4000, $0x38;
	[tilespmem:$0x10080] =	vst v63  }
0x202: {  	_ =	swait.ge [sflag:s8], $0x4000  }
0x203: {  	s0 =	sld [smem:$0x7EE]  }
0x204: {  	[sflag:s8] =	ssyncset.done $0x0  }
0x205: {  	[sflag:s8] =	ssyncadd.s32 $0xFFFFC000  }
0x206: {  	[tilespmem:s12], [sflag:$0x3] =	stream.linear.gather [hbm4b:s0+s2], $0x4000, $0x38;
	[tilespmem:$0x10080] =	vst v63  }
0x207: {  	_ =	swait.ge [sflag:s20], $0x4000  }
0x208: {  	s0 =	sld [smem:$0x7EF]  }
0x209: {  	[sflag:s20] =	ssyncset.done $0x0  }
0x20a: {  	[sflag:s20] =	ssyncadd.s32 $0xFFFFC000  }
0x20b: {  	[hbm4b:s0+s2] =	stream.linear.scatter [tilespmem:s17], [sflag:$0x6], $0x4000, $0x38;
	[tilespmem:$0x10080] =	vst v63  }
0x20c: {  	_ =	swait.ge [sflag:s5], $0x4000  }
0x20d: {  	s0 =	sld [smem:$0x7F0]  }
0x20e: {  	[sflag:s5] =	ssyncset.done $0x0  }
0x20f: {  	[sflag:s5] =	ssyncadd.s32 $0xFFFFC000  }
0x210: {  	[tilespmem:s9], [sflag:$0x4] =	stream.linear.gather [hbm4b:s0+s2], $0x4000, $0x38;
	[tilespmem:$0x10080] =	vst v63  }
0x211: {  	_ =	swait.ge [sflag:s15], $0x4000  }
0x212: {  	s0 =	sld [smem:$0x7F1]  }
0x213: {  	[sflag:s15] =	ssyncset.done $0x0  }
0x214: {  	[sflag:s15] =	ssyncadd.s32 $0xFFFFC000  }
0x215: {  	[hbm4b:s0+s2] =	stream.linear.scatter [tilespmem:s12], [sflag:$0x7], $0x4000, $0x38;
	[tilespmem:$0x10080] =	vst v63  }
0x216: {  	_ =	swait.ge [sflag:s7], $0x4000  }
0x217: {  	s0 =	sld [smem:$0x7F2]  }
0x218: {  	[sflag:s7] =	ssyncset.done $0x0  }
0x219: {  	[sflag:s7] =	ssyncadd.s32 $0xFFFFC000  }
0x21a: {  	[tilespmem:s2], [sflag:$0x1] =	stream.linear.gather [hbm4b:s0+s2], $0x4000, $0x38;
	[tilespmem:$0x10080] =	vst v63  }
0x21b: {  	_ =	swait.ge [sflag:s14], $0x4000  }
0x21c: {  	s0 =	sld [smem:$0x7F3]  }
0x21d: {  	[sflag:s14] =	ssyncset.done $0x0  }
0x21e: {  	[sflag:s14] =	ssyncadd.s32 $0xFFFFC000  }
0x21f: {  	[hbm4b:s0+s2] =	stream.linear.scatter [tilespmem:s9], [sflag:$0x8], $0x4000, $0x38;
	[tilespmem:$0x10080] =	vst v63  }
0x220: {  	_ =	swait.ge [sflag:s10], $0x4000  }
0x221: {  	s0 =	sld [smem:$0x7F4]  }
0x222: {  	[sflag:s10] =	ssyncset.done $0x0  }
0x223: {  	[sflag:s10] =	ssyncadd.s32 $0xFFFFC000  }
0x224: {  	[tilespmem:s17], [sflag:$0x2] =	stream.linear.gather [hbm4b:s0+s2], $0x4000, $0x38;
	[tilespmem:$0x10080] =	vst v63  }
0x225: {  	_ =	swait.ge [sflag:s23], $0x4000  }
0x226: {  	s0 =	sld [smem:$0x7F5]  }
0x227: {  	[sflag:s23] =	ssyncset.done $0x0  }
0x228: {  	[sflag:s23] =	ssyncadd.s32 $0xFFFFC000  }
0x229: {  	[hbm4b:s0+s2] =	stream.linear.scatter [tilespmem:s2], [sflag:$0x5], $0x4000, $0x38;
	[tilespmem:$0x10080] =	vst v63  }
0x22a: {  	_ =	swait.ge [sflag:s8], $0x4000  }
0x22b: {  	s0 =	sld [smem:$0x7F6]  }
0x22c: {  	[sflag:s8] =	ssyncset.done $0x0  }
0x22d: {  	[sflag:s8] =	ssyncadd.s32 $0xFFFFC000  }
0x22e: {  	[tilespmem:s12], [sflag:$0x3] =	stream.linear.gather [hbm4b:s0+s2], $0x4000, $0x38;
	[tilespmem:$0x10080] =	vst v63  }
0x22f: {  	_ =	swait.ge [sflag:s20], $0x4000  }
0x230: {  	s0 =	sld [smem:$0x7F7]  }
0x231: {  	[sflag:s20] =	ssyncset.done $0x0  }
0x232: {  	[sflag:s20] =	ssyncadd.s32 $0xFFFFC000  }
0x233: {  	[hbm4b:s0+s2] =	stream.linear.scatter [tilespmem:s17], [sflag:$0x6], $0x4000, $0x38;
	[tilespmem:$0x10080] =	vst v63  }
0x234: {  	_ =	swait.ge [sflag:s5], $0x4000  }
0x235: {  	s0 =	sld [smem:$0x7F8]  }
0x236: {  	[sflag:s5] =	ssyncset.done $0x0  }
0x237: {  	[sflag:s5] =	ssyncadd.s32 $0xFFFFC000  }
0x238: {  	[tilespmem:s9], [sflag:$0x4] =	stream.linear.gather [hbm4b:s0+s2], $0x4000, $0x38;
	[tilespmem:$0x10080] =	vst v63  }
0x239: {  	_ =	swait.ge [sflag:s15], $0x4000  }
0x23a: {  	s0 =	sld [smem:$0x7F9]  }
0x23b: {  	[sflag:s15] =	ssyncset.done $0x0  }
0x23c: {  	[sflag:s15] =	ssyncadd.s32 $0xFFFFC000  }
0x23d: {  	[hbm4b:s0+s2] =	stream.linear.scatter [tilespmem:s12], [sflag:$0x7], $0x4000, $0x38;
	[tilespmem:$0x10080] =	vst v63  }
0x23e: {  	_ =	swait.ge [sflag:s7], $0x4000  }
0x23f: {  	s0 =	sld [smem:$0x7FA]  }
0x240: {  	[sflag:s7] =	ssyncset.done $0x0  }
0x241: {  	[sflag:s7] =	ssyncadd.s32 $0xFFFFC000  }
0x242: {  	[tilespmem:s2], [sflag:$0x1] =	stream.linear.gather [hbm4b:s0+s2], $0x4000, $0x38;
	[tilespmem:$0x10080] =	vst v63  }
0x243: {  	_ =	swait.ge [sflag:s14], $0x4000  }
0x244: {  	s0 =	sld [smem:$0x7FB]  }
0x245: {  	[sflag:s14] =	ssyncset.done $0x0  }
0x246: {  	[sflag:s14] =	ssyncadd.s32 $0xFFFFC000  }
0x247: {  	[hbm4b:s0+s2] =	stream.linear.scatter [tilespmem:s9], [sflag:$0x8], $0x4000, $0x38;
	[tilespmem:$0x10080] =	vst v63  }
0x248: {  	_ =	swait.ge [sflag:s10], $0x4000  }
0x249: {  	s0 =	sld [smem:$0x7FC]  }
0x24a: {  	[sflag:s10] =	ssyncset.done $0x0  }
0x24b: {  	[sflag:s10] =	ssyncadd.s32 $0xFFFFC000  }
0x24c: {  	[tilespmem:s17], [sflag:$0x2] =	stream.linear.gather [hbm4b:s0+s2], $0x4000, $0x38;
	[tilespmem:$0x10080] =	vst v63  }
0x24d: {  	_ =	swait.ge [sflag:s23], $0x4000  }
0x24e: {  	s0 =	sld [smem:$0x7FD]  }
0x24f: {  	[sflag:s23] =	ssyncset.done $0x0  }
0x250: {  	[sflag:s23] =	ssyncadd.s32 $0xFFFFC000  }
0x251: {  	[hbm4b:s0+s2] =	stream.linear.scatter [tilespmem:s2], [sflag:$0x5], $0x4000, $0x38;
	[tilespmem:$0x10080] =	vst v63  }
0x252: {  	_ =	swait.ge [sflag:s8], $0x4000  }
0x253: {  	[sflag:s8] =	ssyncset.done $0x0  }
0x254: {  	[sflag:s8] =	ssyncadd.s32 $0xFFFFC000  }
0x255: {  	[tilespmem:s12], [sflag:$0x3] =	stream.linear.gather [hbm4b:s28+s2], $0x4000, $0x38;
	[tilespmem:$0x10080] =	vst v63  }
0x256: {  	_ =	swait.ge [sflag:s20], $0x4000  }
0x257: {  	[sflag:s20] =	ssyncset.done $0x0  }
0x258: {  	[sflag:s20] =	ssyncadd.s32 $0xFFFFC000  }
0x259: {  	[hbm4b:s26+s2] =	stream.linear.scatter [tilespmem:s17], [sflag:$0x6], $0x4000, $0x38;
	[tilespmem:$0x10080] =	vst v63  }
0x25a: {  	_ =	swait.ge [sflag:s5], $0x4000  }
0x25b: {  	[sflag:s5] =	ssyncset.done $0x0  }
0x25c: {  	[sflag:s5] =	ssyncadd.s32 $0xFFFFC000  }
0x25d: {  	[tilespmem:s9], [sflag:$0x4] =	stream.linear.gather [hbm4b:s25+s2], $0x4000, $0x38;
	[tilespmem:$0x10080] =	vst v63  }
0x25e: {  	_ =	swait.ge [sflag:s15], $0x4000  }
0x25f: {  	[sflag:s15] =	ssyncset.done $0x0  }
0x260: {  	[sflag:s15] =	ssyncadd.s32 $0xFFFFC000  }
0x261: {  	[hbm4b:s24+s2] =	stream.linear.scatter [tilespmem:s12], [sflag:$0x7], $0x4000, $0x38;
	[tilespmem:$0x10080] =	vst v63  }
0x262: {  	_ =	swait.ge [sflag:s7], $0x4000  }
0x263: {  	[sflag:s7] =	ssyncset.done $0x0  }
0x264: {  	[sflag:s7] =	ssyncadd.s32 $0xFFFFC000  }
0x265: {  	[tilespmem:s2], [sflag:$0x1] =	stream.linear.gather [hbm4b:s22+s2], $0x4000, $0x38;
	[tilespmem:$0x10080] =	vst v63  }
0x266: {  	_ =	swait.ge [sflag:s14], $0x4000  }
0x267: {  	[sflag:s14] =	ssyncset.done $0x0  }
0x268: {  	[sflag:s14] =	ssyncadd.s32 $0xFFFFC000  }
0x269: {  	[hbm4b:s21+s2] =	stream.linear.scatter [tilespmem:s9], [sflag:$0x8], $0x4000, $0x38;
	[tilespmem:$0x10080] =	vst v63  }
0x26a: {  	_ =	swait.ge [sflag:s10], $0x4000  }
0x26b: {  	[sflag:s10] =	ssyncset.done $0x0  }
0x26c: {  	[sflag:s10] =	ssyncadd.s32 $0xFFFFC000  }
0x26d: {  	[tilespmem:s17], [sflag:$0x2] =	stream.linear.gather [hbm4b:s19+s2], $0x4000, $0x38;
	[tilespmem:$0x10080] =	vst v63  }
0x26e: {  	_ =	swait.ge [sflag:s23], $0x4000  }
0x26f: {  	[sflag:s23] =	ssyncset.done $0x0  }
0x270: {  	[sflag:s23] =	ssyncadd.s32 $0xFFFFC000  }
0x271: {  	[hbm4b:s18+s2] =	stream.linear.scatter [tilespmem:s2], [sflag:$0x5], $0x4000, $0x38;
	[tilespmem:$0x10080] =	vst v63  }
0x272: {  	_ =	swait.ge [sflag:s8], $0x4000  }
0x273: {  	[sflag:s8] =	ssyncset.done $0x0  }
0x274: {  	[sflag:s8] =	ssyncadd.s32 $0xFFFFC000  }
0x275: {  	[tilespmem:s12], [sflag:$0x3] =	stream.linear.gather [hbm4b:s16+s2], $0x4000, $0x38;
	[tilespmem:$0x10080] =	vst v63  }
0x276: {  	_ =	swait.ge [sflag:s20], $0x4000  }
0x277: {  	[sflag:s20] =	ssyncset.done $0x0  }
0x278: {  	[sflag:s20] =	ssyncadd.s32 $0xFFFFC000  }
0x279: {  	[hbm4b:s13+s2] =	stream.linear.scatter [tilespmem:s17], [sflag:$0x6], $0x4000, $0x38;
	[tilespmem:$0x10080] =	vst v63  }
0x27a: {  	_ =	swait.ge [sflag:s5], $0x4000  }
0x27b: {  	[sflag:s5] =	ssyncset.done $0x0  }
0x27c: {  	[sflag:s5] =	ssyncadd.s32 $0xFFFFC000  }
0x27d: {  	[tilespmem:s9], [sflag:$0x4] =	stream.linear.gather [hbm4b:s11+s2], $0x4000, $0x38;
	[tilespmem:$0x10080] =	vst v63  }
0x27e: {  	_ =	swait.ge [sflag:s15], $0x4000  }
0x27f: {  	[sflag:s15] =	ssyncset.done $0x0  }
0x280: {  	[sflag:s15] =	ssyncadd.s32 $0xFFFFC000  }
0x281: {  	[hbm4b:s6+s2] =	stream.linear.scatter [tilespmem:s12], [sflag:$0x7], $0x4000, $0x38;
	[tilespmem:$0x10080] =	vst v63  }
0x282: {  	_ =	swait.ge [sflag:s14], $0x4000  }
0x283: {  	[sflag:s14] =	ssyncset.done $0x0  }
0x284: {  	[sflag:s14] =	ssyncadd.s32 $0xFFFFC000  }
0x285: {  	[hbm4b:s4+s2] =	stream.linear.scatter [tilespmem:s9], [sflag:$0x8], $0x4000, $0x38;
	[tilespmem:$0x10080] =	vst v63  }
0x286: {  	_ =	swait.ge [sflag:s7], $0x4000  }
0x287: {  	[sflag:s7] =	ssyncset.done $0x0  }
0x288: {  	[sflag:s7] =	ssyncadd.s32 $0xFFFFC000  }
0x289: {  	_ =	swait.ge [sflag:s10], $0x4000  }
0x28a: {  	s1 =	sadd.s32 $0xFFFFFFFF, s1;
	[sflag:s10] =	ssyncset.done $0x0  }
0x28b: {  	p2 =	sne.s32 s1, $0x0;
	[sflag:s10] =	ssyncadd.s32 $0xFFFFC000  }
.Ltmp2:
0x28c: {  	_ =	swait.ge [sflag:s8], $0x4000;
	(pc) =	sbr.rel @p2 .LBB2_4-.Ltmp2, $4  }
0x28d: {  	[sflag:s8] =	ssyncset.done $0x0  }
0x28e: {  	[sflag:s8] =	ssyncadd.s32 $0xFFFFC000  }
0x28f: {  	_ =	swait.ge [sflag:s5], $0x4000  }
0x290: {  	s3 =	smov.u32 s4;
	s0 =	rddreg [dreg:$0x5];
	[sflag:s5] =	ssyncset.done $0x0  }
0x291: {  	s30 =	stileid.u32;
	s31 =	rddreg [dreg:$0x4]  }
.LBB2_6:
0x292: {  	[sflag:s5] =	ssyncadd.s32 @p1 $0xFFFFC000;
	s1 =	simm.s32 @!p0 $0x0;
	s3 =	simm.s32 @!p0 $0x10000  }
0x293: {  	[tilespmem:s3], [sflag:$0x9] =	stream.linear.gather @!p0 [hbm4b:s0+s1], $0x80, $0x38;
	[tilespmem:$0x10080] =	vst v63  }
0x294: {  	s0 =	simm.s32 @!p0 $0x9  }
0x295: {  	_ =	swait.ge @!p0 [sflag:s0], $0x80  }
0x296: {  	[sflag:s0] =	ssyncset.done @!p0 $0x0  }
0x297: {  	s29 =	rddreg [dreg:$0x6];
	[sflag:s0] =	ssyncadd.s32 @!p0 $0xFFFFFF80  }
0x298: {  	[hbm4b:s29+s1] =	stream.linear.scatter @!p0 [tilespmem:s3], [sflag:$0x9], $0x80, $0x38;
	[tilespmem:$0x10080] =	vst v63  }
0x299: {  	_ =	swait.ge @!p0 [sflag:s0], $0x80  }
0x29a: {  	[sflag:s0] =	ssyncset.done @!p0 $0x0  }
0x29b: {  	s3 =	rddreg [dreg:$0x7];
	[sflag:s0] =	ssyncadd.s32 @!p0 $0xFFFFFF80  }
0x29c: {  	[tilespmem:s2], [sflag:$0x1] =	stream.linear.gather [hbm4b:s3+s2], $0x4000, $0x38;
	[tilespmem:$0x10080] =	vst v63  }
0x29d: {  	s29 =	rddreg [dreg:$0x8]  }
0x29e: {  	[tilespmem:s17], [sflag:$0x2] =	stream.linear.gather [hbm4b:s29+s2], $0x4000, $0x38;
	[tilespmem:$0x10080] =	vst v63  }
0x29f: {  	_ =	swait.ge [sflag:s23], $0x4000  }
0x2a0: {  	[sflag:s23] =	ssyncset.done $0x0  }
0x2a1: {  	s3 =	rddreg [dreg:$0x9];
	[sflag:s23] =	ssyncadd.s32 $0xFFFFC000  }
0x2a2: {  	[hbm4b:s3+s2] =	stream.linear.scatter [tilespmem:s2], [sflag:$0x5], $0x4000, $0x38;
	[tilespmem:$0x10080] =	vst v63  }
0x2a3: {  	s29 =	rddreg [dreg:$0xa]  }
0x2a4: {  	[tilespmem:s12], [sflag:$0x3] =	stream.linear.gather [hbm4b:s29+s2], $0x4000, $0x38;
	[tilespmem:$0x10080] =	vst v63  }
0x2a5: {  	_ =	swait.ge [sflag:s20], $0x4000  }
0x2a6: {  	[sflag:s20] =	ssyncset.done $0x0  }
0x2a7: {  	s3 =	rddreg [dreg:$0xb];
	[sflag:s20] =	ssyncadd.s32 $0xFFFFC000  }
0x2a8: {  	[hbm4b:s3+s2] =	stream.linear.scatter [tilespmem:s17], [sflag:$0x6], $0x4000, $0x38;
	[tilespmem:$0x10080] =	vst v63  }
0x2a9: {  	s29 =	rddreg [dreg:$0xc]  }
0x2aa: {  	[tilespmem:s9], [sflag:$0x4] =	stream.linear.gather [hbm4b:s29+s2], $0x4000, $0x38;
	[tilespmem:$0x10080] =	vst v63  }
0x2ab: {  	_ =	swait.ge [sflag:s15], $0x4000  }
0x2ac: {  	[sflag:s15] =	ssyncset.done $0x0  }
0x2ad: {  	s1 =	rddreg [dreg:$0xd];
	[sflag:s15] =	ssyncadd.s32 $0xFFFFC000  }
0x2ae: {  	[hbm4b:s1+s2] =	stream.linear.scatter [tilespmem:s12], [sflag:$0x7], $0x4000, $0x38;
	[tilespmem:$0x10080] =	vst v63  }
0x2af: {  	_ =	swait.ge [sflag:s7], $0x4000  }
0x2b0: {  	[sflag:s7] =	ssyncset.done $0x0  }
0x2b1: {  	s3 =	rddreg [dreg:$0xe];
	[sflag:s7] =	ssyncadd.s32 $0xFFFFC000  }
0x2b2: {  	[tilespmem:s2], [sflag:$0x1] =	stream.linear.gather [hbm4b:s3+s2], $0x4000, $0x38;
	[tilespmem:$0x10080] =	vst v63  }
0x2b3: {  	_ =	swait.ge [sflag:s14], $0x4000  }
0x2b4: {  	[sflag:s14] =	ssyncset.done $0x0  }
0x2b5: {  	s29 =	rddreg [dreg:$0xf];
	[sflag:s14] =	ssyncadd.s32 $0xFFFFC000  }
0x2b6: {  	[hbm4b:s29+s2] =	stream.linear.scatter [tilespmem:s9], [sflag:$0x8], $0x4000, $0x38;
	[tilespmem:$0x10080] =	vst v63  }
0x2b7: {  	_ =	swait.ge [sflag:s10], $0x4000  }
0x2b8: {  	[sflag:s10] =	ssyncset.done $0x0  }
0x2b9: {  	s1 =	rddreg [dreg:$0x10];
	[sflag:s10] =	ssyncadd.s32 $0xFFFFC000  }
0x2ba: {  	[tilespmem:s17], [sflag:$0x2] =	stream.linear.gather [hbm4b:s1+s2], $0x4000, $0x38;
	[tilespmem:$0x10080] =	vst v63  }
0x2bb: {  	_ =	swait.ge [sflag:s23], $0x4000  }
0x2bc: {  	[sflag:s23] =	ssyncset.done $0x0  }
0x2bd: {  	s3 =	rddreg [dreg:$0x11];
	[sflag:s23] =	ssyncadd.s32 $0xFFFFC000  }
0x2be: {  	[hbm4b:s3+s2] =	stream.linear.scatter [tilespmem:s2], [sflag:$0x5], $0x4000, $0x38;
	[tilespmem:$0x10080] =	vst v63  }
0x2bf: {  	_ =	swait.ge [sflag:s8], $0x4000  }
0x2c0: {  	[sflag:s8] =	ssyncset.done $0x0  }
0x2c1: {  	s29 =	rddreg [dreg:$0x12];
	[sflag:s8] =	ssyncadd.s32 $0xFFFFC000  }
0x2c2: {  	[tilespmem:s12], [sflag:$0x3] =	stream.linear.gather [hbm4b:s29+s2], $0x4000, $0x38;
	[tilespmem:$0x10080] =	vst v63  }
0x2c3: {  	_ =	swait.ge [sflag:s20], $0x4000  }
0x2c4: {  	[sflag:s20] =	ssyncset.done $0x0  }
0x2c5: {  	s1 =	rddreg [dreg:$0x13];
	[sflag:s20] =	ssyncadd.s32 $0xFFFFC000  }
0x2c6: {  	[hbm4b:s1+s2] =	stream.linear.scatter [tilespmem:s17], [sflag:$0x6], $0x4000, $0x38;
	[tilespmem:$0x10080] =	vst v63  }
0x2c7: {  	_ =	swait.ge [sflag:s5], $0x4000  }
0x2c8: {  	[sflag:s5] =	ssyncset.done $0x0  }
0x2c9: {  	s3 =	rddreg [dreg:$0x14];
	[sflag:s5] =	ssyncadd.s32 $0xFFFFC000  }
0x2ca: {  	[tilespmem:s9], [sflag:$0x4] =	stream.linear.gather [hbm4b:s3+s2], $0x4000, $0x38;
	[tilespmem:$0x10080] =	vst v63  }
0x2cb: {  	_ =	swait.ge [sflag:s15], $0x4000  }
0x2cc: {  	[sflag:s15] =	ssyncset.done $0x0  }
0x2cd: {  	s29 =	rddreg [dreg:$0x15];
	[sflag:s15] =	ssyncadd.s32 $0xFFFFC000  }
0x2ce: {  	[hbm4b:s29+s2] =	stream.linear.scatter [tilespmem:s12], [sflag:$0x7], $0x4000, $0x38;
	[tilespmem:$0x10080] =	vst v63  }
0x2cf: {  	_ =	swait.ge [sflag:s7], $0x4000  }
0x2d0: {  	[sflag:s7] =	ssyncset.done $0x0  }
0x2d1: {  	s1 =	rddreg [dreg:$0x16];
	[sflag:s7] =	ssyncadd.s32 $0xFFFFC000  }
0x2d2: {  	[tilespmem:s2], [sflag:$0x1] =	stream.linear.gather [hbm4b:s1+s2], $0x4000, $0x38;
	[tilespmem:$0x10080] =	vst v63  }
0x2d3: {  	_ =	swait.ge [sflag:s14], $0x4000  }
0x2d4: {  	[sflag:s14] =	ssyncset.done $0x0  }
0x2d5: {  	s3 =	rddreg [dreg:$0x17];
	[sflag:s14] =	ssyncadd.s32 $0xFFFFC000  }
0x2d6: {  	[hbm4b:s3+s2] =	stream.linear.scatter [tilespmem:s9], [sflag:$0x8], $0x4000, $0x38;
	[tilespmem:$0x10080] =	vst v63  }
0x2d7: {  	_ =	swait.ge [sflag:s10], $0x4000  }
0x2d8: {  	[sflag:s10] =	ssyncset.done $0x0  }
0x2d9: {  	s29 =	rddreg [dreg:$0x18];
	[sflag:s10] =	ssyncadd.s32 $0xFFFFC000  }
0x2da: {  	[tilespmem:s17], [sflag:$0x2] =	stream.linear.gather [hbm4b:s29+s2], $0x4000, $0x38;
	[tilespmem:$0x10080] =	vst v63  }
0x2db: {  	_ =	swait.ge [sflag:s23], $0x4000  }
0x2dc: {  	[sflag:s23] =	ssyncset.done $0x0  }
0x2dd: {  	s1 =	rddreg [dreg:$0x19];
	[sflag:s23] =	ssyncadd.s32 $0xFFFFC000  }
0x2de: {  	[hbm4b:s1+s2] =	stream.linear.scatter [tilespmem:s2], [sflag:$0x5], $0x4000, $0x38;
	[tilespmem:$0x10080] =	vst v63  }
0x2df: {  	_ =	swait.ge [sflag:s8], $0x4000  }
0x2e0: {  	[sflag:s8] =	ssyncset.done $0x0  }
0x2e1: {  	s3 =	rddreg [dreg:$0x1a];
	[sflag:s8] =	ssyncadd.s32 $0xFFFFC000  }
0x2e2: {  	[tilespmem:s12], [sflag:$0x3] =	stream.linear.gather [hbm4b:s3+s2], $0x4000, $0x38;
	[tilespmem:$0x10080] =	vst v63  }
0x2e3: {  	_ =	swait.ge [sflag:s20], $0x4000  }
0x2e4: {  	[sflag:s20] =	ssyncset.done $0x0  }
0x2e5: {  	s29 =	rddreg [dreg:$0x1b];
	[sflag:s20] =	ssyncadd.s32 $0xFFFFC000  }
0x2e6: {  	[hbm4b:s29+s2] =	stream.linear.scatter [tilespmem:s17], [sflag:$0x6], $0x4000, $0x38;
	[tilespmem:$0x10080] =	vst v63  }
0x2e7: {  	_ =	swait.ge [sflag:s5], $0x4000  }
0x2e8: {  	[sflag:s5] =	ssyncset.done $0x0  }
0x2e9: {  	s1 =	rddreg [dreg:$0x1c];
	[sflag:s5] =	ssyncadd.s32 $0xFFFFC000  }
0x2ea: {  	[tilespmem:s9], [sflag:$0x4] =	stream.linear.gather [hbm4b:s1+s2], $0x4000, $0x38;
	[tilespmem:$0x10080] =	vst v63  }
0x2eb: {  	_ =	swait.ge [sflag:s15], $0x4000  }
0x2ec: {  	[sflag:s15] =	ssyncset.done $0x0  }
0x2ed: {  	s3 =	rddreg [dreg:$0x1d];
	[sflag:s15] =	ssyncadd.s32 $0xFFFFC000  }
0x2ee: {  	[hbm4b:s3+s2] =	stream.linear.scatter [tilespmem:s12], [sflag:$0x7], $0x4000, $0x38;
	[tilespmem:$0x10080] =	vst v63  }
0x2ef: {  	_ =	swait.ge [sflag:s7], $0x4000  }
0x2f0: {  	[sflag:s7] =	ssyncset.done $0x0  }
0x2f1: {  	s29 =	rddreg [dreg:$0x1e];
	[sflag:s7] =	ssyncadd.s32 $0xFFFFC000  }
0x2f2: {  	[tilespmem:s2], [sflag:$0x1] =	stream.linear.gather [hbm4b:s29+s2], $0x4000, $0x38;
	[tilespmem:$0x10080] =	vst v63  }
0x2f3: {  	_ =	swait.ge [sflag:s14], $0x4000  }
0x2f4: {  	[sflag:s14] =	ssyncset.done $0x0  }
0x2f5: {  	s1 =	rddreg [dreg:$0x1f];
	[sflag:s14] =	ssyncadd.s32 $0xFFFFC000  }
0x2f6: {  	[hbm4b:s1+s2] =	stream.linear.scatter [tilespmem:s9], [sflag:$0x8], $0x4000, $0x38;
	[tilespmem:$0x10080] =	vst v63  }
0x2f7: {  	_ =	swait.ge [sflag:s10], $0x4000  }
0x2f8: {  	s3 =	sld [smem:$0x7E4]  }
0x2f9: {  	[sflag:s10] =	ssyncset.done $0x0  }
0x2fa: {  	[sflag:s10] =	ssyncadd.s32 $0xFFFFC000  }
0x2fb: {  	[tilespmem:s17], [sflag:$0x2] =	stream.linear.gather [hbm4b:s3+s2], $0x4000, $0x38;
	[tilespmem:$0x10080] =	vst v63  }
0x2fc: {  	_ =	swait.ge [sflag:s23], $0x4000  }
0x2fd: {  	s29 =	sld [smem:$0x7E5]  }
0x2fe: {  	[sflag:s23] =	ssyncset.done $0x0  }
0x2ff: {  	[sflag:s23] =	ssyncadd.s32 $0xFFFFC000  }
0x300: {  	[hbm4b:s29+s2] =	stream.linear.scatter [tilespmem:s2], [sflag:$0x5], $0x4000, $0x38;
	[tilespmem:$0x10080] =	vst v63  }
0x301: {  	_ =	swait.ge [sflag:s8], $0x4000  }
0x302: {  	s1 =	sld [smem:$0x7E6]  }
0x303: {  	[sflag:s8] =	ssyncset.done $0x0  }
0x304: {  	[sflag:s8] =	ssyncadd.s32 $0xFFFFC000  }
0x305: {  	[tilespmem:s12], [sflag:$0x3] =	stream.linear.gather [hbm4b:s1+s2], $0x4000, $0x38;
	[tilespmem:$0x10080] =	vst v63  }
0x306: {  	_ =	swait.ge [sflag:s20], $0x4000  }
0x307: {  	s3 =	sld [smem:$0x7E7]  }
0x308: {  	[sflag:s20] =	ssyncset.done $0x0  }
0x309: {  	[sflag:s20] =	ssyncadd.s32 $0xFFFFC000  }
0x30a: {  	[hbm4b:s3+s2] =	stream.linear.scatter [tilespmem:s17], [sflag:$0x6], $0x4000, $0x38;
	[tilespmem:$0x10080] =	vst v63  }
0x30b: {  	_ =	swait.ge [sflag:s5], $0x4000  }
0x30c: {  	s29 =	sld [smem:$0x7E8]  }
0x30d: {  	[sflag:s5] =	ssyncset.done $0x0  }
0x30e: {  	[sflag:s5] =	ssyncadd.s32 $0xFFFFC000  }
0x30f: {  	[tilespmem:s9], [sflag:$0x4] =	stream.linear.gather [hbm4b:s29+s2], $0x4000, $0x38;
	[tilespmem:$0x10080] =	vst v63  }
0x310: {  	_ =	swait.ge [sflag:s15], $0x4000  }
0x311: {  	s1 =	sld [smem:$0x7E9]  }
0x312: {  	[sflag:s15] =	ssyncset.done $0x0  }
0x313: {  	[sflag:s15] =	ssyncadd.s32 $0xFFFFC000  }
0x314: {  	[hbm4b:s1+s2] =	stream.linear.scatter [tilespmem:s12], [sflag:$0x7], $0x4000, $0x38;
	[tilespmem:$0x10080] =	vst v63  }
0x315: {  	_ =	swait.ge [sflag:s7], $0x4000  }
0x316: {  	s3 =	sld [smem:$0x7EA]  }
0x317: {  	[sflag:s7] =	ssyncset.done $0x0  }
0x318: {  	[sflag:s7] =	ssyncadd.s32 $0xFFFFC000  }
0x319: {  	[tilespmem:s2], [sflag:$0x1] =	stream.linear.gather [hbm4b:s3+s2], $0x4000, $0x38;
	[tilespmem:$0x10080] =	vst v63  }
0x31a: {  	_ =	swait.ge [sflag:s14], $0x4000  }
0x31b: {  	s29 =	sld [smem:$0x7EB]  }
0x31c: {  	[sflag:s14] =	ssyncset.done $0x0  }
0x31d: {  	[sflag:s14] =	ssyncadd.s32 $0xFFFFC000  }
0x31e: {  	[hbm4b:s29+s2] =	stream.linear.scatter [tilespmem:s9], [sflag:$0x8], $0x4000, $0x38;
	[tilespmem:$0x10080] =	vst v63  }
0x31f: {  	_ =	swait.ge [sflag:s10], $0x4000  }
0x320: {  	s1 =	sld [smem:$0x7EC]  }
0x321: {  	[sflag:s10] =	ssyncset.done $0x0  }
0x322: {  	[sflag:s10] =	ssyncadd.s32 $0xFFFFC000  }
0x323: {  	[tilespmem:s17], [sflag:$0x2] =	stream.linear.gather [hbm4b:s1+s2], $0x4000, $0x38;
	[tilespmem:$0x10080] =	vst v63  }
0x324: {  	_ =	swait.ge [sflag:s23], $0x4000  }
0x325: {  	s3 =	sld [smem:$0x7ED]  }
0x326: {  	[sflag:s23] =	ssyncset.done $0x0  }
0x327: {  	[sflag:s23] =	ssyncadd.s32 $0xFFFFC000  }
0x328: {  	[hbm4b:s3+s2] =	stream.linear.scatter [tilespmem:s2], [sflag:$0x5], $0x4000, $0x38;
	[tilespmem:$0x10080] =	vst v63  }
0x329: {  	_ =	swait.ge [sflag:s8], $0x4000  }
0x32a: {  	s29 =	sld [smem:$0x7EE]  }
0x32b: {  	[sflag:s8] =	ssyncset.done $0x0  }
0x32c: {  	[sflag:s8] =	ssyncadd.s32 $0xFFFFC000  }
0x32d: {  	[tilespmem:s12], [sflag:$0x3] =	stream.linear.gather [hbm4b:s29+s2], $0x4000, $0x38;
	[tilespmem:$0x10080] =	vst v63  }
0x32e: {  	_ =	swait.ge [sflag:s20], $0x4000  }
0x32f: {  	s1 =	sld [smem:$0x7EF]  }
0x330: {  	[sflag:s20] =	ssyncset.done $0x0  }
0x331: {  	[sflag:s20] =	ssyncadd.s32 $0xFFFFC000  }
0x332: {  	[hbm4b:s1+s2] =	stream.linear.scatter [tilespmem:s17], [sflag:$0x6], $0x4000, $0x38;
	[tilespmem:$0x10080] =	vst v63  }
0x333: {  	_ =	swait.ge [sflag:s5], $0x4000  }
0x334: {  	s3 =	sld [smem:$0x7F0]  }
0x335: {  	[sflag:s5] =	ssyncset.done $0x0  }
0x336: {  	[sflag:s5] =	ssyncadd.s32 $0xFFFFC000  }
0x337: {  	[tilespmem:s9], [sflag:$0x4] =	stream.linear.gather [hbm4b:s3+s2], $0x4000, $0x38;
	[tilespmem:$0x10080] =	vst v63  }
0x338: {  	_ =	swait.ge [sflag:s15], $0x4000  }
0x339: {  	s29 =	sld [smem:$0x7F1]  }
0x33a: {  	[sflag:s15] =	ssyncset.done $0x0  }
0x33b: {  	[sflag:s15] =	ssyncadd.s32 $0xFFFFC000  }
0x33c: {  	[hbm4b:s29+s2] =	stream.linear.scatter [tilespmem:s12], [sflag:$0x7], $0x4000, $0x38;
	[tilespmem:$0x10080] =	vst v63  }
0x33d: {  	_ =	swait.ge [sflag:s7], $0x4000  }
0x33e: {  	s1 =	sld [smem:$0x7F2]  }
0x33f: {  	[sflag:s7] =	ssyncset.done $0x0  }
0x340: {  	[sflag:s7] =	ssyncadd.s32 $0xFFFFC000  }
0x341: {  	[tilespmem:s2], [sflag:$0x1] =	stream.linear.gather [hbm4b:s1+s2], $0x4000, $0x38;
	[tilespmem:$0x10080] =	vst v63  }
0x342: {  	_ =	swait.ge [sflag:s14], $0x4000  }
0x343: {  	s3 =	sld [smem:$0x7F3]  }
0x344: {  	[sflag:s14] =	ssyncset.done $0x0  }
0x345: {  	[sflag:s14] =	ssyncadd.s32 $0xFFFFC000  }
0x346: {  	[hbm4b:s3+s2] =	stream.linear.scatter [tilespmem:s9], [sflag:$0x8], $0x4000, $0x38;
	[tilespmem:$0x10080] =	vst v63  }
0x347: {  	_ =	swait.ge [sflag:s10], $0x4000  }
0x348: {  	s29 =	sld [smem:$0x7F4]  }
0x349: {  	[sflag:s10] =	ssyncset.done $0x0  }
0x34a: {  	[sflag:s10] =	ssyncadd.s32 $0xFFFFC000  }
0x34b: {  	[tilespmem:s17], [sflag:$0x2] =	stream.linear.gather [hbm4b:s29+s2], $0x4000, $0x38;
	[tilespmem:$0x10080] =	vst v63  }
0x34c: {  	_ =	swait.ge [sflag:s23], $0x4000  }
0x34d: {  	s1 =	sld [smem:$0x7F5]  }
0x34e: {  	[sflag:s23] =	ssyncset.done $0x0  }
0x34f: {  	[sflag:s23] =	ssyncadd.s32 $0xFFFFC000  }
0x350: {  	[hbm4b:s1+s2] =	stream.linear.scatter [tilespmem:s2], [sflag:$0x5], $0x4000, $0x38;
	[tilespmem:$0x10080] =	vst v63  }
0x351: {  	_ =	swait.ge [sflag:s8], $0x4000  }
0x352: {  	s3 =	sld [smem:$0x7F6]  }
0x353: {  	[sflag:s8] =	ssyncset.done $0x0  }
0x354: {  	[sflag:s8] =	ssyncadd.s32 $0xFFFFC000  }
0x355: {  	[tilespmem:s12], [sflag:$0x3] =	stream.linear.gather [hbm4b:s3+s2], $0x4000, $0x38;
	[tilespmem:$0x10080] =	vst v63  }
0x356: {  	_ =	swait.ge [sflag:s20], $0x4000  }
0x357: {  	s29 =	sld [smem:$0x7F7]  }
0x358: {  	[sflag:s20] =	ssyncset.done $0x0  }
0x359: {  	[sflag:s20] =	ssyncadd.s32 $0xFFFFC000  }
0x35a: {  	[hbm4b:s29+s2] =	stream.linear.scatter [tilespmem:s17], [sflag:$0x6], $0x4000, $0x38;
	[tilespmem:$0x10080] =	vst v63  }
0x35b: {  	_ =	swait.ge [sflag:s5], $0x4000  }
0x35c: {  	s1 =	sld [smem:$0x7F8]  }
0x35d: {  	[sflag:s5] =	ssyncset.done $0x0  }
0x35e: {  	[sflag:s5] =	ssyncadd.s32 $0xFFFFC000  }
0x35f: {  	[tilespmem:s9], [sflag:$0x4] =	stream.linear.gather [hbm4b:s1+s2], $0x4000, $0x38;
	[tilespmem:$0x10080] =	vst v63  }
0x360: {  	_ =	swait.ge [sflag:s15], $0x4000  }
0x361: {  	s3 =	sld [smem:$0x7F9]  }
0x362: {  	[sflag:s15] =	ssyncset.done $0x0  }
0x363: {  	[sflag:s15] =	ssyncadd.s32 $0xFFFFC000  }
0x364: {  	[hbm4b:s3+s2] =	stream.linear.scatter [tilespmem:s12], [sflag:$0x7], $0x4000, $0x38;
	[tilespmem:$0x10080] =	vst v63  }
0x365: {  	_ =	swait.ge [sflag:s7], $0x4000  }
0x366: {  	s29 =	sld [smem:$0x7FA]  }
0x367: {  	[sflag:s7] =	ssyncset.done $0x0  }
0x368: {  	[sflag:s7] =	ssyncadd.s32 $0xFFFFC000  }
0x369: {  	[tilespmem:s2], [sflag:$0x1] =	stream.linear.gather [hbm4b:s29+s2], $0x4000, $0x38;
	[tilespmem:$0x10080] =	vst v63  }
0x36a: {  	_ =	swait.ge [sflag:s14], $0x4000  }
0x36b: {  	s1 =	sld [smem:$0x7FB]  }
0x36c: {  	[sflag:s14] =	ssyncset.done $0x0  }
0x36d: {  	[sflag:s14] =	ssyncadd.s32 $0xFFFFC000  }
0x36e: {  	[hbm4b:s1+s2] =	stream.linear.scatter [tilespmem:s9], [sflag:$0x8], $0x4000, $0x38;
	[tilespmem:$0x10080] =	vst v63  }
0x36f: {  	_ =	swait.ge [sflag:s10], $0x4000  }
0x370: {  	s3 =	sld [smem:$0x7FC]  }
0x371: {  	[sflag:s10] =	ssyncset.done $0x0  }
0x372: {  	[sflag:s10] =	ssyncadd.s32 $0xFFFFC000  }
0x373: {  	[tilespmem:s17], [sflag:$0x2] =	stream.linear.gather [hbm4b:s3+s2], $0x4000, $0x38;
	[tilespmem:$0x10080] =	vst v63  }
0x374: {  	_ =	swait.ge [sflag:s23], $0x4000  }
0x375: {  	s29 =	sld [smem:$0x7FD]  }
0x376: {  	[sflag:s23] =	ssyncset.done $0x0  }
0x377: {  	[sflag:s23] =	ssyncadd.s32 $0xFFFFC000  }
0x378: {  	[hbm4b:s29+s2] =	stream.linear.scatter [tilespmem:s2], [sflag:$0x5], $0x4000, $0x38;
	[tilespmem:$0x10080] =	vst v63  }
0x379: {  	_ =	swait.ge [sflag:s8], $0x4000  }
0x37a: {  	[sflag:s8] =	ssyncset.done $0x0  }
0x37b: {  	[sflag:s8] =	ssyncadd.s32 $0xFFFFC000  }
0x37c: {  	[tilespmem:s12], [sflag:$0x3] =	stream.linear.gather [hbm4b:s28+s2], $0x4000, $0x38;
	[tilespmem:$0x10080] =	vst v63  }
0x37d: {  	_ =	swait.ge [sflag:s20], $0x4000  }
0x37e: {  	[sflag:s20] =	ssyncset.done $0x0  }
0x37f: {  	[sflag:s20] =	ssyncadd.s32 $0xFFFFC000  }
0x380: {  	[hbm4b:s26+s2] =	stream.linear.scatter [tilespmem:s17], [sflag:$0x6], $0x4000, $0x38;
	[tilespmem:$0x10080] =	vst v63  }
0x381: {  	_ =	swait.ge [sflag:s5], $0x4000  }
0x382: {  	[sflag:s5] =	ssyncset.done $0x0  }
0x383: {  	[sflag:s5] =	ssyncadd.s32 $0xFFFFC000  }
0x384: {  	[tilespmem:s9], [sflag:$0x4] =	stream.linear.gather [hbm4b:s25+s2], $0x4000, $0x38;
	[tilespmem:$0x10080] =	vst v63  }
0x385: {  	_ =	swait.ge [sflag:s15], $0x4000  }
0x386: {  	[sflag:s15] =	ssyncset.done $0x0  }
0x387: {  	[sflag:s15] =	ssyncadd.s32 $0xFFFFC000  }
0x388: {  	[hbm4b:s24+s2] =	stream.linear.scatter [tilespmem:s12], [sflag:$0x7], $0x4000, $0x38;
	[tilespmem:$0x10080] =	vst v63  }
0x389: {  	_ =	swait.ge [sflag:s7], $0x4000  }
0x38a: {  	[sflag:s7] =	ssyncset.done $0x0  }
0x38b: {  	[sflag:s7] =	ssyncadd.s32 $0xFFFFC000  }
0x38c: {  	[tilespmem:s2], [sflag:$0x1] =	stream.linear.gather [hbm4b:s22+s2], $0x4000, $0x38;
	[tilespmem:$0x10080] =	vst v63  }
0x38d: {  	_ =	swait.ge [sflag:s14], $0x4000  }
0x38e: {  	[sflag:s14] =	ssyncset.done $0x0  }
0x38f: {  	[sflag:s14] =	ssyncadd.s32 $0xFFFFC000  }
0x390: {  	[hbm4b:s21+s2] =	stream.linear.scatter [tilespmem:s9], [sflag:$0x8], $0x4000, $0x38;
	[tilespmem:$0x10080] =	vst v63  }
0x391: {  	_ =	swait.ge [sflag:s10], $0x4000  }
0x392: {  	[sflag:s10] =	ssyncset.done $0x0  }
0x393: {  	[sflag:s10] =	ssyncadd.s32 $0xFFFFC000  }
0x394: {  	[tilespmem:s17], [sflag:$0x2] =	stream.linear.gather [hbm4b:s19+s2], $0x4000, $0x38;
	[tilespmem:$0x10080] =	vst v63  }
0x395: {  	_ =	swait.ge [sflag:s23], $0x4000  }
0x396: {  	[sflag:s23] =	ssyncset.done $0x0  }
0x397: {  	[sflag:s23] =	ssyncadd.s32 $0xFFFFC000  }
0x398: {  	[hbm4b:s18+s2] =	stream.linear.scatter [tilespmem:s2], [sflag:$0x5], $0x4000, $0x38;
	[tilespmem:$0x10080] =	vst v63  }
0x399: {  	_ =	swait.ge [sflag:s8], $0x4000  }
0x39a: {  	[sflag:s8] =	ssyncset.done $0x0  }
0x39b: {  	[sflag:s8] =	ssyncadd.s32 $0xFFFFC000  }
0x39c: {  	[tilespmem:s12], [sflag:$0x3] =	stream.linear.gather [hbm4b:s16+s2], $0x4000, $0x38;
	[tilespmem:$0x10080] =	vst v63  }
0x39d: {  	_ =	swait.ge [sflag:s20], $0x4000  }
0x39e: {  	[sflag:s20] =	ssyncset.done $0x0  }
0x39f: {  	[sflag:s20] =	ssyncadd.s32 $0xFFFFC000  }
0x3a0: {  	[hbm4b:s13+s2] =	stream.linear.scatter [tilespmem:s17], [sflag:$0x6], $0x4000, $0x38;
	[tilespmem:$0x10080] =	vst v63  }
0x3a1: {  	_ =	swait.ge [sflag:s5], $0x4000  }
0x3a2: {  	[sflag:s5] =	ssyncset.done $0x0  }
0x3a3: {  	[sflag:s5] =	ssyncadd.s32 $0xFFFFC000  }
0x3a4: {  	[tilespmem:s9], [sflag:$0x4] =	stream.linear.gather [hbm4b:s11+s2], $0x4000, $0x38;
	[tilespmem:$0x10080] =	vst v63  }
0x3a5: {  	_ =	swait.ge [sflag:s15], $0x4000  }
0x3a6: {  	[sflag:s15] =	ssyncset.done $0x0  }
0x3a7: {  	[sflag:s15] =	ssyncadd.s32 $0xFFFFC000  }
0x3a8: {  	[hbm4b:s6+s2] =	stream.linear.scatter [tilespmem:s12], [sflag:$0x7], $0x4000, $0x38;
	[tilespmem:$0x10080] =	vst v63  }
0x3a9: {  	_ =	swait.ge [sflag:s14], $0x4000  }
0x3aa: {  	[sflag:s14] =	ssyncset.done $0x0  }
0x3ab: {  	[sflag:s14] =	ssyncadd.s32 $0xFFFFC000  }
0x3ac: {  	[hbm4b:s4+s2] =	stream.linear.scatter [tilespmem:s9], [sflag:$0x8], $0x4000, $0x38;
	[tilespmem:$0x10080] =	vst v63  }
0x3ad: {  	_ =	swait.ge [sflag:s7], $0x4000  }
0x3ae: {  	[sflag:s7] =	ssyncset.done $0x0  }
0x3af: {  	[sflag:s7] =	ssyncadd.s32 $0xFFFFC000  }
0x3b0: {  	_ =	swait.ge [sflag:s10], $0x4000  }
0x3b1: {  	[sflag:s10] =	ssyncset.done $0x0  }
0x3b2: {  	[sflag:s10] =	ssyncadd.s32 $0xFFFFC000  }
0x3b3: {  	_ =	swait.ge [sflag:s8], $0x4000  }
0x3b4: {  	[sflag:s8] =	ssyncset.done $0x0  }
0x3b5: {  	[sflag:s8] =	ssyncadd.s32 $0xFFFFC000  }
0x3b6: {  	_ =	swait.ge [sflag:s5], $0x4000  }
0x3b7: {  	[sflag:s5] =	ssyncset.done $0x0  }
0x3b8: {  	[sflag:s5] =	ssyncadd.s32 $0xFFFFC000  }
0x3b9: {  	_ =	sfence.sel $0x180000  }
0x3ba: {  	[bflag:$0x0] =	sbarrier.arrive $0xFFFF  }
0x3bb: {  	p0 =	sne.s32 s30, $0x0;
	_ =	strace $0x90000047  }
0x3bc: {  	s0 =	sadd.s32 @!p0 $0x100000, s31;
	[bflag:$0x2] =	sbarrier.arrive $0xFFFF  }
0x3bd: {  	[sflag:s0] =	ssyncadd.tile.s32 @!p0 $0x1;
	_ =	shalt  }
.LBB2_1:
.Ltmp3:
0x3be: {  	(pc) =	sbr.rel .LBB2_6-.Ltmp3, $2  }
0x3bf: {  	_ =	sdelay $0x2  }
0x3c0: {  	s4 =	smov.u32 s3  }
.LBB2_3:
.Ltmp4:
0x3c1: {  	(pc) =	sbr.rel .LBB2_6-.Ltmp4, $2  }
0x3c2: {  	_ =	sdelay $0x2  }
0x3c3: {  	s4 =	smov.u32 s3;
	s30 =	stileid.u32;
	s31 =	rddreg [dreg:$0x4]  }
.Lfunc_end2:
_tile_overlayer_lowered:
.L_overlay_start_2:
0x3c4: {  	(tag) =	ssettag $0x2  }
0x3c5: {  	s0 =	rddreg [dreg:$0x0];
	s2 =	stileid.u32  }
0x3c6: {  	s1 =	rddreg [dreg:$0x1];
	p0 =	sne.s32 s2, $0x0  }
0x3c7: {  	s3 =	rddreg [dreg:$0x2];
	[bflag:$0x3] =	sbarrier.arrive $0xFFFF;
	s2 =	simm.s32 @!p0 $0x1C0A  }
0x3c8: {  	[timem:s3], [sflag:s2] =	dma.local @!p0 [hbm:s0], s1  }
0x3c9: {  	s0 =	simm.s32 @!p0 $0xA  }
0x3ca: {  	_ =	swait.ge @!p0 [sflag:s0], s1  }
0x3cb: {  	s1 =	ssub.s32 @!p0 $0x0, s1;
	[sflag:s0] =	ssyncset.done @!p0 $0x0  }
0x3cc: {  	[sflag:s0] =	ssyncadd.s32 @!p0 s1  }
0x3cd: {  	[bflag:$0x3] =	sbarrier.arrive $0xFFFF  }
0x3ce: {  	_ =	shalt  }

</sc_bundles>
